<compile_context>
chip_gen: v7x
topology: tpu7x:2x2x1
jax: 0.10.2.dev20260603
libtpu: 0.0.44.dev20260713+nightly
codegen_flags: <defaults>
</compile_context>

<pallas_src>
import jax
import jax.numpy as jnp
from jax import lax
from jax.experimental import pallas as pl
from jax.experimental.pallas import tpu as pltpu
from jax.experimental.pallas import tpu_sc as plsc

_N = 100000
_D = 128
_G = 2048
_TILE = 128
_NFULL = _N // _TILE
_REM = _N - _NFULL * _TILE
_NT = _NFULL + 1
_NW = 32
_TPW = _NT // _NW
_EXTRA = _NT - _TPW * _NW
_MAXT = _TPW + 1
_NBUF = 5
_LEAD = 2
_ACC_ROWS = _G + 8


def _sc_body(x_hbm, idx_hbm, out_hbm, idx_v, rows_v, zbuf, acc, gsem, ssem, zsem):
    c = lax.axis_index("c")
    s = lax.axis_index("s")
    wid = c * 16 + s

    ntiles = jnp.where(wid < _EXTRA, _MAXT, _TPW)
    start = wid * _TPW + jnp.minimum(wid, _EXTRA)
    astart = (start // 8) * 8
    off = start - astart

    def xbase_of(t):
        return jnp.where(
            t < _NFULL, t * _TILE, jnp.where(t == _NFULL, _N - _TILE, 0)
        )

    def issue(t, b):
        pltpu.async_copy(
            x_hbm.at[pl.ds(xbase_of(t), _TILE)], rows_v.at[b], gsem.at[b]
        )

    def wait_b(b):
        pltpu.make_async_copy(
            x_hbm.at[pl.ds(0, _TILE)], rows_v.at[b], gsem.at[b]
        ).wait()

    for b in range(_LEAD):
        issue(start + b, b)
    pltpu.sync_copy(idx_hbm.at[pl.ds(astart, 32)], idx_v)

    zv = jnp.zeros((16,), jnp.float32)
    for i in range(8):
        for j in range(8):
            zbuf[i, pl.ds(j * 16, 16)] = zv
    for j in range(16):
        pltpu.async_copy(zbuf, acc.at[pl.ds(s * 128 + 8 * j, 8)], zsem)

    @pl.when(s == 0)
    def _():
        pltpu.async_copy(zbuf, acc.at[pl.ds(_G, 8)], zsem)

    for j in range(16):
        pltpu.make_async_copy(zbuf, acc.at[pl.ds(0, 8)], zsem).wait()

    @pl.when(s == 0)
    def _():
        pltpu.make_async_copy(zbuf, acc.at[pl.ds(0, 8)], zsem).wait()

    dummyv = jnp.full((16,), _G, jnp.int32)

    @pl.when(ntiles == _TPW)
    def _():
        r = off + _TPW
        for j in range(8):
            idx_v[r, pl.ds(j * 16, 16)] = dummyv

    plsc.subcore_barrier()

    def scat(k, b):
        pltpu.async_copy(
            rows_v.at[b], acc.at[idx_v.at[off + k]], ssem.at[b], add=True
        )

    def wait_s(b):
        pltpu.make_async_copy(
            rows_v.at[b], acc.at[idx_v.at[0]], ssem.at[b]
        ).wait()

    _LAG = _NBUF - _LEAD
    for k in range(_MAXT):
        b = k % _NBUF
        bg = (k + _LEAD) % _NBUF
        if _LAG <= k:
            wait_s(bg)
        if k + _LEAD < _MAXT:
            issue(start + k + _LEAD, bg)
        wait_b(b)
        scat(k, b)
    for k in range(_MAXT - _LAG, _MAXT):
        wait_s(k % _NBUF)

    plsc.subcore_barrier()
    pltpu.sync_copy(acc.at[pl.ds(s * 128, 128)], out_hbm.at[c, pl.ds(s * 128, 128)])


_sc_call = pl.kernel(
    _sc_body,
    out_type=jax.ShapeDtypeStruct((2, _G, _D), jnp.float32),
    mesh=plsc.VectorSubcoreMesh(core_axis_name="c", subcore_axis_name="s"),
    scratch_types=[
        pltpu.VMEM((32, _TILE), jnp.int32),
        pltpu.VMEM((_NBUF, _TILE, _D), jnp.float32),
        pltpu.VMEM((8, _D), jnp.float32),
        pltpu.VMEM_SHARED((_ACC_ROWS, _D), jnp.float32),
        pltpu.SemaphoreType.DMA((_NBUF,)),
        pltpu.SemaphoreType.DMA((_NBUF,)),
        pltpu.SemaphoreType.DMA,
    ],
)


def _combine_body(p_ref, o_ref):
    o_ref[...] = p_ref[0] + p_ref[1]


_combine = pl.pallas_call(
    _combine_body,
    out_shape=jax.ShapeDtypeStruct((_G, _D), jnp.float32),
    grid=(8,),
    in_specs=[pl.BlockSpec((2, _G // 8, _D), lambda i: (0, i, 0))],
    out_specs=pl.BlockSpec((_G // 8, _D), lambda i: (i, 0)),
)


def kernel(x, edge_index, edge_attr, batch):
    b = batch.astype(jnp.int32)
    main = b[: _NFULL * _TILE].reshape(_NFULL, _TILE)
    tail = jnp.concatenate(
        [jnp.full((_TILE - _REM,), _G, jnp.int32), b[_NFULL * _TILE :]]
    ).reshape(1, _TILE)
    pad = jnp.full((2, _TILE), _G, jnp.int32)
    idxs = jnp.concatenate([main, tail, pad], 0)
    partials = _sc_call(x, idxs)
    return _combine(partials)

# --- scband reference (transcript-rebuilt; emitter-appended) ---
"""Pipeline reference for scband-output-model-39513699123756 (READ-ONLY COPY).

The authoritative reference and input builder live on the scoring server;
editing this copy changes nothing except your own understanding.
"""

import jax
import jax.numpy as jnp
import numpy as np

N_NODES = 100000
N_EDGES = 1600000
D_FEAT = 128
D_EDGE = 4
NUM_GRAPHS = 2048


def setup_inputs(seed: int = 0) -> dict:
    key = jax.random.key(seed)
    k1, k2, k3, k4 = jax.random.split(key, 4)
    x = jax.random.normal(k1, (N_NODES, D_FEAT), dtype=jnp.float32)
    edge_index = jax.random.randint(k2, (2, N_EDGES), 0, N_NODES)
    edge_attr = jax.random.normal(k3, (N_EDGES, D_EDGE), dtype=jnp.float32)
    batch = jnp.sort(jax.random.randint(k4, (N_NODES,), 0, NUM_GRAPHS))
    return {"x": x, "edge_index": edge_index, "edge_attr": edge_attr, "batch": batch}


def reference(x, edge_index, edge_attr, batch):
    # OutputModel.reduce: scatter(x, batch, dim=0, reduce='sum') -> per-graph pooled features
    # pre_reduce is abstract (identity pass-through here); post_reduce is identity.
    pooled = jax.ops.segment_sum(x, batch, num_segments=NUM_GRAPHS)
    out = pooled  # post_reduce(x) = x; second tuple element in torch is None
    return out

if __name__ == "__main__":
    import jax
    _d = setup_inputs()
    print(jax.jit(kernel)(*tuple(_d.values())))

</pallas_src>

<mosaic_0001>
#map = affine_map<(d0, d1) -> (0, 0)>
#map1 = affine_map<(d0, d1) -> (0, 0, 0)>
module attributes {stable_mosaic.version = 14 : i64} {
  func.func @_sc_body(%arg0: i32, %arg1: i32, %arg2: memref<100000x128xf32, #tpu.memory_space<hbm>>, %arg3: memref<784x128xi32, #tpu.memory_space<hbm>>, %arg4: memref<2x2048x128xf32, #tpu.memory_space<hbm>>, %arg5: memref<32x128xi32, #tpu.memory_space<vmem>>, %arg6: memref<5x128x128xf32, #tpu.memory_space<vmem>>, %arg7: memref<8x128xf32, #tpu.memory_space<vmem>>, %arg8: memref<2056x128xf32, #tpu.memory_space<vmem_shared>>, %arg9: memref<5x!tpu.dma_semaphore, #tpu.memory_space<semaphore_mem>>, %arg10: memref<5x!tpu.dma_semaphore, #tpu.memory_space<semaphore_mem>>, %arg11: memref<!tpu.dma_semaphore, #tpu.memory_space<semaphore_mem>>) attributes {dimension_semantics = [#tpu.dimension_semantics<core_parallel>, #tpu.dimension_semantics<subcore_parallel>], iteration_bounds = array<i64: 2, 16>, scalar_prefetch = 0 : i64, scratch_operands = 7 : i64, tpu.core_type = #tpu.core_type<sc_vector_subcore>, window_params = [{transform_indices = #map}, {transform_indices = #map}, {transform_indices = #map1}]} {
    %mul3A = arith.constant 16 : i32
    %mul3A_0 = arith.muli %arg0, %mul3A : i32
    %add3A = arith.addi %mul3A_0, %arg1 : i32
    %lt3A = arith.constant 14 : i32
    %lt3A_1 = arith.cmpi slt, %add3A, %lt3A : i32
    %jit3A = arith.constant 25 : i32
    %jit3A_2 = arith.constant 24 : i32
    %select_n3A = arith.select %lt3A_1, %jit3A, %jit3A_2 : i32
    %mul3A_3 = arith.constant 24 : i32
    %mul3A_4 = arith.muli %add3A, %mul3A_3 : i32
    %min3A = arith.constant 14 : i32
    %min3A_5 = arith.minsi %add3A, %min3A : i32
    %add3A_6 = arith.addi %mul3A_4, %min3A_5 : i32
    %jit3A_7 = arith.constant 8 : i32
    %div3A = arith.divsi %add3A_6, %jit3A_7 : i32
    %sign3A = arith.constant 0 : i32
    %sign3A_8 = arith.cmpi sgt, %add3A_6, %sign3A : i32
    %sign3A_9 = arith.extui %sign3A_8 : i1 to i32
    %sign3A_10 = arith.constant 0 : i32
    %sign3A_11 = arith.cmpi slt, %add3A_6, %sign3A_10 : i32
    %sign3A_12 = arith.extui %sign3A_11 : i1 to i32
    %sign3A_13 = arith.subi %sign3A_9, %sign3A_12 : i32
    %sign3A_14 = arith.constant 0 : i32
    %sign3A_15 = arith.cmpi sgt, %jit3A_7, %sign3A_14 : i32
    %sign3A_16 = arith.extui %sign3A_15 : i1 to i32
    %sign3A_17 = arith.constant 0 : i32
    %sign3A_18 = arith.cmpi slt, %jit3A_7, %sign3A_17 : i32
    %sign3A_19 = arith.extui %sign3A_18 : i1 to i32
    %sign3A_20 = arith.subi %sign3A_16, %sign3A_19 : i32
    %ne3A = arith.cmpi ne, %sign3A_13, %sign3A_20 : i32
    %rem3A = arith.remsi %add3A_6, %jit3A_7 : i32
    %ne3A_21 = arith.constant 0 : i32
    %ne3A_22 = arith.cmpi ne, %rem3A, %ne3A_21 : i32
    %and3A = arith.andi %ne3A, %ne3A_22 : i1
    %sub3A = arith.constant 1 : i32
    %sub3A_23 = arith.subi %div3A, %sub3A : i32
    %select_n3A_24 = arith.select %and3A, %sub3A_23, %div3A : i32
    %mul3A_25 = arith.constant 8 : i32
    %mul3A_26 = arith.muli %select_n3A_24, %mul3A_25 : i32
    %sub3A_27 = arith.subi %add3A_6, %mul3A_26 : i32
    %add3A_28 = arith.constant 0 : i32
    %add3A_29 = arith.addi %add3A_6, %add3A_28 : i32
    %lt3A_30 = arith.constant 781 : i32
    %lt3A_31 = arith.cmpi slt, %add3A_29, %lt3A_30 : i32
    %mul3A_32 = arith.constant 128 : i32
    %mul3A_33 = arith.muli %add3A_29, %mul3A_32 : i32
    %eq3A = arith.constant 781 : i32
    %eq3A_34 = arith.cmpi eq, %add3A_29, %eq3A : i32
    %jit3A_35 = arith.constant 99872 : i32
    %jit3A_36 = arith.constant 0 : i32
    %select_n3A_37 = arith.select %eq3A_34, %jit3A_35, %jit3A_36 : i32
    %select_n3A_38 = arith.select %lt3A_31, %mul3A_33, %select_n3A_37 : i32
    %dma_start3A = arith.constant 0 : i32
    %dma_start3A_39 = arith.constant 0 : i32
    %dma_start3A_40 = arith.constant 0 : i32
    %dma_start3A_41 = arith.constant 0 : i32
    %dma_start3A_42 = tpu.memref_slice %arg6[%dma_start3A, %dma_start3A_40, %dma_start3A_41] : memref<5x128x128xf32, #tpu.memory_space<vmem>> -> memref<1x128x128xf32, #tpu.memory_space<vmem>>
    %dma_start3A_43 = tpu.memref_squeeze %dma_start3A_42 : memref<1x128x128xf32, #tpu.memory_space<vmem>> -> memref<128x128xf32, #tpu.memory_space<vmem>>
    %dma_start3A_44 = arith.constant 0 : i32
    %dma_start3A_45 = tpu.memref_slice %arg2[%select_n3A_38, %dma_start3A_44] : memref<100000x128xf32, #tpu.memory_space<hbm>> -> memref<128x128xf32, #tpu.memory_space<hbm>>
    %dma_start3A_46 = tpu.memref_slice %arg9[%dma_start3A_39] : memref<5x!tpu.dma_semaphore, #tpu.memory_space<semaphore_mem>> -> memref<1x!tpu.dma_semaphore, #tpu.memory_space<semaphore_mem>>
    %dma_start3A_47 = tpu.memref_squeeze %dma_start3A_46 : memref<1x!tpu.dma_semaphore, #tpu.memory_space<semaphore_mem>> -> memref<!tpu.dma_semaphore, #tpu.memory_space<semaphore_mem>>
    %dma_start3A_48 = arith.constant 0 : i32
    %dma_start3A_49 = arith.constant 0 : i32
    %dma_start3A_50 = tpu.memref_slice %arg6[%dma_start3A, %dma_start3A_48, %dma_start3A_49] : memref<5x128x128xf32, #tpu.memory_space<vmem>> -> memref<1x128x128xf32, #tpu.memory_space<vmem>>
    %dma_start3A_51 = tpu.memref_squeeze %dma_start3A_50 : memref<1x128x128xf32, #tpu.memory_space<vmem>> -> memref<128x128xf32, #tpu.memory_space<vmem>>
    %dma_start3A_52 = arith.constant 0 : i32
    %dma_start3A_53 = tpu.memref_slice %arg2[%select_n3A_38, %dma_start3A_52] : memref<100000x128xf32, #tpu.memory_space<hbm>> -> memref<128x128xf32, #tpu.memory_space<hbm>>
    tpu.enqueue_dma source(%dma_start3A_53 : memref<128x128xf32, #tpu.memory_space<hbm>>) target(%dma_start3A_51 : memref<128x128xf32, #tpu.memory_space<vmem>>) target_semaphore(%dma_start3A_47 : memref<!tpu.dma_semaphore, #tpu.memory_space<semaphore_mem>>)
    %add3A_54 = arith.constant 1 : i32
    %add3A_55 = arith.addi %add3A_6, %add3A_54 : i32
    %lt3A_56 = arith.constant 781 : i32
    %lt3A_57 = arith.cmpi slt, %add3A_55, %lt3A_56 : i32
    %mul3A_58 = arith.constant 128 : i32
    %mul3A_59 = arith.muli %add3A_55, %mul3A_58 : i32
    %eq3A_60 = arith.constant 781 : i32
    %eq3A_61 = arith.cmpi eq, %add3A_55, %eq3A_60 : i32
    %jit3A_62 = arith.constant 99872 : i32
    %jit3A_63 = arith.constant 0 : i32
    %select_n3A_64 = arith.select %eq3A_61, %jit3A_62, %jit3A_63 : i32
    %select_n3A_65 = arith.select %lt3A_57, %mul3A_59, %select_n3A_64 : i32
    %dma_start3A_66 = arith.constant 1 : i32
    %dma_start3A_67 = arith.constant 1 : i32
    %dma_start3A_68 = arith.constant 0 : i32
    %dma_start3A_69 = arith.constant 0 : i32
    %dma_start3A_70 = tpu.memref_slice %arg6[%dma_start3A_66, %dma_start3A_68, %dma_start3A_69] : memref<5x128x128xf32, #tpu.memory_space<vmem>> -> memref<1x128x128xf32, #tpu.memory_space<vmem>>
    %dma_start3A_71 = tpu.memref_squeeze %dma_start3A_70 : memref<1x128x128xf32, #tpu.memory_space<vmem>> -> memref<128x128xf32, #tpu.memory_space<vmem>>
    %dma_start3A_72 = arith.constant 0 : i32
    %dma_start3A_73 = tpu.memref_slice %arg2[%select_n3A_65, %dma_start3A_72] : memref<100000x128xf32, #tpu.memory_space<hbm>> -> memref<128x128xf32, #tpu.memory_space<hbm>>
    %dma_start3A_74 = tpu.memref_slice %arg9[%dma_start3A_67] : memref<5x!tpu.dma_semaphore, #tpu.memory_space<semaphore_mem>> -> memref<1x!tpu.dma_semaphore, #tpu.memory_space<semaphore_mem>>
    %dma_start3A_75 = tpu.memref_squeeze %dma_start3A_74 : memref<1x!tpu.dma_semaphore, #tpu.memory_space<semaphore_mem>> -> memref<!tpu.dma_semaphore, #tpu.memory_space<semaphore_mem>>
    %dma_start3A_76 = arith.constant 0 : i32
    %dma_start3A_77 = arith.constant 0 : i32
    %dma_start3A_78 = tpu.memref_slice %arg6[%dma_start3A_66, %dma_start3A_76, %dma_start3A_77] : memref<5x128x128xf32, #tpu.memory_space<vmem>> -> memref<1x128x128xf32, #tpu.memory_space<vmem>>
    %dma_start3A_79 = tpu.memref_squeeze %dma_start3A_78 : memref<1x128x128xf32, #tpu.memory_space<vmem>> -> memref<128x128xf32, #tpu.memory_space<vmem>>
    %dma_start3A_80 = arith.constant 0 : i32
    %dma_start3A_81 = tpu.memref_slice %arg2[%select_n3A_65, %dma_start3A_80] : memref<100000x128xf32, #tpu.memory_space<hbm>> -> memref<128x128xf32, #tpu.memory_space<hbm>>
    tpu.enqueue_dma source(%dma_start3A_81 : memref<128x128xf32, #tpu.memory_space<hbm>>) target(%dma_start3A_79 : memref<128x128xf32, #tpu.memory_space<vmem>>) target_semaphore(%dma_start3A_75 : memref<!tpu.dma_semaphore, #tpu.memory_space<semaphore_mem>>)
    "tpu.region"() ({
      %run_scoped3A = tpu.sem_alloc : memref<!tpu.dma_semaphore, #tpu.memory_space<semaphore_mem>>
      %dma_start3A_2624 = arith.constant 0 : i32
      %dma_start3A_2625 = tpu.memref_slice %arg3[%mul3A_26, %dma_start3A_2624] : memref<784x128xi32, #tpu.memory_space<hbm>> -> memref<32x128xi32, #tpu.memory_space<hbm>>
      %dma_start3A_2626 = arith.constant 0 : i32
      %dma_start3A_2627 = tpu.memref_slice %arg3[%mul3A_26, %dma_start3A_2626] : memref<784x128xi32, #tpu.memory_space<hbm>> -> memref<32x128xi32, #tpu.memory_space<hbm>>
      tpu.enqueue_dma source(%dma_start3A_2627 : memref<32x128xi32, #tpu.memory_space<hbm>>) target(%arg5 : memref<32x128xi32, #tpu.memory_space<vmem>>) target_semaphore(%run_scoped3A : memref<!tpu.dma_semaphore, #tpu.memory_space<semaphore_mem>>)
      %dma_wait3A_2628 = arith.constant 0 : i32
      %dma_wait3A_2629 = tpu.memref_slice %arg3[%mul3A_26, %dma_wait3A_2628] : memref<784x128xi32, #tpu.memory_space<hbm>> -> memref<32x128xi32, #tpu.memory_space<hbm>>
      %dma_wait3A_2630 = arith.constant 0 : i32
      %dma_wait3A_2631 = tpu.memref_slice %arg3[%mul3A_26, %dma_wait3A_2630] : memref<784x128xi32, #tpu.memory_space<hbm>> -> memref<32x128xi32, #tpu.memory_space<hbm>>
      tpu.wait_dma2 semaphore(%run_scoped3A : memref<!tpu.dma_semaphore, #tpu.memory_space<semaphore_mem>>) src(%dma_wait3A_2631 : memref<32x128xi32, #tpu.memory_space<hbm>>) dst(%arg5 : memref<32x128xi32, #tpu.memory_space<vmem>>)
      tpu.yield
    }) : () -> ()
    %broadcast_in_dim3A = arith.constant 0.000000e+00 : f32
    %broadcast_in_dim3A_82 = vector.broadcast %broadcast_in_dim3A : f32 to vector<16xf32>
    %swap3A = arith.constant 0 : i32
    %swap3A_83 = arith.index_cast %swap3A : i32 to index
    %swap3A_84 = arith.constant 0 : index
    %swap3A_85 = tpu.vector_load %arg7[%swap3A_83, %swap3A_84] {strides = array<i32>} : memref<8x128xf32, #tpu.memory_space<vmem>>, vector<1x16xf32>,
    %swap3A_86 = vector.shape_cast %swap3A_85 : vector<1x16xf32> to vector<16xf32>
    %swap3A_87 = vector.shape_cast %broadcast_in_dim3A_82 : vector<16xf32> to vector<1x16xf32>
    tpu.vector_store %arg7[%swap3A_83, %swap3A_84], %swap3A_87 {strides = array<i32>} : memref<8x128xf32, #tpu.memory_space<vmem>>, vector<1x16xf32>,
    %swap3A_88 = arith.constant 0 : i32
    %swap3A_89 = arith.index_cast %swap3A_88 : i32 to index
    %swap3A_90 = arith.constant 16 : index
    %swap3A_91 = tpu.vector_load %arg7[%swap3A_89, %swap3A_90] {strides = array<i32>} : memref<8x128xf32, #tpu.memory_space<vmem>>, vector<1x16xf32>,
    %swap3A_92 = vector.shape_cast %swap3A_91 : vector<1x16xf32> to vector<16xf32>
    %swap3A_93 = vector.shape_cast %broadcast_in_dim3A_82 : vector<16xf32> to vector<1x16xf32>
    tpu.vector_store %arg7[%swap3A_89, %swap3A_90], %swap3A_93 {strides = array<i32>} : memref<8x128xf32, #tpu.memory_space<vmem>>, vector<1x16xf32>,
    %swap3A_94 = arith.constant 0 : i32
    %swap3A_95 = arith.index_cast %swap3A_94 : i32 to index
    %swap3A_96 = arith.constant 32 : index
    %swap3A_97 = tpu.vector_load %arg7[%swap3A_95, %swap3A_96] {strides = array<i32>} : memref<8x128xf32, #tpu.memory_space<vmem>>, vector<1x16xf32>,
    %swap3A_98 = vector.shape_cast %swap3A_97 : vector<1x16xf32> to vector<16xf32>
    %swap3A_99 = vector.shape_cast %broadcast_in_dim3A_82 : vector<16xf32> to vector<1x16xf32>
    tpu.vector_store %arg7[%swap3A_95, %swap3A_96], %swap3A_99 {strides = array<i32>} : memref<8x128xf32, #tpu.memory_space<vmem>>, vector<1x16xf32>,
    %swap3A_100 = arith.constant 0 : i32
    %swap3A_101 = arith.index_cast %swap3A_100 : i32 to index
    %swap3A_102 = arith.constant 48 : index
    %swap3A_103 = tpu.vector_load %arg7[%swap3A_101, %swap3A_102] {strides = array<i32>} : memref<8x128xf32, #tpu.memory_space<vmem>>, vector<1x16xf32>,
    %swap3A_104 = vector.shape_cast %swap3A_103 : vector<1x16xf32> to vector<16xf32>
    %swap3A_105 = vector.shape_cast %broadcast_in_dim3A_82 : vector<16xf32> to vector<1x16xf32>
    tpu.vector_store %arg7[%swap3A_101, %swap3A_102], %swap3A_105 {strides = array<i32>} : memref<8x128xf32, #tpu.memory_space<vmem>>, vector<1x16xf32>,
    %swap3A_106 = arith.constant 0 : i32
    %swap3A_107 = arith.index_cast %swap3A_106 : i32 to index
    %swap3A_108 = arith.constant 64 : index
    %swap3A_109 = tpu.vector_load %arg7[%swap3A_107, %swap3A_108] {strides = array<i32>} : memref<8x128xf32, #tpu.memory_space<vmem>>, vector<1x16xf32>,
    %swap3A_110 = vector.shape_cast %swap3A_109 : vector<1x16xf32> to vector<16xf32>
    %swap3A_111 = vector.shape_cast %broadcast_in_dim3A_82 : vector<16xf32> to vector<1x16xf32>
    tpu.vector_store %arg7[%swap3A_107, %swap3A_108], %swap3A_111 {strides = array<i32>} : memref<8x128xf32, #tpu.memory_space<vmem>>, vector<1x16xf32>,
    %swap3A_112 = arith.constant 0 : i32
    %swap3A_113 = arith.index_cast %swap3A_112 : i32 to index
    %swap3A_114 = arith.constant 80 : index
    %swap3A_115 = tpu.vector_load %arg7[%swap3A_113, %swap3A_114] {strides = array<i32>} : memref<8x128xf32, #tpu.memory_space<vmem>>, vector<1x16xf32>,
    %swap3A_116 = vector.shape_cast %swap3A_115 : vector<1x16xf32> to vector<16xf32>
    %swap3A_117 = vector.shape_cast %broadcast_in_dim3A_82 : vector<16xf32> to vector<1x16xf32>
    tpu.vector_store %arg7[%swap3A_113, %swap3A_114], %swap3A_117 {strides = array<i32>} : memref<8x128xf32, #tpu.memory_space<vmem>>, vector<1x16xf32>,
    %swap3A_118 = arith.constant 0 : i32
    %swap3A_119 = arith.index_cast %swap3A_118 : i32 to index
    %swap3A_120 = arith.constant 96 : index
    %swap3A_121 = tpu.vector_load %arg7[%swap3A_119, %swap3A_120] {strides = array<i32>} : memref<8x128xf32, #tpu.memory_space<vmem>>, vector<1x16xf32>,
    %swap3A_122 = vector.shape_cast %swap3A_121 : vector<1x16xf32> to vector<16xf32>
    %swap3A_123 = vector.shape_cast %broadcast_in_dim3A_82 : vector<16xf32> to vector<1x16xf32>
    tpu.vector_store %arg7[%swap3A_119, %swap3A_120], %swap3A_123 {strides = array<i32>} : memref<8x128xf32, #tpu.memory_space<vmem>>, vector<1x16xf32>,
    %swap3A_124 = arith.constant 0 : i32
    %swap3A_125 = arith.index_cast %swap3A_124 : i32 to index
    %swap3A_126 = arith.constant 112 : index
    %swap3A_127 = tpu.vector_load %arg7[%swap3A_125, %swap3A_126] {strides = array<i32>} : memref<8x128xf32, #tpu.memory_space<vmem>>, vector<1x16xf32>,
    %swap3A_128 = vector.shape_cast %swap3A_127 : vector<1x16xf32> to vector<16xf32>
    %swap3A_129 = vector.shape_cast %broadcast_in_dim3A_82 : vector<16xf32> to vector<1x16xf32>
    tpu.vector_store %arg7[%swap3A_125, %swap3A_126], %swap3A_129 {strides = array<i32>} : memref<8x128xf32, #tpu.memory_space<vmem>>, vector<1x16xf32>,
    %swap3A_130 = arith.constant 1 : i32
    %swap3A_131 = arith.index_cast %swap3A_130 : i32 to index
    %swap3A_132 = arith.constant 0 : index
    %swap3A_133 = tpu.vector_load %arg7[%swap3A_131, %swap3A_132] {strides = array<i32>} : memref<8x128xf32, #tpu.memory_space<vmem>>, vector<1x16xf32>,
    %swap3A_134 = vector.shape_cast %swap3A_133 : vector<1x16xf32> to vector<16xf32>
    %swap3A_135 = vector.shape_cast %broadcast_in_dim3A_82 : vector<16xf32> to vector<1x16xf32>
    tpu.vector_store %arg7[%swap3A_131, %swap3A_132], %swap3A_135 {strides = array<i32>} : memref<8x128xf32, #tpu.memory_space<vmem>>, vector<1x16xf32>,
    %swap3A_136 = arith.constant 1 : i32
    %swap3A_137 = arith.index_cast %swap3A_136 : i32 to index
    %swap3A_138 = arith.constant 16 : index
    %swap3A_139 = tpu.vector_load %arg7[%swap3A_137, %swap3A_138] {strides = array<i32>} : memref<8x128xf32, #tpu.memory_space<vmem>>, vector<1x16xf32>,
    %swap3A_140 = vector.shape_cast %swap3A_139 : vector<1x16xf32> to vector<16xf32>
    %swap3A_141 = vector.shape_cast %broadcast_in_dim3A_82 : vector<16xf32> to vector<1x16xf32>
    tpu.vector_store %arg7[%swap3A_137, %swap3A_138], %swap3A_141 {strides = array<i32>} : memref<8x128xf32, #tpu.memory_space<vmem>>, vector<1x16xf32>,
    %swap3A_142 = arith.constant 1 : i32
    %swap3A_143 = arith.index_cast %swap3A_142 : i32 to index
    %swap3A_144 = arith.constant 32 : index
    %swap3A_145 = tpu.vector_load %arg7[%swap3A_143, %swap3A_144] {strides = array<i32>} : memref<8x128xf32, #tpu.memory_space<vmem>>, vector<1x16xf32>,
    %swap3A_146 = vector.shape_cast %swap3A_145 : vector<1x16xf32> to vector<16xf32>
    %swap3A_147 = vector.shape_cast %broadcast_in_dim3A_82 : vector<16xf32> to vector<1x16xf32>
    tpu.vector_store %arg7[%swap3A_143, %swap3A_144], %swap3A_147 {strides = array<i32>} : memref<8x128xf32, #tpu.memory_space<vmem>>, vector<1x16xf32>,
    %swap3A_148 = arith.constant 1 : i32
    %swap3A_149 = arith.index_cast %swap3A_148 : i32 to index
    %swap3A_150 = arith.constant 48 : index
    %swap3A_151 = tpu.vector_load %arg7[%swap3A_149, %swap3A_150] {strides = array<i32>} : memref<8x128xf32, #tpu.memory_space<vmem>>, vector<1x16xf32>,
    %swap3A_152 = vector.shape_cast %swap3A_151 : vector<1x16xf32> to vector<16xf32>
    %swap3A_153 = vector.shape_cast %broadcast_in_dim3A_82 : vector<16xf32> to vector<1x16xf32>
    tpu.vector_store %arg7[%swap3A_149, %swap3A_150], %swap3A_153 {strides = array<i32>} : memref<8x128xf32, #tpu.memory_space<vmem>>, vector<1x16xf32>,
    %swap3A_154 = arith.constant 1 : i32
    %swap3A_155 = arith.index_cast %swap3A_154 : i32 to index
    %swap3A_156 = arith.constant 64 : index
    %swap3A_157 = tpu.vector_load %arg7[%swap3A_155, %swap3A_156] {strides = array<i32>} : memref<8x128xf32, #tpu.memory_space<vmem>>, vector<1x16xf32>,
    %swap3A_158 = vector.shape_cast %swap3A_157 : vector<1x16xf32> to vector<16xf32>
    %swap3A_159 = vector.shape_cast %broadcast_in_dim3A_82 : vector<16xf32> to vector<1x16xf32>
    tpu.vector_store %arg7[%swap3A_155, %swap3A_156], %swap3A_159 {strides = array<i32>} : memref<8x128xf32, #tpu.memory_space<vmem>>, vector<1x16xf32>,
    %swap3A_160 = arith.constant 1 : i32
    %swap3A_161 = arith.index_cast %swap3A_160 : i32 to index
    %swap3A_162 = arith.constant 80 : index
    %swap3A_163 = tpu.vector_load %arg7[%swap3A_161, %swap3A_162] {strides = array<i32>} : memref<8x128xf32, #tpu.memory_space<vmem>>, vector<1x16xf32>,
    %swap3A_164 = vector.shape_cast %swap3A_163 : vector<1x16xf32> to vector<16xf32>
    %swap3A_165 = vector.shape_cast %broadcast_in_dim3A_82 : vector<16xf32> to vector<1x16xf32>
    tpu.vector_store %arg7[%swap3A_161, %swap3A_162], %swap3A_165 {strides = array<i32>} : memref<8x128xf32, #tpu.memory_space<vmem>>, vector<1x16xf32>,
    %swap3A_166 = arith.constant 1 : i32
    %swap3A_167 = arith.index_cast %swap3A_166 : i32 to index
    %swap3A_168 = arith.constant 96 : index
    %swap3A_169 = tpu.vector_load %arg7[%swap3A_167, %swap3A_168] {strides = array<i32>} : memref<8x128xf32, #tpu.memory_space<vmem>>, vector<1x16xf32>,
    %swap3A_170 = vector.shape_cast %swap3A_169 : vector<1x16xf32> to vector<16xf32>
    %swap3A_171 = vector.shape_cast %broadcast_in_dim3A_82 : vector<16xf32> to vector<1x16xf32>
    tpu.vector_store %arg7[%swap3A_167, %swap3A_168], %swap3A_171 {strides = array<i32>} : memref<8x128xf32, #tpu.memory_space<vmem>>, vector<1x16xf32>,
    %swap3A_172 = arith.constant 1 : i32
    %swap3A_173 = arith.index_cast %swap3A_172 : i32 to index
    %swap3A_174 = arith.constant 112 : index
    %swap3A_175 = tpu.vector_load %arg7[%swap3A_173, %swap3A_174] {strides = array<i32>} : memref<8x128xf32, #tpu.memory_space<vmem>>, vector<1x16xf32>,
    %swap3A_176 = vector.shape_cast %swap3A_175 : vector<1x16xf32> to vector<16xf32>
    %swap3A_177 = vector.shape_cast %broadcast_in_dim3A_82 : vector<16xf32> to vector<1x16xf32>
    tpu.vector_store %arg7[%swap3A_173, %swap3A_174], %swap3A_177 {strides = array<i32>} : memref<8x128xf32, #tpu.memory_space<vmem>>, vector<1x16xf32>,
    %swap3A_178 = arith.constant 2 : i32
    %swap3A_179 = arith.index_cast %swap3A_178 : i32 to index
    %swap3A_180 = arith.constant 0 : index
    %swap3A_181 = tpu.vector_load %arg7[%swap3A_179, %swap3A_180] {strides = array<i32>} : memref<8x128xf32, #tpu.memory_space<vmem>>, vector<1x16xf32>,
    %swap3A_182 = vector.shape_cast %swap3A_181 : vector<1x16xf32> to vector<16xf32>
    %swap3A_183 = vector.shape_cast %broadcast_in_dim3A_82 : vector<16xf32> to vector<1x16xf32>
    tpu.vector_store %arg7[%swap3A_179, %swap3A_180], %swap3A_183 {strides = array<i32>} : memref<8x128xf32, #tpu.memory_space<vmem>>, vector<1x16xf32>,
    %swap3A_184 = arith.constant 2 : i32
    %swap3A_185 = arith.index_cast %swap3A_184 : i32 to index
    %swap3A_186 = arith.constant 16 : index
    %swap3A_187 = tpu.vector_load %arg7[%swap3A_185, %swap3A_186] {strides = array<i32>} : memref<8x128xf32, #tpu.memory_space<vmem>>, vector<1x16xf32>,
    %swap3A_188 = vector.shape_cast %swap3A_187 : vector<1x16xf32> to vector<16xf32>
    %swap3A_189 = vector.shape_cast %broadcast_in_dim3A_82 : vector<16xf32> to vector<1x16xf32>
    tpu.vector_store %arg7[%swap3A_185, %swap3A_186], %swap3A_189 {strides = array<i32>} : memref<8x128xf32, #tpu.memory_space<vmem>>, vector<1x16xf32>,
    %swap3A_190 = arith.constant 2 : i32
    %swap3A_191 = arith.index_cast %swap3A_190 : i32 to index
    %swap3A_192 = arith.constant 32 : index
    %swap3A_193 = tpu.vector_load %arg7[%swap3A_191, %swap3A_192] {strides = array<i32>} : memref<8x128xf32, #tpu.memory_space<vmem>>, vector<1x16xf32>,
    %swap3A_194 = vector.shape_cast %swap3A_193 : vector<1x16xf32> to vector<16xf32>
    %swap3A_195 = vector.shape_cast %broadcast_in_dim3A_82 : vector<16xf32> to vector<1x16xf32>
    tpu.vector_store %arg7[%swap3A_191, %swap3A_192], %swap3A_195 {strides = array<i32>} : memref<8x128xf32, #tpu.memory_space<vmem>>, vector<1x16xf32>,
    %swap3A_196 = arith.constant 2 : i32
    %swap3A_197 = arith.index_cast %swap3A_196 : i32 to index
    %swap3A_198 = arith.constant 48 : index
    %swap3A_199 = tpu.vector_load %arg7[%swap3A_197, %swap3A_198] {strides = array<i32>} : memref<8x128xf32, #tpu.memory_space<vmem>>, vector<1x16xf32>,
    %swap3A_200 = vector.shape_cast %swap3A_199 : vector<1x16xf32> to vector<16xf32>
    %swap3A_201 = vector.shape_cast %broadcast_in_dim3A_82 : vector<16xf32> to vector<1x16xf32>
    tpu.vector_store %arg7[%swap3A_197, %swap3A_198], %swap3A_201 {strides = array<i32>} : memref<8x128xf32, #tpu.memory_space<vmem>>, vector<1x16xf32>,
    %swap3A_202 = arith.constant 2 : i32
    %swap3A_203 = arith.index_cast %swap3A_202 : i32 to index
    %swap3A_204 = arith.constant 64 : index
    %swap3A_205 = tpu.vector_load %arg7[%swap3A_203, %swap3A_204] {strides = array<i32>} : memref<8x128xf32, #tpu.memory_space<vmem>>, vector<1x16xf32>,
    %swap3A_206 = vector.shape_cast %swap3A_205 : vector<1x16xf32> to vector<16xf32>
    %swap3A_207 = vector.shape_cast %broadcast_in_dim3A_82 : vector<16xf32> to vector<1x16xf32>
    tpu.vector_store %arg7[%swap3A_203, %swap3A_204], %swap3A_207 {strides = array<i32>} : memref<8x128xf32, #tpu.memory_space<vmem>>, vector<1x16xf32>,
    %swap3A_208 = arith.constant 2 : i32
    %swap3A_209 = arith.index_cast %swap3A_208 : i32 to index
    %swap3A_210 = arith.constant 80 : index
    %swap3A_211 = tpu.vector_load %arg7[%swap3A_209, %swap3A_210] {strides = array<i32>} : memref<8x128xf32, #tpu.memory_space<vmem>>, vector<1x16xf32>,
    %swap3A_212 = vector.shape_cast %swap3A_211 : vector<1x16xf32> to vector<16xf32>
    %swap3A_213 = vector.shape_cast %broadcast_in_dim3A_82 : vector<16xf32> to vector<1x16xf32>
    tpu.vector_store %arg7[%swap3A_209, %swap3A_210], %swap3A_213 {strides = array<i32>} : memref<8x128xf32, #tpu.memory_space<vmem>>, vector<1x16xf32>,
    %swap3A_214 = arith.constant 2 : i32
    %swap3A_215 = arith.index_cast %swap3A_214 : i32 to index
    %swap3A_216 = arith.constant 96 : index
    %swap3A_217 = tpu.vector_load %arg7[%swap3A_215, %swap3A_216] {strides = array<i32>} : memref<8x128xf32, #tpu.memory_space<vmem>>, vector<1x16xf32>,
    %swap3A_218 = vector.shape_cast %swap3A_217 : vector<1x16xf32> to vector<16xf32>
    %swap3A_219 = vector.shape_cast %broadcast_in_dim3A_82 : vector<16xf32> to vector<1x16xf32>
    tpu.vector_store %arg7[%swap3A_215, %swap3A_216], %swap3A_219 {strides = array<i32>} : memref<8x128xf32, #tpu.memory_space<vmem>>, vector<1x16xf32>,
    %swap3A_220 = arith.constant 2 : i32
    %swap3A_221 = arith.index_cast %swap3A_220 : i32 to index
    %swap3A_222 = arith.constant 112 : index
    %swap3A_223 = tpu.vector_load %arg7[%swap3A_221, %swap3A_222] {strides = array<i32>} : memref<8x128xf32, #tpu.memory_space<vmem>>, vector<1x16xf32>,
    %swap3A_224 = vector.shape_cast %swap3A_223 : vector<1x16xf32> to vector<16xf32>
    %swap3A_225 = vector.shape_cast %broadcast_in_dim3A_82 : vector<16xf32> to vector<1x16xf32>
    tpu.vector_store %arg7[%swap3A_221, %swap3A_222], %swap3A_225 {strides = array<i32>} : memref<8x128xf32, #tpu.memory_space<vmem>>, vector<1x16xf32>,
    %swap3A_226 = arith.constant 3 : i32
    %swap3A_227 = arith.index_cast %swap3A_226 : i32 to index
    %swap3A_228 = arith.constant 0 : index
    %swap3A_229 = tpu.vector_load %arg7[%swap3A_227, %swap3A_228] {strides = array<i32>} : memref<8x128xf32, #tpu.memory_space<vmem>>, vector<1x16xf32>,
    %swap3A_230 = vector.shape_cast %swap3A_229 : vector<1x16xf32> to vector<16xf32>
    %swap3A_231 = vector.shape_cast %broadcast_in_dim3A_82 : vector<16xf32> to vector<1x16xf32>
    tpu.vector_store %arg7[%swap3A_227, %swap3A_228], %swap3A_231 {strides = array<i32>} : memref<8x128xf32, #tpu.memory_space<vmem>>, vector<1x16xf32>,
    %swap3A_232 = arith.constant 3 : i32
    %swap3A_233 = arith.index_cast %swap3A_232 : i32 to index
    %swap3A_234 = arith.constant 16 : index
    %swap3A_235 = tpu.vector_load %arg7[%swap3A_233, %swap3A_234] {strides = array<i32>} : memref<8x128xf32, #tpu.memory_space<vmem>>, vector<1x16xf32>,
    %swap3A_236 = vector.shape_cast %swap3A_235 : vector<1x16xf32> to vector<16xf32>
    %swap3A_237 = vector.shape_cast %broadcast_in_dim3A_82 : vector<16xf32> to vector<1x16xf32>
    tpu.vector_store %arg7[%swap3A_233, %swap3A_234], %swap3A_237 {strides = array<i32>} : memref<8x128xf32, #tpu.memory_space<vmem>>, vector<1x16xf32>,
    %swap3A_238 = arith.constant 3 : i32
    %swap3A_239 = arith.index_cast %swap3A_238 : i32 to index
    %swap3A_240 = arith.constant 32 : index
    %swap3A_241 = tpu.vector_load %arg7[%swap3A_239, %swap3A_240] {strides = array<i32>} : memref<8x128xf32, #tpu.memory_space<vmem>>, vector<1x16xf32>,
    %swap3A_242 = vector.shape_cast %swap3A_241 : vector<1x16xf32> to vector<16xf32>
    %swap3A_243 = vector.shape_cast %broadcast_in_dim3A_82 : vector<16xf32> to vector<1x16xf32>
    tpu.vector_store %arg7[%swap3A_239, %swap3A_240], %swap3A_243 {strides = array<i32>} : memref<8x128xf32, #tpu.memory_space<vmem>>, vector<1x16xf32>,
    %swap3A_244 = arith.constant 3 : i32
    %swap3A_245 = arith.index_cast %swap3A_244 : i32 to index
    %swap3A_246 = arith.constant 48 : index
    %swap3A_247 = tpu.vector_load %arg7[%swap3A_245, %swap3A_246] {strides = array<i32>} : memref<8x128xf32, #tpu.memory_space<vmem>>, vector<1x16xf32>,
    %swap3A_248 = vector.shape_cast %swap3A_247 : vector<1x16xf32> to vector<16xf32>
    %swap3A_249 = vector.shape_cast %broadcast_in_dim3A_82 : vector<16xf32> to vector<1x16xf32>
    tpu.vector_store %arg7[%swap3A_245, %swap3A_246], %swap3A_249 {strides = array<i32>} : memref<8x128xf32, #tpu.memory_space<vmem>>, vector<1x16xf32>,
    %swap3A_250 = arith.constant 3 : i32
    %swap3A_251 = arith.index_cast %swap3A_250 : i32 to index
    %swap3A_252 = arith.constant 64 : index
    %swap3A_253 = tpu.vector_load %arg7[%swap3A_251, %swap3A_252] {strides = array<i32>} : memref<8x128xf32, #tpu.memory_space<vmem>>, vector<1x16xf32>,
    %swap3A_254 = vector.shape_cast %swap3A_253 : vector<1x16xf32> to vector<16xf32>
    %swap3A_255 = vector.shape_cast %broadcast_in_dim3A_82 : vector<16xf32> to vector<1x16xf32>
    tpu.vector_store %arg7[%swap3A_251, %swap3A_252], %swap3A_255 {strides = array<i32>} : memref<8x128xf32, #tpu.memory_space<vmem>>, vector<1x16xf32>,
    %swap3A_256 = arith.constant 3 : i32
    %swap3A_257 = arith.index_cast %swap3A_256 : i32 to index
    %swap3A_258 = arith.constant 80 : index
    %swap3A_259 = tpu.vector_load %arg7[%swap3A_257, %swap3A_258] {strides = array<i32>} : memref<8x128xf32, #tpu.memory_space<vmem>>, vector<1x16xf32>,
    %swap3A_260 = vector.shape_cast %swap3A_259 : vector<1x16xf32> to vector<16xf32>
    %swap3A_261 = vector.shape_cast %broadcast_in_dim3A_82 : vector<16xf32> to vector<1x16xf32>
    tpu.vector_store %arg7[%swap3A_257, %swap3A_258], %swap3A_261 {strides = array<i32>} : memref<8x128xf32, #tpu.memory_space<vmem>>, vector<1x16xf32>,
    %swap3A_262 = arith.constant 3 : i32
    %swap3A_263 = arith.index_cast %swap3A_262 : i32 to index
    %swap3A_264 = arith.constant 96 : index
    %swap3A_265 = tpu.vector_load %arg7[%swap3A_263, %swap3A_264] {strides = array<i32>} : memref<8x128xf32, #tpu.memory_space<vmem>>, vector<1x16xf32>,
    %swap3A_266 = vector.shape_cast %swap3A_265 : vector<1x16xf32> to vector<16xf32>
    %swap3A_267 = vector.shape_cast %broadcast_in_dim3A_82 : vector<16xf32> to vector<1x16xf32>
    tpu.vector_store %arg7[%swap3A_263, %swap3A_264], %swap3A_267 {strides = array<i32>} : memref<8x128xf32, #tpu.memory_space<vmem>>, vector<1x16xf32>,
    %swap3A_268 = arith.constant 3 : i32
    %swap3A_269 = arith.index_cast %swap3A_268 : i32 to index
    %swap3A_270 = arith.constant 112 : index
    %swap3A_271 = tpu.vector_load %arg7[%swap3A_269, %swap3A_270] {strides = array<i32>} : memref<8x128xf32, #tpu.memory_space<vmem>>, vector<1x16xf32>,
    %swap3A_272 = vector.shape_cast %swap3A_271 : vector<1x16xf32> to vector<16xf32>
    %swap3A_273 = vector.shape_cast %broadcast_in_dim3A_82 : vector<16xf32> to vector<1x16xf32>
    tpu.vector_store %arg7[%swap3A_269, %swap3A_270], %swap3A_273 {strides = array<i32>} : memref<8x128xf32, #tpu.memory_space<vmem>>, vector<1x16xf32>,
    %swap3A_274 = arith.constant 4 : i32
    %swap3A_275 = arith.index_cast %swap3A_274 : i32 to index
    %swap3A_276 = arith.constant 0 : index
    %swap3A_277 = tpu.vector_load %arg7[%swap3A_275, %swap3A_276] {strides = array<i32>} : memref<8x128xf32, #tpu.memory_space<vmem>>, vector<1x16xf32>,
    %swap3A_278 = vector.shape_cast %swap3A_277 : vector<1x16xf32> to vector<16xf32>
    %swap3A_279 = vector.shape_cast %broadcast_in_dim3A_82 : vector<16xf32> to vector<1x16xf32>
    tpu.vector_store %arg7[%swap3A_275, %swap3A_276], %swap3A_279 {strides = array<i32>} : memref<8x128xf32, #tpu.memory_space<vmem>>, vector<1x16xf32>,
    %swap3A_280 = arith.constant 4 : i32
    %swap3A_281 = arith.index_cast %swap3A_280 : i32 to index
    %swap3A_282 = arith.constant 16 : index
    %swap3A_283 = tpu.vector_load %arg7[%swap3A_281, %swap3A_282] {strides = array<i32>} : memref<8x128xf32, #tpu.memory_space<vmem>>, vector<1x16xf32>,
    %swap3A_284 = vector.shape_cast %swap3A_283 : vector<1x16xf32> to vector<16xf32>
    %swap3A_285 = vector.shape_cast %broadcast_in_dim3A_82 : vector<16xf32> to vector<1x16xf32>
    tpu.vector_store %arg7[%swap3A_281, %swap3A_282], %swap3A_285 {strides = array<i32>} : memref<8x128xf32, #tpu.memory_space<vmem>>, vector<1x16xf32>,
    %swap3A_286 = arith.constant 4 : i32
    %swap3A_287 = arith.index_cast %swap3A_286 : i32 to index
    %swap3A_288 = arith.constant 32 : index
    %swap3A_289 = tpu.vector_load %arg7[%swap3A_287, %swap3A_288] {strides = array<i32>} : memref<8x128xf32, #tpu.memory_space<vmem>>, vector<1x16xf32>,
    %swap3A_290 = vector.shape_cast %swap3A_289 : vector<1x16xf32> to vector<16xf32>
    %swap3A_291 = vector.shape_cast %broadcast_in_dim3A_82 : vector<16xf32> to vector<1x16xf32>
    tpu.vector_store %arg7[%swap3A_287, %swap3A_288], %swap3A_291 {strides = array<i32>} : memref<8x128xf32, #tpu.memory_space<vmem>>, vector<1x16xf32>,
    %swap3A_292 = arith.constant 4 : i32
    %swap3A_293 = arith.index_cast %swap3A_292 : i32 to index
    %swap3A_294 = arith.constant 48 : index
    %swap3A_295 = tpu.vector_load %arg7[%swap3A_293, %swap3A_294] {strides = array<i32>} : memref<8x128xf32, #tpu.memory_space<vmem>>, vector<1x16xf32>,
    %swap3A_296 = vector.shape_cast %swap3A_295 : vector<1x16xf32> to vector<16xf32>
    %swap3A_297 = vector.shape_cast %broadcast_in_dim3A_82 : vector<16xf32> to vector<1x16xf32>
    tpu.vector_store %arg7[%swap3A_293, %swap3A_294], %swap3A_297 {strides = array<i32>} : memref<8x128xf32, #tpu.memory_space<vmem>>, vector<1x16xf32>,
    %swap3A_298 = arith.constant 4 : i32
    %swap3A_299 = arith.index_cast %swap3A_298 : i32 to index
    %swap3A_300 = arith.constant 64 : index
    %swap3A_301 = tpu.vector_load %arg7[%swap3A_299, %swap3A_300] {strides = array<i32>} : memref<8x128xf32, #tpu.memory_space<vmem>>, vector<1x16xf32>,
    %swap3A_302 = vector.shape_cast %swap3A_301 : vector<1x16xf32> to vector<16xf32>
    %swap3A_303 = vector.shape_cast %broadcast_in_dim3A_82 : vector<16xf32> to vector<1x16xf32>
    tpu.vector_store %arg7[%swap3A_299, %swap3A_300], %swap3A_303 {strides = array<i32>} : memref<8x128xf32, #tpu.memory_space<vmem>>, vector<1x16xf32>,
    %swap3A_304 = arith.constant 4 : i32
    %swap3A_305 = arith.index_cast %swap3A_304 : i32 to index
    %swap3A_306 = arith.constant 80 : index
    %swap3A_307 = tpu.vector_load %arg7[%swap3A_305, %swap3A_306] {strides = array<i32>} : memref<8x128xf32, #tpu.memory_space<vmem>>, vector<1x16xf32>,
    %swap3A_308 = vector.shape_cast %swap3A_307 : vector<1x16xf32> to vector<16xf32>
    %swap3A_309 = vector.shape_cast %broadcast_in_dim3A_82 : vector<16xf32> to vector<1x16xf32>
    tpu.vector_store %arg7[%swap3A_305, %swap3A_306], %swap3A_309 {strides = array<i32>} : memref<8x128xf32, #tpu.memory_space<vmem>>, vector<1x16xf32>,
    %swap3A_310 = arith.constant 4 : i32
    %swap3A_311 = arith.index_cast %swap3A_310 : i32 to index
    %swap3A_312 = arith.constant 96 : index
    %swap3A_313 = tpu.vector_load %arg7[%swap3A_311, %swap3A_312] {strides = array<i32>} : memref<8x128xf32, #tpu.memory_space<vmem>>, vector<1x16xf32>,
    %swap3A_314 = vector.shape_cast %swap3A_313 : vector<1x16xf32> to vector<16xf32>
    %swap3A_315 = vector.shape_cast %broadcast_in_dim3A_82 : vector<16xf32> to vector<1x16xf32>
    tpu.vector_store %arg7[%swap3A_311, %swap3A_312], %swap3A_315 {strides = array<i32>} : memref<8x128xf32, #tpu.memory_space<vmem>>, vector<1x16xf32>,
    %swap3A_316 = arith.constant 4 : i32
    %swap3A_317 = arith.index_cast %swap3A_316 : i32 to index
    %swap3A_318 = arith.constant 112 : index
    %swap3A_319 = tpu.vector_load %arg7[%swap3A_317, %swap3A_318] {strides = array<i32>} : memref<8x128xf32, #tpu.memory_space<vmem>>, vector<1x16xf32>,
    %swap3A_320 = vector.shape_cast %swap3A_319 : vector<1x16xf32> to vector<16xf32>
    %swap3A_321 = vector.shape_cast %broadcast_in_dim3A_82 : vector<16xf32> to vector<1x16xf32>
    tpu.vector_store %arg7[%swap3A_317, %swap3A_318], %swap3A_321 {strides = array<i32>} : memref<8x128xf32, #tpu.memory_space<vmem>>, vector<1x16xf32>,
    %swap3A_322 = arith.constant 5 : i32
    %swap3A_323 = arith.index_cast %swap3A_322 : i32 to index
    %swap3A_324 = arith.constant 0 : index
    %swap3A_325 = tpu.vector_load %arg7[%swap3A_323, %swap3A_324] {strides = array<i32>} : memref<8x128xf32, #tpu.memory_space<vmem>>, vector<1x16xf32>,
    %swap3A_326 = vector.shape_cast %swap3A_325 : vector<1x16xf32> to vector<16xf32>
    %swap3A_327 = vector.shape_cast %broadcast_in_dim3A_82 : vector<16xf32> to vector<1x16xf32>
    tpu.vector_store %arg7[%swap3A_323, %swap3A_324], %swap3A_327 {strides = array<i32>} : memref<8x128xf32, #tpu.memory_space<vmem>>, vector<1x16xf32>,
    %swap3A_328 = arith.constant 5 : i32
    %swap3A_329 = arith.index_cast %swap3A_328 : i32 to index
    %swap3A_330 = arith.constant 16 : index
    %swap3A_331 = tpu.vector_load %arg7[%swap3A_329, %swap3A_330] {strides = array<i32>} : memref<8x128xf32, #tpu.memory_space<vmem>>, vector<1x16xf32>,
    %swap3A_332 = vector.shape_cast %swap3A_331 : vector<1x16xf32> to vector<16xf32>
    %swap3A_333 = vector.shape_cast %broadcast_in_dim3A_82 : vector<16xf32> to vector<1x16xf32>
    tpu.vector_store %arg7[%swap3A_329, %swap3A_330], %swap3A_333 {strides = array<i32>} : memref<8x128xf32, #tpu.memory_space<vmem>>, vector<1x16xf32>,
    %swap3A_334 = arith.constant 5 : i32
    %swap3A_335 = arith.index_cast %swap3A_334 : i32 to index
    %swap3A_336 = arith.constant 32 : index
    %swap3A_337 = tpu.vector_load %arg7[%swap3A_335, %swap3A_336] {strides = array<i32>} : memref<8x128xf32, #tpu.memory_space<vmem>>, vector<1x16xf32>,
    %swap3A_338 = vector.shape_cast %swap3A_337 : vector<1x16xf32> to vector<16xf32>
    %swap3A_339 = vector.shape_cast %broadcast_in_dim3A_82 : vector<16xf32> to vector<1x16xf32>
    tpu.vector_store %arg7[%swap3A_335, %swap3A_336], %swap3A_339 {strides = array<i32>} : memref<8x128xf32, #tpu.memory_space<vmem>>, vector<1x16xf32>,
    %swap3A_340 = arith.constant 5 : i32
    %swap3A_341 = arith.index_cast %swap3A_340 : i32 to index
    %swap3A_342 = arith.constant 48 : index
    %swap3A_343 = tpu.vector_load %arg7[%swap3A_341, %swap3A_342] {strides = array<i32>} : memref<8x128xf32, #tpu.memory_space<vmem>>, vector<1x16xf32>,
    %swap3A_344 = vector.shape_cast %swap3A_343 : vector<1x16xf32> to vector<16xf32>
    %swap3A_345 = vector.shape_cast %broadcast_in_dim3A_82 : vector<16xf32> to vector<1x16xf32>
    tpu.vector_store %arg7[%swap3A_341, %swap3A_342], %swap3A_345 {strides = array<i32>} : memref<8x128xf32, #tpu.memory_space<vmem>>, vector<1x16xf32>,
    %swap3A_346 = arith.constant 5 : i32
    %swap3A_347 = arith.index_cast %swap3A_346 : i32 to index
    %swap3A_348 = arith.constant 64 : index
    %swap3A_349 = tpu.vector_load %arg7[%swap3A_347, %swap3A_348] {strides = array<i32>} : memref<8x128xf32, #tpu.memory_space<vmem>>, vector<1x16xf32>,
    %swap3A_350 = vector.shape_cast %swap3A_349 : vector<1x16xf32> to vector<16xf32>
    %swap3A_351 = vector.shape_cast %broadcast_in_dim3A_82 : vector<16xf32> to vector<1x16xf32>
    tpu.vector_store %arg7[%swap3A_347, %swap3A_348], %swap3A_351 {strides = array<i32>} : memref<8x128xf32, #tpu.memory_space<vmem>>, vector<1x16xf32>,
    %swap3A_352 = arith.constant 5 : i32
    %swap3A_353 = arith.index_cast %swap3A_352 : i32 to index
    %swap3A_354 = arith.constant 80 : index
    %swap3A_355 = tpu.vector_load %arg7[%swap3A_353, %swap3A_354] {strides = array<i32>} : memref<8x128xf32, #tpu.memory_space<vmem>>, vector<1x16xf32>,
    %swap3A_356 = vector.shape_cast %swap3A_355 : vector<1x16xf32> to vector<16xf32>
    %swap3A_357 = vector.shape_cast %broadcast_in_dim3A_82 : vector<16xf32> to vector<1x16xf32>
    tpu.vector_store %arg7[%swap3A_353, %swap3A_354], %swap3A_357 {strides = array<i32>} : memref<8x128xf32, #tpu.memory_space<vmem>>, vector<1x16xf32>,
    %swap3A_358 = arith.constant 5 : i32
    %swap3A_359 = arith.index_cast %swap3A_358 : i32 to index
    %swap3A_360 = arith.constant 96 : index
    %swap3A_361 = tpu.vector_load %arg7[%swap3A_359, %swap3A_360] {strides = array<i32>} : memref<8x128xf32, #tpu.memory_space<vmem>>, vector<1x16xf32>,
    %swap3A_362 = vector.shape_cast %swap3A_361 : vector<1x16xf32> to vector<16xf32>
    %swap3A_363 = vector.shape_cast %broadcast_in_dim3A_82 : vector<16xf32> to vector<1x16xf32>
    tpu.vector_store %arg7[%swap3A_359, %swap3A_360], %swap3A_363 {strides = array<i32>} : memref<8x128xf32, #tpu.memory_space<vmem>>, vector<1x16xf32>,
    %swap3A_364 = arith.constant 5 : i32
    %swap3A_365 = arith.index_cast %swap3A_364 : i32 to index
    %swap3A_366 = arith.constant 112 : index
    %swap3A_367 = tpu.vector_load %arg7[%swap3A_365, %swap3A_366] {strides = array<i32>} : memref<8x128xf32, #tpu.memory_space<vmem>>, vector<1x16xf32>,
    %swap3A_368 = vector.shape_cast %swap3A_367 : vector<1x16xf32> to vector<16xf32>
    %swap3A_369 = vector.shape_cast %broadcast_in_dim3A_82 : vector<16xf32> to vector<1x16xf32>
    tpu.vector_store %arg7[%swap3A_365, %swap3A_366], %swap3A_369 {strides = array<i32>} : memref<8x128xf32, #tpu.memory_space<vmem>>, vector<1x16xf32>,
    %swap3A_370 = arith.constant 6 : i32
    %swap3A_371 = arith.index_cast %swap3A_370 : i32 to index
    %swap3A_372 = arith.constant 0 : index
    %swap3A_373 = tpu.vector_load %arg7[%swap3A_371, %swap3A_372] {strides = array<i32>} : memref<8x128xf32, #tpu.memory_space<vmem>>, vector<1x16xf32>,
    %swap3A_374 = vector.shape_cast %swap3A_373 : vector<1x16xf32> to vector<16xf32>
    %swap3A_375 = vector.shape_cast %broadcast_in_dim3A_82 : vector<16xf32> to vector<1x16xf32>
    tpu.vector_store %arg7[%swap3A_371, %swap3A_372], %swap3A_375 {strides = array<i32>} : memref<8x128xf32, #tpu.memory_space<vmem>>, vector<1x16xf32>,
    %swap3A_376 = arith.constant 6 : i32
    %swap3A_377 = arith.index_cast %swap3A_376 : i32 to index
    %swap3A_378 = arith.constant 16 : index
    %swap3A_379 = tpu.vector_load %arg7[%swap3A_377, %swap3A_378] {strides = array<i32>} : memref<8x128xf32, #tpu.memory_space<vmem>>, vector<1x16xf32>,
    %swap3A_380 = vector.shape_cast %swap3A_379 : vector<1x16xf32> to vector<16xf32>
    %swap3A_381 = vector.shape_cast %broadcast_in_dim3A_82 : vector<16xf32> to vector<1x16xf32>
    tpu.vector_store %arg7[%swap3A_377, %swap3A_378], %swap3A_381 {strides = array<i32>} : memref<8x128xf32, #tpu.memory_space<vmem>>, vector<1x16xf32>,
    %swap3A_382 = arith.constant 6 : i32
    %swap3A_383 = arith.index_cast %swap3A_382 : i32 to index
    %swap3A_384 = arith.constant 32 : index
    %swap3A_385 = tpu.vector_load %arg7[%swap3A_383, %swap3A_384] {strides = array<i32>} : memref<8x128xf32, #tpu.memory_space<vmem>>, vector<1x16xf32>,
    %swap3A_386 = vector.shape_cast %swap3A_385 : vector<1x16xf32> to vector<16xf32>
    %swap3A_387 = vector.shape_cast %broadcast_in_dim3A_82 : vector<16xf32> to vector<1x16xf32>
    tpu.vector_store %arg7[%swap3A_383, %swap3A_384], %swap3A_387 {strides = array<i32>} : memref<8x128xf32, #tpu.memory_space<vmem>>, vector<1x16xf32>,
    %swap3A_388 = arith.constant 6 : i32
    %swap3A_389 = arith.index_cast %swap3A_388 : i32 to index
    %swap3A_390 = arith.constant 48 : index
    %swap3A_391 = tpu.vector_load %arg7[%swap3A_389, %swap3A_390] {strides = array<i32>} : memref<8x128xf32, #tpu.memory_space<vmem>>, vector<1x16xf32>,
    %swap3A_392 = vector.shape_cast %swap3A_391 : vector<1x16xf32> to vector<16xf32>
    %swap3A_393 = vector.shape_cast %broadcast_in_dim3A_82 : vector<16xf32> to vector<1x16xf32>
    tpu.vector_store %arg7[%swap3A_389, %swap3A_390], %swap3A_393 {strides = array<i32>} : memref<8x128xf32, #tpu.memory_space<vmem>>, vector<1x16xf32>,
    %swap3A_394 = arith.constant 6 : i32
    %swap3A_395 = arith.index_cast %swap3A_394 : i32 to index
    %swap3A_396 = arith.constant 64 : index
    %swap3A_397 = tpu.vector_load %arg7[%swap3A_395, %swap3A_396] {strides = array<i32>} : memref<8x128xf32, #tpu.memory_space<vmem>>, vector<1x16xf32>,
    %swap3A_398 = vector.shape_cast %swap3A_397 : vector<1x16xf32> to vector<16xf32>
    %swap3A_399 = vector.shape_cast %broadcast_in_dim3A_82 : vector<16xf32> to vector<1x16xf32>
    tpu.vector_store %arg7[%swap3A_395, %swap3A_396], %swap3A_399 {strides = array<i32>} : memref<8x128xf32, #tpu.memory_space<vmem>>, vector<1x16xf32>,
    %swap3A_400 = arith.constant 6 : i32
    %swap3A_401 = arith.index_cast %swap3A_400 : i32 to index
    %swap3A_402 = arith.constant 80 : index
    %swap3A_403 = tpu.vector_load %arg7[%swap3A_401, %swap3A_402] {strides = array<i32>} : memref<8x128xf32, #tpu.memory_space<vmem>>, vector<1x16xf32>,
    %swap3A_404 = vector.shape_cast %swap3A_403 : vector<1x16xf32> to vector<16xf32>
    %swap3A_405 = vector.shape_cast %broadcast_in_dim3A_82 : vector<16xf32> to vector<1x16xf32>
    tpu.vector_store %arg7[%swap3A_401, %swap3A_402], %swap3A_405 {strides = array<i32>} : memref<8x128xf32, #tpu.memory_space<vmem>>, vector<1x16xf32>,
    %swap3A_406 = arith.constant 6 : i32
    %swap3A_407 = arith.index_cast %swap3A_406 : i32 to index
    %swap3A_408 = arith.constant 96 : index
    %swap3A_409 = tpu.vector_load %arg7[%swap3A_407, %swap3A_408] {strides = array<i32>} : memref<8x128xf32, #tpu.memory_space<vmem>>, vector<1x16xf32>,
    %swap3A_410 = vector.shape_cast %swap3A_409 : vector<1x16xf32> to vector<16xf32>
    %swap3A_411 = vector.shape_cast %broadcast_in_dim3A_82 : vector<16xf32> to vector<1x16xf32>
    tpu.vector_store %arg7[%swap3A_407, %swap3A_408], %swap3A_411 {strides = array<i32>} : memref<8x128xf32, #tpu.memory_space<vmem>>, vector<1x16xf32>,
    %swap3A_412 = arith.constant 6 : i32
    %swap3A_413 = arith.index_cast %swap3A_412 : i32 to index
    %swap3A_414 = arith.constant 112 : index
    %swap3A_415 = tpu.vector_load %arg7[%swap3A_413, %swap3A_414] {strides = array<i32>} : memref<8x128xf32, #tpu.memory_space<vmem>>, vector<1x16xf32>,
    %swap3A_416 = vector.shape_cast %swap3A_415 : vector<1x16xf32> to vector<16xf32>
    %swap3A_417 = vector.shape_cast %broadcast_in_dim3A_82 : vector<16xf32> to vector<1x16xf32>
    tpu.vector_store %arg7[%swap3A_413, %swap3A_414], %swap3A_417 {strides = array<i32>} : memref<8x128xf32, #tpu.memory_space<vmem>>, vector<1x16xf32>,
    %swap3A_418 = arith.constant 7 : i32
    %swap3A_419 = arith.index_cast %swap3A_418 : i32 to index
    %swap3A_420 = arith.constant 0 : index
    %swap3A_421 = tpu.vector_load %arg7[%swap3A_419, %swap3A_420] {strides = array<i32>} : memref<8x128xf32, #tpu.memory_space<vmem>>, vector<1x16xf32>,
    %swap3A_422 = vector.shape_cast %swap3A_421 : vector<1x16xf32> to vector<16xf32>
    %swap3A_423 = vector.shape_cast %broadcast_in_dim3A_82 : vector<16xf32> to vector<1x16xf32>
    tpu.vector_store %arg7[%swap3A_419, %swap3A_420], %swap3A_423 {strides = array<i32>} : memref<8x128xf32, #tpu.memory_space<vmem>>, vector<1x16xf32>,
    %swap3A_424 = arith.constant 7 : i32
    %swap3A_425 = arith.index_cast %swap3A_424 : i32 to index
    %swap3A_426 = arith.constant 16 : index
    %swap3A_427 = tpu.vector_load %arg7[%swap3A_425, %swap3A_426] {strides = array<i32>} : memref<8x128xf32, #tpu.memory_space<vmem>>, vector<1x16xf32>,
    %swap3A_428 = vector.shape_cast %swap3A_427 : vector<1x16xf32> to vector<16xf32>
    %swap3A_429 = vector.shape_cast %broadcast_in_dim3A_82 : vector<16xf32> to vector<1x16xf32>
    tpu.vector_store %arg7[%swap3A_425, %swap3A_426], %swap3A_429 {strides = array<i32>} : memref<8x128xf32, #tpu.memory_space<vmem>>, vector<1x16xf32>,
    %swap3A_430 = arith.constant 7 : i32
    %swap3A_431 = arith.index_cast %swap3A_430 : i32 to index
    %swap3A_432 = arith.constant 32 : index
    %swap3A_433 = tpu.vector_load %arg7[%swap3A_431, %swap3A_432] {strides = array<i32>} : memref<8x128xf32, #tpu.memory_space<vmem>>, vector<1x16xf32>,
    %swap3A_434 = vector.shape_cast %swap3A_433 : vector<1x16xf32> to vector<16xf32>
    %swap3A_435 = vector.shape_cast %broadcast_in_dim3A_82 : vector<16xf32> to vector<1x16xf32>
    tpu.vector_store %arg7[%swap3A_431, %swap3A_432], %swap3A_435 {strides = array<i32>} : memref<8x128xf32, #tpu.memory_space<vmem>>, vector<1x16xf32>,
    %swap3A_436 = arith.constant 7 : i32
    %swap3A_437 = arith.index_cast %swap3A_436 : i32 to index
    %swap3A_438 = arith.constant 48 : index
    %swap3A_439 = tpu.vector_load %arg7[%swap3A_437, %swap3A_438] {strides = array<i32>} : memref<8x128xf32, #tpu.memory_space<vmem>>, vector<1x16xf32>,
    %swap3A_440 = vector.shape_cast %swap3A_439 : vector<1x16xf32> to vector<16xf32>
    %swap3A_441 = vector.shape_cast %broadcast_in_dim3A_82 : vector<16xf32> to vector<1x16xf32>
    tpu.vector_store %arg7[%swap3A_437, %swap3A_438], %swap3A_441 {strides = array<i32>} : memref<8x128xf32, #tpu.memory_space<vmem>>, vector<1x16xf32>,
    %swap3A_442 = arith.constant 7 : i32
    %swap3A_443 = arith.index_cast %swap3A_442 : i32 to index
    %swap3A_444 = arith.constant 64 : index
    %swap3A_445 = tpu.vector_load %arg7[%swap3A_443, %swap3A_444] {strides = array<i32>} : memref<8x128xf32, #tpu.memory_space<vmem>>, vector<1x16xf32>,
    %swap3A_446 = vector.shape_cast %swap3A_445 : vector<1x16xf32> to vector<16xf32>
    %swap3A_447 = vector.shape_cast %broadcast_in_dim3A_82 : vector<16xf32> to vector<1x16xf32>
    tpu.vector_store %arg7[%swap3A_443, %swap3A_444], %swap3A_447 {strides = array<i32>} : memref<8x128xf32, #tpu.memory_space<vmem>>, vector<1x16xf32>,
    %swap3A_448 = arith.constant 7 : i32
    %swap3A_449 = arith.index_cast %swap3A_448 : i32 to index
    %swap3A_450 = arith.constant 80 : index
    %swap3A_451 = tpu.vector_load %arg7[%swap3A_449, %swap3A_450] {strides = array<i32>} : memref<8x128xf32, #tpu.memory_space<vmem>>, vector<1x16xf32>,
    %swap3A_452 = vector.shape_cast %swap3A_451 : vector<1x16xf32> to vector<16xf32>
    %swap3A_453 = vector.shape_cast %broadcast_in_dim3A_82 : vector<16xf32> to vector<1x16xf32>
    tpu.vector_store %arg7[%swap3A_449, %swap3A_450], %swap3A_453 {strides = array<i32>} : memref<8x128xf32, #tpu.memory_space<vmem>>, vector<1x16xf32>,
    %swap3A_454 = arith.constant 7 : i32
    %swap3A_455 = arith.index_cast %swap3A_454 : i32 to index
    %swap3A_456 = arith.constant 96 : index
    %swap3A_457 = tpu.vector_load %arg7[%swap3A_455, %swap3A_456] {strides = array<i32>} : memref<8x128xf32, #tpu.memory_space<vmem>>, vector<1x16xf32>,
    %swap3A_458 = vector.shape_cast %swap3A_457 : vector<1x16xf32> to vector<16xf32>
    %swap3A_459 = vector.shape_cast %broadcast_in_dim3A_82 : vector<16xf32> to vector<1x16xf32>
    tpu.vector_store %arg7[%swap3A_455, %swap3A_456], %swap3A_459 {strides = array<i32>} : memref<8x128xf32, #tpu.memory_space<vmem>>, vector<1x16xf32>,
    %swap3A_460 = arith.constant 7 : i32
    %swap3A_461 = arith.index_cast %swap3A_460 : i32 to index
    %swap3A_462 = arith.constant 112 : index
    %swap3A_463 = tpu.vector_load %arg7[%swap3A_461, %swap3A_462] {strides = array<i32>} : memref<8x128xf32, #tpu.memory_space<vmem>>, vector<1x16xf32>,
    %swap3A_464 = vector.shape_cast %swap3A_463 : vector<1x16xf32> to vector<16xf32>
    %swap3A_465 = vector.shape_cast %broadcast_in_dim3A_82 : vector<16xf32> to vector<1x16xf32>
    tpu.vector_store %arg7[%swap3A_461, %swap3A_462], %swap3A_465 {strides = array<i32>} : memref<8x128xf32, #tpu.memory_space<vmem>>, vector<1x16xf32>,
    %mul3A_466 = arith.constant 128 : i32
    %mul3A_467 = arith.muli %arg1, %mul3A_466 : i32
    %add3A_468 = arith.constant 0 : i32
    %add3A_469 = arith.addi %mul3A_467, %add3A_468 : i32
    %dma_start3A_470 = arith.constant 0 : i32
    %dma_start3A_471 = tpu.memref_slice %arg8[%add3A_469, %dma_start3A_470] : memref<2056x128xf32, #tpu.memory_space<vmem_shared>> -> memref<8x128xf32, #tpu.memory_space<vmem_shared>>
    %dma_start3A_472 = arith.constant 0 : i32
    %dma_start3A_473 = tpu.memref_slice %arg8[%add3A_469, %dma_start3A_472] : memref<2056x128xf32, #tpu.memory_space<vmem_shared>> -> memref<8x128xf32, #tpu.memory_space<vmem_shared>>
    tpu.enqueue_dma source(%arg7 : memref<8x128xf32, #tpu.memory_space<vmem>>) target(%dma_start3A_473 : memref<8x128xf32, #tpu.memory_space<vmem_shared>>) target_semaphore(%arg11 : memref<!tpu.dma_semaphore, #tpu.memory_space<semaphore_mem>>)
    %mul3A_474 = arith.constant 128 : i32
    %mul3A_475 = arith.muli %arg1, %mul3A_474 : i32
    %add3A_476 = arith.constant 8 : i32
    %add3A_477 = arith.addi %mul3A_475, %add3A_476 : i32
    %dma_start3A_478 = arith.constant 0 : i32
    %dma_start3A_479 = tpu.memref_slice %arg8[%add3A_477, %dma_start3A_478] : memref<2056x128xf32, #tpu.memory_space<vmem_shared>> -> memref<8x128xf32, #tpu.memory_space<vmem_shared>>
    %dma_start3A_480 = arith.constant 0 : i32
    %dma_start3A_481 = tpu.memref_slice %arg8[%add3A_477, %dma_start3A_480] : memref<2056x128xf32, #tpu.memory_space<vmem_shared>> -> memref<8x128xf32, #tpu.memory_space<vmem_shared>>
    tpu.enqueue_dma source(%arg7 : memref<8x128xf32, #tpu.memory_space<vmem>>) target(%dma_start3A_481 : memref<8x128xf32, #tpu.memory_space<vmem_shared>>) target_semaphore(%arg11 : memref<!tpu.dma_semaphore, #tpu.memory_space<semaphore_mem>>)
    %mul3A_482 = arith.constant 128 : i32
    %mul3A_483 = arith.muli %arg1, %mul3A_482 : i32
    %add3A_484 = arith.constant 16 : i32
    %add3A_485 = arith.addi %mul3A_483, %add3A_484 : i32
    %dma_start3A_486 = arith.constant 0 : i32
    %dma_start3A_487 = tpu.memref_slice %arg8[%add3A_485, %dma_start3A_486] : memref<2056x128xf32, #tpu.memory_space<vmem_shared>> -> memref<8x128xf32, #tpu.memory_space<vmem_shared>>
    %dma_start3A_488 = arith.constant 0 : i32
    %dma_start3A_489 = tpu.memref_slice %arg8[%add3A_485, %dma_start3A_488] : memref<2056x128xf32, #tpu.memory_space<vmem_shared>> -> memref<8x128xf32, #tpu.memory_space<vmem_shared>>
    tpu.enqueue_dma source(%arg7 : memref<8x128xf32, #tpu.memory_space<vmem>>) target(%dma_start3A_489 : memref<8x128xf32, #tpu.memory_space<vmem_shared>>) target_semaphore(%arg11 : memref<!tpu.dma_semaphore, #tpu.memory_space<semaphore_mem>>)
    %mul3A_490 = arith.constant 128 : i32
    %mul3A_491 = arith.muli %arg1, %mul3A_490 : i32
    %add3A_492 = arith.constant 24 : i32
    %add3A_493 = arith.addi %mul3A_491, %add3A_492 : i32
    %dma_start3A_494 = arith.constant 0 : i32
    %dma_start3A_495 = tpu.memref_slice %arg8[%add3A_493, %dma_start3A_494] : memref<2056x128xf32, #tpu.memory_space<vmem_shared>> -> memref<8x128xf32, #tpu.memory_space<vmem_shared>>
    %dma_start3A_496 = arith.constant 0 : i32
    %dma_start3A_497 = tpu.memref_slice %arg8[%add3A_493, %dma_start3A_496] : memref<2056x128xf32, #tpu.memory_space<vmem_shared>> -> memref<8x128xf32, #tpu.memory_space<vmem_shared>>
    tpu.enqueue_dma source(%arg7 : memref<8x128xf32, #tpu.memory_space<vmem>>) target(%dma_start3A_497 : memref<8x128xf32, #tpu.memory_space<vmem_shared>>) target_semaphore(%arg11 : memref<!tpu.dma_semaphore, #tpu.memory_space<semaphore_mem>>)
    %mul3A_498 = arith.constant 128 : i32
    %mul3A_499 = arith.muli %arg1, %mul3A_498 : i32
    %add3A_500 = arith.constant 32 : i32
    %add3A_501 = arith.addi %mul3A_499, %add3A_500 : i32
    %dma_start3A_502 = arith.constant 0 : i32
    %dma_start3A_503 = tpu.memref_slice %arg8[%add3A_501, %dma_start3A_502] : memref<2056x128xf32, #tpu.memory_space<vmem_shared>> -> memref<8x128xf32, #tpu.memory_space<vmem_shared>>
    %dma_start3A_504 = arith.constant 0 : i32
    %dma_start3A_505 = tpu.memref_slice %arg8[%add3A_501, %dma_start3A_504] : memref<2056x128xf32, #tpu.memory_space<vmem_shared>> -> memref<8x128xf32, #tpu.memory_space<vmem_shared>>
    tpu.enqueue_dma source(%arg7 : memref<8x128xf32, #tpu.memory_space<vmem>>) target(%dma_start3A_505 : memref<8x128xf32, #tpu.memory_space<vmem_shared>>) target_semaphore(%arg11 : memref<!tpu.dma_semaphore, #tpu.memory_space<semaphore_mem>>)
    %mul3A_506 = arith.constant 128 : i32
    %mul3A_507 = arith.muli %arg1, %mul3A_506 : i32
    %add3A_508 = arith.constant 40 : i32
    %add3A_509 = arith.addi %mul3A_507, %add3A_508 : i32
    %dma_start3A_510 = arith.constant 0 : i32
    %dma_start3A_511 = tpu.memref_slice %arg8[%add3A_509, %dma_start3A_510] : memref<2056x128xf32, #tpu.memory_space<vmem_shared>> -> memref<8x128xf32, #tpu.memory_space<vmem_shared>>
    %dma_start3A_512 = arith.constant 0 : i32
    %dma_start3A_513 = tpu.memref_slice %arg8[%add3A_509, %dma_start3A_512] : memref<2056x128xf32, #tpu.memory_space<vmem_shared>> -> memref<8x128xf32, #tpu.memory_space<vmem_shared>>
    tpu.enqueue_dma source(%arg7 : memref<8x128xf32, #tpu.memory_space<vmem>>) target(%dma_start3A_513 : memref<8x128xf32, #tpu.memory_space<vmem_shared>>) target_semaphore(%arg11 : memref<!tpu.dma_semaphore, #tpu.memory_space<semaphore_mem>>)
    %mul3A_514 = arith.constant 128 : i32
    %mul3A_515 = arith.muli %arg1, %mul3A_514 : i32
    %add3A_516 = arith.constant 48 : i32
    %add3A_517 = arith.addi %mul3A_515, %add3A_516 : i32
    %dma_start3A_518 = arith.constant 0 : i32
    %dma_start3A_519 = tpu.memref_slice %arg8[%add3A_517, %dma_start3A_518] : memref<2056x128xf32, #tpu.memory_space<vmem_shared>> -> memref<8x128xf32, #tpu.memory_space<vmem_shared>>
    %dma_start3A_520 = arith.constant 0 : i32
    %dma_start3A_521 = tpu.memref_slice %arg8[%add3A_517, %dma_start3A_520] : memref<2056x128xf32, #tpu.memory_space<vmem_shared>> -> memref<8x128xf32, #tpu.memory_space<vmem_shared>>
    tpu.enqueue_dma source(%arg7 : memref<8x128xf32, #tpu.memory_space<vmem>>) target(%dma_start3A_521 : memref<8x128xf32, #tpu.memory_space<vmem_shared>>) target_semaphore(%arg11 : memref<!tpu.dma_semaphore, #tpu.memory_space<semaphore_mem>>)
    %mul3A_522 = arith.constant 128 : i32
    %mul3A_523 = arith.muli %arg1, %mul3A_522 : i32
    %add3A_524 = arith.constant 56 : i32
    %add3A_525 = arith.addi %mul3A_523, %add3A_524 : i32
    %dma_start3A_526 = arith.constant 0 : i32
    %dma_start3A_527 = tpu.memref_slice %arg8[%add3A_525, %dma_start3A_526] : memref<2056x128xf32, #tpu.memory_space<vmem_shared>> -> memref<8x128xf32, #tpu.memory_space<vmem_shared>>
    %dma_start3A_528 = arith.constant 0 : i32
    %dma_start3A_529 = tpu.memref_slice %arg8[%add3A_525, %dma_start3A_528] : memref<2056x128xf32, #tpu.memory_space<vmem_shared>> -> memref<8x128xf32, #tpu.memory_space<vmem_shared>>
    tpu.enqueue_dma source(%arg7 : memref<8x128xf32, #tpu.memory_space<vmem>>) target(%dma_start3A_529 : memref<8x128xf32, #tpu.memory_space<vmem_shared>>) target_semaphore(%arg11 : memref<!tpu.dma_semaphore, #tpu.memory_space<semaphore_mem>>)
    %mul3A_530 = arith.constant 128 : i32
    %mul3A_531 = arith.muli %arg1, %mul3A_530 : i32
    %add3A_532 = arith.constant 64 : i32
    %add3A_533 = arith.addi %mul3A_531, %add3A_532 : i32
    %dma_start3A_534 = arith.constant 0 : i32
    %dma_start3A_535 = tpu.memref_slice %arg8[%add3A_533, %dma_start3A_534] : memref<2056x128xf32, #tpu.memory_space<vmem_shared>> -> memref<8x128xf32, #tpu.memory_space<vmem_shared>>
    %dma_start3A_536 = arith.constant 0 : i32
    %dma_start3A_537 = tpu.memref_slice %arg8[%add3A_533, %dma_start3A_536] : memref<2056x128xf32, #tpu.memory_space<vmem_shared>> -> memref<8x128xf32, #tpu.memory_space<vmem_shared>>
    tpu.enqueue_dma source(%arg7 : memref<8x128xf32, #tpu.memory_space<vmem>>) target(%dma_start3A_537 : memref<8x128xf32, #tpu.memory_space<vmem_shared>>) target_semaphore(%arg11 : memref<!tpu.dma_semaphore, #tpu.memory_space<semaphore_mem>>)
    %mul3A_538 = arith.constant 128 : i32
    %mul3A_539 = arith.muli %arg1, %mul3A_538 : i32
    %add3A_540 = arith.constant 72 : i32
    %add3A_541 = arith.addi %mul3A_539, %add3A_540 : i32
    %dma_start3A_542 = arith.constant 0 : i32
    %dma_start3A_543 = tpu.memref_slice %arg8[%add3A_541, %dma_start3A_542] : memref<2056x128xf32, #tpu.memory_space<vmem_shared>> -> memref<8x128xf32, #tpu.memory_space<vmem_shared>>
    %dma_start3A_544 = arith.constant 0 : i32
    %dma_start3A_545 = tpu.memref_slice %arg8[%add3A_541, %dma_start3A_544] : memref<2056x128xf32, #tpu.memory_space<vmem_shared>> -> memref<8x128xf32, #tpu.memory_space<vmem_shared>>
    tpu.enqueue_dma source(%arg7 : memref<8x128xf32, #tpu.memory_space<vmem>>) target(%dma_start3A_545 : memref<8x128xf32, #tpu.memory_space<vmem_shared>>) target_semaphore(%arg11 : memref<!tpu.dma_semaphore, #tpu.memory_space<semaphore_mem>>)
    %mul3A_546 = arith.constant 128 : i32
    %mul3A_547 = arith.muli %arg1, %mul3A_546 : i32
    %add3A_548 = arith.constant 80 : i32
    %add3A_549 = arith.addi %mul3A_547, %add3A_548 : i32
    %dma_start3A_550 = arith.constant 0 : i32
    %dma_start3A_551 = tpu.memref_slice %arg8[%add3A_549, %dma_start3A_550] : memref<2056x128xf32, #tpu.memory_space<vmem_shared>> -> memref<8x128xf32, #tpu.memory_space<vmem_shared>>
    %dma_start3A_552 = arith.constant 0 : i32
    %dma_start3A_553 = tpu.memref_slice %arg8[%add3A_549, %dma_start3A_552] : memref<2056x128xf32, #tpu.memory_space<vmem_shared>> -> memref<8x128xf32, #tpu.memory_space<vmem_shared>>
    tpu.enqueue_dma source(%arg7 : memref<8x128xf32, #tpu.memory_space<vmem>>) target(%dma_start3A_553 : memref<8x128xf32, #tpu.memory_space<vmem_shared>>) target_semaphore(%arg11 : memref<!tpu.dma_semaphore, #tpu.memory_space<semaphore_mem>>)
    %mul3A_554 = arith.constant 128 : i32
    %mul3A_555 = arith.muli %arg1, %mul3A_554 : i32
    %add3A_556 = arith.constant 88 : i32
    %add3A_557 = arith.addi %mul3A_555, %add3A_556 : i32
    %dma_start3A_558 = arith.constant 0 : i32
    %dma_start3A_559 = tpu.memref_slice %arg8[%add3A_557, %dma_start3A_558] : memref<2056x128xf32, #tpu.memory_space<vmem_shared>> -> memref<8x128xf32, #tpu.memory_space<vmem_shared>>
    %dma_start3A_560 = arith.constant 0 : i32
    %dma_start3A_561 = tpu.memref_slice %arg8[%add3A_557, %dma_start3A_560] : memref<2056x128xf32, #tpu.memory_space<vmem_shared>> -> memref<8x128xf32, #tpu.memory_space<vmem_shared>>
    tpu.enqueue_dma source(%arg7 : memref<8x128xf32, #tpu.memory_space<vmem>>) target(%dma_start3A_561 : memref<8x128xf32, #tpu.memory_space<vmem_shared>>) target_semaphore(%arg11 : memref<!tpu.dma_semaphore, #tpu.memory_space<semaphore_mem>>)
    %mul3A_562 = arith.constant 128 : i32
    %mul3A_563 = arith.muli %arg1, %mul3A_562 : i32
    %add3A_564 = arith.constant 96 : i32
    %add3A_565 = arith.addi %mul3A_563, %add3A_564 : i32
    %dma_start3A_566 = arith.constant 0 : i32
    %dma_start3A_567 = tpu.memref_slice %arg8[%add3A_565, %dma_start3A_566] : memref<2056x128xf32, #tpu.memory_space<vmem_shared>> -> memref<8x128xf32, #tpu.memory_space<vmem_shared>>
    %dma_start3A_568 = arith.constant 0 : i32
    %dma_start3A_569 = tpu.memref_slice %arg8[%add3A_565, %dma_start3A_568] : memref<2056x128xf32, #tpu.memory_space<vmem_shared>> -> memref<8x128xf32, #tpu.memory_space<vmem_shared>>
    tpu.enqueue_dma source(%arg7 : memref<8x128xf32, #tpu.memory_space<vmem>>) target(%dma_start3A_569 : memref<8x128xf32, #tpu.memory_space<vmem_shared>>) target_semaphore(%arg11 : memref<!tpu.dma_semaphore, #tpu.memory_space<semaphore_mem>>)
    %mul3A_570 = arith.constant 128 : i32
    %mul3A_571 = arith.muli %arg1, %mul3A_570 : i32
    %add3A_572 = arith.constant 104 : i32
    %add3A_573 = arith.addi %mul3A_571, %add3A_572 : i32
    %dma_start3A_574 = arith.constant 0 : i32
    %dma_start3A_575 = tpu.memref_slice %arg8[%add3A_573, %dma_start3A_574] : memref<2056x128xf32, #tpu.memory_space<vmem_shared>> -> memref<8x128xf32, #tpu.memory_space<vmem_shared>>
    %dma_start3A_576 = arith.constant 0 : i32
    %dma_start3A_577 = tpu.memref_slice %arg8[%add3A_573, %dma_start3A_576] : memref<2056x128xf32, #tpu.memory_space<vmem_shared>> -> memref<8x128xf32, #tpu.memory_space<vmem_shared>>
    tpu.enqueue_dma source(%arg7 : memref<8x128xf32, #tpu.memory_space<vmem>>) target(%dma_start3A_577 : memref<8x128xf32, #tpu.memory_space<vmem_shared>>) target_semaphore(%arg11 : memref<!tpu.dma_semaphore, #tpu.memory_space<semaphore_mem>>)
    %mul3A_578 = arith.constant 128 : i32
    %mul3A_579 = arith.muli %arg1, %mul3A_578 : i32
    %add3A_580 = arith.constant 112 : i32
    %add3A_581 = arith.addi %mul3A_579, %add3A_580 : i32
    %dma_start3A_582 = arith.constant 0 : i32
    %dma_start3A_583 = tpu.memref_slice %arg8[%add3A_581, %dma_start3A_582] : memref<2056x128xf32, #tpu.memory_space<vmem_shared>> -> memref<8x128xf32, #tpu.memory_space<vmem_shared>>
    %dma_start3A_584 = arith.constant 0 : i32
    %dma_start3A_585 = tpu.memref_slice %arg8[%add3A_581, %dma_start3A_584] : memref<2056x128xf32, #tpu.memory_space<vmem_shared>> -> memref<8x128xf32, #tpu.memory_space<vmem_shared>>
    tpu.enqueue_dma source(%arg7 : memref<8x128xf32, #tpu.memory_space<vmem>>) target(%dma_start3A_585 : memref<8x128xf32, #tpu.memory_space<vmem_shared>>) target_semaphore(%arg11 : memref<!tpu.dma_semaphore, #tpu.memory_space<semaphore_mem>>)
    %mul3A_586 = arith.constant 128 : i32
    %mul3A_587 = arith.muli %arg1, %mul3A_586 : i32
    %add3A_588 = arith.constant 120 : i32
    %add3A_589 = arith.addi %mul3A_587, %add3A_588 : i32
    %dma_start3A_590 = arith.constant 0 : i32
    %dma_start3A_591 = tpu.memref_slice %arg8[%add3A_589, %dma_start3A_590] : memref<2056x128xf32, #tpu.memory_space<vmem_shared>> -> memref<8x128xf32, #tpu.memory_space<vmem_shared>>
    %dma_start3A_592 = arith.constant 0 : i32
    %dma_start3A_593 = tpu.memref_slice %arg8[%add3A_589, %dma_start3A_592] : memref<2056x128xf32, #tpu.memory_space<vmem_shared>> -> memref<8x128xf32, #tpu.memory_space<vmem_shared>>
    tpu.enqueue_dma source(%arg7 : memref<8x128xf32, #tpu.memory_space<vmem>>) target(%dma_start3A_593 : memref<8x128xf32, #tpu.memory_space<vmem_shared>>) target_semaphore(%arg11 : memref<!tpu.dma_semaphore, #tpu.memory_space<semaphore_mem>>)
    %eq3A_594 = arith.constant 0 : i32
    %eq3A_595 = arith.cmpi eq, %arg1, %eq3A_594 : i32
    %convert_element_type3A = arith.extui %eq3A_595 : i1 to i32
    %cond3A = arith.constant 0 : i32
    %cond3A_596 = arith.cmpi ne, %convert_element_type3A, %cond3A : i32
    scf.if %cond3A_596 {
      %dma_start3A_2624 = arith.constant 2048 : i32
      %dma_start3A_2625 = arith.constant 0 : i32
      %dma_start3A_2626 = tpu.memref_slice %arg8[%dma_start3A_2624, %dma_start3A_2625] : memref<2056x128xf32, #tpu.memory_space<vmem_shared>> -> memref<8x128xf32, #tpu.memory_space<vmem_shared>>
      %dma_start3A_2627 = arith.constant 2048 : i32
      %dma_start3A_2628 = arith.constant 0 : i32
      %dma_start3A_2629 = tpu.memref_slice %arg8[%dma_start3A_2627, %dma_start3A_2628] : memref<2056x128xf32, #tpu.memory_space<vmem_shared>> -> memref<8x128xf32, #tpu.memory_space<vmem_shared>>
      tpu.enqueue_dma source(%arg7 : memref<8x128xf32, #tpu.memory_space<vmem>>) target(%dma_start3A_2629 : memref<8x128xf32, #tpu.memory_space<vmem_shared>>) target_semaphore(%arg11 : memref<!tpu.dma_semaphore, #tpu.memory_space<semaphore_mem>>)
    } else {
    }
    %dma_wait3A = arith.constant 0 : i32
    %dma_wait3A_597 = arith.constant 0 : i32
    %dma_wait3A_598 = tpu.memref_slice %arg8[%dma_wait3A, %dma_wait3A_597] : memref<2056x128xf32, #tpu.memory_space<vmem_shared>> -> memref<8x128xf32, #tpu.memory_space<vmem_shared>>
    %dma_wait3A_599 = arith.constant 0 : i32
    %dma_wait3A_600 = arith.constant 0 : i32
    %dma_wait3A_601 = tpu.memref_slice %arg8[%dma_wait3A_599, %dma_wait3A_600] : memref<2056x128xf32, #tpu.memory_space<vmem_shared>> -> memref<8x128xf32, #tpu.memory_space<vmem_shared>>
    tpu.wait_dma2 semaphore(%arg11 : memref<!tpu.dma_semaphore, #tpu.memory_space<semaphore_mem>>) src(%arg7 : memref<8x128xf32, #tpu.memory_space<vmem>>) dst(%dma_wait3A_601 : memref<8x128xf32, #tpu.memory_space<vmem_shared>>)
    %dma_wait3A_602 = arith.constant 0 : i32
    %dma_wait3A_603 = arith.constant 0 : i32
    %dma_wait3A_604 = tpu.memref_slice %arg8[%dma_wait3A_602, %dma_wait3A_603] : memref<2056x128xf32, #tpu.memory_space<vmem_shared>> -> memref<8x128xf32, #tpu.memory_space<vmem_shared>>
    %dma_wait3A_605 = arith.constant 0 : i32
    %dma_wait3A_606 = arith.constant 0 : i32
    %dma_wait3A_607 = tpu.memref_slice %arg8[%dma_wait3A_605, %dma_wait3A_606] : memref<2056x128xf32, #tpu.memory_space<vmem_shared>> -> memref<8x128xf32, #tpu.memory_space<vmem_shared>>
    tpu.wait_dma2 semaphore(%arg11 : memref<!tpu.dma_semaphore, #tpu.memory_space<semaphore_mem>>) src(%arg7 : memref<8x128xf32, #tpu.memory_space<vmem>>) dst(%dma_wait3A_607 : memref<8x128xf32, #tpu.memory_space<vmem_shared>>)
    %dma_wait3A_608 = arith.constant 0 : i32
    %dma_wait3A_609 = arith.constant 0 : i32
    %dma_wait3A_610 = tpu.memref_slice %arg8[%dma_wait3A_608, %dma_wait3A_609] : memref<2056x128xf32, #tpu.memory_space<vmem_shared>> -> memref<8x128xf32, #tpu.memory_space<vmem_shared>>
    %dma_wait3A_611 = arith.constant 0 : i32
    %dma_wait3A_612 = arith.constant 0 : i32
    %dma_wait3A_613 = tpu.memref_slice %arg8[%dma_wait3A_611, %dma_wait3A_612] : memref<2056x128xf32, #tpu.memory_space<vmem_shared>> -> memref<8x128xf32, #tpu.memory_space<vmem_shared>>
    tpu.wait_dma2 semaphore(%arg11 : memref<!tpu.dma_semaphore, #tpu.memory_space<semaphore_mem>>) src(%arg7 : memref<8x128xf32, #tpu.memory_space<vmem>>) dst(%dma_wait3A_613 : memref<8x128xf32, #tpu.memory_space<vmem_shared>>)
    %dma_wait3A_614 = arith.constant 0 : i32
    %dma_wait3A_615 = arith.constant 0 : i32
    %dma_wait3A_616 = tpu.memref_slice %arg8[%dma_wait3A_614, %dma_wait3A_615] : memref<2056x128xf32, #tpu.memory_space<vmem_shared>> -> memref<8x128xf32, #tpu.memory_space<vmem_shared>>
    %dma_wait3A_617 = arith.constant 0 : i32
    %dma_wait3A_618 = arith.constant 0 : i32
    %dma_wait3A_619 = tpu.memref_slice %arg8[%dma_wait3A_617, %dma_wait3A_618] : memref<2056x128xf32, #tpu.memory_space<vmem_shared>> -> memref<8x128xf32, #tpu.memory_space<vmem_shared>>
    tpu.wait_dma2 semaphore(%arg11 : memref<!tpu.dma_semaphore, #tpu.memory_space<semaphore_mem>>) src(%arg7 : memref<8x128xf32, #tpu.memory_space<vmem>>) dst(%dma_wait3A_619 : memref<8x128xf32, #tpu.memory_space<vmem_shared>>)
    %dma_wait3A_620 = arith.constant 0 : i32
    %dma_wait3A_621 = arith.constant 0 : i32
    %dma_wait3A_622 = tpu.memref_slice %arg8[%dma_wait3A_620, %dma_wait3A_621] : memref<2056x128xf32, #tpu.memory_space<vmem_shared>> -> memref<8x128xf32, #tpu.memory_space<vmem_shared>>
    %dma_wait3A_623 = arith.constant 0 : i32
    %dma_wait3A_624 = arith.constant 0 : i32
    %dma_wait3A_625 = tpu.memref_slice %arg8[%dma_wait3A_623, %dma_wait3A_624] : memref<2056x128xf32, #tpu.memory_space<vmem_shared>> -> memref<8x128xf32, #tpu.memory_space<vmem_shared>>
    tpu.wait_dma2 semaphore(%arg11 : memref<!tpu.dma_semaphore, #tpu.memory_space<semaphore_mem>>) src(%arg7 : memref<8x128xf32, #tpu.memory_space<vmem>>) dst(%dma_wait3A_625 : memref<8x128xf32, #tpu.memory_space<vmem_shared>>)
    %dma_wait3A_626 = arith.constant 0 : i32
    %dma_wait3A_627 = arith.constant 0 : i32
    %dma_wait3A_628 = tpu.memref_slice %arg8[%dma_wait3A_626, %dma_wait3A_627] : memref<2056x128xf32, #tpu.memory_space<vmem_shared>> -> memref<8x128xf32, #tpu.memory_space<vmem_shared>>
    %dma_wait3A_629 = arith.constant 0 : i32
    %dma_wait3A_630 = arith.constant 0 : i32
    %dma_wait3A_631 = tpu.memref_slice %arg8[%dma_wait3A_629, %dma_wait3A_630] : memref<2056x128xf32, #tpu.memory_space<vmem_shared>> -> memref<8x128xf32, #tpu.memory_space<vmem_shared>>
    tpu.wait_dma2 semaphore(%arg11 : memref<!tpu.dma_semaphore, #tpu.memory_space<semaphore_mem>>) src(%arg7 : memref<8x128xf32, #tpu.memory_space<vmem>>) dst(%dma_wait3A_631 : memref<8x128xf32, #tpu.memory_space<vmem_shared>>)
    %dma_wait3A_632 = arith.constant 0 : i32
    %dma_wait3A_633 = arith.constant 0 : i32
    %dma_wait3A_634 = tpu.memref_slice %arg8[%dma_wait3A_632, %dma_wait3A_633] : memref<2056x128xf32, #tpu.memory_space<vmem_shared>> -> memref<8x128xf32, #tpu.memory_space<vmem_shared>>
    %dma_wait3A_635 = arith.constant 0 : i32
    %dma_wait3A_636 = arith.constant 0 : i32
    %dma_wait3A_637 = tpu.memref_slice %arg8[%dma_wait3A_635, %dma_wait3A_636] : memref<2056x128xf32, #tpu.memory_space<vmem_shared>> -> memref<8x128xf32, #tpu.memory_space<vmem_shared>>
    tpu.wait_dma2 semaphore(%arg11 : memref<!tpu.dma_semaphore, #tpu.memory_space<semaphore_mem>>) src(%arg7 : memref<8x128xf32, #tpu.memory_space<vmem>>) dst(%dma_wait3A_637 : memref<8x128xf32, #tpu.memory_space<vmem_shared>>)
    %dma_wait3A_638 = arith.constant 0 : i32
    %dma_wait3A_639 = arith.constant 0 : i32
    %dma_wait3A_640 = tpu.memref_slice %arg8[%dma_wait3A_638, %dma_wait3A_639] : memref<2056x128xf32, #tpu.memory_space<vmem_shared>> -> memref<8x128xf32, #tpu.memory_space<vmem_shared>>
    %dma_wait3A_641 = arith.constant 0 : i32
    %dma_wait3A_642 = arith.constant 0 : i32
    %dma_wait3A_643 = tpu.memref_slice %arg8[%dma_wait3A_641, %dma_wait3A_642] : memref<2056x128xf32, #tpu.memory_space<vmem_shared>> -> memref<8x128xf32, #tpu.memory_space<vmem_shared>>
    tpu.wait_dma2 semaphore(%arg11 : memref<!tpu.dma_semaphore, #tpu.memory_space<semaphore_mem>>) src(%arg7 : memref<8x128xf32, #tpu.memory_space<vmem>>) dst(%dma_wait3A_643 : memref<8x128xf32, #tpu.memory_space<vmem_shared>>)
    %dma_wait3A_644 = arith.constant 0 : i32
    %dma_wait3A_645 = arith.constant 0 : i32
    %dma_wait3A_646 = tpu.memref_slice %arg8[%dma_wait3A_644, %dma_wait3A_645] : memref<2056x128xf32, #tpu.memory_space<vmem_shared>> -> memref<8x128xf32, #tpu.memory_space<vmem_shared>>
    %dma_wait3A_647 = arith.constant 0 : i32
    %dma_wait3A_648 = arith.constant 0 : i32
    %dma_wait3A_649 = tpu.memref_slice %arg8[%dma_wait3A_647, %dma_wait3A_648] : memref<2056x128xf32, #tpu.memory_space<vmem_shared>> -> memref<8x128xf32, #tpu.memory_space<vmem_shared>>
    tpu.wait_dma2 semaphore(%arg11 : memref<!tpu.dma_semaphore, #tpu.memory_space<semaphore_mem>>) src(%arg7 : memref<8x128xf32, #tpu.memory_space<vmem>>) dst(%dma_wait3A_649 : memref<8x128xf32, #tpu.memory_space<vmem_shared>>)
    %dma_wait3A_650 = arith.constant 0 : i32
    %dma_wait3A_651 = arith.constant 0 : i32
    %dma_wait3A_652 = tpu.memref_slice %arg8[%dma_wait3A_650, %dma_wait3A_651] : memref<2056x128xf32, #tpu.memory_space<vmem_shared>> -> memref<8x128xf32, #tpu.memory_space<vmem_shared>>
    %dma_wait3A_653 = arith.constant 0 : i32
    %dma_wait3A_654 = arith.constant 0 : i32
    %dma_wait3A_655 = tpu.memref_slice %arg8[%dma_wait3A_653, %dma_wait3A_654] : memref<2056x128xf32, #tpu.memory_space<vmem_shared>> -> memref<8x128xf32, #tpu.memory_space<vmem_shared>>
    tpu.wait_dma2 semaphore(%arg11 : memref<!tpu.dma_semaphore, #tpu.memory_space<semaphore_mem>>) src(%arg7 : memref<8x128xf32, #tpu.memory_space<vmem>>) dst(%dma_wait3A_655 : memref<8x128xf32, #tpu.memory_space<vmem_shared>>)
    %dma_wait3A_656 = arith.constant 0 : i32
    %dma_wait3A_657 = arith.constant 0 : i32
    %dma_wait3A_658 = tpu.memref_slice %arg8[%dma_wait3A_656, %dma_wait3A_657] : memref<2056x128xf32, #tpu.memory_space<vmem_shared>> -> memref<8x128xf32, #tpu.memory_space<vmem_shared>>
    %dma_wait3A_659 = arith.constant 0 : i32
    %dma_wait3A_660 = arith.constant 0 : i32
    %dma_wait3A_661 = tpu.memref_slice %arg8[%dma_wait3A_659, %dma_wait3A_660] : memref<2056x128xf32, #tpu.memory_space<vmem_shared>> -> memref<8x128xf32, #tpu.memory_space<vmem_shared>>
    tpu.wait_dma2 semaphore(%arg11 : memref<!tpu.dma_semaphore, #tpu.memory_space<semaphore_mem>>) src(%arg7 : memref<8x128xf32, #tpu.memory_space<vmem>>) dst(%dma_wait3A_661 : memref<8x128xf32, #tpu.memory_space<vmem_shared>>)
    %dma_wait3A_662 = arith.constant 0 : i32
    %dma_wait3A_663 = arith.constant 0 : i32
    %dma_wait3A_664 = tpu.memref_slice %arg8[%dma_wait3A_662, %dma_wait3A_663] : memref<2056x128xf32, #tpu.memory_space<vmem_shared>> -> memref<8x128xf32, #tpu.memory_space<vmem_shared>>
    %dma_wait3A_665 = arith.constant 0 : i32
    %dma_wait3A_666 = arith.constant 0 : i32
    %dma_wait3A_667 = tpu.memref_slice %arg8[%dma_wait3A_665, %dma_wait3A_666] : memref<2056x128xf32, #tpu.memory_space<vmem_shared>> -> memref<8x128xf32, #tpu.memory_space<vmem_shared>>
    tpu.wait_dma2 semaphore(%arg11 : memref<!tpu.dma_semaphore, #tpu.memory_space<semaphore_mem>>) src(%arg7 : memref<8x128xf32, #tpu.memory_space<vmem>>) dst(%dma_wait3A_667 : memref<8x128xf32, #tpu.memory_space<vmem_shared>>)
    %dma_wait3A_668 = arith.constant 0 : i32
    %dma_wait3A_669 = arith.constant 0 : i32
    %dma_wait3A_670 = tpu.memref_slice %arg8[%dma_wait3A_668, %dma_wait3A_669] : memref<2056x128xf32, #tpu.memory_space<vmem_shared>> -> memref<8x128xf32, #tpu.memory_space<vmem_shared>>
    %dma_wait3A_671 = arith.constant 0 : i32
    %dma_wait3A_672 = arith.constant 0 : i32
    %dma_wait3A_673 = tpu.memref_slice %arg8[%dma_wait3A_671, %dma_wait3A_672] : memref<2056x128xf32, #tpu.memory_space<vmem_shared>> -> memref<8x128xf32, #tpu.memory_space<vmem_shared>>
    tpu.wait_dma2 semaphore(%arg11 : memref<!tpu.dma_semaphore, #tpu.memory_space<semaphore_mem>>) src(%arg7 : memref<8x128xf32, #tpu.memory_space<vmem>>) dst(%dma_wait3A_673 : memref<8x128xf32, #tpu.memory_space<vmem_shared>>)
    %dma_wait3A_674 = arith.constant 0 : i32
    %dma_wait3A_675 = arith.constant 0 : i32
    %dma_wait3A_676 = tpu.memref_slice %arg8[%dma_wait3A_674, %dma_wait3A_675] : memref<2056x128xf32, #tpu.memory_space<vmem_shared>> -> memref<8x128xf32, #tpu.memory_space<vmem_shared>>
    %dma_wait3A_677 = arith.constant 0 : i32
    %dma_wait3A_678 = arith.constant 0 : i32
    %dma_wait3A_679 = tpu.memref_slice %arg8[%dma_wait3A_677, %dma_wait3A_678] : memref<2056x128xf32, #tpu.memory_space<vmem_shared>> -> memref<8x128xf32, #tpu.memory_space<vmem_shared>>
    tpu.wait_dma2 semaphore(%arg11 : memref<!tpu.dma_semaphore, #tpu.memory_space<semaphore_mem>>) src(%arg7 : memref<8x128xf32, #tpu.memory_space<vmem>>) dst(%dma_wait3A_679 : memref<8x128xf32, #tpu.memory_space<vmem_shared>>)
    %dma_wait3A_680 = arith.constant 0 : i32
    %dma_wait3A_681 = arith.constant 0 : i32
    %dma_wait3A_682 = tpu.memref_slice %arg8[%dma_wait3A_680, %dma_wait3A_681] : memref<2056x128xf32, #tpu.memory_space<vmem_shared>> -> memref<8x128xf32, #tpu.memory_space<vmem_shared>>
    %dma_wait3A_683 = arith.constant 0 : i32
    %dma_wait3A_684 = arith.constant 0 : i32
    %dma_wait3A_685 = tpu.memref_slice %arg8[%dma_wait3A_683, %dma_wait3A_684] : memref<2056x128xf32, #tpu.memory_space<vmem_shared>> -> memref<8x128xf32, #tpu.memory_space<vmem_shared>>
    tpu.wait_dma2 semaphore(%arg11 : memref<!tpu.dma_semaphore, #tpu.memory_space<semaphore_mem>>) src(%arg7 : memref<8x128xf32, #tpu.memory_space<vmem>>) dst(%dma_wait3A_685 : memref<8x128xf32, #tpu.memory_space<vmem_shared>>)
    %dma_wait3A_686 = arith.constant 0 : i32
    %dma_wait3A_687 = arith.constant 0 : i32
    %dma_wait3A_688 = tpu.memref_slice %arg8[%dma_wait3A_686, %dma_wait3A_687] : memref<2056x128xf32, #tpu.memory_space<vmem_shared>> -> memref<8x128xf32, #tpu.memory_space<vmem_shared>>
    %dma_wait3A_689 = arith.constant 0 : i32
    %dma_wait3A_690 = arith.constant 0 : i32
    %dma_wait3A_691 = tpu.memref_slice %arg8[%dma_wait3A_689, %dma_wait3A_690] : memref<2056x128xf32, #tpu.memory_space<vmem_shared>> -> memref<8x128xf32, #tpu.memory_space<vmem_shared>>
    tpu.wait_dma2 semaphore(%arg11 : memref<!tpu.dma_semaphore, #tpu.memory_space<semaphore_mem>>) src(%arg7 : memref<8x128xf32, #tpu.memory_space<vmem>>) dst(%dma_wait3A_691 : memref<8x128xf32, #tpu.memory_space<vmem_shared>>)
    %eq3A_692 = arith.constant 0 : i32
    %eq3A_693 = arith.cmpi eq, %arg1, %eq3A_692 : i32
    %convert_element_type3A_694 = arith.extui %eq3A_693 : i1 to i32
    %cond3A_695 = arith.constant 0 : i32
    %cond3A_696 = arith.cmpi ne, %convert_element_type3A_694, %cond3A_695 : i32
    scf.if %cond3A_696 {
      %dma_wait3A_2624 = arith.constant 0 : i32
      %dma_wait3A_2625 = arith.constant 0 : i32
      %dma_wait3A_2626 = tpu.memref_slice %arg8[%dma_wait3A_2624, %dma_wait3A_2625] : memref<2056x128xf32, #tpu.memory_space<vmem_shared>> -> memref<8x128xf32, #tpu.memory_space<vmem_shared>>
      %dma_wait3A_2627 = arith.constant 0 : i32
      %dma_wait3A_2628 = arith.constant 0 : i32
      %dma_wait3A_2629 = tpu.memref_slice %arg8[%dma_wait3A_2627, %dma_wait3A_2628] : memref<2056x128xf32, #tpu.memory_space<vmem_shared>> -> memref<8x128xf32, #tpu.memory_space<vmem_shared>>
      tpu.wait_dma2 semaphore(%arg11 : memref<!tpu.dma_semaphore, #tpu.memory_space<semaphore_mem>>) src(%arg7 : memref<8x128xf32, #tpu.memory_space<vmem>>) dst(%dma_wait3A_2629 : memref<8x128xf32, #tpu.memory_space<vmem_shared>>)
    } else {
    }
    %broadcast_in_dim3A_697 = arith.constant 2048 : i32
    %broadcast_in_dim3A_698 = vector.broadcast %broadcast_in_dim3A_697 : i32 to vector<16xi32>
    %eq3A_699 = arith.constant 24 : i32
    %eq3A_700 = arith.cmpi eq, %select_n3A, %eq3A_699 : i32
    %convert_element_type3A_701 = arith.extui %eq3A_700 : i1 to i32
    %cond3A_702 = arith.constant 0 : i32
    %cond3A_703 = arith.cmpi ne, %convert_element_type3A_701, %cond3A_702 : i32
    scf.if %cond3A_703 {
      %add3A_2624 = arith.constant 24 : i32
      %add3A_2625 = arith.addi %sub3A_27, %add3A_2624 : i32
      %swap3A_2626 = arith.index_cast %add3A_2625 : i32 to index
      %swap3A_2627 = arith.constant 0 : index
      %swap3A_2628 = tpu.vector_load %arg5[%swap3A_2626, %swap3A_2627] {strides = array<i32>} : memref<32x128xi32, #tpu.memory_space<vmem>>, vector<1x16xi32>,
      %swap3A_2629 = vector.shape_cast %swap3A_2628 : vector<1x16xi32> to vector<16xi32>
      %swap3A_2630 = vector.shape_cast %broadcast_in_dim3A_698 : vector<16xi32> to vector<1x16xi32>
      tpu.vector_store %arg5[%swap3A_2626, %swap3A_2627], %swap3A_2630 {strides = array<i32>} : memref<32x128xi32, #tpu.memory_space<vmem>>, vector<1x16xi32>,
      %swap3A_2631 = arith.index_cast %add3A_2625 : i32 to index
      %swap3A_2632 = arith.constant 16 : index
      %swap3A_2633 = tpu.vector_load %arg5[%swap3A_2631, %swap3A_2632] {strides = array<i32>} : memref<32x128xi32, #tpu.memory_space<vmem>>, vector<1x16xi32>,
      %swap3A_2634 = vector.shape_cast %swap3A_2633 : vector<1x16xi32> to vector<16xi32>
      %swap3A_2635 = vector.shape_cast %broadcast_in_dim3A_698 : vector<16xi32> to vector<1x16xi32>
      tpu.vector_store %arg5[%swap3A_2631, %swap3A_2632], %swap3A_2635 {strides = array<i32>} : memref<32x128xi32, #tpu.memory_space<vmem>>, vector<1x16xi32>,
      %swap3A_2636 = arith.index_cast %add3A_2625 : i32 to index
      %swap3A_2637 = arith.constant 32 : index
      %swap3A_2638 = tpu.vector_load %arg5[%swap3A_2636, %swap3A_2637] {strides = array<i32>} : memref<32x128xi32, #tpu.memory_space<vmem>>, vector<1x16xi32>,
      %swap3A_2639 = vector.shape_cast %swap3A_2638 : vector<1x16xi32> to vector<16xi32>
      %swap3A_2640 = vector.shape_cast %broadcast_in_dim3A_698 : vector<16xi32> to vector<1x16xi32>
      tpu.vector_store %arg5[%swap3A_2636, %swap3A_2637], %swap3A_2640 {strides = array<i32>} : memref<32x128xi32, #tpu.memory_space<vmem>>, vector<1x16xi32>,
      %swap3A_2641 = arith.index_cast %add3A_2625 : i32 to index
      %swap3A_2642 = arith.constant 48 : index
      %swap3A_2643 = tpu.vector_load %arg5[%swap3A_2641, %swap3A_2642] {strides = array<i32>} : memref<32x128xi32, #tpu.memory_space<vmem>>, vector<1x16xi32>,
      %swap3A_2644 = vector.shape_cast %swap3A_2643 : vector<1x16xi32> to vector<16xi32>
      %swap3A_2645 = vector.shape_cast %broadcast_in_dim3A_698 : vector<16xi32> to vector<1x16xi32>
      tpu.vector_store %arg5[%swap3A_2641, %swap3A_2642], %swap3A_2645 {strides = array<i32>} : memref<32x128xi32, #tpu.memory_space<vmem>>, vector<1x16xi32>,
      %swap3A_2646 = arith.index_cast %add3A_2625 : i32 to index
      %swap3A_2647 = arith.constant 64 : index
      %swap3A_2648 = tpu.vector_load %arg5[%swap3A_2646, %swap3A_2647] {strides = array<i32>} : memref<32x128xi32, #tpu.memory_space<vmem>>, vector<1x16xi32>,
      %swap3A_2649 = vector.shape_cast %swap3A_2648 : vector<1x16xi32> to vector<16xi32>
      %swap3A_2650 = vector.shape_cast %broadcast_in_dim3A_698 : vector<16xi32> to vector<1x16xi32>
      tpu.vector_store %arg5[%swap3A_2646, %swap3A_2647], %swap3A_2650 {strides = array<i32>} : memref<32x128xi32, #tpu.memory_space<vmem>>, vector<1x16xi32>,
      %swap3A_2651 = arith.index_cast %add3A_2625 : i32 to index
      %swap3A_2652 = arith.constant 80 : index
      %swap3A_2653 = tpu.vector_load %arg5[%swap3A_2651, %swap3A_2652] {strides = array<i32>} : memref<32x128xi32, #tpu.memory_space<vmem>>, vector<1x16xi32>,
      %swap3A_2654 = vector.shape_cast %swap3A_2653 : vector<1x16xi32> to vector<16xi32>
      %swap3A_2655 = vector.shape_cast %broadcast_in_dim3A_698 : vector<16xi32> to vector<1x16xi32>
      tpu.vector_store %arg5[%swap3A_2651, %swap3A_2652], %swap3A_2655 {strides = array<i32>} : memref<32x128xi32, #tpu.memory_space<vmem>>, vector<1x16xi32>,
      %swap3A_2656 = arith.index_cast %add3A_2625 : i32 to index
      %swap3A_2657 = arith.constant 96 : index
      %swap3A_2658 = tpu.vector_load %arg5[%swap3A_2656, %swap3A_2657] {strides = array<i32>} : memref<32x128xi32, #tpu.memory_space<vmem>>, vector<1x16xi32>,
      %swap3A_2659 = vector.shape_cast %swap3A_2658 : vector<1x16xi32> to vector<16xi32>
      %swap3A_2660 = vector.shape_cast %broadcast_in_dim3A_698 : vector<16xi32> to vector<1x16xi32>
      tpu.vector_store %arg5[%swap3A_2656, %swap3A_2657], %swap3A_2660 {strides = array<i32>} : memref<32x128xi32, #tpu.memory_space<vmem>>, vector<1x16xi32>,
      %swap3A_2661 = arith.index_cast %add3A_2625 : i32 to index
      %swap3A_2662 = arith.constant 112 : index
      %swap3A_2663 = tpu.vector_load %arg5[%swap3A_2661, %swap3A_2662] {strides = array<i32>} : memref<32x128xi32, #tpu.memory_space<vmem>>, vector<1x16xi32>,
      %swap3A_2664 = vector.shape_cast %swap3A_2663 : vector<1x16xi32> to vector<16xi32>
      %swap3A_2665 = vector.shape_cast %broadcast_in_dim3A_698 : vector<16xi32> to vector<1x16xi32>
      tpu.vector_store %arg5[%swap3A_2661, %swap3A_2662], %swap3A_2665 {strides = array<i32>} : memref<32x128xi32, #tpu.memory_space<vmem>>, vector<1x16xi32>,
    } else {
    }
    %barrier3A = arith.constant 0 : index
    tpu.barrier barrier_id(%barrier3A)
    %add3A_704 = arith.constant 0 : i32
    %add3A_705 = arith.addi %add3A_6, %add3A_704 : i32
    %add3A_706 = arith.constant 2 : i32
    %add3A_707 = arith.addi %add3A_705, %add3A_706 : i32
    %lt3A_708 = arith.constant 781 : i32
    %lt3A_709 = arith.cmpi slt, %add3A_707, %lt3A_708 : i32
    %mul3A_710 = arith.constant 128 : i32
    %mul3A_711 = arith.muli %add3A_707, %mul3A_710 : i32
    %eq3A_712 = arith.constant 781 : i32
    %eq3A_713 = arith.cmpi eq, %add3A_707, %eq3A_712 : i32
    %jit3A_714 = arith.constant 99872 : i32
    %jit3A_715 = arith.constant 0 : i32
    %select_n3A_716 = arith.select %eq3A_713, %jit3A_714, %jit3A_715 : i32
    %select_n3A_717 = arith.select %lt3A_709, %mul3A_711, %select_n3A_716 : i32
    %dma_start3A_718 = arith.constant 2 : i32
    %dma_start3A_719 = arith.constant 2 : i32
    %dma_start3A_720 = arith.constant 0 : i32
    %dma_start3A_721 = arith.constant 0 : i32
    %dma_start3A_722 = tpu.memref_slice %arg6[%dma_start3A_718, %dma_start3A_720, %dma_start3A_721] : memref<5x128x128xf32, #tpu.memory_space<vmem>> -> memref<1x128x128xf32, #tpu.memory_space<vmem>>
    %dma_start3A_723 = tpu.memref_squeeze %dma_start3A_722 : memref<1x128x128xf32, #tpu.memory_space<vmem>> -> memref<128x128xf32, #tpu.memory_space<vmem>>
    %dma_start3A_724 = arith.constant 0 : i32
    %dma_start3A_725 = tpu.memref_slice %arg2[%select_n3A_717, %dma_start3A_724] : memref<100000x128xf32, #tpu.memory_space<hbm>> -> memref<128x128xf32, #tpu.memory_space<hbm>>
    %dma_start3A_726 = tpu.memref_slice %arg9[%dma_start3A_719] : memref<5x!tpu.dma_semaphore, #tpu.memory_space<semaphore_mem>> -> memref<1x!tpu.dma_semaphore, #tpu.memory_space<semaphore_mem>>
    %dma_start3A_727 = tpu.memref_squeeze %dma_start3A_726 : memref<1x!tpu.dma_semaphore, #tpu.memory_space<semaphore_mem>> -> memref<!tpu.dma_semaphore, #tpu.memory_space<semaphore_mem>>
    %dma_start3A_728 = arith.constant 0 : i32
    %dma_start3A_729 = arith.constant 0 : i32
    %dma_start3A_730 = tpu.memref_slice %arg6[%dma_start3A_718, %dma_start3A_728, %dma_start3A_729] : memref<5x128x128xf32, #tpu.memory_space<vmem>> -> memref<1x128x128xf32, #tpu.memory_space<vmem>>
    %dma_start3A_731 = tpu.memref_squeeze %dma_start3A_730 : memref<1x128x128xf32, #tpu.memory_space<vmem>> -> memref<128x128xf32, #tpu.memory_space<vmem>>
    %dma_start3A_732 = arith.constant 0 : i32
    %dma_start3A_733 = tpu.memref_slice %arg2[%select_n3A_717, %dma_start3A_732] : memref<100000x128xf32, #tpu.memory_space<hbm>> -> memref<128x128xf32, #tpu.memory_space<hbm>>
    tpu.enqueue_dma source(%dma_start3A_733 : memref<128x128xf32, #tpu.memory_space<hbm>>) target(%dma_start3A_731 : memref<128x128xf32, #tpu.memory_space<vmem>>) target_semaphore(%dma_start3A_727 : memref<!tpu.dma_semaphore, #tpu.memory_space<semaphore_mem>>)
    %dma_wait3A_734 = arith.constant 0 : i32
    %dma_wait3A_735 = arith.constant 0 : i32
    %dma_wait3A_736 = arith.constant 0 : i32
    %dma_wait3A_737 = arith.constant 0 : i32
    %dma_wait3A_738 = tpu.memref_slice %arg6[%dma_wait3A_734, %dma_wait3A_736, %dma_wait3A_737] : memref<5x128x128xf32, #tpu.memory_space<vmem>> -> memref<1x128x128xf32, #tpu.memory_space<vmem>>
    %dma_wait3A_739 = tpu.memref_squeeze %dma_wait3A_738 : memref<1x128x128xf32, #tpu.memory_space<vmem>> -> memref<128x128xf32, #tpu.memory_space<vmem>>
    %dma_wait3A_740 = arith.constant 0 : i32
    %dma_wait3A_741 = arith.constant 0 : i32
    %dma_wait3A_742 = tpu.memref_slice %arg2[%dma_wait3A_740, %dma_wait3A_741] : memref<100000x128xf32, #tpu.memory_space<hbm>> -> memref<128x128xf32, #tpu.memory_space<hbm>>
    %dma_wait3A_743 = tpu.memref_slice %arg9[%dma_wait3A_735] : memref<5x!tpu.dma_semaphore, #tpu.memory_space<semaphore_mem>> -> memref<1x!tpu.dma_semaphore, #tpu.memory_space<semaphore_mem>>
    %dma_wait3A_744 = tpu.memref_squeeze %dma_wait3A_743 : memref<1x!tpu.dma_semaphore, #tpu.memory_space<semaphore_mem>> -> memref<!tpu.dma_semaphore, #tpu.memory_space<semaphore_mem>>
    %dma_wait3A_745 = arith.constant 0 : i32
    %dma_wait3A_746 = arith.constant 0 : i32
    %dma_wait3A_747 = tpu.memref_slice %arg6[%dma_wait3A_734, %dma_wait3A_745, %dma_wait3A_746] : memref<5x128x128xf32, #tpu.memory_space<vmem>> -> memref<1x128x128xf32, #tpu.memory_space<vmem>>
    %dma_wait3A_748 = tpu.memref_squeeze %dma_wait3A_747 : memref<1x128x128xf32, #tpu.memory_space<vmem>> -> memref<128x128xf32, #tpu.memory_space<vmem>>
    %dma_wait3A_749 = arith.constant 0 : i32
    %dma_wait3A_750 = arith.constant 0 : i32
    %dma_wait3A_751 = tpu.memref_slice %arg2[%dma_wait3A_749, %dma_wait3A_750] : memref<100000x128xf32, #tpu.memory_space<hbm>> -> memref<128x128xf32, #tpu.memory_space<hbm>>
    tpu.wait_dma2 semaphore(%dma_wait3A_744 : memref<!tpu.dma_semaphore, #tpu.memory_space<semaphore_mem>>) src(%dma_wait3A_751 : memref<128x128xf32, #tpu.memory_space<hbm>>) dst(%dma_wait3A_748 : memref<128x128xf32, #tpu.memory_space<vmem>>)
    %add3A_752 = arith.constant 0 : i32
    %add3A_753 = arith.addi %sub3A_27, %add3A_752 : i32
    %dma_start3A_754 = arith.constant 0 : i32
    %dma_start3A_755 = arith.constant 0 : i32
    %dma_start3A_756 = arith.constant 0 : i32
    %dma_start3A_757 = arith.constant 0 : i32
    %dma_start3A_758 = tpu.memref_slice %arg6[%dma_start3A_754, %dma_start3A_756, %dma_start3A_757] : memref<5x128x128xf32, #tpu.memory_space<vmem>> -> memref<1x128x128xf32, #tpu.memory_space<vmem>>
    %dma_start3A_759 = tpu.memref_squeeze %dma_start3A_758 : memref<1x128x128xf32, #tpu.memory_space<vmem>> -> memref<128x128xf32, #tpu.memory_space<vmem>>
    %dma_start3A_760 = arith.constant 0 : i32
    %dma_start3A_761 = tpu.memref_slice %arg5[%add3A_753, %dma_start3A_760] : memref<32x128xi32, #tpu.memory_space<vmem>> -> memref<1x128xi32, #tpu.memory_space<vmem>>
    %dma_start3A_762 = tpu.memref_squeeze %dma_start3A_761 : memref<1x128xi32, #tpu.memory_space<vmem>> -> memref<128xi32, #tpu.memory_space<vmem>>
    %dma_start3A_763 = arith.constant 0 : i32
    %dma_start3A_764 = arith.constant 0 : i32
    %dma_start3A_765 = tpu.memref_slice %arg8[%dma_start3A_763, %dma_start3A_764] : memref<2056x128xf32, #tpu.memory_space<vmem_shared>> -> memref<2056x128xf32, #tpu.memory_space<vmem_shared>>
    %dma_start3A_766 = tpu.memref_slice %arg10[%dma_start3A_755] : memref<5x!tpu.dma_semaphore, #tpu.memory_space<semaphore_mem>> -> memref<1x!tpu.dma_semaphore, #tpu.memory_space<semaphore_mem>>
    %dma_start3A_767 = tpu.memref_squeeze %dma_start3A_766 : memref<1x!tpu.dma_semaphore, #tpu.memory_space<semaphore_mem>> -> memref<!tpu.dma_semaphore, #tpu.memory_space<semaphore_mem>>
    tpu.enqueue_indirect_dma source(%dma_start3A_759 : memref<128x128xf32, #tpu.memory_space<vmem>>) target(%dma_start3A_765 : memref<2056x128xf32, #tpu.memory_space<vmem_shared>>) offsets(%dma_start3A_762 : memref<128xi32, #tpu.memory_space<vmem>>) semaphore(%dma_start3A_767 : memref<!tpu.dma_semaphore, #tpu.memory_space<semaphore_mem>>) {add = true}
    %add3A_768 = arith.constant 1 : i32
    %add3A_769 = arith.addi %add3A_6, %add3A_768 : i32
    %add3A_770 = arith.constant 2 : i32
    %add3A_771 = arith.addi %add3A_769, %add3A_770 : i32
    %lt3A_772 = arith.constant 781 : i32
    %lt3A_773 = arith.cmpi slt, %add3A_771, %lt3A_772 : i32
    %mul3A_774 = arith.constant 128 : i32
    %mul3A_775 = arith.muli %add3A_771, %mul3A_774 : i32
    %eq3A_776 = arith.constant 781 : i32
    %eq3A_777 = arith.cmpi eq, %add3A_771, %eq3A_776 : i32
    %jit3A_778 = arith.constant 99872 : i32
    %jit3A_779 = arith.constant 0 : i32
    %select_n3A_780 = arith.select %eq3A_777, %jit3A_778, %jit3A_779 : i32
    %select_n3A_781 = arith.select %lt3A_773, %mul3A_775, %select_n3A_780 : i32
    %dma_start3A_782 = arith.constant 3 : i32
    %dma_start3A_783 = arith.constant 3 : i32
    %dma_start3A_784 = arith.constant 0 : i32
    %dma_start3A_785 = arith.constant 0 : i32
    %dma_start3A_786 = tpu.memref_slice %arg6[%dma_start3A_782, %dma_start3A_784, %dma_start3A_785] : memref<5x128x128xf32, #tpu.memory_space<vmem>> -> memref<1x128x128xf32, #tpu.memory_space<vmem>>
    %dma_start3A_787 = tpu.memref_squeeze %dma_start3A_786 : memref<1x128x128xf32, #tpu.memory_space<vmem>> -> memref<128x128xf32, #tpu.memory_space<vmem>>
    %dma_start3A_788 = arith.constant 0 : i32
    %dma_start3A_789 = tpu.memref_slice %arg2[%select_n3A_781, %dma_start3A_788] : memref<100000x128xf32, #tpu.memory_space<hbm>> -> memref<128x128xf32, #tpu.memory_space<hbm>>
    %dma_start3A_790 = tpu.memref_slice %arg9[%dma_start3A_783] : memref<5x!tpu.dma_semaphore, #tpu.memory_space<semaphore_mem>> -> memref<1x!tpu.dma_semaphore, #tpu.memory_space<semaphore_mem>>
    %dma_start3A_791 = tpu.memref_squeeze %dma_start3A_790 : memref<1x!tpu.dma_semaphore, #tpu.memory_space<semaphore_mem>> -> memref<!tpu.dma_semaphore, #tpu.memory_space<semaphore_mem>>
    %dma_start3A_792 = arith.constant 0 : i32
    %dma_start3A_793 = arith.constant 0 : i32
    %dma_start3A_794 = tpu.memref_slice %arg6[%dma_start3A_782, %dma_start3A_792, %dma_start3A_793] : memref<5x128x128xf32, #tpu.memory_space<vmem>> -> memref<1x128x128xf32, #tpu.memory_space<vmem>>
    %dma_start3A_795 = tpu.memref_squeeze %dma_start3A_794 : memref<1x128x128xf32, #tpu.memory_space<vmem>> -> memref<128x128xf32, #tpu.memory_space<vmem>>
    %dma_start3A_796 = arith.constant 0 : i32
    %dma_start3A_797 = tpu.memref_slice %arg2[%select_n3A_781, %dma_start3A_796] : memref<100000x128xf32, #tpu.memory_space<hbm>> -> memref<128x128xf32, #tpu.memory_space<hbm>>
    tpu.enqueue_dma source(%dma_start3A_797 : memref<128x128xf32, #tpu.memory_space<hbm>>) target(%dma_start3A_795 : memref<128x128xf32, #tpu.memory_space<vmem>>) target_semaphore(%dma_start3A_791 : memref<!tpu.dma_semaphore, #tpu.memory_space<semaphore_mem>>)
    %dma_wait3A_798 = arith.constant 1 : i32
    %dma_wait3A_799 = arith.constant 1 : i32
    %dma_wait3A_800 = arith.constant 0 : i32
    %dma_wait3A_801 = arith.constant 0 : i32
    %dma_wait3A_802 = tpu.memref_slice %arg6[%dma_wait3A_798, %dma_wait3A_800, %dma_wait3A_801] : memref<5x128x128xf32, #tpu.memory_space<vmem>> -> memref<1x128x128xf32, #tpu.memory_space<vmem>>
    %dma_wait3A_803 = tpu.memref_squeeze %dma_wait3A_802 : memref<1x128x128xf32, #tpu.memory_space<vmem>> -> memref<128x128xf32, #tpu.memory_space<vmem>>
    %dma_wait3A_804 = arith.constant 0 : i32
    %dma_wait3A_805 = arith.constant 0 : i32
    %dma_wait3A_806 = tpu.memref_slice %arg2[%dma_wait3A_804, %dma_wait3A_805] : memref<100000x128xf32, #tpu.memory_space<hbm>> -> memref<128x128xf32, #tpu.memory_space<hbm>>
    %dma_wait3A_807 = tpu.memref_slice %arg9[%dma_wait3A_799] : memref<5x!tpu.dma_semaphore, #tpu.memory_space<semaphore_mem>> -> memref<1x!tpu.dma_semaphore, #tpu.memory_space<semaphore_mem>>
    %dma_wait3A_808 = tpu.memref_squeeze %dma_wait3A_807 : memref<1x!tpu.dma_semaphore, #tpu.memory_space<semaphore_mem>> -> memref<!tpu.dma_semaphore, #tpu.memory_space<semaphore_mem>>
    %dma_wait3A_809 = arith.constant 0 : i32
    %dma_wait3A_810 = arith.constant 0 : i32
    %dma_wait3A_811 = tpu.memref_slice %arg6[%dma_wait3A_798, %dma_wait3A_809, %dma_wait3A_810] : memref<5x128x128xf32, #tpu.memory_space<vmem>> -> memref<1x128x128xf32, #tpu.memory_space<vmem>>
    %dma_wait3A_812 = tpu.memref_squeeze %dma_wait3A_811 : memref<1x128x128xf32, #tpu.memory_space<vmem>> -> memref<128x128xf32, #tpu.memory_space<vmem>>
    %dma_wait3A_813 = arith.constant 0 : i32
    %dma_wait3A_814 = arith.constant 0 : i32
    %dma_wait3A_815 = tpu.memref_slice %arg2[%dma_wait3A_813, %dma_wait3A_814] : memref<100000x128xf32, #tpu.memory_space<hbm>> -> memref<128x128xf32, #tpu.memory_space<hbm>>
    tpu.wait_dma2 semaphore(%dma_wait3A_808 : memref<!tpu.dma_semaphore, #tpu.memory_space<semaphore_mem>>) src(%dma_wait3A_815 : memref<128x128xf32, #tpu.memory_space<hbm>>) dst(%dma_wait3A_812 : memref<128x128xf32, #tpu.memory_space<vmem>>)
    %add3A_816 = arith.constant 1 : i32
    %add3A_817 = arith.addi %sub3A_27, %add3A_816 : i32
    %dma_start3A_818 = arith.constant 1 : i32
    %dma_start3A_819 = arith.constant 1 : i32
    %dma_start3A_820 = arith.constant 0 : i32
    %dma_start3A_821 = arith.constant 0 : i32
    %dma_start3A_822 = tpu.memref_slice %arg6[%dma_start3A_818, %dma_start3A_820, %dma_start3A_821] : memref<5x128x128xf32, #tpu.memory_space<vmem>> -> memref<1x128x128xf32, #tpu.memory_space<vmem>>
    %dma_start3A_823 = tpu.memref_squeeze %dma_start3A_822 : memref<1x128x128xf32, #tpu.memory_space<vmem>> -> memref<128x128xf32, #tpu.memory_space<vmem>>
    %dma_start3A_824 = arith.constant 0 : i32
    %dma_start3A_825 = tpu.memref_slice %arg5[%add3A_817, %dma_start3A_824] : memref<32x128xi32, #tpu.memory_space<vmem>> -> memref<1x128xi32, #tpu.memory_space<vmem>>
    %dma_start3A_826 = tpu.memref_squeeze %dma_start3A_825 : memref<1x128xi32, #tpu.memory_space<vmem>> -> memref<128xi32, #tpu.memory_space<vmem>>
    %dma_start3A_827 = arith.constant 0 : i32
    %dma_start3A_828 = arith.constant 0 : i32
    %dma_start3A_829 = tpu.memref_slice %arg8[%dma_start3A_827, %dma_start3A_828] : memref<2056x128xf32, #tpu.memory_space<vmem_shared>> -> memref<2056x128xf32, #tpu.memory_space<vmem_shared>>
    %dma_start3A_830 = tpu.memref_slice %arg10[%dma_start3A_819] : memref<5x!tpu.dma_semaphore, #tpu.memory_space<semaphore_mem>> -> memref<1x!tpu.dma_semaphore, #tpu.memory_space<semaphore_mem>>
    %dma_start3A_831 = tpu.memref_squeeze %dma_start3A_830 : memref<1x!tpu.dma_semaphore, #tpu.memory_space<semaphore_mem>> -> memref<!tpu.dma_semaphore, #tpu.memory_space<semaphore_mem>>
    tpu.enqueue_indirect_dma source(%dma_start3A_823 : memref<128x128xf32, #tpu.memory_space<vmem>>) target(%dma_start3A_829 : memref<2056x128xf32, #tpu.memory_space<vmem_shared>>) offsets(%dma_start3A_826 : memref<128xi32, #tpu.memory_space<vmem>>) semaphore(%dma_start3A_831 : memref<!tpu.dma_semaphore, #tpu.memory_space<semaphore_mem>>) {add = true}
    %add3A_832 = arith.constant 2 : i32
    %add3A_833 = arith.addi %add3A_6, %add3A_832 : i32
    %add3A_834 = arith.constant 2 : i32
    %add3A_835 = arith.addi %add3A_833, %add3A_834 : i32
    %lt3A_836 = arith.constant 781 : i32
    %lt3A_837 = arith.cmpi slt, %add3A_835, %lt3A_836 : i32
    %mul3A_838 = arith.constant 128 : i32
    %mul3A_839 = arith.muli %add3A_835, %mul3A_838 : i32
    %eq3A_840 = arith.constant 781 : i32
    %eq3A_841 = arith.cmpi eq, %add3A_835, %eq3A_840 : i32
    %jit3A_842 = arith.constant 99872 : i32
    %jit3A_843 = arith.constant 0 : i32
    %select_n3A_844 = arith.select %eq3A_841, %jit3A_842, %jit3A_843 : i32
    %select_n3A_845 = arith.select %lt3A_837, %mul3A_839, %select_n3A_844 : i32
    %dma_start3A_846 = arith.constant 4 : i32
    %dma_start3A_847 = arith.constant 4 : i32
    %dma_start3A_848 = arith.constant 0 : i32
    %dma_start3A_849 = arith.constant 0 : i32
    %dma_start3A_850 = tpu.memref_slice %arg6[%dma_start3A_846, %dma_start3A_848, %dma_start3A_849] : memref<5x128x128xf32, #tpu.memory_space<vmem>> -> memref<1x128x128xf32, #tpu.memory_space<vmem>>
    %dma_start3A_851 = tpu.memref_squeeze %dma_start3A_850 : memref<1x128x128xf32, #tpu.memory_space<vmem>> -> memref<128x128xf32, #tpu.memory_space<vmem>>
    %dma_start3A_852 = arith.constant 0 : i32
    %dma_start3A_853 = tpu.memref_slice %arg2[%select_n3A_845, %dma_start3A_852] : memref<100000x128xf32, #tpu.memory_space<hbm>> -> memref<128x128xf32, #tpu.memory_space<hbm>>
    %dma_start3A_854 = tpu.memref_slice %arg9[%dma_start3A_847] : memref<5x!tpu.dma_semaphore, #tpu.memory_space<semaphore_mem>> -> memref<1x!tpu.dma_semaphore, #tpu.memory_space<semaphore_mem>>
    %dma_start3A_855 = tpu.memref_squeeze %dma_start3A_854 : memref<1x!tpu.dma_semaphore, #tpu.memory_space<semaphore_mem>> -> memref<!tpu.dma_semaphore, #tpu.memory_space<semaphore_mem>>
    %dma_start3A_856 = arith.constant 0 : i32
    %dma_start3A_857 = arith.constant 0 : i32
    %dma_start3A_858 = tpu.memref_slice %arg6[%dma_start3A_846, %dma_start3A_856, %dma_start3A_857] : memref<5x128x128xf32, #tpu.memory_space<vmem>> -> memref<1x128x128xf32, #tpu.memory_space<vmem>>
    %dma_start3A_859 = tpu.memref_squeeze %dma_start3A_858 : memref<1x128x128xf32, #tpu.memory_space<vmem>> -> memref<128x128xf32, #tpu.memory_space<vmem>>
    %dma_start3A_860 = arith.constant 0 : i32
    %dma_start3A_861 = tpu.memref_slice %arg2[%select_n3A_845, %dma_start3A_860] : memref<100000x128xf32, #tpu.memory_space<hbm>> -> memref<128x128xf32, #tpu.memory_space<hbm>>
    tpu.enqueue_dma source(%dma_start3A_861 : memref<128x128xf32, #tpu.memory_space<hbm>>) target(%dma_start3A_859 : memref<128x128xf32, #tpu.memory_space<vmem>>) target_semaphore(%dma_start3A_855 : memref<!tpu.dma_semaphore, #tpu.memory_space<semaphore_mem>>)
    %dma_wait3A_862 = arith.constant 2 : i32
    %dma_wait3A_863 = arith.constant 2 : i32
    %dma_wait3A_864 = arith.constant 0 : i32
    %dma_wait3A_865 = arith.constant 0 : i32
    %dma_wait3A_866 = tpu.memref_slice %arg6[%dma_wait3A_862, %dma_wait3A_864, %dma_wait3A_865] : memref<5x128x128xf32, #tpu.memory_space<vmem>> -> memref<1x128x128xf32, #tpu.memory_space<vmem>>
    %dma_wait3A_867 = tpu.memref_squeeze %dma_wait3A_866 : memref<1x128x128xf32, #tpu.memory_space<vmem>> -> memref<128x128xf32, #tpu.memory_space<vmem>>
    %dma_wait3A_868 = arith.constant 0 : i32
    %dma_wait3A_869 = arith.constant 0 : i32
    %dma_wait3A_870 = tpu.memref_slice %arg2[%dma_wait3A_868, %dma_wait3A_869] : memref<100000x128xf32, #tpu.memory_space<hbm>> -> memref<128x128xf32, #tpu.memory_space<hbm>>
    %dma_wait3A_871 = tpu.memref_slice %arg9[%dma_wait3A_863] : memref<5x!tpu.dma_semaphore, #tpu.memory_space<semaphore_mem>> -> memref<1x!tpu.dma_semaphore, #tpu.memory_space<semaphore_mem>>
    %dma_wait3A_872 = tpu.memref_squeeze %dma_wait3A_871 : memref<1x!tpu.dma_semaphore, #tpu.memory_space<semaphore_mem>> -> memref<!tpu.dma_semaphore, #tpu.memory_space<semaphore_mem>>
    %dma_wait3A_873 = arith.constant 0 : i32
    %dma_wait3A_874 = arith.constant 0 : i32
    %dma_wait3A_875 = tpu.memref_slice %arg6[%dma_wait3A_862, %dma_wait3A_873, %dma_wait3A_874] : memref<5x128x128xf32, #tpu.memory_space<vmem>> -> memref<1x128x128xf32, #tpu.memory_space<vmem>>
    %dma_wait3A_876 = tpu.memref_squeeze %dma_wait3A_875 : memref<1x128x128xf32, #tpu.memory_space<vmem>> -> memref<128x128xf32, #tpu.memory_space<vmem>>
    %dma_wait3A_877 = arith.constant 0 : i32
    %dma_wait3A_878 = arith.constant 0 : i32
    %dma_wait3A_879 = tpu.memref_slice %arg2[%dma_wait3A_877, %dma_wait3A_878] : memref<100000x128xf32, #tpu.memory_space<hbm>> -> memref<128x128xf32, #tpu.memory_space<hbm>>
    tpu.wait_dma2 semaphore(%dma_wait3A_872 : memref<!tpu.dma_semaphore, #tpu.memory_space<semaphore_mem>>) src(%dma_wait3A_879 : memref<128x128xf32, #tpu.memory_space<hbm>>) dst(%dma_wait3A_876 : memref<128x128xf32, #tpu.memory_space<vmem>>)
    %add3A_880 = arith.constant 2 : i32
    %add3A_881 = arith.addi %sub3A_27, %add3A_880 : i32
    %dma_start3A_882 = arith.constant 2 : i32
    %dma_start3A_883 = arith.constant 2 : i32
    %dma_start3A_884 = arith.constant 0 : i32
    %dma_start3A_885 = arith.constant 0 : i32
    %dma_start3A_886 = tpu.memref_slice %arg6[%dma_start3A_882, %dma_start3A_884, %dma_start3A_885] : memref<5x128x128xf32, #tpu.memory_space<vmem>> -> memref<1x128x128xf32, #tpu.memory_space<vmem>>
    %dma_start3A_887 = tpu.memref_squeeze %dma_start3A_886 : memref<1x128x128xf32, #tpu.memory_space<vmem>> -> memref<128x128xf32, #tpu.memory_space<vmem>>
    %dma_start3A_888 = arith.constant 0 : i32
    %dma_start3A_889 = tpu.memref_slice %arg5[%add3A_881, %dma_start3A_888] : memref<32x128xi32, #tpu.memory_space<vmem>> -> memref<1x128xi32, #tpu.memory_space<vmem>>
    %dma_start3A_890 = tpu.memref_squeeze %dma_start3A_889 : memref<1x128xi32, #tpu.memory_space<vmem>> -> memref<128xi32, #tpu.memory_space<vmem>>
    %dma_start3A_891 = arith.constant 0 : i32
    %dma_start3A_892 = arith.constant 0 : i32
    %dma_start3A_893 = tpu.memref_slice %arg8[%dma_start3A_891, %dma_start3A_892] : memref<2056x128xf32, #tpu.memory_space<vmem_shared>> -> memref<2056x128xf32, #tpu.memory_space<vmem_shared>>
    %dma_start3A_894 = tpu.memref_slice %arg10[%dma_start3A_883] : memref<5x!tpu.dma_semaphore, #tpu.memory_space<semaphore_mem>> -> memref<1x!tpu.dma_semaphore, #tpu.memory_space<semaphore_mem>>
    %dma_start3A_895 = tpu.memref_squeeze %dma_start3A_894 : memref<1x!tpu.dma_semaphore, #tpu.memory_space<semaphore_mem>> -> memref<!tpu.dma_semaphore, #tpu.memory_space<semaphore_mem>>
    tpu.enqueue_indirect_dma source(%dma_start3A_887 : memref<128x128xf32, #tpu.memory_space<vmem>>) target(%dma_start3A_893 : memref<2056x128xf32, #tpu.memory_space<vmem_shared>>) offsets(%dma_start3A_890 : memref<128xi32, #tpu.memory_space<vmem>>) semaphore(%dma_start3A_895 : memref<!tpu.dma_semaphore, #tpu.memory_space<semaphore_mem>>) {add = true}
    %dma_wait3A_896 = arith.constant 0 : i32
    %dma_wait3A_897 = arith.constant 0 : i32
    %dma_wait3A_898 = arith.constant 0 : i32
    %dma_wait3A_899 = arith.constant 0 : i32
    %dma_wait3A_900 = arith.constant 0 : i32
    %dma_wait3A_901 = tpu.memref_slice %arg6[%dma_wait3A_896, %dma_wait3A_899, %dma_wait3A_900] : memref<5x128x128xf32, #tpu.memory_space<vmem>> -> memref<1x128x128xf32, #tpu.memory_space<vmem>>
    %dma_wait3A_902 = tpu.memref_squeeze %dma_wait3A_901 : memref<1x128x128xf32, #tpu.memory_space<vmem>> -> memref<128x128xf32, #tpu.memory_space<vmem>>
    %dma_wait3A_903 = arith.constant 0 : i32
    %dma_wait3A_904 = tpu.memref_slice %arg5[%dma_wait3A_897, %dma_wait3A_903] : memref<32x128xi32, #tpu.memory_space<vmem>> -> memref<1x128xi32, #tpu.memory_space<vmem>>
    %dma_wait3A_905 = tpu.memref_squeeze %dma_wait3A_904 : memref<1x128xi32, #tpu.memory_space<vmem>> -> memref<128xi32, #tpu.memory_space<vmem>>
    %dma_wait3A_906 = arith.constant 0 : i32
    %dma_wait3A_907 = arith.constant 0 : i32
    %dma_wait3A_908 = tpu.memref_slice %arg8[%dma_wait3A_906, %dma_wait3A_907] : memref<2056x128xf32, #tpu.memory_space<vmem_shared>> -> memref<2056x128xf32, #tpu.memory_space<vmem_shared>>
    %dma_wait3A_909 = tpu.memref_slice %arg10[%dma_wait3A_898] : memref<5x!tpu.dma_semaphore, #tpu.memory_space<semaphore_mem>> -> memref<1x!tpu.dma_semaphore, #tpu.memory_space<semaphore_mem>>
    %dma_wait3A_910 = tpu.memref_squeeze %dma_wait3A_909 : memref<1x!tpu.dma_semaphore, #tpu.memory_space<semaphore_mem>> -> memref<!tpu.dma_semaphore, #tpu.memory_space<semaphore_mem>>
    tpu.wait_indirect_dma semaphore(%dma_wait3A_910 : memref<!tpu.dma_semaphore, #tpu.memory_space<semaphore_mem>>) src(%dma_wait3A_902 : memref<128x128xf32, #tpu.memory_space<vmem>>) dst(%dma_wait3A_908 : memref<2056x128xf32, #tpu.memory_space<vmem_shared>>)
    %add3A_911 = arith.constant 3 : i32
    %add3A_912 = arith.addi %add3A_6, %add3A_911 : i32
    %add3A_913 = arith.constant 2 : i32
    %add3A_914 = arith.addi %add3A_912, %add3A_913 : i32
    %lt3A_915 = arith.constant 781 : i32
    %lt3A_916 = arith.cmpi slt, %add3A_914, %lt3A_915 : i32
    %mul3A_917 = arith.constant 128 : i32
    %mul3A_918 = arith.muli %add3A_914, %mul3A_917 : i32
    %eq3A_919 = arith.constant 781 : i32
    %eq3A_920 = arith.cmpi eq, %add3A_914, %eq3A_919 : i32
    %jit3A_921 = arith.constant 99872 : i32
    %jit3A_922 = arith.constant 0 : i32
    %select_n3A_923 = arith.select %eq3A_920, %jit3A_921, %jit3A_922 : i32
    %select_n3A_924 = arith.select %lt3A_916, %mul3A_918, %select_n3A_923 : i32
    %dma_start3A_925 = arith.constant 0 : i32
    %dma_start3A_926 = arith.constant 0 : i32
    %dma_start3A_927 = arith.constant 0 : i32
    %dma_start3A_928 = arith.constant 0 : i32
    %dma_start3A_929 = tpu.memref_slice %arg6[%dma_start3A_925, %dma_start3A_927, %dma_start3A_928] : memref<5x128x128xf32, #tpu.memory_space<vmem>> -> memref<1x128x128xf32, #tpu.memory_space<vmem>>
    %dma_start3A_930 = tpu.memref_squeeze %dma_start3A_929 : memref<1x128x128xf32, #tpu.memory_space<vmem>> -> memref<128x128xf32, #tpu.memory_space<vmem>>
    %dma_start3A_931 = arith.constant 0 : i32
    %dma_start3A_932 = tpu.memref_slice %arg2[%select_n3A_924, %dma_start3A_931] : memref<100000x128xf32, #tpu.memory_space<hbm>> -> memref<128x128xf32, #tpu.memory_space<hbm>>
    %dma_start3A_933 = tpu.memref_slice %arg9[%dma_start3A_926] : memref<5x!tpu.dma_semaphore, #tpu.memory_space<semaphore_mem>> -> memref<1x!tpu.dma_semaphore, #tpu.memory_space<semaphore_mem>>
    %dma_start3A_934 = tpu.memref_squeeze %dma_start3A_933 : memref<1x!tpu.dma_semaphore, #tpu.memory_space<semaphore_mem>> -> memref<!tpu.dma_semaphore, #tpu.memory_space<semaphore_mem>>
    %dma_start3A_935 = arith.constant 0 : i32
    %dma_start3A_936 = arith.constant 0 : i32
    %dma_start3A_937 = tpu.memref_slice %arg6[%dma_start3A_925, %dma_start3A_935, %dma_start3A_936] : memref<5x128x128xf32, #tpu.memory_space<vmem>> -> memref<1x128x128xf32, #tpu.memory_space<vmem>>
    %dma_start3A_938 = tpu.memref_squeeze %dma_start3A_937 : memref<1x128x128xf32, #tpu.memory_space<vmem>> -> memref<128x128xf32, #tpu.memory_space<vmem>>
    %dma_start3A_939 = arith.constant 0 : i32
    %dma_start3A_940 = tpu.memref_slice %arg2[%select_n3A_924, %dma_start3A_939] : memref<100000x128xf32, #tpu.memory_space<hbm>> -> memref<128x128xf32, #tpu.memory_space<hbm>>
    tpu.enqueue_dma source(%dma_start3A_940 : memref<128x128xf32, #tpu.memory_space<hbm>>) target(%dma_start3A_938 : memref<128x128xf32, #tpu.memory_space<vmem>>) target_semaphore(%dma_start3A_934 : memref<!tpu.dma_semaphore, #tpu.memory_space<semaphore_mem>>)
    %dma_wait3A_941 = arith.constant 3 : i32
    %dma_wait3A_942 = arith.constant 3 : i32
    %dma_wait3A_943 = arith.constant 0 : i32
    %dma_wait3A_944 = arith.constant 0 : i32
    %dma_wait3A_945 = tpu.memref_slice %arg6[%dma_wait3A_941, %dma_wait3A_943, %dma_wait3A_944] : memref<5x128x128xf32, #tpu.memory_space<vmem>> -> memref<1x128x128xf32, #tpu.memory_space<vmem>>
    %dma_wait3A_946 = tpu.memref_squeeze %dma_wait3A_945 : memref<1x128x128xf32, #tpu.memory_space<vmem>> -> memref<128x128xf32, #tpu.memory_space<vmem>>
    %dma_wait3A_947 = arith.constant 0 : i32
    %dma_wait3A_948 = arith.constant 0 : i32
    %dma_wait3A_949 = tpu.memref_slice %arg2[%dma_wait3A_947, %dma_wait3A_948] : memref<100000x128xf32, #tpu.memory_space<hbm>> -> memref<128x128xf32, #tpu.memory_space<hbm>>
    %dma_wait3A_950 = tpu.memref_slice %arg9[%dma_wait3A_942] : memref<5x!tpu.dma_semaphore, #tpu.memory_space<semaphore_mem>> -> memref<1x!tpu.dma_semaphore, #tpu.memory_space<semaphore_mem>>
    %dma_wait3A_951 = tpu.memref_squeeze %dma_wait3A_950 : memref<1x!tpu.dma_semaphore, #tpu.memory_space<semaphore_mem>> -> memref<!tpu.dma_semaphore, #tpu.memory_space<semaphore_mem>>
    %dma_wait3A_952 = arith.constant 0 : i32
    %dma_wait3A_953 = arith.constant 0 : i32
    %dma_wait3A_954 = tpu.memref_slice %arg6[%dma_wait3A_941, %dma_wait3A_952, %dma_wait3A_953] : memref<5x128x128xf32, #tpu.memory_space<vmem>> -> memref<1x128x128xf32, #tpu.memory_space<vmem>>
    %dma_wait3A_955 = tpu.memref_squeeze %dma_wait3A_954 : memref<1x128x128xf32, #tpu.memory_space<vmem>> -> memref<128x128xf32, #tpu.memory_space<vmem>>
    %dma_wait3A_956 = arith.constant 0 : i32
    %dma_wait3A_957 = arith.constant 0 : i32
    %dma_wait3A_958 = tpu.memref_slice %arg2[%dma_wait3A_956, %dma_wait3A_957] : memref<100000x128xf32, #tpu.memory_space<hbm>> -> memref<128x128xf32, #tpu.memory_space<hbm>>
    tpu.wait_dma2 semaphore(%dma_wait3A_951 : memref<!tpu.dma_semaphore, #tpu.memory_space<semaphore_mem>>) src(%dma_wait3A_958 : memref<128x128xf32, #tpu.memory_space<hbm>>) dst(%dma_wait3A_955 : memref<128x128xf32, #tpu.memory_space<vmem>>)
    %add3A_959 = arith.constant 3 : i32
    %add3A_960 = arith.addi %sub3A_27, %add3A_959 : i32
    %dma_start3A_961 = arith.constant 3 : i32
    %dma_start3A_962 = arith.constant 3 : i32
    %dma_start3A_963 = arith.constant 0 : i32
    %dma_start3A_964 = arith.constant 0 : i32
    %dma_start3A_965 = tpu.memref_slice %arg6[%dma_start3A_961, %dma_start3A_963, %dma_start3A_964] : memref<5x128x128xf32, #tpu.memory_space<vmem>> -> memref<1x128x128xf32, #tpu.memory_space<vmem>>
    %dma_start3A_966 = tpu.memref_squeeze %dma_start3A_965 : memref<1x128x128xf32, #tpu.memory_space<vmem>> -> memref<128x128xf32, #tpu.memory_space<vmem>>
    %dma_start3A_967 = arith.constant 0 : i32
    %dma_start3A_968 = tpu.memref_slice %arg5[%add3A_960, %dma_start3A_967] : memref<32x128xi32, #tpu.memory_space<vmem>> -> memref<1x128xi32, #tpu.memory_space<vmem>>
    %dma_start3A_969 = tpu.memref_squeeze %dma_start3A_968 : memref<1x128xi32, #tpu.memory_space<vmem>> -> memref<128xi32, #tpu.memory_space<vmem>>
    %dma_start3A_970 = arith.constant 0 : i32
    %dma_start3A_971 = arith.constant 0 : i32
    %dma_start3A_972 = tpu.memref_slice %arg8[%dma_start3A_970, %dma_start3A_971] : memref<2056x128xf32, #tpu.memory_space<vmem_shared>> -> memref<2056x128xf32, #tpu.memory_space<vmem_shared>>
    %dma_start3A_973 = tpu.memref_slice %arg10[%dma_start3A_962] : memref<5x!tpu.dma_semaphore, #tpu.memory_space<semaphore_mem>> -> memref<1x!tpu.dma_semaphore, #tpu.memory_space<semaphore_mem>>
    %dma_start3A_974 = tpu.memref_squeeze %dma_start3A_973 : memref<1x!tpu.dma_semaphore, #tpu.memory_space<semaphore_mem>> -> memref<!tpu.dma_semaphore, #tpu.memory_space<semaphore_mem>>
    tpu.enqueue_indirect_dma source(%dma_start3A_966 : memref<128x128xf32, #tpu.memory_space<vmem>>) target(%dma_start3A_972 : memref<2056x128xf32, #tpu.memory_space<vmem_shared>>) offsets(%dma_start3A_969 : memref<128xi32, #tpu.memory_space<vmem>>) semaphore(%dma_start3A_974 : memref<!tpu.dma_semaphore, #tpu.memory_space<semaphore_mem>>) {add = true}
    %dma_wait3A_975 = arith.constant 1 : i32
    %dma_wait3A_976 = arith.constant 0 : i32
    %dma_wait3A_977 = arith.constant 1 : i32
    %dma_wait3A_978 = arith.constant 0 : i32
    %dma_wait3A_979 = arith.constant 0 : i32
    %dma_wait3A_980 = tpu.memref_slice %arg6[%dma_wait3A_975, %dma_wait3A_978, %dma_wait3A_979] : memref<5x128x128xf32, #tpu.memory_space<vmem>> -> memref<1x128x128xf32, #tpu.memory_space<vmem>>
    %dma_wait3A_981 = tpu.memref_squeeze %dma_wait3A_980 : memref<1x128x128xf32, #tpu.memory_space<vmem>> -> memref<128x128xf32, #tpu.memory_space<vmem>>
    %dma_wait3A_982 = arith.constant 0 : i32
    %dma_wait3A_983 = tpu.memref_slice %arg5[%dma_wait3A_976, %dma_wait3A_982] : memref<32x128xi32, #tpu.memory_space<vmem>> -> memref<1x128xi32, #tpu.memory_space<vmem>>
    %dma_wait3A_984 = tpu.memref_squeeze %dma_wait3A_983 : memref<1x128xi32, #tpu.memory_space<vmem>> -> memref<128xi32, #tpu.memory_space<vmem>>
    %dma_wait3A_985 = arith.constant 0 : i32
    %dma_wait3A_986 = arith.constant 0 : i32
    %dma_wait3A_987 = tpu.memref_slice %arg8[%dma_wait3A_985, %dma_wait3A_986] : memref<2056x128xf32, #tpu.memory_space<vmem_shared>> -> memref<2056x128xf32, #tpu.memory_space<vmem_shared>>
    %dma_wait3A_988 = tpu.memref_slice %arg10[%dma_wait3A_977] : memref<5x!tpu.dma_semaphore, #tpu.memory_space<semaphore_mem>> -> memref<1x!tpu.dma_semaphore, #tpu.memory_space<semaphore_mem>>
    %dma_wait3A_989 = tpu.memref_squeeze %dma_wait3A_988 : memref<1x!tpu.dma_semaphore, #tpu.memory_space<semaphore_mem>> -> memref<!tpu.dma_semaphore, #tpu.memory_space<semaphore_mem>>
    tpu.wait_indirect_dma semaphore(%dma_wait3A_989 : memref<!tpu.dma_semaphore, #tpu.memory_space<semaphore_mem>>) src(%dma_wait3A_981 : memref<128x128xf32, #tpu.memory_space<vmem>>) dst(%dma_wait3A_987 : memref<2056x128xf32, #tpu.memory_space<vmem_shared>>)
    %add3A_990 = arith.constant 4 : i32
    %add3A_991 = arith.addi %add3A_6, %add3A_990 : i32
    %add3A_992 = arith.constant 2 : i32
    %add3A_993 = arith.addi %add3A_991, %add3A_992 : i32
    %lt3A_994 = arith.constant 781 : i32
    %lt3A_995 = arith.cmpi slt, %add3A_993, %lt3A_994 : i32
    %mul3A_996 = arith.constant 128 : i32
    %mul3A_997 = arith.muli %add3A_993, %mul3A_996 : i32
    %eq3A_998 = arith.constant 781 : i32
    %eq3A_999 = arith.cmpi eq, %add3A_993, %eq3A_998 : i32
    %jit3A_1000 = arith.constant 99872 : i32
    %jit3A_1001 = arith.constant 0 : i32
    %select_n3A_1002 = arith.select %eq3A_999, %jit3A_1000, %jit3A_1001 : i32
    %select_n3A_1003 = arith.select %lt3A_995, %mul3A_997, %select_n3A_1002 : i32
    %dma_start3A_1004 = arith.constant 1 : i32
    %dma_start3A_1005 = arith.constant 1 : i32
    %dma_start3A_1006 = arith.constant 0 : i32
    %dma_start3A_1007 = arith.constant 0 : i32
    %dma_start3A_1008 = tpu.memref_slice %arg6[%dma_start3A_1004, %dma_start3A_1006, %dma_start3A_1007] : memref<5x128x128xf32, #tpu.memory_space<vmem>> -> memref<1x128x128xf32, #tpu.memory_space<vmem>>
    %dma_start3A_1009 = tpu.memref_squeeze %dma_start3A_1008 : memref<1x128x128xf32, #tpu.memory_space<vmem>> -> memref<128x128xf32, #tpu.memory_space<vmem>>
    %dma_start3A_1010 = arith.constant 0 : i32
    %dma_start3A_1011 = tpu.memref_slice %arg2[%select_n3A_1003, %dma_start3A_1010] : memref<100000x128xf32, #tpu.memory_space<hbm>> -> memref<128x128xf32, #tpu.memory_space<hbm>>
    %dma_start3A_1012 = tpu.memref_slice %arg9[%dma_start3A_1005] : memref<5x!tpu.dma_semaphore, #tpu.memory_space<semaphore_mem>> -> memref<1x!tpu.dma_semaphore, #tpu.memory_space<semaphore_mem>>
    %dma_start3A_1013 = tpu.memref_squeeze %dma_start3A_1012 : memref<1x!tpu.dma_semaphore, #tpu.memory_space<semaphore_mem>> -> memref<!tpu.dma_semaphore, #tpu.memory_space<semaphore_mem>>
    %dma_start3A_1014 = arith.constant 0 : i32
    %dma_start3A_1015 = arith.constant 0 : i32
    %dma_start3A_1016 = tpu.memref_slice %arg6[%dma_start3A_1004, %dma_start3A_1014, %dma_start3A_1015] : memref<5x128x128xf32, #tpu.memory_space<vmem>> -> memref<1x128x128xf32, #tpu.memory_space<vmem>>
    %dma_start3A_1017 = tpu.memref_squeeze %dma_start3A_1016 : memref<1x128x128xf32, #tpu.memory_space<vmem>> -> memref<128x128xf32, #tpu.memory_space<vmem>>
    %dma_start3A_1018 = arith.constant 0 : i32
    %dma_start3A_1019 = tpu.memref_slice %arg2[%select_n3A_1003, %dma_start3A_1018] : memref<100000x128xf32, #tpu.memory_space<hbm>> -> memref<128x128xf32, #tpu.memory_space<hbm>>
    tpu.enqueue_dma source(%dma_start3A_1019 : memref<128x128xf32, #tpu.memory_space<hbm>>) target(%dma_start3A_1017 : memref<128x128xf32, #tpu.memory_space<vmem>>) target_semaphore(%dma_start3A_1013 : memref<!tpu.dma_semaphore, #tpu.memory_space<semaphore_mem>>)
    %dma_wait3A_1020 = arith.constant 4 : i32
    %dma_wait3A_1021 = arith.constant 4 : i32
    %dma_wait3A_1022 = arith.constant 0 : i32
    %dma_wait3A_1023 = arith.constant 0 : i32
    %dma_wait3A_1024 = tpu.memref_slice %arg6[%dma_wait3A_1020, %dma_wait3A_1022, %dma_wait3A_1023] : memref<5x128x128xf32, #tpu.memory_space<vmem>> -> memref<1x128x128xf32, #tpu.memory_space<vmem>>
    %dma_wait3A_1025 = tpu.memref_squeeze %dma_wait3A_1024 : memref<1x128x128xf32, #tpu.memory_space<vmem>> -> memref<128x128xf32, #tpu.memory_space<vmem>>
    %dma_wait3A_1026 = arith.constant 0 : i32
    %dma_wait3A_1027 = arith.constant 0 : i32
    %dma_wait3A_1028 = tpu.memref_slice %arg2[%dma_wait3A_1026, %dma_wait3A_1027] : memref<100000x128xf32, #tpu.memory_space<hbm>> -> memref<128x128xf32, #tpu.memory_space<hbm>>
    %dma_wait3A_1029 = tpu.memref_slice %arg9[%dma_wait3A_1021] : memref<5x!tpu.dma_semaphore, #tpu.memory_space<semaphore_mem>> -> memref<1x!tpu.dma_semaphore, #tpu.memory_space<semaphore_mem>>
    %dma_wait3A_1030 = tpu.memref_squeeze %dma_wait3A_1029 : memref<1x!tpu.dma_semaphore, #tpu.memory_space<semaphore_mem>> -> memref<!tpu.dma_semaphore, #tpu.memory_space<semaphore_mem>>
    %dma_wait3A_1031 = arith.constant 0 : i32
    %dma_wait3A_1032 = arith.constant 0 : i32
    %dma_wait3A_1033 = tpu.memref_slice %arg6[%dma_wait3A_1020, %dma_wait3A_1031, %dma_wait3A_1032] : memref<5x128x128xf32, #tpu.memory_space<vmem>> -> memref<1x128x128xf32, #tpu.memory_space<vmem>>
    %dma_wait3A_1034 = tpu.memref_squeeze %dma_wait3A_1033 : memref<1x128x128xf32, #tpu.memory_space<vmem>> -> memref<128x128xf32, #tpu.memory_space<vmem>>
    %dma_wait3A_1035 = arith.constant 0 : i32
    %dma_wait3A_1036 = arith.constant 0 : i32
    %dma_wait3A_1037 = tpu.memref_slice %arg2[%dma_wait3A_1035, %dma_wait3A_1036] : memref<100000x128xf32, #tpu.memory_space<hbm>> -> memref<128x128xf32, #tpu.memory_space<hbm>>
    tpu.wait_dma2 semaphore(%dma_wait3A_1030 : memref<!tpu.dma_semaphore, #tpu.memory_space<semaphore_mem>>) src(%dma_wait3A_1037 : memref<128x128xf32, #tpu.memory_space<hbm>>) dst(%dma_wait3A_1034 : memref<128x128xf32, #tpu.memory_space<vmem>>)
    %add3A_1038 = arith.constant 4 : i32
    %add3A_1039 = arith.addi %sub3A_27, %add3A_1038 : i32
    %dma_start3A_1040 = arith.constant 4 : i32
    %dma_start3A_1041 = arith.constant 4 : i32
    %dma_start3A_1042 = arith.constant 0 : i32
    %dma_start3A_1043 = arith.constant 0 : i32
    %dma_start3A_1044 = tpu.memref_slice %arg6[%dma_start3A_1040, %dma_start3A_1042, %dma_start3A_1043] : memref<5x128x128xf32, #tpu.memory_space<vmem>> -> memref<1x128x128xf32, #tpu.memory_space<vmem>>
    %dma_start3A_1045 = tpu.memref_squeeze %dma_start3A_1044 : memref<1x128x128xf32, #tpu.memory_space<vmem>> -> memref<128x128xf32, #tpu.memory_space<vmem>>
    %dma_start3A_1046 = arith.constant 0 : i32
    %dma_start3A_1047 = tpu.memref_slice %arg5[%add3A_1039, %dma_start3A_1046] : memref<32x128xi32, #tpu.memory_space<vmem>> -> memref<1x128xi32, #tpu.memory_space<vmem>>
    %dma_start3A_1048 = tpu.memref_squeeze %dma_start3A_1047 : memref<1x128xi32, #tpu.memory_space<vmem>> -> memref<128xi32, #tpu.memory_space<vmem>>
    %dma_start3A_1049 = arith.constant 0 : i32
    %dma_start3A_1050 = arith.constant 0 : i32
    %dma_start3A_1051 = tpu.memref_slice %arg8[%dma_start3A_1049, %dma_start3A_1050] : memref<2056x128xf32, #tpu.memory_space<vmem_shared>> -> memref<2056x128xf32, #tpu.memory_space<vmem_shared>>
    %dma_start3A_1052 = tpu.memref_slice %arg10[%dma_start3A_1041] : memref<5x!tpu.dma_semaphore, #tpu.memory_space<semaphore_mem>> -> memref<1x!tpu.dma_semaphore, #tpu.memory_space<semaphore_mem>>
    %dma_start3A_1053 = tpu.memref_squeeze %dma_start3A_1052 : memref<1x!tpu.dma_semaphore, #tpu.memory_space<semaphore_mem>> -> memref<!tpu.dma_semaphore, #tpu.memory_space<semaphore_mem>>
    tpu.enqueue_indirect_dma source(%dma_start3A_1045 : memref<128x128xf32, #tpu.memory_space<vmem>>) target(%dma_start3A_1051 : memref<2056x128xf32, #tpu.memory_space<vmem_shared>>) offsets(%dma_start3A_1048 : memref<128xi32, #tpu.memory_space<vmem>>) semaphore(%dma_start3A_1053 : memref<!tpu.dma_semaphore, #tpu.memory_space<semaphore_mem>>) {add = true}
    %dma_wait3A_1054 = arith.constant 2 : i32
    %dma_wait3A_1055 = arith.constant 0 : i32
    %dma_wait3A_1056 = arith.constant 2 : i32
    %dma_wait3A_1057 = arith.constant 0 : i32
    %dma_wait3A_1058 = arith.constant 0 : i32
    %dma_wait3A_1059 = tpu.memref_slice %arg6[%dma_wait3A_1054, %dma_wait3A_1057, %dma_wait3A_1058] : memref<5x128x128xf32, #tpu.memory_space<vmem>> -> memref<1x128x128xf32, #tpu.memory_space<vmem>>
    %dma_wait3A_1060 = tpu.memref_squeeze %dma_wait3A_1059 : memref<1x128x128xf32, #tpu.memory_space<vmem>> -> memref<128x128xf32, #tpu.memory_space<vmem>>
    %dma_wait3A_1061 = arith.constant 0 : i32
    %dma_wait3A_1062 = tpu.memref_slice %arg5[%dma_wait3A_1055, %dma_wait3A_1061] : memref<32x128xi32, #tpu.memory_space<vmem>> -> memref<1x128xi32, #tpu.memory_space<vmem>>
    %dma_wait3A_1063 = tpu.memref_squeeze %dma_wait3A_1062 : memref<1x128xi32, #tpu.memory_space<vmem>> -> memref<128xi32, #tpu.memory_space<vmem>>
    %dma_wait3A_1064 = arith.constant 0 : i32
    %dma_wait3A_1065 = arith.constant 0 : i32
    %dma_wait3A_1066 = tpu.memref_slice %arg8[%dma_wait3A_1064, %dma_wait3A_1065] : memref<2056x128xf32, #tpu.memory_space<vmem_shared>> -> memref<2056x128xf32, #tpu.memory_space<vmem_shared>>
    %dma_wait3A_1067 = tpu.memref_slice %arg10[%dma_wait3A_1056] : memref<5x!tpu.dma_semaphore, #tpu.memory_space<semaphore_mem>> -> memref<1x!tpu.dma_semaphore, #tpu.memory_space<semaphore_mem>>
    %dma_wait3A_1068 = tpu.memref_squeeze %dma_wait3A_1067 : memref<1x!tpu.dma_semaphore, #tpu.memory_space<semaphore_mem>> -> memref<!tpu.dma_semaphore, #tpu.memory_space<semaphore_mem>>
    tpu.wait_indirect_dma semaphore(%dma_wait3A_1068 : memref<!tpu.dma_semaphore, #tpu.memory_space<semaphore_mem>>) src(%dma_wait3A_1060 : memref<128x128xf32, #tpu.memory_space<vmem>>) dst(%dma_wait3A_1066 : memref<2056x128xf32, #tpu.memory_space<vmem_shared>>)
    %add3A_1069 = arith.constant 5 : i32
    %add3A_1070 = arith.addi %add3A_6, %add3A_1069 : i32
    %add3A_1071 = arith.constant 2 : i32
    %add3A_1072 = arith.addi %add3A_1070, %add3A_1071 : i32
    %lt3A_1073 = arith.constant 781 : i32
    %lt3A_1074 = arith.cmpi slt, %add3A_1072, %lt3A_1073 : i32
    %mul3A_1075 = arith.constant 128 : i32
    %mul3A_1076 = arith.muli %add3A_1072, %mul3A_1075 : i32
    %eq3A_1077 = arith.constant 781 : i32
    %eq3A_1078 = arith.cmpi eq, %add3A_1072, %eq3A_1077 : i32
    %jit3A_1079 = arith.constant 99872 : i32
    %jit3A_1080 = arith.constant 0 : i32
    %select_n3A_1081 = arith.select %eq3A_1078, %jit3A_1079, %jit3A_1080 : i32
    %select_n3A_1082 = arith.select %lt3A_1074, %mul3A_1076, %select_n3A_1081 : i32
    %dma_start3A_1083 = arith.constant 2 : i32
    %dma_start3A_1084 = arith.constant 2 : i32
    %dma_start3A_1085 = arith.constant 0 : i32
    %dma_start3A_1086 = arith.constant 0 : i32
    %dma_start3A_1087 = tpu.memref_slice %arg6[%dma_start3A_1083, %dma_start3A_1085, %dma_start3A_1086] : memref<5x128x128xf32, #tpu.memory_space<vmem>> -> memref<1x128x128xf32, #tpu.memory_space<vmem>>
    %dma_start3A_1088 = tpu.memref_squeeze %dma_start3A_1087 : memref<1x128x128xf32, #tpu.memory_space<vmem>> -> memref<128x128xf32, #tpu.memory_space<vmem>>
    %dma_start3A_1089 = arith.constant 0 : i32
    %dma_start3A_1090 = tpu.memref_slice %arg2[%select_n3A_1082, %dma_start3A_1089] : memref<100000x128xf32, #tpu.memory_space<hbm>> -> memref<128x128xf32, #tpu.memory_space<hbm>>
    %dma_start3A_1091 = tpu.memref_slice %arg9[%dma_start3A_1084] : memref<5x!tpu.dma_semaphore, #tpu.memory_space<semaphore_mem>> -> memref<1x!tpu.dma_semaphore, #tpu.memory_space<semaphore_mem>>
    %dma_start3A_1092 = tpu.memref_squeeze %dma_start3A_1091 : memref<1x!tpu.dma_semaphore, #tpu.memory_space<semaphore_mem>> -> memref<!tpu.dma_semaphore, #tpu.memory_space<semaphore_mem>>
    %dma_start3A_1093 = arith.constant 0 : i32
    %dma_start3A_1094 = arith.constant 0 : i32
    %dma_start3A_1095 = tpu.memref_slice %arg6[%dma_start3A_1083, %dma_start3A_1093, %dma_start3A_1094] : memref<5x128x128xf32, #tpu.memory_space<vmem>> -> memref<1x128x128xf32, #tpu.memory_space<vmem>>
    %dma_start3A_1096 = tpu.memref_squeeze %dma_start3A_1095 : memref<1x128x128xf32, #tpu.memory_space<vmem>> -> memref<128x128xf32, #tpu.memory_space<vmem>>
    %dma_start3A_1097 = arith.constant 0 : i32
    %dma_start3A_1098 = tpu.memref_slice %arg2[%select_n3A_1082, %dma_start3A_1097] : memref<100000x128xf32, #tpu.memory_space<hbm>> -> memref<128x128xf32, #tpu.memory_space<hbm>>
    tpu.enqueue_dma source(%dma_start3A_1098 : memref<128x128xf32, #tpu.memory_space<hbm>>) target(%dma_start3A_1096 : memref<128x128xf32, #tpu.memory_space<vmem>>) target_semaphore(%dma_start3A_1092 : memref<!tpu.dma_semaphore, #tpu.memory_space<semaphore_mem>>)
    %dma_wait3A_1099 = arith.constant 0 : i32
    %dma_wait3A_1100 = arith.constant 0 : i32
    %dma_wait3A_1101 = arith.constant 0 : i32
    %dma_wait3A_1102 = arith.constant 0 : i32
    %dma_wait3A_1103 = tpu.memref_slice %arg6[%dma_wait3A_1099, %dma_wait3A_1101, %dma_wait3A_1102] : memref<5x128x128xf32, #tpu.memory_space<vmem>> -> memref<1x128x128xf32, #tpu.memory_space<vmem>>
    %dma_wait3A_1104 = tpu.memref_squeeze %dma_wait3A_1103 : memref<1x128x128xf32, #tpu.memory_space<vmem>> -> memref<128x128xf32, #tpu.memory_space<vmem>>
    %dma_wait3A_1105 = arith.constant 0 : i32
    %dma_wait3A_1106 = arith.constant 0 : i32
    %dma_wait3A_1107 = tpu.memref_slice %arg2[%dma_wait3A_1105, %dma_wait3A_1106] : memref<100000x128xf32, #tpu.memory_space<hbm>> -> memref<128x128xf32, #tpu.memory_space<hbm>>
    %dma_wait3A_1108 = tpu.memref_slice %arg9[%dma_wait3A_1100] : memref<5x!tpu.dma_semaphore, #tpu.memory_space<semaphore_mem>> -> memref<1x!tpu.dma_semaphore, #tpu.memory_space<semaphore_mem>>
    %dma_wait3A_1109 = tpu.memref_squeeze %dma_wait3A_1108 : memref<1x!tpu.dma_semaphore, #tpu.memory_space<semaphore_mem>> -> memref<!tpu.dma_semaphore, #tpu.memory_space<semaphore_mem>>
    %dma_wait3A_1110 = arith.constant 0 : i32
    %dma_wait3A_1111 = arith.constant 0 : i32
    %dma_wait3A_1112 = tpu.memref_slice %arg6[%dma_wait3A_1099, %dma_wait3A_1110, %dma_wait3A_1111] : memref<5x128x128xf32, #tpu.memory_space<vmem>> -> memref<1x128x128xf32, #tpu.memory_space<vmem>>
    %dma_wait3A_1113 = tpu.memref_squeeze %dma_wait3A_1112 : memref<1x128x128xf32, #tpu.memory_space<vmem>> -> memref<128x128xf32, #tpu.memory_space<vmem>>
    %dma_wait3A_1114 = arith.constant 0 : i32
    %dma_wait3A_1115 = arith.constant 0 : i32
    %dma_wait3A_1116 = tpu.memref_slice %arg2[%dma_wait3A_1114, %dma_wait3A_1115] : memref<100000x128xf32, #tpu.memory_space<hbm>> -> memref<128x128xf32, #tpu.memory_space<hbm>>
    tpu.wait_dma2 semaphore(%dma_wait3A_1109 : memref<!tpu.dma_semaphore, #tpu.memory_space<semaphore_mem>>) src(%dma_wait3A_1116 : memref<128x128xf32, #tpu.memory_space<hbm>>) dst(%dma_wait3A_1113 : memref<128x128xf32, #tpu.memory_space<vmem>>)
    %add3A_1117 = arith.constant 5 : i32
    %add3A_1118 = arith.addi %sub3A_27, %add3A_1117 : i32
    %dma_start3A_1119 = arith.constant 0 : i32
    %dma_start3A_1120 = arith.constant 0 : i32
    %dma_start3A_1121 = arith.constant 0 : i32
    %dma_start3A_1122 = arith.constant 0 : i32
    %dma_start3A_1123 = tpu.memref_slice %arg6[%dma_start3A_1119, %dma_start3A_1121, %dma_start3A_1122] : memref<5x128x128xf32, #tpu.memory_space<vmem>> -> memref<1x128x128xf32, #tpu.memory_space<vmem>>
    %dma_start3A_1124 = tpu.memref_squeeze %dma_start3A_1123 : memref<1x128x128xf32, #tpu.memory_space<vmem>> -> memref<128x128xf32, #tpu.memory_space<vmem>>
    %dma_start3A_1125 = arith.constant 0 : i32
    %dma_start3A_1126 = tpu.memref_slice %arg5[%add3A_1118, %dma_start3A_1125] : memref<32x128xi32, #tpu.memory_space<vmem>> -> memref<1x128xi32, #tpu.memory_space<vmem>>
    %dma_start3A_1127 = tpu.memref_squeeze %dma_start3A_1126 : memref<1x128xi32, #tpu.memory_space<vmem>> -> memref<128xi32, #tpu.memory_space<vmem>>
    %dma_start3A_1128 = arith.constant 0 : i32
    %dma_start3A_1129 = arith.constant 0 : i32
    %dma_start3A_1130 = tpu.memref_slice %arg8[%dma_start3A_1128, %dma_start3A_1129] : memref<2056x128xf32, #tpu.memory_space<vmem_shared>> -> memref<2056x128xf32, #tpu.memory_space<vmem_shared>>
    %dma_start3A_1131 = tpu.memref_slice %arg10[%dma_start3A_1120] : memref<5x!tpu.dma_semaphore, #tpu.memory_space<semaphore_mem>> -> memref<1x!tpu.dma_semaphore, #tpu.memory_space<semaphore_mem>>
    %dma_start3A_1132 = tpu.memref_squeeze %dma_start3A_1131 : memref<1x!tpu.dma_semaphore, #tpu.memory_space<semaphore_mem>> -> memref<!tpu.dma_semaphore, #tpu.memory_space<semaphore_mem>>
    tpu.enqueue_indirect_dma source(%dma_start3A_1124 : memref<128x128xf32, #tpu.memory_space<vmem>>) target(%dma_start3A_1130 : memref<2056x128xf32, #tpu.memory_space<vmem_shared>>) offsets(%dma_start3A_1127 : memref<128xi32, #tpu.memory_space<vmem>>) semaphore(%dma_start3A_1132 : memref<!tpu.dma_semaphore, #tpu.memory_space<semaphore_mem>>) {add = true}
    %dma_wait3A_1133 = arith.constant 3 : i32
    %dma_wait3A_1134 = arith.constant 0 : i32
    %dma_wait3A_1135 = arith.constant 3 : i32
    %dma_wait3A_1136 = arith.constant 0 : i32
    %dma_wait3A_1137 = arith.constant 0 : i32
    %dma_wait3A_1138 = tpu.memref_slice %arg6[%dma_wait3A_1133, %dma_wait3A_1136, %dma_wait3A_1137] : memref<5x128x128xf32, #tpu.memory_space<vmem>> -> memref<1x128x128xf32, #tpu.memory_space<vmem>>
    %dma_wait3A_1139 = tpu.memref_squeeze %dma_wait3A_1138 : memref<1x128x128xf32, #tpu.memory_space<vmem>> -> memref<128x128xf32, #tpu.memory_space<vmem>>
    %dma_wait3A_1140 = arith.constant 0 : i32
    %dma_wait3A_1141 = tpu.memref_slice %arg5[%dma_wait3A_1134, %dma_wait3A_1140] : memref<32x128xi32, #tpu.memory_space<vmem>> -> memref<1x128xi32, #tpu.memory_space<vmem>>
    %dma_wait3A_1142 = tpu.memref_squeeze %dma_wait3A_1141 : memref<1x128xi32, #tpu.memory_space<vmem>> -> memref<128xi32, #tpu.memory_space<vmem>>
    %dma_wait3A_1143 = arith.constant 0 : i32
    %dma_wait3A_1144 = arith.constant 0 : i32
    %dma_wait3A_1145 = tpu.memref_slice %arg8[%dma_wait3A_1143, %dma_wait3A_1144] : memref<2056x128xf32, #tpu.memory_space<vmem_shared>> -> memref<2056x128xf32, #tpu.memory_space<vmem_shared>>
    %dma_wait3A_1146 = tpu.memref_slice %arg10[%dma_wait3A_1135] : memref<5x!tpu.dma_semaphore, #tpu.memory_space<semaphore_mem>> -> memref<1x!tpu.dma_semaphore, #tpu.memory_space<semaphore_mem>>
    %dma_wait3A_1147 = tpu.memref_squeeze %dma_wait3A_1146 : memref<1x!tpu.dma_semaphore, #tpu.memory_space<semaphore_mem>> -> memref<!tpu.dma_semaphore, #tpu.memory_space<semaphore_mem>>
    tpu.wait_indirect_dma semaphore(%dma_wait3A_1147 : memref<!tpu.dma_semaphore, #tpu.memory_space<semaphore_mem>>) src(%dma_wait3A_1139 : memref<128x128xf32, #tpu.memory_space<vmem>>) dst(%dma_wait3A_1145 : memref<2056x128xf32, #tpu.memory_space<vmem_shared>>)
    %add3A_1148 = arith.constant 6 : i32
    %add3A_1149 = arith.addi %add3A_6, %add3A_1148 : i32
    %add3A_1150 = arith.constant 2 : i32
    %add3A_1151 = arith.addi %add3A_1149, %add3A_1150 : i32
    %lt3A_1152 = arith.constant 781 : i32
    %lt3A_1153 = arith.cmpi slt, %add3A_1151, %lt3A_1152 : i32
    %mul3A_1154 = arith.constant 128 : i32
    %mul3A_1155 = arith.muli %add3A_1151, %mul3A_1154 : i32
    %eq3A_1156 = arith.constant 781 : i32
    %eq3A_1157 = arith.cmpi eq, %add3A_1151, %eq3A_1156 : i32
    %jit3A_1158 = arith.constant 99872 : i32
    %jit3A_1159 = arith.constant 0 : i32
    %select_n3A_1160 = arith.select %eq3A_1157, %jit3A_1158, %jit3A_1159 : i32
    %select_n3A_1161 = arith.select %lt3A_1153, %mul3A_1155, %select_n3A_1160 : i32
    %dma_start3A_1162 = arith.constant 3 : i32
    %dma_start3A_1163 = arith.constant 3 : i32
    %dma_start3A_1164 = arith.constant 0 : i32
    %dma_start3A_1165 = arith.constant 0 : i32
    %dma_start3A_1166 = tpu.memref_slice %arg6[%dma_start3A_1162, %dma_start3A_1164, %dma_start3A_1165] : memref<5x128x128xf32, #tpu.memory_space<vmem>> -> memref<1x128x128xf32, #tpu.memory_space<vmem>>
    %dma_start3A_1167 = tpu.memref_squeeze %dma_start3A_1166 : memref<1x128x128xf32, #tpu.memory_space<vmem>> -> memref<128x128xf32, #tpu.memory_space<vmem>>
    %dma_start3A_1168 = arith.constant 0 : i32
    %dma_start3A_1169 = tpu.memref_slice %arg2[%select_n3A_1161, %dma_start3A_1168] : memref<100000x128xf32, #tpu.memory_space<hbm>> -> memref<128x128xf32, #tpu.memory_space<hbm>>
    %dma_start3A_1170 = tpu.memref_slice %arg9[%dma_start3A_1163] : memref<5x!tpu.dma_semaphore, #tpu.memory_space<semaphore_mem>> -> memref<1x!tpu.dma_semaphore, #tpu.memory_space<semaphore_mem>>
    %dma_start3A_1171 = tpu.memref_squeeze %dma_start3A_1170 : memref<1x!tpu.dma_semaphore, #tpu.memory_space<semaphore_mem>> -> memref<!tpu.dma_semaphore, #tpu.memory_space<semaphore_mem>>
    %dma_start3A_1172 = arith.constant 0 : i32
    %dma_start3A_1173 = arith.constant 0 : i32
    %dma_start3A_1174 = tpu.memref_slice %arg6[%dma_start3A_1162, %dma_start3A_1172, %dma_start3A_1173] : memref<5x128x128xf32, #tpu.memory_space<vmem>> -> memref<1x128x128xf32, #tpu.memory_space<vmem>>
    %dma_start3A_1175 = tpu.memref_squeeze %dma_start3A_1174 : memref<1x128x128xf32, #tpu.memory_space<vmem>> -> memref<128x128xf32, #tpu.memory_space<vmem>>
    %dma_start3A_1176 = arith.constant 0 : i32
    %dma_start3A_1177 = tpu.memref_slice %arg2[%select_n3A_1161, %dma_start3A_1176] : memref<100000x128xf32, #tpu.memory_space<hbm>> -> memref<128x128xf32, #tpu.memory_space<hbm>>
    tpu.enqueue_dma source(%dma_start3A_1177 : memref<128x128xf32, #tpu.memory_space<hbm>>) target(%dma_start3A_1175 : memref<128x128xf32, #tpu.memory_space<vmem>>) target_semaphore(%dma_start3A_1171 : memref<!tpu.dma_semaphore, #tpu.memory_space<semaphore_mem>>)
    %dma_wait3A_1178 = arith.constant 1 : i32
    %dma_wait3A_1179 = arith.constant 1 : i32
    %dma_wait3A_1180 = arith.constant 0 : i32
    %dma_wait3A_1181 = arith.constant 0 : i32
    %dma_wait3A_1182 = tpu.memref_slice %arg6[%dma_wait3A_1178, %dma_wait3A_1180, %dma_wait3A_1181] : memref<5x128x128xf32, #tpu.memory_space<vmem>> -> memref<1x128x128xf32, #tpu.memory_space<vmem>>
    %dma_wait3A_1183 = tpu.memref_squeeze %dma_wait3A_1182 : memref<1x128x128xf32, #tpu.memory_space<vmem>> -> memref<128x128xf32, #tpu.memory_space<vmem>>
    %dma_wait3A_1184 = arith.constant 0 : i32
    %dma_wait3A_1185 = arith.constant 0 : i32
    %dma_wait3A_1186 = tpu.memref_slice %arg2[%dma_wait3A_1184, %dma_wait3A_1185] : memref<100000x128xf32, #tpu.memory_space<hbm>> -> memref<128x128xf32, #tpu.memory_space<hbm>>
    %dma_wait3A_1187 = tpu.memref_slice %arg9[%dma_wait3A_1179] : memref<5x!tpu.dma_semaphore, #tpu.memory_space<semaphore_mem>> -> memref<1x!tpu.dma_semaphore, #tpu.memory_space<semaphore_mem>>
    %dma_wait3A_1188 = tpu.memref_squeeze %dma_wait3A_1187 : memref<1x!tpu.dma_semaphore, #tpu.memory_space<semaphore_mem>> -> memref<!tpu.dma_semaphore, #tpu.memory_space<semaphore_mem>>
    %dma_wait3A_1189 = arith.constant 0 : i32
    %dma_wait3A_1190 = arith.constant 0 : i32
    %dma_wait3A_1191 = tpu.memref_slice %arg6[%dma_wait3A_1178, %dma_wait3A_1189, %dma_wait3A_1190] : memref<5x128x128xf32, #tpu.memory_space<vmem>> -> memref<1x128x128xf32, #tpu.memory_space<vmem>>
    %dma_wait3A_1192 = tpu.memref_squeeze %dma_wait3A_1191 : memref<1x128x128xf32, #tpu.memory_space<vmem>> -> memref<128x128xf32, #tpu.memory_space<vmem>>
    %dma_wait3A_1193 = arith.constant 0 : i32
    %dma_wait3A_1194 = arith.constant 0 : i32
    %dma_wait3A_1195 = tpu.memref_slice %arg2[%dma_wait3A_1193, %dma_wait3A_1194] : memref<100000x128xf32, #tpu.memory_space<hbm>> -> memref<128x128xf32, #tpu.memory_space<hbm>>
    tpu.wait_dma2 semaphore(%dma_wait3A_1188 : memref<!tpu.dma_semaphore, #tpu.memory_space<semaphore_mem>>) src(%dma_wait3A_1195 : memref<128x128xf32, #tpu.memory_space<hbm>>) dst(%dma_wait3A_1192 : memref<128x128xf32, #tpu.memory_space<vmem>>)
    %add3A_1196 = arith.constant 6 : i32
    %add3A_1197 = arith.addi %sub3A_27, %add3A_1196 : i32
    %dma_start3A_1198 = arith.constant 1 : i32
    %dma_start3A_1199 = arith.constant 1 : i32
    %dma_start3A_1200 = arith.constant 0 : i32
    %dma_start3A_1201 = arith.constant 0 : i32
    %dma_start3A_1202 = tpu.memref_slice %arg6[%dma_start3A_1198, %dma_start3A_1200, %dma_start3A_1201] : memref<5x128x128xf32, #tpu.memory_space<vmem>> -> memref<1x128x128xf32, #tpu.memory_space<vmem>>
    %dma_start3A_1203 = tpu.memref_squeeze %dma_start3A_1202 : memref<1x128x128xf32, #tpu.memory_space<vmem>> -> memref<128x128xf32, #tpu.memory_space<vmem>>
    %dma_start3A_1204 = arith.constant 0 : i32
    %dma_start3A_1205 = tpu.memref_slice %arg5[%add3A_1197, %dma_start3A_1204] : memref<32x128xi32, #tpu.memory_space<vmem>> -> memref<1x128xi32, #tpu.memory_space<vmem>>
    %dma_start3A_1206 = tpu.memref_squeeze %dma_start3A_1205 : memref<1x128xi32, #tpu.memory_space<vmem>> -> memref<128xi32, #tpu.memory_space<vmem>>
    %dma_start3A_1207 = arith.constant 0 : i32
    %dma_start3A_1208 = arith.constant 0 : i32
    %dma_start3A_1209 = tpu.memref_slice %arg8[%dma_start3A_1207, %dma_start3A_1208] : memref<2056x128xf32, #tpu.memory_space<vmem_shared>> -> memref<2056x128xf32, #tpu.memory_space<vmem_shared>>
    %dma_start3A_1210 = tpu.memref_slice %arg10[%dma_start3A_1199] : memref<5x!tpu.dma_semaphore, #tpu.memory_space<semaphore_mem>> -> memref<1x!tpu.dma_semaphore, #tpu.memory_space<semaphore_mem>>
    %dma_start3A_1211 = tpu.memref_squeeze %dma_start3A_1210 : memref<1x!tpu.dma_semaphore, #tpu.memory_space<semaphore_mem>> -> memref<!tpu.dma_semaphore, #tpu.memory_space<semaphore_mem>>
    tpu.enqueue_indirect_dma source(%dma_start3A_1203 : memref<128x128xf32, #tpu.memory_space<vmem>>) target(%dma_start3A_1209 : memref<2056x128xf32, #tpu.memory_space<vmem_shared>>) offsets(%dma_start3A_1206 : memref<128xi32, #tpu.memory_space<vmem>>) semaphore(%dma_start3A_1211 : memref<!tpu.dma_semaphore, #tpu.memory_space<semaphore_mem>>) {add = true}
    %dma_wait3A_1212 = arith.constant 4 : i32
    %dma_wait3A_1213 = arith.constant 0 : i32
    %dma_wait3A_1214 = arith.constant 4 : i32
    %dma_wait3A_1215 = arith.constant 0 : i32
    %dma_wait3A_1216 = arith.constant 0 : i32
    %dma_wait3A_1217 = tpu.memref_slice %arg6[%dma_wait3A_1212, %dma_wait3A_1215, %dma_wait3A_1216] : memref<5x128x128xf32, #tpu.memory_space<vmem>> -> memref<1x128x128xf32, #tpu.memory_space<vmem>>
    %dma_wait3A_1218 = tpu.memref_squeeze %dma_wait3A_1217 : memref<1x128x128xf32, #tpu.memory_space<vmem>> -> memref<128x128xf32, #tpu.memory_space<vmem>>
    %dma_wait3A_1219 = arith.constant 0 : i32
    %dma_wait3A_1220 = tpu.memref_slice %arg5[%dma_wait3A_1213, %dma_wait3A_1219] : memref<32x128xi32, #tpu.memory_space<vmem>> -> memref<1x128xi32, #tpu.memory_space<vmem>>
    %dma_wait3A_1221 = tpu.memref_squeeze %dma_wait3A_1220 : memref<1x128xi32, #tpu.memory_space<vmem>> -> memref<128xi32, #tpu.memory_space<vmem>>
    %dma_wait3A_1222 = arith.constant 0 : i32
    %dma_wait3A_1223 = arith.constant 0 : i32
    %dma_wait3A_1224 = tpu.memref_slice %arg8[%dma_wait3A_1222, %dma_wait3A_1223] : memref<2056x128xf32, #tpu.memory_space<vmem_shared>> -> memref<2056x128xf32, #tpu.memory_space<vmem_shared>>
    %dma_wait3A_1225 = tpu.memref_slice %arg10[%dma_wait3A_1214] : memref<5x!tpu.dma_semaphore, #tpu.memory_space<semaphore_mem>> -> memref<1x!tpu.dma_semaphore, #tpu.memory_space<semaphore_mem>>
    %dma_wait3A_1226 = tpu.memref_squeeze %dma_wait3A_1225 : memref<1x!tpu.dma_semaphore, #tpu.memory_space<semaphore_mem>> -> memref<!tpu.dma_semaphore, #tpu.memory_space<semaphore_mem>>
    tpu.wait_indirect_dma semaphore(%dma_wait3A_1226 : memref<!tpu.dma_semaphore, #tpu.memory_space<semaphore_mem>>) src(%dma_wait3A_1218 : memref<128x128xf32, #tpu.memory_space<vmem>>) dst(%dma_wait3A_1224 : memref<2056x128xf32, #tpu.memory_space<vmem_shared>>)
    %add3A_1227 = arith.constant 7 : i32
    %add3A_1228 = arith.addi %add3A_6, %add3A_1227 : i32
    %add3A_1229 = arith.constant 2 : i32
    %add3A_1230 = arith.addi %add3A_1228, %add3A_1229 : i32
    %lt3A_1231 = arith.constant 781 : i32
    %lt3A_1232 = arith.cmpi slt, %add3A_1230, %lt3A_1231 : i32
    %mul3A_1233 = arith.constant 128 : i32
    %mul3A_1234 = arith.muli %add3A_1230, %mul3A_1233 : i32
    %eq3A_1235 = arith.constant 781 : i32
    %eq3A_1236 = arith.cmpi eq, %add3A_1230, %eq3A_1235 : i32
    %jit3A_1237 = arith.constant 99872 : i32
    %jit3A_1238 = arith.constant 0 : i32
    %select_n3A_1239 = arith.select %eq3A_1236, %jit3A_1237, %jit3A_1238 : i32
    %select_n3A_1240 = arith.select %lt3A_1232, %mul3A_1234, %select_n3A_1239 : i32
    %dma_start3A_1241 = arith.constant 4 : i32
    %dma_start3A_1242 = arith.constant 4 : i32
    %dma_start3A_1243 = arith.constant 0 : i32
    %dma_start3A_1244 = arith.constant 0 : i32
    %dma_start3A_1245 = tpu.memref_slice %arg6[%dma_start3A_1241, %dma_start3A_1243, %dma_start3A_1244] : memref<5x128x128xf32, #tpu.memory_space<vmem>> -> memref<1x128x128xf32, #tpu.memory_space<vmem>>
    %dma_start3A_1246 = tpu.memref_squeeze %dma_start3A_1245 : memref<1x128x128xf32, #tpu.memory_space<vmem>> -> memref<128x128xf32, #tpu.memory_space<vmem>>
    %dma_start3A_1247 = arith.constant 0 : i32
    %dma_start3A_1248 = tpu.memref_slice %arg2[%select_n3A_1240, %dma_start3A_1247] : memref<100000x128xf32, #tpu.memory_space<hbm>> -> memref<128x128xf32, #tpu.memory_space<hbm>>
    %dma_start3A_1249 = tpu.memref_slice %arg9[%dma_start3A_1242] : memref<5x!tpu.dma_semaphore, #tpu.memory_space<semaphore_mem>> -> memref<1x!tpu.dma_semaphore, #tpu.memory_space<semaphore_mem>>
    %dma_start3A_1250 = tpu.memref_squeeze %dma_start3A_1249 : memref<1x!tpu.dma_semaphore, #tpu.memory_space<semaphore_mem>> -> memref<!tpu.dma_semaphore, #tpu.memory_space<semaphore_mem>>
    %dma_start3A_1251 = arith.constant 0 : i32
    %dma_start3A_1252 = arith.constant 0 : i32
    %dma_start3A_1253 = tpu.memref_slice %arg6[%dma_start3A_1241, %dma_start3A_1251, %dma_start3A_1252] : memref<5x128x128xf32, #tpu.memory_space<vmem>> -> memref<1x128x128xf32, #tpu.memory_space<vmem>>
    %dma_start3A_1254 = tpu.memref_squeeze %dma_start3A_1253 : memref<1x128x128xf32, #tpu.memory_space<vmem>> -> memref<128x128xf32, #tpu.memory_space<vmem>>
    %dma_start3A_1255 = arith.constant 0 : i32
    %dma_start3A_1256 = tpu.memref_slice %arg2[%select_n3A_1240, %dma_start3A_1255] : memref<100000x128xf32, #tpu.memory_space<hbm>> -> memref<128x128xf32, #tpu.memory_space<hbm>>
    tpu.enqueue_dma source(%dma_start3A_1256 : memref<128x128xf32, #tpu.memory_space<hbm>>) target(%dma_start3A_1254 : memref<128x128xf32, #tpu.memory_space<vmem>>) target_semaphore(%dma_start3A_1250 : memref<!tpu.dma_semaphore, #tpu.memory_space<semaphore_mem>>)
    %dma_wait3A_1257 = arith.constant 2 : i32
    %dma_wait3A_1258 = arith.constant 2 : i32
    %dma_wait3A_1259 = arith.constant 0 : i32
    %dma_wait3A_1260 = arith.constant 0 : i32
    %dma_wait3A_1261 = tpu.memref_slice %arg6[%dma_wait3A_1257, %dma_wait3A_1259, %dma_wait3A_1260] : memref<5x128x128xf32, #tpu.memory_space<vmem>> -> memref<1x128x128xf32, #tpu.memory_space<vmem>>
    %dma_wait3A_1262 = tpu.memref_squeeze %dma_wait3A_1261 : memref<1x128x128xf32, #tpu.memory_space<vmem>> -> memref<128x128xf32, #tpu.memory_space<vmem>>
    %dma_wait3A_1263 = arith.constant 0 : i32
    %dma_wait3A_1264 = arith.constant 0 : i32
    %dma_wait3A_1265 = tpu.memref_slice %arg2[%dma_wait3A_1263, %dma_wait3A_1264] : memref<100000x128xf32, #tpu.memory_space<hbm>> -> memref<128x128xf32, #tpu.memory_space<hbm>>
    %dma_wait3A_1266 = tpu.memref_slice %arg9[%dma_wait3A_1258] : memref<5x!tpu.dma_semaphore, #tpu.memory_space<semaphore_mem>> -> memref<1x!tpu.dma_semaphore, #tpu.memory_space<semaphore_mem>>
    %dma_wait3A_1267 = tpu.memref_squeeze %dma_wait3A_1266 : memref<1x!tpu.dma_semaphore, #tpu.memory_space<semaphore_mem>> -> memref<!tpu.dma_semaphore, #tpu.memory_space<semaphore_mem>>
    %dma_wait3A_1268 = arith.constant 0 : i32
    %dma_wait3A_1269 = arith.constant 0 : i32
    %dma_wait3A_1270 = tpu.memref_slice %arg6[%dma_wait3A_1257, %dma_wait3A_1268, %dma_wait3A_1269] : memref<5x128x128xf32, #tpu.memory_space<vmem>> -> memref<1x128x128xf32, #tpu.memory_space<vmem>>
    %dma_wait3A_1271 = tpu.memref_squeeze %dma_wait3A_1270 : memref<1x128x128xf32, #tpu.memory_space<vmem>> -> memref<128x128xf32, #tpu.memory_space<vmem>>
    %dma_wait3A_1272 = arith.constant 0 : i32
    %dma_wait3A_1273 = arith.constant 0 : i32
    %dma_wait3A_1274 = tpu.memref_slice %arg2[%dma_wait3A_1272, %dma_wait3A_1273] : memref<100000x128xf32, #tpu.memory_space<hbm>> -> memref<128x128xf32, #tpu.memory_space<hbm>>
    tpu.wait_dma2 semaphore(%dma_wait3A_1267 : memref<!tpu.dma_semaphore, #tpu.memory_space<semaphore_mem>>) src(%dma_wait3A_1274 : memref<128x128xf32, #tpu.memory_space<hbm>>) dst(%dma_wait3A_1271 : memref<128x128xf32, #tpu.memory_space<vmem>>)
    %add3A_1275 = arith.constant 7 : i32
    %add3A_1276 = arith.addi %sub3A_27, %add3A_1275 : i32
    %dma_start3A_1277 = arith.constant 2 : i32
    %dma_start3A_1278 = arith.constant 2 : i32
    %dma_start3A_1279 = arith.constant 0 : i32
    %dma_start3A_1280 = arith.constant 0 : i32
    %dma_start3A_1281 = tpu.memref_slice %arg6[%dma_start3A_1277, %dma_start3A_1279, %dma_start3A_1280] : memref<5x128x128xf32, #tpu.memory_space<vmem>> -> memref<1x128x128xf32, #tpu.memory_space<vmem>>
    %dma_start3A_1282 = tpu.memref_squeeze %dma_start3A_1281 : memref<1x128x128xf32, #tpu.memory_space<vmem>> -> memref<128x128xf32, #tpu.memory_space<vmem>>
    %dma_start3A_1283 = arith.constant 0 : i32
    %dma_start3A_1284 = tpu.memref_slice %arg5[%add3A_1276, %dma_start3A_1283] : memref<32x128xi32, #tpu.memory_space<vmem>> -> memref<1x128xi32, #tpu.memory_space<vmem>>
    %dma_start3A_1285 = tpu.memref_squeeze %dma_start3A_1284 : memref<1x128xi32, #tpu.memory_space<vmem>> -> memref<128xi32, #tpu.memory_space<vmem>>
    %dma_start3A_1286 = arith.constant 0 : i32
    %dma_start3A_1287 = arith.constant 0 : i32
    %dma_start3A_1288 = tpu.memref_slice %arg8[%dma_start3A_1286, %dma_start3A_1287] : memref<2056x128xf32, #tpu.memory_space<vmem_shared>> -> memref<2056x128xf32, #tpu.memory_space<vmem_shared>>
    %dma_start3A_1289 = tpu.memref_slice %arg10[%dma_start3A_1278] : memref<5x!tpu.dma_semaphore, #tpu.memory_space<semaphore_mem>> -> memref<1x!tpu.dma_semaphore, #tpu.memory_space<semaphore_mem>>
    %dma_start3A_1290 = tpu.memref_squeeze %dma_start3A_1289 : memref<1x!tpu.dma_semaphore, #tpu.memory_space<semaphore_mem>> -> memref<!tpu.dma_semaphore, #tpu.memory_space<semaphore_mem>>
    tpu.enqueue_indirect_dma source(%dma_start3A_1282 : memref<128x128xf32, #tpu.memory_space<vmem>>) target(%dma_start3A_1288 : memref<2056x128xf32, #tpu.memory_space<vmem_shared>>) offsets(%dma_start3A_1285 : memref<128xi32, #tpu.memory_space<vmem>>) semaphore(%dma_start3A_1290 : memref<!tpu.dma_semaphore, #tpu.memory_space<semaphore_mem>>) {add = true}
    %dma_wait3A_1291 = arith.constant 0 : i32
    %dma_wait3A_1292 = arith.constant 0 : i32
    %dma_wait3A_1293 = arith.constant 0 : i32
    %dma_wait3A_1294 = arith.constant 0 : i32
    %dma_wait3A_1295 = arith.constant 0 : i32
    %dma_wait3A_1296 = tpu.memref_slice %arg6[%dma_wait3A_1291, %dma_wait3A_1294, %dma_wait3A_1295] : memref<5x128x128xf32, #tpu.memory_space<vmem>> -> memref<1x128x128xf32, #tpu.memory_space<vmem>>
    %dma_wait3A_1297 = tpu.memref_squeeze %dma_wait3A_1296 : memref<1x128x128xf32, #tpu.memory_space<vmem>> -> memref<128x128xf32, #tpu.memory_space<vmem>>
    %dma_wait3A_1298 = arith.constant 0 : i32
    %dma_wait3A_1299 = tpu.memref_slice %arg5[%dma_wait3A_1292, %dma_wait3A_1298] : memref<32x128xi32, #tpu.memory_space<vmem>> -> memref<1x128xi32, #tpu.memory_space<vmem>>
    %dma_wait3A_1300 = tpu.memref_squeeze %dma_wait3A_1299 : memref<1x128xi32, #tpu.memory_space<vmem>> -> memref<128xi32, #tpu.memory_space<vmem>>
    %dma_wait3A_1301 = arith.constant 0 : i32
    %dma_wait3A_1302 = arith.constant 0 : i32
    %dma_wait3A_1303 = tpu.memref_slice %arg8[%dma_wait3A_1301, %dma_wait3A_1302] : memref<2056x128xf32, #tpu.memory_space<vmem_shared>> -> memref<2056x128xf32, #tpu.memory_space<vmem_shared>>
    %dma_wait3A_1304 = tpu.memref_slice %arg10[%dma_wait3A_1293] : memref<5x!tpu.dma_semaphore, #tpu.memory_space<semaphore_mem>> -> memref<1x!tpu.dma_semaphore, #tpu.memory_space<semaphore_mem>>
    %dma_wait3A_1305 = tpu.memref_squeeze %dma_wait3A_1304 : memref<1x!tpu.dma_semaphore, #tpu.memory_space<semaphore_mem>> -> memref<!tpu.dma_semaphore, #tpu.memory_space<semaphore_mem>>
    tpu.wait_indirect_dma semaphore(%dma_wait3A_1305 : memref<!tpu.dma_semaphore, #tpu.memory_space<semaphore_mem>>) src(%dma_wait3A_1297 : memref<128x128xf32, #tpu.memory_space<vmem>>) dst(%dma_wait3A_1303 : memref<2056x128xf32, #tpu.memory_space<vmem_shared>>)
    %add3A_1306 = arith.constant 8 : i32
    %add3A_1307 = arith.addi %add3A_6, %add3A_1306 : i32
    %add3A_1308 = arith.constant 2 : i32
    %add3A_1309 = arith.addi %add3A_1307, %add3A_1308 : i32
    %lt3A_1310 = arith.constant 781 : i32
    %lt3A_1311 = arith.cmpi slt, %add3A_1309, %lt3A_1310 : i32
    %mul3A_1312 = arith.constant 128 : i32
    %mul3A_1313 = arith.muli %add3A_1309, %mul3A_1312 : i32
    %eq3A_1314 = arith.constant 781 : i32
    %eq3A_1315 = arith.cmpi eq, %add3A_1309, %eq3A_1314 : i32
    %jit3A_1316 = arith.constant 99872 : i32
    %jit3A_1317 = arith.constant 0 : i32
    %select_n3A_1318 = arith.select %eq3A_1315, %jit3A_1316, %jit3A_1317 : i32
    %select_n3A_1319 = arith.select %lt3A_1311, %mul3A_1313, %select_n3A_1318 : i32
    %dma_start3A_1320 = arith.constant 0 : i32
    %dma_start3A_1321 = arith.constant 0 : i32
    %dma_start3A_1322 = arith.constant 0 : i32
    %dma_start3A_1323 = arith.constant 0 : i32
    %dma_start3A_1324 = tpu.memref_slice %arg6[%dma_start3A_1320, %dma_start3A_1322, %dma_start3A_1323] : memref<5x128x128xf32, #tpu.memory_space<vmem>> -> memref<1x128x128xf32, #tpu.memory_space<vmem>>
    %dma_start3A_1325 = tpu.memref_squeeze %dma_start3A_1324 : memref<1x128x128xf32, #tpu.memory_space<vmem>> -> memref<128x128xf32, #tpu.memory_space<vmem>>
    %dma_start3A_1326 = arith.constant 0 : i32
    %dma_start3A_1327 = tpu.memref_slice %arg2[%select_n3A_1319, %dma_start3A_1326] : memref<100000x128xf32, #tpu.memory_space<hbm>> -> memref<128x128xf32, #tpu.memory_space<hbm>>
    %dma_start3A_1328 = tpu.memref_slice %arg9[%dma_start3A_1321] : memref<5x!tpu.dma_semaphore, #tpu.memory_space<semaphore_mem>> -> memref<1x!tpu.dma_semaphore, #tpu.memory_space<semaphore_mem>>
    %dma_start3A_1329 = tpu.memref_squeeze %dma_start3A_1328 : memref<1x!tpu.dma_semaphore, #tpu.memory_space<semaphore_mem>> -> memref<!tpu.dma_semaphore, #tpu.memory_space<semaphore_mem>>
    %dma_start3A_1330 = arith.constant 0 : i32
    %dma_start3A_1331 = arith.constant 0 : i32
    %dma_start3A_1332 = tpu.memref_slice %arg6[%dma_start3A_1320, %dma_start3A_1330, %dma_start3A_1331] : memref<5x128x128xf32, #tpu.memory_space<vmem>> -> memref<1x128x128xf32, #tpu.memory_space<vmem>>
    %dma_start3A_1333 = tpu.memref_squeeze %dma_start3A_1332 : memref<1x128x128xf32, #tpu.memory_space<vmem>> -> memref<128x128xf32, #tpu.memory_space<vmem>>
    %dma_start3A_1334 = arith.constant 0 : i32
    %dma_start3A_1335 = tpu.memref_slice %arg2[%select_n3A_1319, %dma_start3A_1334] : memref<100000x128xf32, #tpu.memory_space<hbm>> -> memref<128x128xf32, #tpu.memory_space<hbm>>
    tpu.enqueue_dma source(%dma_start3A_1335 : memref<128x128xf32, #tpu.memory_space<hbm>>) target(%dma_start3A_1333 : memref<128x128xf32, #tpu.memory_space<vmem>>) target_semaphore(%dma_start3A_1329 : memref<!tpu.dma_semaphore, #tpu.memory_space<semaphore_mem>>)
    %dma_wait3A_1336 = arith.constant 3 : i32
    %dma_wait3A_1337 = arith.constant 3 : i32
    %dma_wait3A_1338 = arith.constant 0 : i32
    %dma_wait3A_1339 = arith.constant 0 : i32
    %dma_wait3A_1340 = tpu.memref_slice %arg6[%dma_wait3A_1336, %dma_wait3A_1338, %dma_wait3A_1339] : memref<5x128x128xf32, #tpu.memory_space<vmem>> -> memref<1x128x128xf32, #tpu.memory_space<vmem>>
    %dma_wait3A_1341 = tpu.memref_squeeze %dma_wait3A_1340 : memref<1x128x128xf32, #tpu.memory_space<vmem>> -> memref<128x128xf32, #tpu.memory_space<vmem>>
    %dma_wait3A_1342 = arith.constant 0 : i32
    %dma_wait3A_1343 = arith.constant 0 : i32
    %dma_wait3A_1344 = tpu.memref_slice %arg2[%dma_wait3A_1342, %dma_wait3A_1343] : memref<100000x128xf32, #tpu.memory_space<hbm>> -> memref<128x128xf32, #tpu.memory_space<hbm>>
    %dma_wait3A_1345 = tpu.memref_slice %arg9[%dma_wait3A_1337] : memref<5x!tpu.dma_semaphore, #tpu.memory_space<semaphore_mem>> -> memref<1x!tpu.dma_semaphore, #tpu.memory_space<semaphore_mem>>
    %dma_wait3A_1346 = tpu.memref_squeeze %dma_wait3A_1345 : memref<1x!tpu.dma_semaphore, #tpu.memory_space<semaphore_mem>> -> memref<!tpu.dma_semaphore, #tpu.memory_space<semaphore_mem>>
    %dma_wait3A_1347 = arith.constant 0 : i32
    %dma_wait3A_1348 = arith.constant 0 : i32
    %dma_wait3A_1349 = tpu.memref_slice %arg6[%dma_wait3A_1336, %dma_wait3A_1347, %dma_wait3A_1348] : memref<5x128x128xf32, #tpu.memory_space<vmem>> -> memref<1x128x128xf32, #tpu.memory_space<vmem>>
    %dma_wait3A_1350 = tpu.memref_squeeze %dma_wait3A_1349 : memref<1x128x128xf32, #tpu.memory_space<vmem>> -> memref<128x128xf32, #tpu.memory_space<vmem>>
    %dma_wait3A_1351 = arith.constant 0 : i32
    %dma_wait3A_1352 = arith.constant 0 : i32
    %dma_wait3A_1353 = tpu.memref_slice %arg2[%dma_wait3A_1351, %dma_wait3A_1352] : memref<100000x128xf32, #tpu.memory_space<hbm>> -> memref<128x128xf32, #tpu.memory_space<hbm>>
    tpu.wait_dma2 semaphore(%dma_wait3A_1346 : memref<!tpu.dma_semaphore, #tpu.memory_space<semaphore_mem>>) src(%dma_wait3A_1353 : memref<128x128xf32, #tpu.memory_space<hbm>>) dst(%dma_wait3A_1350 : memref<128x128xf32, #tpu.memory_space<vmem>>)
    %add3A_1354 = arith.constant 8 : i32
    %add3A_1355 = arith.addi %sub3A_27, %add3A_1354 : i32
    %dma_start3A_1356 = arith.constant 3 : i32
    %dma_start3A_1357 = arith.constant 3 : i32
    %dma_start3A_1358 = arith.constant 0 : i32
    %dma_start3A_1359 = arith.constant 0 : i32
    %dma_start3A_1360 = tpu.memref_slice %arg6[%dma_start3A_1356, %dma_start3A_1358, %dma_start3A_1359] : memref<5x128x128xf32, #tpu.memory_space<vmem>> -> memref<1x128x128xf32, #tpu.memory_space<vmem>>
    %dma_start3A_1361 = tpu.memref_squeeze %dma_start3A_1360 : memref<1x128x128xf32, #tpu.memory_space<vmem>> -> memref<128x128xf32, #tpu.memory_space<vmem>>
    %dma_start3A_1362 = arith.constant 0 : i32
    %dma_start3A_1363 = tpu.memref_slice %arg5[%add3A_1355, %dma_start3A_1362] : memref<32x128xi32, #tpu.memory_space<vmem>> -> memref<1x128xi32, #tpu.memory_space<vmem>>
    %dma_start3A_1364 = tpu.memref_squeeze %dma_start3A_1363 : memref<1x128xi32, #tpu.memory_space<vmem>> -> memref<128xi32, #tpu.memory_space<vmem>>
    %dma_start3A_1365 = arith.constant 0 : i32
    %dma_start3A_1366 = arith.constant 0 : i32
    %dma_start3A_1367 = tpu.memref_slice %arg8[%dma_start3A_1365, %dma_start3A_1366] : memref<2056x128xf32, #tpu.memory_space<vmem_shared>> -> memref<2056x128xf32, #tpu.memory_space<vmem_shared>>
    %dma_start3A_1368 = tpu.memref_slice %arg10[%dma_start3A_1357] : memref<5x!tpu.dma_semaphore, #tpu.memory_space<semaphore_mem>> -> memref<1x!tpu.dma_semaphore, #tpu.memory_space<semaphore_mem>>
    %dma_start3A_1369 = tpu.memref_squeeze %dma_start3A_1368 : memref<1x!tpu.dma_semaphore, #tpu.memory_space<semaphore_mem>> -> memref<!tpu.dma_semaphore, #tpu.memory_space<semaphore_mem>>
    tpu.enqueue_indirect_dma source(%dma_start3A_1361 : memref<128x128xf32, #tpu.memory_space<vmem>>) target(%dma_start3A_1367 : memref<2056x128xf32, #tpu.memory_space<vmem_shared>>) offsets(%dma_start3A_1364 : memref<128xi32, #tpu.memory_space<vmem>>) semaphore(%dma_start3A_1369 : memref<!tpu.dma_semaphore, #tpu.memory_space<semaphore_mem>>) {add = true}
    %dma_wait3A_1370 = arith.constant 1 : i32
    %dma_wait3A_1371 = arith.constant 0 : i32
    %dma_wait3A_1372 = arith.constant 1 : i32
    %dma_wait3A_1373 = arith.constant 0 : i32
    %dma_wait3A_1374 = arith.constant 0 : i32
    %dma_wait3A_1375 = tpu.memref_slice %arg6[%dma_wait3A_1370, %dma_wait3A_1373, %dma_wait3A_1374] : memref<5x128x128xf32, #tpu.memory_space<vmem>> -> memref<1x128x128xf32, #tpu.memory_space<vmem>>
    %dma_wait3A_1376 = tpu.memref_squeeze %dma_wait3A_1375 : memref<1x128x128xf32, #tpu.memory_space<vmem>> -> memref<128x128xf32, #tpu.memory_space<vmem>>
    %dma_wait3A_1377 = arith.constant 0 : i32
    %dma_wait3A_1378 = tpu.memref_slice %arg5[%dma_wait3A_1371, %dma_wait3A_1377] : memref<32x128xi32, #tpu.memory_space<vmem>> -> memref<1x128xi32, #tpu.memory_space<vmem>>
    %dma_wait3A_1379 = tpu.memref_squeeze %dma_wait3A_1378 : memref<1x128xi32, #tpu.memory_space<vmem>> -> memref<128xi32, #tpu.memory_space<vmem>>
    %dma_wait3A_1380 = arith.constant 0 : i32
    %dma_wait3A_1381 = arith.constant 0 : i32
    %dma_wait3A_1382 = tpu.memref_slice %arg8[%dma_wait3A_1380, %dma_wait3A_1381] : memref<2056x128xf32, #tpu.memory_space<vmem_shared>> -> memref<2056x128xf32, #tpu.memory_space<vmem_shared>>
    %dma_wait3A_1383 = tpu.memref_slice %arg10[%dma_wait3A_1372] : memref<5x!tpu.dma_semaphore, #tpu.memory_space<semaphore_mem>> -> memref<1x!tpu.dma_semaphore, #tpu.memory_space<semaphore_mem>>
    %dma_wait3A_1384 = tpu.memref_squeeze %dma_wait3A_1383 : memref<1x!tpu.dma_semaphore, #tpu.memory_space<semaphore_mem>> -> memref<!tpu.dma_semaphore, #tpu.memory_space<semaphore_mem>>
    tpu.wait_indirect_dma semaphore(%dma_wait3A_1384 : memref<!tpu.dma_semaphore, #tpu.memory_space<semaphore_mem>>) src(%dma_wait3A_1376 : memref<128x128xf32, #tpu.memory_space<vmem>>) dst(%dma_wait3A_1382 : memref<2056x128xf32, #tpu.memory_space<vmem_shared>>)
    %add3A_1385 = arith.constant 9 : i32
    %add3A_1386 = arith.addi %add3A_6, %add3A_1385 : i32
    %add3A_1387 = arith.constant 2 : i32
    %add3A_1388 = arith.addi %add3A_1386, %add3A_1387 : i32
    %lt3A_1389 = arith.constant 781 : i32
    %lt3A_1390 = arith.cmpi slt, %add3A_1388, %lt3A_1389 : i32
    %mul3A_1391 = arith.constant 128 : i32
    %mul3A_1392 = arith.muli %add3A_1388, %mul3A_1391 : i32
    %eq3A_1393 = arith.constant 781 : i32
    %eq3A_1394 = arith.cmpi eq, %add3A_1388, %eq3A_1393 : i32
    %jit3A_1395 = arith.constant 99872 : i32
    %jit3A_1396 = arith.constant 0 : i32
    %select_n3A_1397 = arith.select %eq3A_1394, %jit3A_1395, %jit3A_1396 : i32
    %select_n3A_1398 = arith.select %lt3A_1390, %mul3A_1392, %select_n3A_1397 : i32
    %dma_start3A_1399 = arith.constant 1 : i32
    %dma_start3A_1400 = arith.constant 1 : i32
    %dma_start3A_1401 = arith.constant 0 : i32
    %dma_start3A_1402 = arith.constant 0 : i32
    %dma_start3A_1403 = tpu.memref_slice %arg6[%dma_start3A_1399, %dma_start3A_1401, %dma_start3A_1402] : memref<5x128x128xf32, #tpu.memory_space<vmem>> -> memref<1x128x128xf32, #tpu.memory_space<vmem>>
    %dma_start3A_1404 = tpu.memref_squeeze %dma_start3A_1403 : memref<1x128x128xf32, #tpu.memory_space<vmem>> -> memref<128x128xf32, #tpu.memory_space<vmem>>
    %dma_start3A_1405 = arith.constant 0 : i32
    %dma_start3A_1406 = tpu.memref_slice %arg2[%select_n3A_1398, %dma_start3A_1405] : memref<100000x128xf32, #tpu.memory_space<hbm>> -> memref<128x128xf32, #tpu.memory_space<hbm>>
    %dma_start3A_1407 = tpu.memref_slice %arg9[%dma_start3A_1400] : memref<5x!tpu.dma_semaphore, #tpu.memory_space<semaphore_mem>> -> memref<1x!tpu.dma_semaphore, #tpu.memory_space<semaphore_mem>>
    %dma_start3A_1408 = tpu.memref_squeeze %dma_start3A_1407 : memref<1x!tpu.dma_semaphore, #tpu.memory_space<semaphore_mem>> -> memref<!tpu.dma_semaphore, #tpu.memory_space<semaphore_mem>>
    %dma_start3A_1409 = arith.constant 0 : i32
    %dma_start3A_1410 = arith.constant 0 : i32
    %dma_start3A_1411 = tpu.memref_slice %arg6[%dma_start3A_1399, %dma_start3A_1409, %dma_start3A_1410] : memref<5x128x128xf32, #tpu.memory_space<vmem>> -> memref<1x128x128xf32, #tpu.memory_space<vmem>>
    %dma_start3A_1412 = tpu.memref_squeeze %dma_start3A_1411 : memref<1x128x128xf32, #tpu.memory_space<vmem>> -> memref<128x128xf32, #tpu.memory_space<vmem>>
    %dma_start3A_1413 = arith.constant 0 : i32
    %dma_start3A_1414 = tpu.memref_slice %arg2[%select_n3A_1398, %dma_start3A_1413] : memref<100000x128xf32, #tpu.memory_space<hbm>> -> memref<128x128xf32, #tpu.memory_space<hbm>>
    tpu.enqueue_dma source(%dma_start3A_1414 : memref<128x128xf32, #tpu.memory_space<hbm>>) target(%dma_start3A_1412 : memref<128x128xf32, #tpu.memory_space<vmem>>) target_semaphore(%dma_start3A_1408 : memref<!tpu.dma_semaphore, #tpu.memory_space<semaphore_mem>>)
    %dma_wait3A_1415 = arith.constant 4 : i32
    %dma_wait3A_1416 = arith.constant 4 : i32
    %dma_wait3A_1417 = arith.constant 0 : i32
    %dma_wait3A_1418 = arith.constant 0 : i32
    %dma_wait3A_1419 = tpu.memref_slice %arg6[%dma_wait3A_1415, %dma_wait3A_1417, %dma_wait3A_1418] : memref<5x128x128xf32, #tpu.memory_space<vmem>> -> memref<1x128x128xf32, #tpu.memory_space<vmem>>
    %dma_wait3A_1420 = tpu.memref_squeeze %dma_wait3A_1419 : memref<1x128x128xf32, #tpu.memory_space<vmem>> -> memref<128x128xf32, #tpu.memory_space<vmem>>
    %dma_wait3A_1421 = arith.constant 0 : i32
    %dma_wait3A_1422 = arith.constant 0 : i32
    %dma_wait3A_1423 = tpu.memref_slice %arg2[%dma_wait3A_1421, %dma_wait3A_1422] : memref<100000x128xf32, #tpu.memory_space<hbm>> -> memref<128x128xf32, #tpu.memory_space<hbm>>
    %dma_wait3A_1424 = tpu.memref_slice %arg9[%dma_wait3A_1416] : memref<5x!tpu.dma_semaphore, #tpu.memory_space<semaphore_mem>> -> memref<1x!tpu.dma_semaphore, #tpu.memory_space<semaphore_mem>>
    %dma_wait3A_1425 = tpu.memref_squeeze %dma_wait3A_1424 : memref<1x!tpu.dma_semaphore, #tpu.memory_space<semaphore_mem>> -> memref<!tpu.dma_semaphore, #tpu.memory_space<semaphore_mem>>
    %dma_wait3A_1426 = arith.constant 0 : i32
    %dma_wait3A_1427 = arith.constant 0 : i32
    %dma_wait3A_1428 = tpu.memref_slice %arg6[%dma_wait3A_1415, %dma_wait3A_1426, %dma_wait3A_1427] : memref<5x128x128xf32, #tpu.memory_space<vmem>> -> memref<1x128x128xf32, #tpu.memory_space<vmem>>
    %dma_wait3A_1429 = tpu.memref_squeeze %dma_wait3A_1428 : memref<1x128x128xf32, #tpu.memory_space<vmem>> -> memref<128x128xf32, #tpu.memory_space<vmem>>
    %dma_wait3A_1430 = arith.constant 0 : i32
    %dma_wait3A_1431 = arith.constant 0 : i32
    %dma_wait3A_1432 = tpu.memref_slice %arg2[%dma_wait3A_1430, %dma_wait3A_1431] : memref<100000x128xf32, #tpu.memory_space<hbm>> -> memref<128x128xf32, #tpu.memory_space<hbm>>
    tpu.wait_dma2 semaphore(%dma_wait3A_1425 : memref<!tpu.dma_semaphore, #tpu.memory_space<semaphore_mem>>) src(%dma_wait3A_1432 : memref<128x128xf32, #tpu.memory_space<hbm>>) dst(%dma_wait3A_1429 : memref<128x128xf32, #tpu.memory_space<vmem>>)
    %add3A_1433 = arith.constant 9 : i32
    %add3A_1434 = arith.addi %sub3A_27, %add3A_1433 : i32
    %dma_start3A_1435 = arith.constant 4 : i32
    %dma_start3A_1436 = arith.constant 4 : i32
    %dma_start3A_1437 = arith.constant 0 : i32
    %dma_start3A_1438 = arith.constant 0 : i32
    %dma_start3A_1439 = tpu.memref_slice %arg6[%dma_start3A_1435, %dma_start3A_1437, %dma_start3A_1438] : memref<5x128x128xf32, #tpu.memory_space<vmem>> -> memref<1x128x128xf32, #tpu.memory_space<vmem>>
    %dma_start3A_1440 = tpu.memref_squeeze %dma_start3A_1439 : memref<1x128x128xf32, #tpu.memory_space<vmem>> -> memref<128x128xf32, #tpu.memory_space<vmem>>
    %dma_start3A_1441 = arith.constant 0 : i32
    %dma_start3A_1442 = tpu.memref_slice %arg5[%add3A_1434, %dma_start3A_1441] : memref<32x128xi32, #tpu.memory_space<vmem>> -> memref<1x128xi32, #tpu.memory_space<vmem>>
    %dma_start3A_1443 = tpu.memref_squeeze %dma_start3A_1442 : memref<1x128xi32, #tpu.memory_space<vmem>> -> memref<128xi32, #tpu.memory_space<vmem>>
    %dma_start3A_1444 = arith.constant 0 : i32
    %dma_start3A_1445 = arith.constant 0 : i32
    %dma_start3A_1446 = tpu.memref_slice %arg8[%dma_start3A_1444, %dma_start3A_1445] : memref<2056x128xf32, #tpu.memory_space<vmem_shared>> -> memref<2056x128xf32, #tpu.memory_space<vmem_shared>>
    %dma_start3A_1447 = tpu.memref_slice %arg10[%dma_start3A_1436] : memref<5x!tpu.dma_semaphore, #tpu.memory_space<semaphore_mem>> -> memref<1x!tpu.dma_semaphore, #tpu.memory_space<semaphore_mem>>
    %dma_start3A_1448 = tpu.memref_squeeze %dma_start3A_1447 : memref<1x!tpu.dma_semaphore, #tpu.memory_space<semaphore_mem>> -> memref<!tpu.dma_semaphore, #tpu.memory_space<semaphore_mem>>
    tpu.enqueue_indirect_dma source(%dma_start3A_1440 : memref<128x128xf32, #tpu.memory_space<vmem>>) target(%dma_start3A_1446 : memref<2056x128xf32, #tpu.memory_space<vmem_shared>>) offsets(%dma_start3A_1443 : memref<128xi32, #tpu.memory_space<vmem>>) semaphore(%dma_start3A_1448 : memref<!tpu.dma_semaphore, #tpu.memory_space<semaphore_mem>>) {add = true}
    %dma_wait3A_1449 = arith.constant 2 : i32
    %dma_wait3A_1450 = arith.constant 0 : i32
    %dma_wait3A_1451 = arith.constant 2 : i32
    %dma_wait3A_1452 = arith.constant 0 : i32
    %dma_wait3A_1453 = arith.constant 0 : i32
    %dma_wait3A_1454 = tpu.memref_slice %arg6[%dma_wait3A_1449, %dma_wait3A_1452, %dma_wait3A_1453] : memref<5x128x128xf32, #tpu.memory_space<vmem>> -> memref<1x128x128xf32, #tpu.memory_space<vmem>>
    %dma_wait3A_1455 = tpu.memref_squeeze %dma_wait3A_1454 : memref<1x128x128xf32, #tpu.memory_space<vmem>> -> memref<128x128xf32, #tpu.memory_space<vmem>>
    %dma_wait3A_1456 = arith.constant 0 : i32
    %dma_wait3A_1457 = tpu.memref_slice %arg5[%dma_wait3A_1450, %dma_wait3A_1456] : memref<32x128xi32, #tpu.memory_space<vmem>> -> memref<1x128xi32, #tpu.memory_space<vmem>>
    %dma_wait3A_1458 = tpu.memref_squeeze %dma_wait3A_1457 : memref<1x128xi32, #tpu.memory_space<vmem>> -> memref<128xi32, #tpu.memory_space<vmem>>
    %dma_wait3A_1459 = arith.constant 0 : i32
    %dma_wait3A_1460 = arith.constant 0 : i32
    %dma_wait3A_1461 = tpu.memref_slice %arg8[%dma_wait3A_1459, %dma_wait3A_1460] : memref<2056x128xf32, #tpu.memory_space<vmem_shared>> -> memref<2056x128xf32, #tpu.memory_space<vmem_shared>>
    %dma_wait3A_1462 = tpu.memref_slice %arg10[%dma_wait3A_1451] : memref<5x!tpu.dma_semaphore, #tpu.memory_space<semaphore_mem>> -> memref<1x!tpu.dma_semaphore, #tpu.memory_space<semaphore_mem>>
    %dma_wait3A_1463 = tpu.memref_squeeze %dma_wait3A_1462 : memref<1x!tpu.dma_semaphore, #tpu.memory_space<semaphore_mem>> -> memref<!tpu.dma_semaphore, #tpu.memory_space<semaphore_mem>>
    tpu.wait_indirect_dma semaphore(%dma_wait3A_1463 : memref<!tpu.dma_semaphore, #tpu.memory_space<semaphore_mem>>) src(%dma_wait3A_1455 : memref<128x128xf32, #tpu.memory_space<vmem>>) dst(%dma_wait3A_1461 : memref<2056x128xf32, #tpu.memory_space<vmem_shared>>)
    %add3A_1464 = arith.constant 10 : i32
    %add3A_1465 = arith.addi %add3A_6, %add3A_1464 : i32
    %add3A_1466 = arith.constant 2 : i32
    %add3A_1467 = arith.addi %add3A_1465, %add3A_1466 : i32
    %lt3A_1468 = arith.constant 781 : i32
    %lt3A_1469 = arith.cmpi slt, %add3A_1467, %lt3A_1468 : i32
    %mul3A_1470 = arith.constant 128 : i32
    %mul3A_1471 = arith.muli %add3A_1467, %mul3A_1470 : i32
    %eq3A_1472 = arith.constant 781 : i32
    %eq3A_1473 = arith.cmpi eq, %add3A_1467, %eq3A_1472 : i32
    %jit3A_1474 = arith.constant 99872 : i32
    %jit3A_1475 = arith.constant 0 : i32
    %select_n3A_1476 = arith.select %eq3A_1473, %jit3A_1474, %jit3A_1475 : i32
    %select_n3A_1477 = arith.select %lt3A_1469, %mul3A_1471, %select_n3A_1476 : i32
    %dma_start3A_1478 = arith.constant 2 : i32
    %dma_start3A_1479 = arith.constant 2 : i32
    %dma_start3A_1480 = arith.constant 0 : i32
    %dma_start3A_1481 = arith.constant 0 : i32
    %dma_start3A_1482 = tpu.memref_slice %arg6[%dma_start3A_1478, %dma_start3A_1480, %dma_start3A_1481] : memref<5x128x128xf32, #tpu.memory_space<vmem>> -> memref<1x128x128xf32, #tpu.memory_space<vmem>>
    %dma_start3A_1483 = tpu.memref_squeeze %dma_start3A_1482 : memref<1x128x128xf32, #tpu.memory_space<vmem>> -> memref<128x128xf32, #tpu.memory_space<vmem>>
    %dma_start3A_1484 = arith.constant 0 : i32
    %dma_start3A_1485 = tpu.memref_slice %arg2[%select_n3A_1477, %dma_start3A_1484] : memref<100000x128xf32, #tpu.memory_space<hbm>> -> memref<128x128xf32, #tpu.memory_space<hbm>>
    %dma_start3A_1486 = tpu.memref_slice %arg9[%dma_start3A_1479] : memref<5x!tpu.dma_semaphore, #tpu.memory_space<semaphore_mem>> -> memref<1x!tpu.dma_semaphore, #tpu.memory_space<semaphore_mem>>
    %dma_start3A_1487 = tpu.memref_squeeze %dma_start3A_1486 : memref<1x!tpu.dma_semaphore, #tpu.memory_space<semaphore_mem>> -> memref<!tpu.dma_semaphore, #tpu.memory_space<semaphore_mem>>
    %dma_start3A_1488 = arith.constant 0 : i32
    %dma_start3A_1489 = arith.constant 0 : i32
    %dma_start3A_1490 = tpu.memref_slice %arg6[%dma_start3A_1478, %dma_start3A_1488, %dma_start3A_1489] : memref<5x128x128xf32, #tpu.memory_space<vmem>> -> memref<1x128x128xf32, #tpu.memory_space<vmem>>
    %dma_start3A_1491 = tpu.memref_squeeze %dma_start3A_1490 : memref<1x128x128xf32, #tpu.memory_space<vmem>> -> memref<128x128xf32, #tpu.memory_space<vmem>>
    %dma_start3A_1492 = arith.constant 0 : i32
    %dma_start3A_1493 = tpu.memref_slice %arg2[%select_n3A_1477, %dma_start3A_1492] : memref<100000x128xf32, #tpu.memory_space<hbm>> -> memref<128x128xf32, #tpu.memory_space<hbm>>
    tpu.enqueue_dma source(%dma_start3A_1493 : memref<128x128xf32, #tpu.memory_space<hbm>>) target(%dma_start3A_1491 : memref<128x128xf32, #tpu.memory_space<vmem>>) target_semaphore(%dma_start3A_1487 : memref<!tpu.dma_semaphore, #tpu.memory_space<semaphore_mem>>)
    %dma_wait3A_1494 = arith.constant 0 : i32
    %dma_wait3A_1495 = arith.constant 0 : i32
    %dma_wait3A_1496 = arith.constant 0 : i32
    %dma_wait3A_1497 = arith.constant 0 : i32
    %dma_wait3A_1498 = tpu.memref_slice %arg6[%dma_wait3A_1494, %dma_wait3A_1496, %dma_wait3A_1497] : memref<5x128x128xf32, #tpu.memory_space<vmem>> -> memref<1x128x128xf32, #tpu.memory_space<vmem>>
    %dma_wait3A_1499 = tpu.memref_squeeze %dma_wait3A_1498 : memref<1x128x128xf32, #tpu.memory_space<vmem>> -> memref<128x128xf32, #tpu.memory_space<vmem>>
    %dma_wait3A_1500 = arith.constant 0 : i32
    %dma_wait3A_1501 = arith.constant 0 : i32
    %dma_wait3A_1502 = tpu.memref_slice %arg2[%dma_wait3A_1500, %dma_wait3A_1501] : memref<100000x128xf32, #tpu.memory_space<hbm>> -> memref<128x128xf32, #tpu.memory_space<hbm>>
    %dma_wait3A_1503 = tpu.memref_slice %arg9[%dma_wait3A_1495] : memref<5x!tpu.dma_semaphore, #tpu.memory_space<semaphore_mem>> -> memref<1x!tpu.dma_semaphore, #tpu.memory_space<semaphore_mem>>
    %dma_wait3A_1504 = tpu.memref_squeeze %dma_wait3A_1503 : memref<1x!tpu.dma_semaphore, #tpu.memory_space<semaphore_mem>> -> memref<!tpu.dma_semaphore, #tpu.memory_space<semaphore_mem>>
    %dma_wait3A_1505 = arith.constant 0 : i32
    %dma_wait3A_1506 = arith.constant 0 : i32
    %dma_wait3A_1507 = tpu.memref_slice %arg6[%dma_wait3A_1494, %dma_wait3A_1505, %dma_wait3A_1506] : memref<5x128x128xf32, #tpu.memory_space<vmem>> -> memref<1x128x128xf32, #tpu.memory_space<vmem>>
    %dma_wait3A_1508 = tpu.memref_squeeze %dma_wait3A_1507 : memref<1x128x128xf32, #tpu.memory_space<vmem>> -> memref<128x128xf32, #tpu.memory_space<vmem>>
    %dma_wait3A_1509 = arith.constant 0 : i32
    %dma_wait3A_1510 = arith.constant 0 : i32
    %dma_wait3A_1511 = tpu.memref_slice %arg2[%dma_wait3A_1509, %dma_wait3A_1510] : memref<100000x128xf32, #tpu.memory_space<hbm>> -> memref<128x128xf32, #tpu.memory_space<hbm>>
    tpu.wait_dma2 semaphore(%dma_wait3A_1504 : memref<!tpu.dma_semaphore, #tpu.memory_space<semaphore_mem>>) src(%dma_wait3A_1511 : memref<128x128xf32, #tpu.memory_space<hbm>>) dst(%dma_wait3A_1508 : memref<128x128xf32, #tpu.memory_space<vmem>>)
    %add3A_1512 = arith.constant 10 : i32
    %add3A_1513 = arith.addi %sub3A_27, %add3A_1512 : i32
    %dma_start3A_1514 = arith.constant 0 : i32
    %dma_start3A_1515 = arith.constant 0 : i32
    %dma_start3A_1516 = arith.constant 0 : i32
    %dma_start3A_1517 = arith.constant 0 : i32
    %dma_start3A_1518 = tpu.memref_slice %arg6[%dma_start3A_1514, %dma_start3A_1516, %dma_start3A_1517] : memref<5x128x128xf32, #tpu.memory_space<vmem>> -> memref<1x128x128xf32, #tpu.memory_space<vmem>>
    %dma_start3A_1519 = tpu.memref_squeeze %dma_start3A_1518 : memref<1x128x128xf32, #tpu.memory_space<vmem>> -> memref<128x128xf32, #tpu.memory_space<vmem>>
    %dma_start3A_1520 = arith.constant 0 : i32
    %dma_start3A_1521 = tpu.memref_slice %arg5[%add3A_1513, %dma_start3A_1520] : memref<32x128xi32, #tpu.memory_space<vmem>> -> memref<1x128xi32, #tpu.memory_space<vmem>>
    %dma_start3A_1522 = tpu.memref_squeeze %dma_start3A_1521 : memref<1x128xi32, #tpu.memory_space<vmem>> -> memref<128xi32, #tpu.memory_space<vmem>>
    %dma_start3A_1523 = arith.constant 0 : i32
    %dma_start3A_1524 = arith.constant 0 : i32
    %dma_start3A_1525 = tpu.memref_slice %arg8[%dma_start3A_1523, %dma_start3A_1524] : memref<2056x128xf32, #tpu.memory_space<vmem_shared>> -> memref<2056x128xf32, #tpu.memory_space<vmem_shared>>
    %dma_start3A_1526 = tpu.memref_slice %arg10[%dma_start3A_1515] : memref<5x!tpu.dma_semaphore, #tpu.memory_space<semaphore_mem>> -> memref<1x!tpu.dma_semaphore, #tpu.memory_space<semaphore_mem>>
    %dma_start3A_1527 = tpu.memref_squeeze %dma_start3A_1526 : memref<1x!tpu.dma_semaphore, #tpu.memory_space<semaphore_mem>> -> memref<!tpu.dma_semaphore, #tpu.memory_space<semaphore_mem>>
    tpu.enqueue_indirect_dma source(%dma_start3A_1519 : memref<128x128xf32, #tpu.memory_space<vmem>>) target(%dma_start3A_1525 : memref<2056x128xf32, #tpu.memory_space<vmem_shared>>) offsets(%dma_start3A_1522 : memref<128xi32, #tpu.memory_space<vmem>>) semaphore(%dma_start3A_1527 : memref<!tpu.dma_semaphore, #tpu.memory_space<semaphore_mem>>) {add = true}
    %dma_wait3A_1528 = arith.constant 3 : i32
    %dma_wait3A_1529 = arith.constant 0 : i32
    %dma_wait3A_1530 = arith.constant 3 : i32
    %dma_wait3A_1531 = arith.constant 0 : i32
    %dma_wait3A_1532 = arith.constant 0 : i32
    %dma_wait3A_1533 = tpu.memref_slice %arg6[%dma_wait3A_1528, %dma_wait3A_1531, %dma_wait3A_1532] : memref<5x128x128xf32, #tpu.memory_space<vmem>> -> memref<1x128x128xf32, #tpu.memory_space<vmem>>
    %dma_wait3A_1534 = tpu.memref_squeeze %dma_wait3A_1533 : memref<1x128x128xf32, #tpu.memory_space<vmem>> -> memref<128x128xf32, #tpu.memory_space<vmem>>
    %dma_wait3A_1535 = arith.constant 0 : i32
    %dma_wait3A_1536 = tpu.memref_slice %arg5[%dma_wait3A_1529, %dma_wait3A_1535] : memref<32x128xi32, #tpu.memory_space<vmem>> -> memref<1x128xi32, #tpu.memory_space<vmem>>
    %dma_wait3A_1537 = tpu.memref_squeeze %dma_wait3A_1536 : memref<1x128xi32, #tpu.memory_space<vmem>> -> memref<128xi32, #tpu.memory_space<vmem>>
    %dma_wait3A_1538 = arith.constant 0 : i32
    %dma_wait3A_1539 = arith.constant 0 : i32
    %dma_wait3A_1540 = tpu.memref_slice %arg8[%dma_wait3A_1538, %dma_wait3A_1539] : memref<2056x128xf32, #tpu.memory_space<vmem_shared>> -> memref<2056x128xf32, #tpu.memory_space<vmem_shared>>
    %dma_wait3A_1541 = tpu.memref_slice %arg10[%dma_wait3A_1530] : memref<5x!tpu.dma_semaphore, #tpu.memory_space<semaphore_mem>> -> memref<1x!tpu.dma_semaphore, #tpu.memory_space<semaphore_mem>>
    %dma_wait3A_1542 = tpu.memref_squeeze %dma_wait3A_1541 : memref<1x!tpu.dma_semaphore, #tpu.memory_space<semaphore_mem>> -> memref<!tpu.dma_semaphore, #tpu.memory_space<semaphore_mem>>
    tpu.wait_indirect_dma semaphore(%dma_wait3A_1542 : memref<!tpu.dma_semaphore, #tpu.memory_space<semaphore_mem>>) src(%dma_wait3A_1534 : memref<128x128xf32, #tpu.memory_space<vmem>>) dst(%dma_wait3A_1540 : memref<2056x128xf32, #tpu.memory_space<vmem_shared>>)
    %add3A_1543 = arith.constant 11 : i32
    %add3A_1544 = arith.addi %add3A_6, %add3A_1543 : i32
    %add3A_1545 = arith.constant 2 : i32
    %add3A_1546 = arith.addi %add3A_1544, %add3A_1545 : i32
    %lt3A_1547 = arith.constant 781 : i32
    %lt3A_1548 = arith.cmpi slt, %add3A_1546, %lt3A_1547 : i32
    %mul3A_1549 = arith.constant 128 : i32
    %mul3A_1550 = arith.muli %add3A_1546, %mul3A_1549 : i32
    %eq3A_1551 = arith.constant 781 : i32
    %eq3A_1552 = arith.cmpi eq, %add3A_1546, %eq3A_1551 : i32
    %jit3A_1553 = arith.constant 99872 : i32
    %jit3A_1554 = arith.constant 0 : i32
    %select_n3A_1555 = arith.select %eq3A_1552, %jit3A_1553, %jit3A_1554 : i32
    %select_n3A_1556 = arith.select %lt3A_1548, %mul3A_1550, %select_n3A_1555 : i32
    %dma_start3A_1557 = arith.constant 3 : i32
    %dma_start3A_1558 = arith.constant 3 : i32
    %dma_start3A_1559 = arith.constant 0 : i32
    %dma_start3A_1560 = arith.constant 0 : i32
    %dma_start3A_1561 = tpu.memref_slice %arg6[%dma_start3A_1557, %dma_start3A_1559, %dma_start3A_1560] : memref<5x128x128xf32, #tpu.memory_space<vmem>> -> memref<1x128x128xf32, #tpu.memory_space<vmem>>
    %dma_start3A_1562 = tpu.memref_squeeze %dma_start3A_1561 : memref<1x128x128xf32, #tpu.memory_space<vmem>> -> memref<128x128xf32, #tpu.memory_space<vmem>>
    %dma_start3A_1563 = arith.constant 0 : i32
    %dma_start3A_1564 = tpu.memref_slice %arg2[%select_n3A_1556, %dma_start3A_1563] : memref<100000x128xf32, #tpu.memory_space<hbm>> -> memref<128x128xf32, #tpu.memory_space<hbm>>
    %dma_start3A_1565 = tpu.memref_slice %arg9[%dma_start3A_1558] : memref<5x!tpu.dma_semaphore, #tpu.memory_space<semaphore_mem>> -> memref<1x!tpu.dma_semaphore, #tpu.memory_space<semaphore_mem>>
    %dma_start3A_1566 = tpu.memref_squeeze %dma_start3A_1565 : memref<1x!tpu.dma_semaphore, #tpu.memory_space<semaphore_mem>> -> memref<!tpu.dma_semaphore, #tpu.memory_space<semaphore_mem>>
    %dma_start3A_1567 = arith.constant 0 : i32
    %dma_start3A_1568 = arith.constant 0 : i32
    %dma_start3A_1569 = tpu.memref_slice %arg6[%dma_start3A_1557, %dma_start3A_1567, %dma_start3A_1568] : memref<5x128x128xf32, #tpu.memory_space<vmem>> -> memref<1x128x128xf32, #tpu.memory_space<vmem>>
    %dma_start3A_1570 = tpu.memref_squeeze %dma_start3A_1569 : memref<1x128x128xf32, #tpu.memory_space<vmem>> -> memref<128x128xf32, #tpu.memory_space<vmem>>
    %dma_start3A_1571 = arith.constant 0 : i32
    %dma_start3A_1572 = tpu.memref_slice %arg2[%select_n3A_1556, %dma_start3A_1571] : memref<100000x128xf32, #tpu.memory_space<hbm>> -> memref<128x128xf32, #tpu.memory_space<hbm>>
    tpu.enqueue_dma source(%dma_start3A_1572 : memref<128x128xf32, #tpu.memory_space<hbm>>) target(%dma_start3A_1570 : memref<128x128xf32, #tpu.memory_space<vmem>>) target_semaphore(%dma_start3A_1566 : memref<!tpu.dma_semaphore, #tpu.memory_space<semaphore_mem>>)
    %dma_wait3A_1573 = arith.constant 1 : i32
    %dma_wait3A_1574 = arith.constant 1 : i32
    %dma_wait3A_1575 = arith.constant 0 : i32
    %dma_wait3A_1576 = arith.constant 0 : i32
    %dma_wait3A_1577 = tpu.memref_slice %arg6[%dma_wait3A_1573, %dma_wait3A_1575, %dma_wait3A_1576] : memref<5x128x128xf32, #tpu.memory_space<vmem>> -> memref<1x128x128xf32, #tpu.memory_space<vmem>>
    %dma_wait3A_1578 = tpu.memref_squeeze %dma_wait3A_1577 : memref<1x128x128xf32, #tpu.memory_space<vmem>> -> memref<128x128xf32, #tpu.memory_space<vmem>>
    %dma_wait3A_1579 = arith.constant 0 : i32
    %dma_wait3A_1580 = arith.constant 0 : i32
    %dma_wait3A_1581 = tpu.memref_slice %arg2[%dma_wait3A_1579, %dma_wait3A_1580] : memref<100000x128xf32, #tpu.memory_space<hbm>> -> memref<128x128xf32, #tpu.memory_space<hbm>>
    %dma_wait3A_1582 = tpu.memref_slice %arg9[%dma_wait3A_1574] : memref<5x!tpu.dma_semaphore, #tpu.memory_space<semaphore_mem>> -> memref<1x!tpu.dma_semaphore, #tpu.memory_space<semaphore_mem>>
    %dma_wait3A_1583 = tpu.memref_squeeze %dma_wait3A_1582 : memref<1x!tpu.dma_semaphore, #tpu.memory_space<semaphore_mem>> -> memref<!tpu.dma_semaphore, #tpu.memory_space<semaphore_mem>>
    %dma_wait3A_1584 = arith.constant 0 : i32
    %dma_wait3A_1585 = arith.constant 0 : i32
    %dma_wait3A_1586 = tpu.memref_slice %arg6[%dma_wait3A_1573, %dma_wait3A_1584, %dma_wait3A_1585] : memref<5x128x128xf32, #tpu.memory_space<vmem>> -> memref<1x128x128xf32, #tpu.memory_space<vmem>>
    %dma_wait3A_1587 = tpu.memref_squeeze %dma_wait3A_1586 : memref<1x128x128xf32, #tpu.memory_space<vmem>> -> memref<128x128xf32, #tpu.memory_space<vmem>>
    %dma_wait3A_1588 = arith.constant 0 : i32
    %dma_wait3A_1589 = arith.constant 0 : i32
    %dma_wait3A_1590 = tpu.memref_slice %arg2[%dma_wait3A_1588, %dma_wait3A_1589] : memref<100000x128xf32, #tpu.memory_space<hbm>> -> memref<128x128xf32, #tpu.memory_space<hbm>>
    tpu.wait_dma2 semaphore(%dma_wait3A_1583 : memref<!tpu.dma_semaphore, #tpu.memory_space<semaphore_mem>>) src(%dma_wait3A_1590 : memref<128x128xf32, #tpu.memory_space<hbm>>) dst(%dma_wait3A_1587 : memref<128x128xf32, #tpu.memory_space<vmem>>)
    %add3A_1591 = arith.constant 11 : i32
    %add3A_1592 = arith.addi %sub3A_27, %add3A_1591 : i32
    %dma_start3A_1593 = arith.constant 1 : i32
    %dma_start3A_1594 = arith.constant 1 : i32
    %dma_start3A_1595 = arith.constant 0 : i32
    %dma_start3A_1596 = arith.constant 0 : i32
    %dma_start3A_1597 = tpu.memref_slice %arg6[%dma_start3A_1593, %dma_start3A_1595, %dma_start3A_1596] : memref<5x128x128xf32, #tpu.memory_space<vmem>> -> memref<1x128x128xf32, #tpu.memory_space<vmem>>
    %dma_start3A_1598 = tpu.memref_squeeze %dma_start3A_1597 : memref<1x128x128xf32, #tpu.memory_space<vmem>> -> memref<128x128xf32, #tpu.memory_space<vmem>>
    %dma_start3A_1599 = arith.constant 0 : i32
    %dma_start3A_1600 = tpu.memref_slice %arg5[%add3A_1592, %dma_start3A_1599] : memref<32x128xi32, #tpu.memory_space<vmem>> -> memref<1x128xi32, #tpu.memory_space<vmem>>
    %dma_start3A_1601 = tpu.memref_squeeze %dma_start3A_1600 : memref<1x128xi32, #tpu.memory_space<vmem>> -> memref<128xi32, #tpu.memory_space<vmem>>
    %dma_start3A_1602 = arith.constant 0 : i32
    %dma_start3A_1603 = arith.constant 0 : i32
    %dma_start3A_1604 = tpu.memref_slice %arg8[%dma_start3A_1602, %dma_start3A_1603] : memref<2056x128xf32, #tpu.memory_space<vmem_shared>> -> memref<2056x128xf32, #tpu.memory_space<vmem_shared>>
    %dma_start3A_1605 = tpu.memref_slice %arg10[%dma_start3A_1594] : memref<5x!tpu.dma_semaphore, #tpu.memory_space<semaphore_mem>> -> memref<1x!tpu.dma_semaphore, #tpu.memory_space<semaphore_mem>>
    %dma_start3A_1606 = tpu.memref_squeeze %dma_start3A_1605 : memref<1x!tpu.dma_semaphore, #tpu.memory_space<semaphore_mem>> -> memref<!tpu.dma_semaphore, #tpu.memory_space<semaphore_mem>>
    tpu.enqueue_indirect_dma source(%dma_start3A_1598 : memref<128x128xf32, #tpu.memory_space<vmem>>) target(%dma_start3A_1604 : memref<2056x128xf32, #tpu.memory_space<vmem_shared>>) offsets(%dma_start3A_1601 : memref<128xi32, #tpu.memory_space<vmem>>) semaphore(%dma_start3A_1606 : memref<!tpu.dma_semaphore, #tpu.memory_space<semaphore_mem>>) {add = true}
    %dma_wait3A_1607 = arith.constant 4 : i32
    %dma_wait3A_1608 = arith.constant 0 : i32
    %dma_wait3A_1609 = arith.constant 4 : i32
    %dma_wait3A_1610 = arith.constant 0 : i32
    %dma_wait3A_1611 = arith.constant 0 : i32
    %dma_wait3A_1612 = tpu.memref_slice %arg6[%dma_wait3A_1607, %dma_wait3A_1610, %dma_wait3A_1611] : memref<5x128x128xf32, #tpu.memory_space<vmem>> -> memref<1x128x128xf32, #tpu.memory_space<vmem>>
    %dma_wait3A_1613 = tpu.memref_squeeze %dma_wait3A_1612 : memref<1x128x128xf32, #tpu.memory_space<vmem>> -> memref<128x128xf32, #tpu.memory_space<vmem>>
    %dma_wait3A_1614 = arith.constant 0 : i32
    %dma_wait3A_1615 = tpu.memref_slice %arg5[%dma_wait3A_1608, %dma_wait3A_1614] : memref<32x128xi32, #tpu.memory_space<vmem>> -> memref<1x128xi32, #tpu.memory_space<vmem>>
    %dma_wait3A_1616 = tpu.memref_squeeze %dma_wait3A_1615 : memref<1x128xi32, #tpu.memory_space<vmem>> -> memref<128xi32, #tpu.memory_space<vmem>>
    %dma_wait3A_1617 = arith.constant 0 : i32
    %dma_wait3A_1618 = arith.constant 0 : i32
    %dma_wait3A_1619 = tpu.memref_slice %arg8[%dma_wait3A_1617, %dma_wait3A_1618] : memref<2056x128xf32, #tpu.memory_space<vmem_shared>> -> memref<2056x128xf32, #tpu.memory_space<vmem_shared>>
    %dma_wait3A_1620 = tpu.memref_slice %arg10[%dma_wait3A_1609] : memref<5x!tpu.dma_semaphore, #tpu.memory_space<semaphore_mem>> -> memref<1x!tpu.dma_semaphore, #tpu.memory_space<semaphore_mem>>
    %dma_wait3A_1621 = tpu.memref_squeeze %dma_wait3A_1620 : memref<1x!tpu.dma_semaphore, #tpu.memory_space<semaphore_mem>> -> memref<!tpu.dma_semaphore, #tpu.memory_space<semaphore_mem>>
    tpu.wait_indirect_dma semaphore(%dma_wait3A_1621 : memref<!tpu.dma_semaphore, #tpu.memory_space<semaphore_mem>>) src(%dma_wait3A_1613 : memref<128x128xf32, #tpu.memory_space<vmem>>) dst(%dma_wait3A_1619 : memref<2056x128xf32, #tpu.memory_space<vmem_shared>>)
    %add3A_1622 = arith.constant 12 : i32
    %add3A_1623 = arith.addi %add3A_6, %add3A_1622 : i32
    %add3A_1624 = arith.constant 2 : i32
    %add3A_1625 = arith.addi %add3A_1623, %add3A_1624 : i32
    %lt3A_1626 = arith.constant 781 : i32
    %lt3A_1627 = arith.cmpi slt, %add3A_1625, %lt3A_1626 : i32
    %mul3A_1628 = arith.constant 128 : i32
    %mul3A_1629 = arith.muli %add3A_1625, %mul3A_1628 : i32
    %eq3A_1630 = arith.constant 781 : i32
    %eq3A_1631 = arith.cmpi eq, %add3A_1625, %eq3A_1630 : i32
    %jit3A_1632 = arith.constant 99872 : i32
    %jit3A_1633 = arith.constant 0 : i32
    %select_n3A_1634 = arith.select %eq3A_1631, %jit3A_1632, %jit3A_1633 : i32
    %select_n3A_1635 = arith.select %lt3A_1627, %mul3A_1629, %select_n3A_1634 : i32
    %dma_start3A_1636 = arith.constant 4 : i32
    %dma_start3A_1637 = arith.constant 4 : i32
    %dma_start3A_1638 = arith.constant 0 : i32
    %dma_start3A_1639 = arith.constant 0 : i32
    %dma_start3A_1640 = tpu.memref_slice %arg6[%dma_start3A_1636, %dma_start3A_1638, %dma_start3A_1639] : memref<5x128x128xf32, #tpu.memory_space<vmem>> -> memref<1x128x128xf32, #tpu.memory_space<vmem>>
    %dma_start3A_1641 = tpu.memref_squeeze %dma_start3A_1640 : memref<1x128x128xf32, #tpu.memory_space<vmem>> -> memref<128x128xf32, #tpu.memory_space<vmem>>
    %dma_start3A_1642 = arith.constant 0 : i32
    %dma_start3A_1643 = tpu.memref_slice %arg2[%select_n3A_1635, %dma_start3A_1642] : memref<100000x128xf32, #tpu.memory_space<hbm>> -> memref<128x128xf32, #tpu.memory_space<hbm>>
    %dma_start3A_1644 = tpu.memref_slice %arg9[%dma_start3A_1637] : memref<5x!tpu.dma_semaphore, #tpu.memory_space<semaphore_mem>> -> memref<1x!tpu.dma_semaphore, #tpu.memory_space<semaphore_mem>>
    %dma_start3A_1645 = tpu.memref_squeeze %dma_start3A_1644 : memref<1x!tpu.dma_semaphore, #tpu.memory_space<semaphore_mem>> -> memref<!tpu.dma_semaphore, #tpu.memory_space<semaphore_mem>>
    %dma_start3A_1646 = arith.constant 0 : i32
    %dma_start3A_1647 = arith.constant 0 : i32
    %dma_start3A_1648 = tpu.memref_slice %arg6[%dma_start3A_1636, %dma_start3A_1646, %dma_start3A_1647] : memref<5x128x128xf32, #tpu.memory_space<vmem>> -> memref<1x128x128xf32, #tpu.memory_space<vmem>>
    %dma_start3A_1649 = tpu.memref_squeeze %dma_start3A_1648 : memref<1x128x128xf32, #tpu.memory_space<vmem>> -> memref<128x128xf32, #tpu.memory_space<vmem>>
    %dma_start3A_1650 = arith.constant 0 : i32
    %dma_start3A_1651 = tpu.memref_slice %arg2[%select_n3A_1635, %dma_start3A_1650] : memref<100000x128xf32, #tpu.memory_space<hbm>> -> memref<128x128xf32, #tpu.memory_space<hbm>>
    tpu.enqueue_dma source(%dma_start3A_1651 : memref<128x128xf32, #tpu.memory_space<hbm>>) target(%dma_start3A_1649 : memref<128x128xf32, #tpu.memory_space<vmem>>) target_semaphore(%dma_start3A_1645 : memref<!tpu.dma_semaphore, #tpu.memory_space<semaphore_mem>>)
    %dma_wait3A_1652 = arith.constant 2 : i32
    %dma_wait3A_1653 = arith.constant 2 : i32
    %dma_wait3A_1654 = arith.constant 0 : i32
    %dma_wait3A_1655 = arith.constant 0 : i32
    %dma_wait3A_1656 = tpu.memref_slice %arg6[%dma_wait3A_1652, %dma_wait3A_1654, %dma_wait3A_1655] : memref<5x128x128xf32, #tpu.memory_space<vmem>> -> memref<1x128x128xf32, #tpu.memory_space<vmem>>
    %dma_wait3A_1657 = tpu.memref_squeeze %dma_wait3A_1656 : memref<1x128x128xf32, #tpu.memory_space<vmem>> -> memref<128x128xf32, #tpu.memory_space<vmem>>
    %dma_wait3A_1658 = arith.constant 0 : i32
    %dma_wait3A_1659 = arith.constant 0 : i32
    %dma_wait3A_1660 = tpu.memref_slice %arg2[%dma_wait3A_1658, %dma_wait3A_1659] : memref<100000x128xf32, #tpu.memory_space<hbm>> -> memref<128x128xf32, #tpu.memory_space<hbm>>
    %dma_wait3A_1661 = tpu.memref_slice %arg9[%dma_wait3A_1653] : memref<5x!tpu.dma_semaphore, #tpu.memory_space<semaphore_mem>> -> memref<1x!tpu.dma_semaphore, #tpu.memory_space<semaphore_mem>>
    %dma_wait3A_1662 = tpu.memref_squeeze %dma_wait3A_1661 : memref<1x!tpu.dma_semaphore, #tpu.memory_space<semaphore_mem>> -> memref<!tpu.dma_semaphore, #tpu.memory_space<semaphore_mem>>
    %dma_wait3A_1663 = arith.constant 0 : i32
    %dma_wait3A_1664 = arith.constant 0 : i32
    %dma_wait3A_1665 = tpu.memref_slice %arg6[%dma_wait3A_1652, %dma_wait3A_1663, %dma_wait3A_1664] : memref<5x128x128xf32, #tpu.memory_space<vmem>> -> memref<1x128x128xf32, #tpu.memory_space<vmem>>
    %dma_wait3A_1666 = tpu.memref_squeeze %dma_wait3A_1665 : memref<1x128x128xf32, #tpu.memory_space<vmem>> -> memref<128x128xf32, #tpu.memory_space<vmem>>
    %dma_wait3A_1667 = arith.constant 0 : i32
    %dma_wait3A_1668 = arith.constant 0 : i32
    %dma_wait3A_1669 = tpu.memref_slice %arg2[%dma_wait3A_1667, %dma_wait3A_1668] : memref<100000x128xf32, #tpu.memory_space<hbm>> -> memref<128x128xf32, #tpu.memory_space<hbm>>
    tpu.wait_dma2 semaphore(%dma_wait3A_1662 : memref<!tpu.dma_semaphore, #tpu.memory_space<semaphore_mem>>) src(%dma_wait3A_1669 : memref<128x128xf32, #tpu.memory_space<hbm>>) dst(%dma_wait3A_1666 : memref<128x128xf32, #tpu.memory_space<vmem>>)
    %add3A_1670 = arith.constant 12 : i32
    %add3A_1671 = arith.addi %sub3A_27, %add3A_1670 : i32
    %dma_start3A_1672 = arith.constant 2 : i32
    %dma_start3A_1673 = arith.constant 2 : i32
    %dma_start3A_1674 = arith.constant 0 : i32
    %dma_start3A_1675 = arith.constant 0 : i32
    %dma_start3A_1676 = tpu.memref_slice %arg6[%dma_start3A_1672, %dma_start3A_1674, %dma_start3A_1675] : memref<5x128x128xf32, #tpu.memory_space<vmem>> -> memref<1x128x128xf32, #tpu.memory_space<vmem>>
    %dma_start3A_1677 = tpu.memref_squeeze %dma_start3A_1676 : memref<1x128x128xf32, #tpu.memory_space<vmem>> -> memref<128x128xf32, #tpu.memory_space<vmem>>
    %dma_start3A_1678 = arith.constant 0 : i32
    %dma_start3A_1679 = tpu.memref_slice %arg5[%add3A_1671, %dma_start3A_1678] : memref<32x128xi32, #tpu.memory_space<vmem>> -> memref<1x128xi32, #tpu.memory_space<vmem>>
    %dma_start3A_1680 = tpu.memref_squeeze %dma_start3A_1679 : memref<1x128xi32, #tpu.memory_space<vmem>> -> memref<128xi32, #tpu.memory_space<vmem>>
    %dma_start3A_1681 = arith.constant 0 : i32
    %dma_start3A_1682 = arith.constant 0 : i32
    %dma_start3A_1683 = tpu.memref_slice %arg8[%dma_start3A_1681, %dma_start3A_1682] : memref<2056x128xf32, #tpu.memory_space<vmem_shared>> -> memref<2056x128xf32, #tpu.memory_space<vmem_shared>>
    %dma_start3A_1684 = tpu.memref_slice %arg10[%dma_start3A_1673] : memref<5x!tpu.dma_semaphore, #tpu.memory_space<semaphore_mem>> -> memref<1x!tpu.dma_semaphore, #tpu.memory_space<semaphore_mem>>
    %dma_start3A_1685 = tpu.memref_squeeze %dma_start3A_1684 : memref<1x!tpu.dma_semaphore, #tpu.memory_space<semaphore_mem>> -> memref<!tpu.dma_semaphore, #tpu.memory_space<semaphore_mem>>
    tpu.enqueue_indirect_dma source(%dma_start3A_1677 : memref<128x128xf32, #tpu.memory_space<vmem>>) target(%dma_start3A_1683 : memref<2056x128xf32, #tpu.memory_space<vmem_shared>>) offsets(%dma_start3A_1680 : memref<128xi32, #tpu.memory_space<vmem>>) semaphore(%dma_start3A_1685 : memref<!tpu.dma_semaphore, #tpu.memory_space<semaphore_mem>>) {add = true}
    %dma_wait3A_1686 = arith.constant 0 : i32
    %dma_wait3A_1687 = arith.constant 0 : i32
    %dma_wait3A_1688 = arith.constant 0 : i32
    %dma_wait3A_1689 = arith.constant 0 : i32
    %dma_wait3A_1690 = arith.constant 0 : i32
    %dma_wait3A_1691 = tpu.memref_slice %arg6[%dma_wait3A_1686, %dma_wait3A_1689, %dma_wait3A_1690] : memref<5x128x128xf32, #tpu.memory_space<vmem>> -> memref<1x128x128xf32, #tpu.memory_space<vmem>>
    %dma_wait3A_1692 = tpu.memref_squeeze %dma_wait3A_1691 : memref<1x128x128xf32, #tpu.memory_space<vmem>> -> memref<128x128xf32, #tpu.memory_space<vmem>>
    %dma_wait3A_1693 = arith.constant 0 : i32
    %dma_wait3A_1694 = tpu.memref_slice %arg5[%dma_wait3A_1687, %dma_wait3A_1693] : memref<32x128xi32, #tpu.memory_space<vmem>> -> memref<1x128xi32, #tpu.memory_space<vmem>>
    %dma_wait3A_1695 = tpu.memref_squeeze %dma_wait3A_1694 : memref<1x128xi32, #tpu.memory_space<vmem>> -> memref<128xi32, #tpu.memory_space<vmem>>
    %dma_wait3A_1696 = arith.constant 0 : i32
    %dma_wait3A_1697 = arith.constant 0 : i32
    %dma_wait3A_1698 = tpu.memref_slice %arg8[%dma_wait3A_1696, %dma_wait3A_1697] : memref<2056x128xf32, #tpu.memory_space<vmem_shared>> -> memref<2056x128xf32, #tpu.memory_space<vmem_shared>>
    %dma_wait3A_1699 = tpu.memref_slice %arg10[%dma_wait3A_1688] : memref<5x!tpu.dma_semaphore, #tpu.memory_space<semaphore_mem>> -> memref<1x!tpu.dma_semaphore, #tpu.memory_space<semaphore_mem>>
    %dma_wait3A_1700 = tpu.memref_squeeze %dma_wait3A_1699 : memref<1x!tpu.dma_semaphore, #tpu.memory_space<semaphore_mem>> -> memref<!tpu.dma_semaphore, #tpu.memory_space<semaphore_mem>>
    tpu.wait_indirect_dma semaphore(%dma_wait3A_1700 : memref<!tpu.dma_semaphore, #tpu.memory_space<semaphore_mem>>) src(%dma_wait3A_1692 : memref<128x128xf32, #tpu.memory_space<vmem>>) dst(%dma_wait3A_1698 : memref<2056x128xf32, #tpu.memory_space<vmem_shared>>)
    %add3A_1701 = arith.constant 13 : i32
    %add3A_1702 = arith.addi %add3A_6, %add3A_1701 : i32
    %add3A_1703 = arith.constant 2 : i32
    %add3A_1704 = arith.addi %add3A_1702, %add3A_1703 : i32
    %lt3A_1705 = arith.constant 781 : i32
    %lt3A_1706 = arith.cmpi slt, %add3A_1704, %lt3A_1705 : i32
    %mul3A_1707 = arith.constant 128 : i32
    %mul3A_1708 = arith.muli %add3A_1704, %mul3A_1707 : i32
    %eq3A_1709 = arith.constant 781 : i32
    %eq3A_1710 = arith.cmpi eq, %add3A_1704, %eq3A_1709 : i32
    %jit3A_1711 = arith.constant 99872 : i32
    %jit3A_1712 = arith.constant 0 : i32
    %select_n3A_1713 = arith.select %eq3A_1710, %jit3A_1711, %jit3A_1712 : i32
    %select_n3A_1714 = arith.select %lt3A_1706, %mul3A_1708, %select_n3A_1713 : i32
    %dma_start3A_1715 = arith.constant 0 : i32
    %dma_start3A_1716 = arith.constant 0 : i32
    %dma_start3A_1717 = arith.constant 0 : i32
    %dma_start3A_1718 = arith.constant 0 : i32
    %dma_start3A_1719 = tpu.memref_slice %arg6[%dma_start3A_1715, %dma_start3A_1717, %dma_start3A_1718] : memref<5x128x128xf32, #tpu.memory_space<vmem>> -> memref<1x128x128xf32, #tpu.memory_space<vmem>>
    %dma_start3A_1720 = tpu.memref_squeeze %dma_start3A_1719 : memref<1x128x128xf32, #tpu.memory_space<vmem>> -> memref<128x128xf32, #tpu.memory_space<vmem>>
    %dma_start3A_1721 = arith.constant 0 : i32
    %dma_start3A_1722 = tpu.memref_slice %arg2[%select_n3A_1714, %dma_start3A_1721] : memref<100000x128xf32, #tpu.memory_space<hbm>> -> memref<128x128xf32, #tpu.memory_space<hbm>>
    %dma_start3A_1723 = tpu.memref_slice %arg9[%dma_start3A_1716] : memref<5x!tpu.dma_semaphore, #tpu.memory_space<semaphore_mem>> -> memref<1x!tpu.dma_semaphore, #tpu.memory_space<semaphore_mem>>
    %dma_start3A_1724 = tpu.memref_squeeze %dma_start3A_1723 : memref<1x!tpu.dma_semaphore, #tpu.memory_space<semaphore_mem>> -> memref<!tpu.dma_semaphore, #tpu.memory_space<semaphore_mem>>
    %dma_start3A_1725 = arith.constant 0 : i32
    %dma_start3A_1726 = arith.constant 0 : i32
    %dma_start3A_1727 = tpu.memref_slice %arg6[%dma_start3A_1715, %dma_start3A_1725, %dma_start3A_1726] : memref<5x128x128xf32, #tpu.memory_space<vmem>> -> memref<1x128x128xf32, #tpu.memory_space<vmem>>
    %dma_start3A_1728 = tpu.memref_squeeze %dma_start3A_1727 : memref<1x128x128xf32, #tpu.memory_space<vmem>> -> memref<128x128xf32, #tpu.memory_space<vmem>>
    %dma_start3A_1729 = arith.constant 0 : i32
    %dma_start3A_1730 = tpu.memref_slice %arg2[%select_n3A_1714, %dma_start3A_1729] : memref<100000x128xf32, #tpu.memory_space<hbm>> -> memref<128x128xf32, #tpu.memory_space<hbm>>
    tpu.enqueue_dma source(%dma_start3A_1730 : memref<128x128xf32, #tpu.memory_space<hbm>>) target(%dma_start3A_1728 : memref<128x128xf32, #tpu.memory_space<vmem>>) target_semaphore(%dma_start3A_1724 : memref<!tpu.dma_semaphore, #tpu.memory_space<semaphore_mem>>)
    %dma_wait3A_1731 = arith.constant 3 : i32
    %dma_wait3A_1732 = arith.constant 3 : i32
    %dma_wait3A_1733 = arith.constant 0 : i32
    %dma_wait3A_1734 = arith.constant 0 : i32
    %dma_wait3A_1735 = tpu.memref_slice %arg6[%dma_wait3A_1731, %dma_wait3A_1733, %dma_wait3A_1734] : memref<5x128x128xf32, #tpu.memory_space<vmem>> -> memref<1x128x128xf32, #tpu.memory_space<vmem>>
    %dma_wait3A_1736 = tpu.memref_squeeze %dma_wait3A_1735 : memref<1x128x128xf32, #tpu.memory_space<vmem>> -> memref<128x128xf32, #tpu.memory_space<vmem>>
    %dma_wait3A_1737 = arith.constant 0 : i32
    %dma_wait3A_1738 = arith.constant 0 : i32
    %dma_wait3A_1739 = tpu.memref_slice %arg2[%dma_wait3A_1737, %dma_wait3A_1738] : memref<100000x128xf32, #tpu.memory_space<hbm>> -> memref<128x128xf32, #tpu.memory_space<hbm>>
    %dma_wait3A_1740 = tpu.memref_slice %arg9[%dma_wait3A_1732] : memref<5x!tpu.dma_semaphore, #tpu.memory_space<semaphore_mem>> -> memref<1x!tpu.dma_semaphore, #tpu.memory_space<semaphore_mem>>
    %dma_wait3A_1741 = tpu.memref_squeeze %dma_wait3A_1740 : memref<1x!tpu.dma_semaphore, #tpu.memory_space<semaphore_mem>> -> memref<!tpu.dma_semaphore, #tpu.memory_space<semaphore_mem>>
    %dma_wait3A_1742 = arith.constant 0 : i32
    %dma_wait3A_1743 = arith.constant 0 : i32
    %dma_wait3A_1744 = tpu.memref_slice %arg6[%dma_wait3A_1731, %dma_wait3A_1742, %dma_wait3A_1743] : memref<5x128x128xf32, #tpu.memory_space<vmem>> -> memref<1x128x128xf32, #tpu.memory_space<vmem>>
    %dma_wait3A_1745 = tpu.memref_squeeze %dma_wait3A_1744 : memref<1x128x128xf32, #tpu.memory_space<vmem>> -> memref<128x128xf32, #tpu.memory_space<vmem>>
    %dma_wait3A_1746 = arith.constant 0 : i32
    %dma_wait3A_1747 = arith.constant 0 : i32
    %dma_wait3A_1748 = tpu.memref_slice %arg2[%dma_wait3A_1746, %dma_wait3A_1747] : memref<100000x128xf32, #tpu.memory_space<hbm>> -> memref<128x128xf32, #tpu.memory_space<hbm>>
    tpu.wait_dma2 semaphore(%dma_wait3A_1741 : memref<!tpu.dma_semaphore, #tpu.memory_space<semaphore_mem>>) src(%dma_wait3A_1748 : memref<128x128xf32, #tpu.memory_space<hbm>>) dst(%dma_wait3A_1745 : memref<128x128xf32, #tpu.memory_space<vmem>>)
    %add3A_1749 = arith.constant 13 : i32
    %add3A_1750 = arith.addi %sub3A_27, %add3A_1749 : i32
    %dma_start3A_1751 = arith.constant 3 : i32
    %dma_start3A_1752 = arith.constant 3 : i32
    %dma_start3A_1753 = arith.constant 0 : i32
    %dma_start3A_1754 = arith.constant 0 : i32
    %dma_start3A_1755 = tpu.memref_slice %arg6[%dma_start3A_1751, %dma_start3A_1753, %dma_start3A_1754] : memref<5x128x128xf32, #tpu.memory_space<vmem>> -> memref<1x128x128xf32, #tpu.memory_space<vmem>>
    %dma_start3A_1756 = tpu.memref_squeeze %dma_start3A_1755 : memref<1x128x128xf32, #tpu.memory_space<vmem>> -> memref<128x128xf32, #tpu.memory_space<vmem>>
    %dma_start3A_1757 = arith.constant 0 : i32
    %dma_start3A_1758 = tpu.memref_slice %arg5[%add3A_1750, %dma_start3A_1757] : memref<32x128xi32, #tpu.memory_space<vmem>> -> memref<1x128xi32, #tpu.memory_space<vmem>>
    %dma_start3A_1759 = tpu.memref_squeeze %dma_start3A_1758 : memref<1x128xi32, #tpu.memory_space<vmem>> -> memref<128xi32, #tpu.memory_space<vmem>>
    %dma_start3A_1760 = arith.constant 0 : i32
    %dma_start3A_1761 = arith.constant 0 : i32
    %dma_start3A_1762 = tpu.memref_slice %arg8[%dma_start3A_1760, %dma_start3A_1761] : memref<2056x128xf32, #tpu.memory_space<vmem_shared>> -> memref<2056x128xf32, #tpu.memory_space<vmem_shared>>
    %dma_start3A_1763 = tpu.memref_slice %arg10[%dma_start3A_1752] : memref<5x!tpu.dma_semaphore, #tpu.memory_space<semaphore_mem>> -> memref<1x!tpu.dma_semaphore, #tpu.memory_space<semaphore_mem>>
    %dma_start3A_1764 = tpu.memref_squeeze %dma_start3A_1763 : memref<1x!tpu.dma_semaphore, #tpu.memory_space<semaphore_mem>> -> memref<!tpu.dma_semaphore, #tpu.memory_space<semaphore_mem>>
    tpu.enqueue_indirect_dma source(%dma_start3A_1756 : memref<128x128xf32, #tpu.memory_space<vmem>>) target(%dma_start3A_1762 : memref<2056x128xf32, #tpu.memory_space<vmem_shared>>) offsets(%dma_start3A_1759 : memref<128xi32, #tpu.memory_space<vmem>>) semaphore(%dma_start3A_1764 : memref<!tpu.dma_semaphore, #tpu.memory_space<semaphore_mem>>) {add = true}
    %dma_wait3A_1765 = arith.constant 1 : i32
    %dma_wait3A_1766 = arith.constant 0 : i32
    %dma_wait3A_1767 = arith.constant 1 : i32
    %dma_wait3A_1768 = arith.constant 0 : i32
    %dma_wait3A_1769 = arith.constant 0 : i32
    %dma_wait3A_1770 = tpu.memref_slice %arg6[%dma_wait3A_1765, %dma_wait3A_1768, %dma_wait3A_1769] : memref<5x128x128xf32, #tpu.memory_space<vmem>> -> memref<1x128x128xf32, #tpu.memory_space<vmem>>
    %dma_wait3A_1771 = tpu.memref_squeeze %dma_wait3A_1770 : memref<1x128x128xf32, #tpu.memory_space<vmem>> -> memref<128x128xf32, #tpu.memory_space<vmem>>
    %dma_wait3A_1772 = arith.constant 0 : i32
    %dma_wait3A_1773 = tpu.memref_slice %arg5[%dma_wait3A_1766, %dma_wait3A_1772] : memref<32x128xi32, #tpu.memory_space<vmem>> -> memref<1x128xi32, #tpu.memory_space<vmem>>
    %dma_wait3A_1774 = tpu.memref_squeeze %dma_wait3A_1773 : memref<1x128xi32, #tpu.memory_space<vmem>> -> memref<128xi32, #tpu.memory_space<vmem>>
    %dma_wait3A_1775 = arith.constant 0 : i32
    %dma_wait3A_1776 = arith.constant 0 : i32
    %dma_wait3A_1777 = tpu.memref_slice %arg8[%dma_wait3A_1775, %dma_wait3A_1776] : memref<2056x128xf32, #tpu.memory_space<vmem_shared>> -> memref<2056x128xf32, #tpu.memory_space<vmem_shared>>
    %dma_wait3A_1778 = tpu.memref_slice %arg10[%dma_wait3A_1767] : memref<5x!tpu.dma_semaphore, #tpu.memory_space<semaphore_mem>> -> memref<1x!tpu.dma_semaphore, #tpu.memory_space<semaphore_mem>>
    %dma_wait3A_1779 = tpu.memref_squeeze %dma_wait3A_1778 : memref<1x!tpu.dma_semaphore, #tpu.memory_space<semaphore_mem>> -> memref<!tpu.dma_semaphore, #tpu.memory_space<semaphore_mem>>
    tpu.wait_indirect_dma semaphore(%dma_wait3A_1779 : memref<!tpu.dma_semaphore, #tpu.memory_space<semaphore_mem>>) src(%dma_wait3A_1771 : memref<128x128xf32, #tpu.memory_space<vmem>>) dst(%dma_wait3A_1777 : memref<2056x128xf32, #tpu.memory_space<vmem_shared>>)
    %add3A_1780 = arith.constant 14 : i32
    %add3A_1781 = arith.addi %add3A_6, %add3A_1780 : i32
    %add3A_1782 = arith.constant 2 : i32
    %add3A_1783 = arith.addi %add3A_1781, %add3A_1782 : i32
    %lt3A_1784 = arith.constant 781 : i32
    %lt3A_1785 = arith.cmpi slt, %add3A_1783, %lt3A_1784 : i32
    %mul3A_1786 = arith.constant 128 : i32
    %mul3A_1787 = arith.muli %add3A_1783, %mul3A_1786 : i32
    %eq3A_1788 = arith.constant 781 : i32
    %eq3A_1789 = arith.cmpi eq, %add3A_1783, %eq3A_1788 : i32
    %jit3A_1790 = arith.constant 99872 : i32
    %jit3A_1791 = arith.constant 0 : i32
    %select_n3A_1792 = arith.select %eq3A_1789, %jit3A_1790, %jit3A_1791 : i32
    %select_n3A_1793 = arith.select %lt3A_1785, %mul3A_1787, %select_n3A_1792 : i32
    %dma_start3A_1794 = arith.constant 1 : i32
    %dma_start3A_1795 = arith.constant 1 : i32
    %dma_start3A_1796 = arith.constant 0 : i32
    %dma_start3A_1797 = arith.constant 0 : i32
    %dma_start3A_1798 = tpu.memref_slice %arg6[%dma_start3A_1794, %dma_start3A_1796, %dma_start3A_1797] : memref<5x128x128xf32, #tpu.memory_space<vmem>> -> memref<1x128x128xf32, #tpu.memory_space<vmem>>
    %dma_start3A_1799 = tpu.memref_squeeze %dma_start3A_1798 : memref<1x128x128xf32, #tpu.memory_space<vmem>> -> memref<128x128xf32, #tpu.memory_space<vmem>>
    %dma_start3A_1800 = arith.constant 0 : i32
    %dma_start3A_1801 = tpu.memref_slice %arg2[%select_n3A_1793, %dma_start3A_1800] : memref<100000x128xf32, #tpu.memory_space<hbm>> -> memref<128x128xf32, #tpu.memory_space<hbm>>
    %dma_start3A_1802 = tpu.memref_slice %arg9[%dma_start3A_1795] : memref<5x!tpu.dma_semaphore, #tpu.memory_space<semaphore_mem>> -> memref<1x!tpu.dma_semaphore, #tpu.memory_space<semaphore_mem>>
    %dma_start3A_1803 = tpu.memref_squeeze %dma_start3A_1802 : memref<1x!tpu.dma_semaphore, #tpu.memory_space<semaphore_mem>> -> memref<!tpu.dma_semaphore, #tpu.memory_space<semaphore_mem>>
    %dma_start3A_1804 = arith.constant 0 : i32
    %dma_start3A_1805 = arith.constant 0 : i32
    %dma_start3A_1806 = tpu.memref_slice %arg6[%dma_start3A_1794, %dma_start3A_1804, %dma_start3A_1805] : memref<5x128x128xf32, #tpu.memory_space<vmem>> -> memref<1x128x128xf32, #tpu.memory_space<vmem>>
    %dma_start3A_1807 = tpu.memref_squeeze %dma_start3A_1806 : memref<1x128x128xf32, #tpu.memory_space<vmem>> -> memref<128x128xf32, #tpu.memory_space<vmem>>
    %dma_start3A_1808 = arith.constant 0 : i32
    %dma_start3A_1809 = tpu.memref_slice %arg2[%select_n3A_1793, %dma_start3A_1808] : memref<100000x128xf32, #tpu.memory_space<hbm>> -> memref<128x128xf32, #tpu.memory_space<hbm>>
    tpu.enqueue_dma source(%dma_start3A_1809 : memref<128x128xf32, #tpu.memory_space<hbm>>) target(%dma_start3A_1807 : memref<128x128xf32, #tpu.memory_space<vmem>>) target_semaphore(%dma_start3A_1803 : memref<!tpu.dma_semaphore, #tpu.memory_space<semaphore_mem>>)
    %dma_wait3A_1810 = arith.constant 4 : i32
    %dma_wait3A_1811 = arith.constant 4 : i32
    %dma_wait3A_1812 = arith.constant 0 : i32
    %dma_wait3A_1813 = arith.constant 0 : i32
    %dma_wait3A_1814 = tpu.memref_slice %arg6[%dma_wait3A_1810, %dma_wait3A_1812, %dma_wait3A_1813] : memref<5x128x128xf32, #tpu.memory_space<vmem>> -> memref<1x128x128xf32, #tpu.memory_space<vmem>>
    %dma_wait3A_1815 = tpu.memref_squeeze %dma_wait3A_1814 : memref<1x128x128xf32, #tpu.memory_space<vmem>> -> memref<128x128xf32, #tpu.memory_space<vmem>>
    %dma_wait3A_1816 = arith.constant 0 : i32
    %dma_wait3A_1817 = arith.constant 0 : i32
    %dma_wait3A_1818 = tpu.memref_slice %arg2[%dma_wait3A_1816, %dma_wait3A_1817] : memref<100000x128xf32, #tpu.memory_space<hbm>> -> memref<128x128xf32, #tpu.memory_space<hbm>>
    %dma_wait3A_1819 = tpu.memref_slice %arg9[%dma_wait3A_1811] : memref<5x!tpu.dma_semaphore, #tpu.memory_space<semaphore_mem>> -> memref<1x!tpu.dma_semaphore, #tpu.memory_space<semaphore_mem>>
    %dma_wait3A_1820 = tpu.memref_squeeze %dma_wait3A_1819 : memref<1x!tpu.dma_semaphore, #tpu.memory_space<semaphore_mem>> -> memref<!tpu.dma_semaphore, #tpu.memory_space<semaphore_mem>>
    %dma_wait3A_1821 = arith.constant 0 : i32
    %dma_wait3A_1822 = arith.constant 0 : i32
    %dma_wait3A_1823 = tpu.memref_slice %arg6[%dma_wait3A_1810, %dma_wait3A_1821, %dma_wait3A_1822] : memref<5x128x128xf32, #tpu.memory_space<vmem>> -> memref<1x128x128xf32, #tpu.memory_space<vmem>>
    %dma_wait3A_1824 = tpu.memref_squeeze %dma_wait3A_1823 : memref<1x128x128xf32, #tpu.memory_space<vmem>> -> memref<128x128xf32, #tpu.memory_space<vmem>>
    %dma_wait3A_1825 = arith.constant 0 : i32
    %dma_wait3A_1826 = arith.constant 0 : i32
    %dma_wait3A_1827 = tpu.memref_slice %arg2[%dma_wait3A_1825, %dma_wait3A_1826] : memref<100000x128xf32, #tpu.memory_space<hbm>> -> memref<128x128xf32, #tpu.memory_space<hbm>>
    tpu.wait_dma2 semaphore(%dma_wait3A_1820 : memref<!tpu.dma_semaphore, #tpu.memory_space<semaphore_mem>>) src(%dma_wait3A_1827 : memref<128x128xf32, #tpu.memory_space<hbm>>) dst(%dma_wait3A_1824 : memref<128x128xf32, #tpu.memory_space<vmem>>)
    %add3A_1828 = arith.constant 14 : i32
    %add3A_1829 = arith.addi %sub3A_27, %add3A_1828 : i32
    %dma_start3A_1830 = arith.constant 4 : i32
    %dma_start3A_1831 = arith.constant 4 : i32
    %dma_start3A_1832 = arith.constant 0 : i32
    %dma_start3A_1833 = arith.constant 0 : i32
    %dma_start3A_1834 = tpu.memref_slice %arg6[%dma_start3A_1830, %dma_start3A_1832, %dma_start3A_1833] : memref<5x128x128xf32, #tpu.memory_space<vmem>> -> memref<1x128x128xf32, #tpu.memory_space<vmem>>
    %dma_start3A_1835 = tpu.memref_squeeze %dma_start3A_1834 : memref<1x128x128xf32, #tpu.memory_space<vmem>> -> memref<128x128xf32, #tpu.memory_space<vmem>>
    %dma_start3A_1836 = arith.constant 0 : i32
    %dma_start3A_1837 = tpu.memref_slice %arg5[%add3A_1829, %dma_start3A_1836] : memref<32x128xi32, #tpu.memory_space<vmem>> -> memref<1x128xi32, #tpu.memory_space<vmem>>
    %dma_start3A_1838 = tpu.memref_squeeze %dma_start3A_1837 : memref<1x128xi32, #tpu.memory_space<vmem>> -> memref<128xi32, #tpu.memory_space<vmem>>
    %dma_start3A_1839 = arith.constant 0 : i32
    %dma_start3A_1840 = arith.constant 0 : i32
    %dma_start3A_1841 = tpu.memref_slice %arg8[%dma_start3A_1839, %dma_start3A_1840] : memref<2056x128xf32, #tpu.memory_space<vmem_shared>> -> memref<2056x128xf32, #tpu.memory_space<vmem_shared>>
    %dma_start3A_1842 = tpu.memref_slice %arg10[%dma_start3A_1831] : memref<5x!tpu.dma_semaphore, #tpu.memory_space<semaphore_mem>> -> memref<1x!tpu.dma_semaphore, #tpu.memory_space<semaphore_mem>>
    %dma_start3A_1843 = tpu.memref_squeeze %dma_start3A_1842 : memref<1x!tpu.dma_semaphore, #tpu.memory_space<semaphore_mem>> -> memref<!tpu.dma_semaphore, #tpu.memory_space<semaphore_mem>>
    tpu.enqueue_indirect_dma source(%dma_start3A_1835 : memref<128x128xf32, #tpu.memory_space<vmem>>) target(%dma_start3A_1841 : memref<2056x128xf32, #tpu.memory_space<vmem_shared>>) offsets(%dma_start3A_1838 : memref<128xi32, #tpu.memory_space<vmem>>) semaphore(%dma_start3A_1843 : memref<!tpu.dma_semaphore, #tpu.memory_space<semaphore_mem>>) {add = true}
    %dma_wait3A_1844 = arith.constant 2 : i32
    %dma_wait3A_1845 = arith.constant 0 : i32
    %dma_wait3A_1846 = arith.constant 2 : i32
    %dma_wait3A_1847 = arith.constant 0 : i32
    %dma_wait3A_1848 = arith.constant 0 : i32
    %dma_wait3A_1849 = tpu.memref_slice %arg6[%dma_wait3A_1844, %dma_wait3A_1847, %dma_wait3A_1848] : memref<5x128x128xf32, #tpu.memory_space<vmem>> -> memref<1x128x128xf32, #tpu.memory_space<vmem>>
    %dma_wait3A_1850 = tpu.memref_squeeze %dma_wait3A_1849 : memref<1x128x128xf32, #tpu.memory_space<vmem>> -> memref<128x128xf32, #tpu.memory_space<vmem>>
    %dma_wait3A_1851 = arith.constant 0 : i32
    %dma_wait3A_1852 = tpu.memref_slice %arg5[%dma_wait3A_1845, %dma_wait3A_1851] : memref<32x128xi32, #tpu.memory_space<vmem>> -> memref<1x128xi32, #tpu.memory_space<vmem>>
    %dma_wait3A_1853 = tpu.memref_squeeze %dma_wait3A_1852 : memref<1x128xi32, #tpu.memory_space<vmem>> -> memref<128xi32, #tpu.memory_space<vmem>>
    %dma_wait3A_1854 = arith.constant 0 : i32
    %dma_wait3A_1855 = arith.constant 0 : i32
    %dma_wait3A_1856 = tpu.memref_slice %arg8[%dma_wait3A_1854, %dma_wait3A_1855] : memref<2056x128xf32, #tpu.memory_space<vmem_shared>> -> memref<2056x128xf32, #tpu.memory_space<vmem_shared>>
    %dma_wait3A_1857 = tpu.memref_slice %arg10[%dma_wait3A_1846] : memref<5x!tpu.dma_semaphore, #tpu.memory_space<semaphore_mem>> -> memref<1x!tpu.dma_semaphore, #tpu.memory_space<semaphore_mem>>
    %dma_wait3A_1858 = tpu.memref_squeeze %dma_wait3A_1857 : memref<1x!tpu.dma_semaphore, #tpu.memory_space<semaphore_mem>> -> memref<!tpu.dma_semaphore, #tpu.memory_space<semaphore_mem>>
    tpu.wait_indirect_dma semaphore(%dma_wait3A_1858 : memref<!tpu.dma_semaphore, #tpu.memory_space<semaphore_mem>>) src(%dma_wait3A_1850 : memref<128x128xf32, #tpu.memory_space<vmem>>) dst(%dma_wait3A_1856 : memref<2056x128xf32, #tpu.memory_space<vmem_shared>>)
    %add3A_1859 = arith.constant 15 : i32
    %add3A_1860 = arith.addi %add3A_6, %add3A_1859 : i32
    %add3A_1861 = arith.constant 2 : i32
    %add3A_1862 = arith.addi %add3A_1860, %add3A_1861 : i32
    %lt3A_1863 = arith.constant 781 : i32
    %lt3A_1864 = arith.cmpi slt, %add3A_1862, %lt3A_1863 : i32
    %mul3A_1865 = arith.constant 128 : i32
    %mul3A_1866 = arith.muli %add3A_1862, %mul3A_1865 : i32
    %eq3A_1867 = arith.constant 781 : i32
    %eq3A_1868 = arith.cmpi eq, %add3A_1862, %eq3A_1867 : i32
    %jit3A_1869 = arith.constant 99872 : i32
    %jit3A_1870 = arith.constant 0 : i32
    %select_n3A_1871 = arith.select %eq3A_1868, %jit3A_1869, %jit3A_1870 : i32
    %select_n3A_1872 = arith.select %lt3A_1864, %mul3A_1866, %select_n3A_1871 : i32
    %dma_start3A_1873 = arith.constant 2 : i32
    %dma_start3A_1874 = arith.constant 2 : i32
    %dma_start3A_1875 = arith.constant 0 : i32
    %dma_start3A_1876 = arith.constant 0 : i32
    %dma_start3A_1877 = tpu.memref_slice %arg6[%dma_start3A_1873, %dma_start3A_1875, %dma_start3A_1876] : memref<5x128x128xf32, #tpu.memory_space<vmem>> -> memref<1x128x128xf32, #tpu.memory_space<vmem>>
    %dma_start3A_1878 = tpu.memref_squeeze %dma_start3A_1877 : memref<1x128x128xf32, #tpu.memory_space<vmem>> -> memref<128x128xf32, #tpu.memory_space<vmem>>
    %dma_start3A_1879 = arith.constant 0 : i32
    %dma_start3A_1880 = tpu.memref_slice %arg2[%select_n3A_1872, %dma_start3A_1879] : memref<100000x128xf32, #tpu.memory_space<hbm>> -> memref<128x128xf32, #tpu.memory_space<hbm>>
    %dma_start3A_1881 = tpu.memref_slice %arg9[%dma_start3A_1874] : memref<5x!tpu.dma_semaphore, #tpu.memory_space<semaphore_mem>> -> memref<1x!tpu.dma_semaphore, #tpu.memory_space<semaphore_mem>>
    %dma_start3A_1882 = tpu.memref_squeeze %dma_start3A_1881 : memref<1x!tpu.dma_semaphore, #tpu.memory_space<semaphore_mem>> -> memref<!tpu.dma_semaphore, #tpu.memory_space<semaphore_mem>>
    %dma_start3A_1883 = arith.constant 0 : i32
    %dma_start3A_1884 = arith.constant 0 : i32
    %dma_start3A_1885 = tpu.memref_slice %arg6[%dma_start3A_1873, %dma_start3A_1883, %dma_start3A_1884] : memref<5x128x128xf32, #tpu.memory_space<vmem>> -> memref<1x128x128xf32, #tpu.memory_space<vmem>>
    %dma_start3A_1886 = tpu.memref_squeeze %dma_start3A_1885 : memref<1x128x128xf32, #tpu.memory_space<vmem>> -> memref<128x128xf32, #tpu.memory_space<vmem>>
    %dma_start3A_1887 = arith.constant 0 : i32
    %dma_start3A_1888 = tpu.memref_slice %arg2[%select_n3A_1872, %dma_start3A_1887] : memref<100000x128xf32, #tpu.memory_space<hbm>> -> memref<128x128xf32, #tpu.memory_space<hbm>>
    tpu.enqueue_dma source(%dma_start3A_1888 : memref<128x128xf32, #tpu.memory_space<hbm>>) target(%dma_start3A_1886 : memref<128x128xf32, #tpu.memory_space<vmem>>) target_semaphore(%dma_start3A_1882 : memref<!tpu.dma_semaphore, #tpu.memory_space<semaphore_mem>>)
    %dma_wait3A_1889 = arith.constant 0 : i32
    %dma_wait3A_1890 = arith.constant 0 : i32
    %dma_wait3A_1891 = arith.constant 0 : i32
    %dma_wait3A_1892 = arith.constant 0 : i32
    %dma_wait3A_1893 = tpu.memref_slice %arg6[%dma_wait3A_1889, %dma_wait3A_1891, %dma_wait3A_1892] : memref<5x128x128xf32, #tpu.memory_space<vmem>> -> memref<1x128x128xf32, #tpu.memory_space<vmem>>
    %dma_wait3A_1894 = tpu.memref_squeeze %dma_wait3A_1893 : memref<1x128x128xf32, #tpu.memory_space<vmem>> -> memref<128x128xf32, #tpu.memory_space<vmem>>
    %dma_wait3A_1895 = arith.constant 0 : i32
    %dma_wait3A_1896 = arith.constant 0 : i32
    %dma_wait3A_1897 = tpu.memref_slice %arg2[%dma_wait3A_1895, %dma_wait3A_1896] : memref<100000x128xf32, #tpu.memory_space<hbm>> -> memref<128x128xf32, #tpu.memory_space<hbm>>
    %dma_wait3A_1898 = tpu.memref_slice %arg9[%dma_wait3A_1890] : memref<5x!tpu.dma_semaphore, #tpu.memory_space<semaphore_mem>> -> memref<1x!tpu.dma_semaphore, #tpu.memory_space<semaphore_mem>>
    %dma_wait3A_1899 = tpu.memref_squeeze %dma_wait3A_1898 : memref<1x!tpu.dma_semaphore, #tpu.memory_space<semaphore_mem>> -> memref<!tpu.dma_semaphore, #tpu.memory_space<semaphore_mem>>
    %dma_wait3A_1900 = arith.constant 0 : i32
    %dma_wait3A_1901 = arith.constant 0 : i32
    %dma_wait3A_1902 = tpu.memref_slice %arg6[%dma_wait3A_1889, %dma_wait3A_1900, %dma_wait3A_1901] : memref<5x128x128xf32, #tpu.memory_space<vmem>> -> memref<1x128x128xf32, #tpu.memory_space<vmem>>
    %dma_wait3A_1903 = tpu.memref_squeeze %dma_wait3A_1902 : memref<1x128x128xf32, #tpu.memory_space<vmem>> -> memref<128x128xf32, #tpu.memory_space<vmem>>
    %dma_wait3A_1904 = arith.constant 0 : i32
    %dma_wait3A_1905 = arith.constant 0 : i32
    %dma_wait3A_1906 = tpu.memref_slice %arg2[%dma_wait3A_1904, %dma_wait3A_1905] : memref<100000x128xf32, #tpu.memory_space<hbm>> -> memref<128x128xf32, #tpu.memory_space<hbm>>
    tpu.wait_dma2 semaphore(%dma_wait3A_1899 : memref<!tpu.dma_semaphore, #tpu.memory_space<semaphore_mem>>) src(%dma_wait3A_1906 : memref<128x128xf32, #tpu.memory_space<hbm>>) dst(%dma_wait3A_1903 : memref<128x128xf32, #tpu.memory_space<vmem>>)
    %add3A_1907 = arith.constant 15 : i32
    %add3A_1908 = arith.addi %sub3A_27, %add3A_1907 : i32
    %dma_start3A_1909 = arith.constant 0 : i32
    %dma_start3A_1910 = arith.constant 0 : i32
    %dma_start3A_1911 = arith.constant 0 : i32
    %dma_start3A_1912 = arith.constant 0 : i32
    %dma_start3A_1913 = tpu.memref_slice %arg6[%dma_start3A_1909, %dma_start3A_1911, %dma_start3A_1912] : memref<5x128x128xf32, #tpu.memory_space<vmem>> -> memref<1x128x128xf32, #tpu.memory_space<vmem>>
    %dma_start3A_1914 = tpu.memref_squeeze %dma_start3A_1913 : memref<1x128x128xf32, #tpu.memory_space<vmem>> -> memref<128x128xf32, #tpu.memory_space<vmem>>
    %dma_start3A_1915 = arith.constant 0 : i32
    %dma_start3A_1916 = tpu.memref_slice %arg5[%add3A_1908, %dma_start3A_1915] : memref<32x128xi32, #tpu.memory_space<vmem>> -> memref<1x128xi32, #tpu.memory_space<vmem>>
    %dma_start3A_1917 = tpu.memref_squeeze %dma_start3A_1916 : memref<1x128xi32, #tpu.memory_space<vmem>> -> memref<128xi32, #tpu.memory_space<vmem>>
    %dma_start3A_1918 = arith.constant 0 : i32
    %dma_start3A_1919 = arith.constant 0 : i32
    %dma_start3A_1920 = tpu.memref_slice %arg8[%dma_start3A_1918, %dma_start3A_1919] : memref<2056x128xf32, #tpu.memory_space<vmem_shared>> -> memref<2056x128xf32, #tpu.memory_space<vmem_shared>>
    %dma_start3A_1921 = tpu.memref_slice %arg10[%dma_start3A_1910] : memref<5x!tpu.dma_semaphore, #tpu.memory_space<semaphore_mem>> -> memref<1x!tpu.dma_semaphore, #tpu.memory_space<semaphore_mem>>
    %dma_start3A_1922 = tpu.memref_squeeze %dma_start3A_1921 : memref<1x!tpu.dma_semaphore, #tpu.memory_space<semaphore_mem>> -> memref<!tpu.dma_semaphore, #tpu.memory_space<semaphore_mem>>
    tpu.enqueue_indirect_dma source(%dma_start3A_1914 : memref<128x128xf32, #tpu.memory_space<vmem>>) target(%dma_start3A_1920 : memref<2056x128xf32, #tpu.memory_space<vmem_shared>>) offsets(%dma_start3A_1917 : memref<128xi32, #tpu.memory_space<vmem>>) semaphore(%dma_start3A_1922 : memref<!tpu.dma_semaphore, #tpu.memory_space<semaphore_mem>>) {add = true}
    %dma_wait3A_1923 = arith.constant 3 : i32
    %dma_wait3A_1924 = arith.constant 0 : i32
    %dma_wait3A_1925 = arith.constant 3 : i32
    %dma_wait3A_1926 = arith.constant 0 : i32
    %dma_wait3A_1927 = arith.constant 0 : i32
    %dma_wait3A_1928 = tpu.memref_slice %arg6[%dma_wait3A_1923, %dma_wait3A_1926, %dma_wait3A_1927] : memref<5x128x128xf32, #tpu.memory_space<vmem>> -> memref<1x128x128xf32, #tpu.memory_space<vmem>>
    %dma_wait3A_1929 = tpu.memref_squeeze %dma_wait3A_1928 : memref<1x128x128xf32, #tpu.memory_space<vmem>> -> memref<128x128xf32, #tpu.memory_space<vmem>>
    %dma_wait3A_1930 = arith.constant 0 : i32
    %dma_wait3A_1931 = tpu.memref_slice %arg5[%dma_wait3A_1924, %dma_wait3A_1930] : memref<32x128xi32, #tpu.memory_space<vmem>> -> memref<1x128xi32, #tpu.memory_space<vmem>>
    %dma_wait3A_1932 = tpu.memref_squeeze %dma_wait3A_1931 : memref<1x128xi32, #tpu.memory_space<vmem>> -> memref<128xi32, #tpu.memory_space<vmem>>
    %dma_wait3A_1933 = arith.constant 0 : i32
    %dma_wait3A_1934 = arith.constant 0 : i32
    %dma_wait3A_1935 = tpu.memref_slice %arg8[%dma_wait3A_1933, %dma_wait3A_1934] : memref<2056x128xf32, #tpu.memory_space<vmem_shared>> -> memref<2056x128xf32, #tpu.memory_space<vmem_shared>>
    %dma_wait3A_1936 = tpu.memref_slice %arg10[%dma_wait3A_1925] : memref<5x!tpu.dma_semaphore, #tpu.memory_space<semaphore_mem>> -> memref<1x!tpu.dma_semaphore, #tpu.memory_space<semaphore_mem>>
    %dma_wait3A_1937 = tpu.memref_squeeze %dma_wait3A_1936 : memref<1x!tpu.dma_semaphore, #tpu.memory_space<semaphore_mem>> -> memref<!tpu.dma_semaphore, #tpu.memory_space<semaphore_mem>>
    tpu.wait_indirect_dma semaphore(%dma_wait3A_1937 : memref<!tpu.dma_semaphore, #tpu.memory_space<semaphore_mem>>) src(%dma_wait3A_1929 : memref<128x128xf32, #tpu.memory_space<vmem>>) dst(%dma_wait3A_1935 : memref<2056x128xf32, #tpu.memory_space<vmem_shared>>)
    %add3A_1938 = arith.constant 16 : i32
    %add3A_1939 = arith.addi %add3A_6, %add3A_1938 : i32
    %add3A_1940 = arith.constant 2 : i32
    %add3A_1941 = arith.addi %add3A_1939, %add3A_1940 : i32
    %lt3A_1942 = arith.constant 781 : i32
    %lt3A_1943 = arith.cmpi slt, %add3A_1941, %lt3A_1942 : i32
    %mul3A_1944 = arith.constant 128 : i32
    %mul3A_1945 = arith.muli %add3A_1941, %mul3A_1944 : i32
    %eq3A_1946 = arith.constant 781 : i32
    %eq3A_1947 = arith.cmpi eq, %add3A_1941, %eq3A_1946 : i32
    %jit3A_1948 = arith.constant 99872 : i32
    %jit3A_1949 = arith.constant 0 : i32
    %select_n3A_1950 = arith.select %eq3A_1947, %jit3A_1948, %jit3A_1949 : i32
    %select_n3A_1951 = arith.select %lt3A_1943, %mul3A_1945, %select_n3A_1950 : i32
    %dma_start3A_1952 = arith.constant 3 : i32
    %dma_start3A_1953 = arith.constant 3 : i32
    %dma_start3A_1954 = arith.constant 0 : i32
    %dma_start3A_1955 = arith.constant 0 : i32
    %dma_start3A_1956 = tpu.memref_slice %arg6[%dma_start3A_1952, %dma_start3A_1954, %dma_start3A_1955] : memref<5x128x128xf32, #tpu.memory_space<vmem>> -> memref<1x128x128xf32, #tpu.memory_space<vmem>>
    %dma_start3A_1957 = tpu.memref_squeeze %dma_start3A_1956 : memref<1x128x128xf32, #tpu.memory_space<vmem>> -> memref<128x128xf32, #tpu.memory_space<vmem>>
    %dma_start3A_1958 = arith.constant 0 : i32
    %dma_start3A_1959 = tpu.memref_slice %arg2[%select_n3A_1951, %dma_start3A_1958] : memref<100000x128xf32, #tpu.memory_space<hbm>> -> memref<128x128xf32, #tpu.memory_space<hbm>>
    %dma_start3A_1960 = tpu.memref_slice %arg9[%dma_start3A_1953] : memref<5x!tpu.dma_semaphore, #tpu.memory_space<semaphore_mem>> -> memref<1x!tpu.dma_semaphore, #tpu.memory_space<semaphore_mem>>
    %dma_start3A_1961 = tpu.memref_squeeze %dma_start3A_1960 : memref<1x!tpu.dma_semaphore, #tpu.memory_space<semaphore_mem>> -> memref<!tpu.dma_semaphore, #tpu.memory_space<semaphore_mem>>
    %dma_start3A_1962 = arith.constant 0 : i32
    %dma_start3A_1963 = arith.constant 0 : i32
    %dma_start3A_1964 = tpu.memref_slice %arg6[%dma_start3A_1952, %dma_start3A_1962, %dma_start3A_1963] : memref<5x128x128xf32, #tpu.memory_space<vmem>> -> memref<1x128x128xf32, #tpu.memory_space<vmem>>
    %dma_start3A_1965 = tpu.memref_squeeze %dma_start3A_1964 : memref<1x128x128xf32, #tpu.memory_space<vmem>> -> memref<128x128xf32, #tpu.memory_space<vmem>>
    %dma_start3A_1966 = arith.constant 0 : i32
    %dma_start3A_1967 = tpu.memref_slice %arg2[%select_n3A_1951, %dma_start3A_1966] : memref<100000x128xf32, #tpu.memory_space<hbm>> -> memref<128x128xf32, #tpu.memory_space<hbm>>
    tpu.enqueue_dma source(%dma_start3A_1967 : memref<128x128xf32, #tpu.memory_space<hbm>>) target(%dma_start3A_1965 : memref<128x128xf32, #tpu.memory_space<vmem>>) target_semaphore(%dma_start3A_1961 : memref<!tpu.dma_semaphore, #tpu.memory_space<semaphore_mem>>)
    %dma_wait3A_1968 = arith.constant 1 : i32
    %dma_wait3A_1969 = arith.constant 1 : i32
    %dma_wait3A_1970 = arith.constant 0 : i32
    %dma_wait3A_1971 = arith.constant 0 : i32
    %dma_wait3A_1972 = tpu.memref_slice %arg6[%dma_wait3A_1968, %dma_wait3A_1970, %dma_wait3A_1971] : memref<5x128x128xf32, #tpu.memory_space<vmem>> -> memref<1x128x128xf32, #tpu.memory_space<vmem>>
    %dma_wait3A_1973 = tpu.memref_squeeze %dma_wait3A_1972 : memref<1x128x128xf32, #tpu.memory_space<vmem>> -> memref<128x128xf32, #tpu.memory_space<vmem>>
    %dma_wait3A_1974 = arith.constant 0 : i32
    %dma_wait3A_1975 = arith.constant 0 : i32
    %dma_wait3A_1976 = tpu.memref_slice %arg2[%dma_wait3A_1974, %dma_wait3A_1975] : memref<100000x128xf32, #tpu.memory_space<hbm>> -> memref<128x128xf32, #tpu.memory_space<hbm>>
    %dma_wait3A_1977 = tpu.memref_slice %arg9[%dma_wait3A_1969] : memref<5x!tpu.dma_semaphore, #tpu.memory_space<semaphore_mem>> -> memref<1x!tpu.dma_semaphore, #tpu.memory_space<semaphore_mem>>
    %dma_wait3A_1978 = tpu.memref_squeeze %dma_wait3A_1977 : memref<1x!tpu.dma_semaphore, #tpu.memory_space<semaphore_mem>> -> memref<!tpu.dma_semaphore, #tpu.memory_space<semaphore_mem>>
    %dma_wait3A_1979 = arith.constant 0 : i32
    %dma_wait3A_1980 = arith.constant 0 : i32
    %dma_wait3A_1981 = tpu.memref_slice %arg6[%dma_wait3A_1968, %dma_wait3A_1979, %dma_wait3A_1980] : memref<5x128x128xf32, #tpu.memory_space<vmem>> -> memref<1x128x128xf32, #tpu.memory_space<vmem>>
    %dma_wait3A_1982 = tpu.memref_squeeze %dma_wait3A_1981 : memref<1x128x128xf32, #tpu.memory_space<vmem>> -> memref<128x128xf32, #tpu.memory_space<vmem>>
    %dma_wait3A_1983 = arith.constant 0 : i32
    %dma_wait3A_1984 = arith.constant 0 : i32
    %dma_wait3A_1985 = tpu.memref_slice %arg2[%dma_wait3A_1983, %dma_wait3A_1984] : memref<100000x128xf32, #tpu.memory_space<hbm>> -> memref<128x128xf32, #tpu.memory_space<hbm>>
    tpu.wait_dma2 semaphore(%dma_wait3A_1978 : memref<!tpu.dma_semaphore, #tpu.memory_space<semaphore_mem>>) src(%dma_wait3A_1985 : memref<128x128xf32, #tpu.memory_space<hbm>>) dst(%dma_wait3A_1982 : memref<128x128xf32, #tpu.memory_space<vmem>>)
    %add3A_1986 = arith.constant 16 : i32
    %add3A_1987 = arith.addi %sub3A_27, %add3A_1986 : i32
    %dma_start3A_1988 = arith.constant 1 : i32
    %dma_start3A_1989 = arith.constant 1 : i32
    %dma_start3A_1990 = arith.constant 0 : i32
    %dma_start3A_1991 = arith.constant 0 : i32
    %dma_start3A_1992 = tpu.memref_slice %arg6[%dma_start3A_1988, %dma_start3A_1990, %dma_start3A_1991] : memref<5x128x128xf32, #tpu.memory_space<vmem>> -> memref<1x128x128xf32, #tpu.memory_space<vmem>>
    %dma_start3A_1993 = tpu.memref_squeeze %dma_start3A_1992 : memref<1x128x128xf32, #tpu.memory_space<vmem>> -> memref<128x128xf32, #tpu.memory_space<vmem>>
    %dma_start3A_1994 = arith.constant 0 : i32
    %dma_start3A_1995 = tpu.memref_slice %arg5[%add3A_1987, %dma_start3A_1994] : memref<32x128xi32, #tpu.memory_space<vmem>> -> memref<1x128xi32, #tpu.memory_space<vmem>>
    %dma_start3A_1996 = tpu.memref_squeeze %dma_start3A_1995 : memref<1x128xi32, #tpu.memory_space<vmem>> -> memref<128xi32, #tpu.memory_space<vmem>>
    %dma_start3A_1997 = arith.constant 0 : i32
    %dma_start3A_1998 = arith.constant 0 : i32
    %dma_start3A_1999 = tpu.memref_slice %arg8[%dma_start3A_1997, %dma_start3A_1998] : memref<2056x128xf32, #tpu.memory_space<vmem_shared>> -> memref<2056x128xf32, #tpu.memory_space<vmem_shared>>
    %dma_start3A_2000 = tpu.memref_slice %arg10[%dma_start3A_1989] : memref<5x!tpu.dma_semaphore, #tpu.memory_space<semaphore_mem>> -> memref<1x!tpu.dma_semaphore, #tpu.memory_space<semaphore_mem>>
    %dma_start3A_2001 = tpu.memref_squeeze %dma_start3A_2000 : memref<1x!tpu.dma_semaphore, #tpu.memory_space<semaphore_mem>> -> memref<!tpu.dma_semaphore, #tpu.memory_space<semaphore_mem>>
    tpu.enqueue_indirect_dma source(%dma_start3A_1993 : memref<128x128xf32, #tpu.memory_space<vmem>>) target(%dma_start3A_1999 : memref<2056x128xf32, #tpu.memory_space<vmem_shared>>) offsets(%dma_start3A_1996 : memref<128xi32, #tpu.memory_space<vmem>>) semaphore(%dma_start3A_2001 : memref<!tpu.dma_semaphore, #tpu.memory_space<semaphore_mem>>) {add = true}
    %dma_wait3A_2002 = arith.constant 4 : i32
    %dma_wait3A_2003 = arith.constant 0 : i32
    %dma_wait3A_2004 = arith.constant 4 : i32
    %dma_wait3A_2005 = arith.constant 0 : i32
    %dma_wait3A_2006 = arith.constant 0 : i32
    %dma_wait3A_2007 = tpu.memref_slice %arg6[%dma_wait3A_2002, %dma_wait3A_2005, %dma_wait3A_2006] : memref<5x128x128xf32, #tpu.memory_space<vmem>> -> memref<1x128x128xf32, #tpu.memory_space<vmem>>
    %dma_wait3A_2008 = tpu.memref_squeeze %dma_wait3A_2007 : memref<1x128x128xf32, #tpu.memory_space<vmem>> -> memref<128x128xf32, #tpu.memory_space<vmem>>
    %dma_wait3A_2009 = arith.constant 0 : i32
    %dma_wait3A_2010 = tpu.memref_slice %arg5[%dma_wait3A_2003, %dma_wait3A_2009] : memref<32x128xi32, #tpu.memory_space<vmem>> -> memref<1x128xi32, #tpu.memory_space<vmem>>
    %dma_wait3A_2011 = tpu.memref_squeeze %dma_wait3A_2010 : memref<1x128xi32, #tpu.memory_space<vmem>> -> memref<128xi32, #tpu.memory_space<vmem>>
    %dma_wait3A_2012 = arith.constant 0 : i32
    %dma_wait3A_2013 = arith.constant 0 : i32
    %dma_wait3A_2014 = tpu.memref_slice %arg8[%dma_wait3A_2012, %dma_wait3A_2013] : memref<2056x128xf32, #tpu.memory_space<vmem_shared>> -> memref<2056x128xf32, #tpu.memory_space<vmem_shared>>
    %dma_wait3A_2015 = tpu.memref_slice %arg10[%dma_wait3A_2004] : memref<5x!tpu.dma_semaphore, #tpu.memory_space<semaphore_mem>> -> memref<1x!tpu.dma_semaphore, #tpu.memory_space<semaphore_mem>>
    %dma_wait3A_2016 = tpu.memref_squeeze %dma_wait3A_2015 : memref<1x!tpu.dma_semaphore, #tpu.memory_space<semaphore_mem>> -> memref<!tpu.dma_semaphore, #tpu.memory_space<semaphore_mem>>
    tpu.wait_indirect_dma semaphore(%dma_wait3A_2016 : memref<!tpu.dma_semaphore, #tpu.memory_space<semaphore_mem>>) src(%dma_wait3A_2008 : memref<128x128xf32, #tpu.memory_space<vmem>>) dst(%dma_wait3A_2014 : memref<2056x128xf32, #tpu.memory_space<vmem_shared>>)
    %add3A_2017 = arith.constant 17 : i32
    %add3A_2018 = arith.addi %add3A_6, %add3A_2017 : i32
    %add3A_2019 = arith.constant 2 : i32
    %add3A_2020 = arith.addi %add3A_2018, %add3A_2019 : i32
    %lt3A_2021 = arith.constant 781 : i32
    %lt3A_2022 = arith.cmpi slt, %add3A_2020, %lt3A_2021 : i32
    %mul3A_2023 = arith.constant 128 : i32
    %mul3A_2024 = arith.muli %add3A_2020, %mul3A_2023 : i32
    %eq3A_2025 = arith.constant 781 : i32
    %eq3A_2026 = arith.cmpi eq, %add3A_2020, %eq3A_2025 : i32
    %jit3A_2027 = arith.constant 99872 : i32
    %jit3A_2028 = arith.constant 0 : i32
    %select_n3A_2029 = arith.select %eq3A_2026, %jit3A_2027, %jit3A_2028 : i32
    %select_n3A_2030 = arith.select %lt3A_2022, %mul3A_2024, %select_n3A_2029 : i32
    %dma_start3A_2031 = arith.constant 4 : i32
    %dma_start3A_2032 = arith.constant 4 : i32
    %dma_start3A_2033 = arith.constant 0 : i32
    %dma_start3A_2034 = arith.constant 0 : i32
    %dma_start3A_2035 = tpu.memref_slice %arg6[%dma_start3A_2031, %dma_start3A_2033, %dma_start3A_2034] : memref<5x128x128xf32, #tpu.memory_space<vmem>> -> memref<1x128x128xf32, #tpu.memory_space<vmem>>
    %dma_start3A_2036 = tpu.memref_squeeze %dma_start3A_2035 : memref<1x128x128xf32, #tpu.memory_space<vmem>> -> memref<128x128xf32, #tpu.memory_space<vmem>>
    %dma_start3A_2037 = arith.constant 0 : i32
    %dma_start3A_2038 = tpu.memref_slice %arg2[%select_n3A_2030, %dma_start3A_2037] : memref<100000x128xf32, #tpu.memory_space<hbm>> -> memref<128x128xf32, #tpu.memory_space<hbm>>
    %dma_start3A_2039 = tpu.memref_slice %arg9[%dma_start3A_2032] : memref<5x!tpu.dma_semaphore, #tpu.memory_space<semaphore_mem>> -> memref<1x!tpu.dma_semaphore, #tpu.memory_space<semaphore_mem>>
    %dma_start3A_2040 = tpu.memref_squeeze %dma_start3A_2039 : memref<1x!tpu.dma_semaphore, #tpu.memory_space<semaphore_mem>> -> memref<!tpu.dma_semaphore, #tpu.memory_space<semaphore_mem>>
    %dma_start3A_2041 = arith.constant 0 : i32
    %dma_start3A_2042 = arith.constant 0 : i32
    %dma_start3A_2043 = tpu.memref_slice %arg6[%dma_start3A_2031, %dma_start3A_2041, %dma_start3A_2042] : memref<5x128x128xf32, #tpu.memory_space<vmem>> -> memref<1x128x128xf32, #tpu.memory_space<vmem>>
    %dma_start3A_2044 = tpu.memref_squeeze %dma_start3A_2043 : memref<1x128x128xf32, #tpu.memory_space<vmem>> -> memref<128x128xf32, #tpu.memory_space<vmem>>
    %dma_start3A_2045 = arith.constant 0 : i32
    %dma_start3A_2046 = tpu.memref_slice %arg2[%select_n3A_2030, %dma_start3A_2045] : memref<100000x128xf32, #tpu.memory_space<hbm>> -> memref<128x128xf32, #tpu.memory_space<hbm>>
    tpu.enqueue_dma source(%dma_start3A_2046 : memref<128x128xf32, #tpu.memory_space<hbm>>) target(%dma_start3A_2044 : memref<128x128xf32, #tpu.memory_space<vmem>>) target_semaphore(%dma_start3A_2040 : memref<!tpu.dma_semaphore, #tpu.memory_space<semaphore_mem>>)
    %dma_wait3A_2047 = arith.constant 2 : i32
    %dma_wait3A_2048 = arith.constant 2 : i32
    %dma_wait3A_2049 = arith.constant 0 : i32
    %dma_wait3A_2050 = arith.constant 0 : i32
    %dma_wait3A_2051 = tpu.memref_slice %arg6[%dma_wait3A_2047, %dma_wait3A_2049, %dma_wait3A_2050] : memref<5x128x128xf32, #tpu.memory_space<vmem>> -> memref<1x128x128xf32, #tpu.memory_space<vmem>>
    %dma_wait3A_2052 = tpu.memref_squeeze %dma_wait3A_2051 : memref<1x128x128xf32, #tpu.memory_space<vmem>> -> memref<128x128xf32, #tpu.memory_space<vmem>>
    %dma_wait3A_2053 = arith.constant 0 : i32
    %dma_wait3A_2054 = arith.constant 0 : i32
    %dma_wait3A_2055 = tpu.memref_slice %arg2[%dma_wait3A_2053, %dma_wait3A_2054] : memref<100000x128xf32, #tpu.memory_space<hbm>> -> memref<128x128xf32, #tpu.memory_space<hbm>>
    %dma_wait3A_2056 = tpu.memref_slice %arg9[%dma_wait3A_2048] : memref<5x!tpu.dma_semaphore, #tpu.memory_space<semaphore_mem>> -> memref<1x!tpu.dma_semaphore, #tpu.memory_space<semaphore_mem>>
    %dma_wait3A_2057 = tpu.memref_squeeze %dma_wait3A_2056 : memref<1x!tpu.dma_semaphore, #tpu.memory_space<semaphore_mem>> -> memref<!tpu.dma_semaphore, #tpu.memory_space<semaphore_mem>>
    %dma_wait3A_2058 = arith.constant 0 : i32
    %dma_wait3A_2059 = arith.constant 0 : i32
    %dma_wait3A_2060 = tpu.memref_slice %arg6[%dma_wait3A_2047, %dma_wait3A_2058, %dma_wait3A_2059] : memref<5x128x128xf32, #tpu.memory_space<vmem>> -> memref<1x128x128xf32, #tpu.memory_space<vmem>>
    %dma_wait3A_2061 = tpu.memref_squeeze %dma_wait3A_2060 : memref<1x128x128xf32, #tpu.memory_space<vmem>> -> memref<128x128xf32, #tpu.memory_space<vmem>>
    %dma_wait3A_2062 = arith.constant 0 : i32
    %dma_wait3A_2063 = arith.constant 0 : i32
    %dma_wait3A_2064 = tpu.memref_slice %arg2[%dma_wait3A_2062, %dma_wait3A_2063] : memref<100000x128xf32, #tpu.memory_space<hbm>> -> memref<128x128xf32, #tpu.memory_space<hbm>>
    tpu.wait_dma2 semaphore(%dma_wait3A_2057 : memref<!tpu.dma_semaphore, #tpu.memory_space<semaphore_mem>>) src(%dma_wait3A_2064 : memref<128x128xf32, #tpu.memory_space<hbm>>) dst(%dma_wait3A_2061 : memref<128x128xf32, #tpu.memory_space<vmem>>)
    %add3A_2065 = arith.constant 17 : i32
    %add3A_2066 = arith.addi %sub3A_27, %add3A_2065 : i32
    %dma_start3A_2067 = arith.constant 2 : i32
    %dma_start3A_2068 = arith.constant 2 : i32
    %dma_start3A_2069 = arith.constant 0 : i32
    %dma_start3A_2070 = arith.constant 0 : i32
    %dma_start3A_2071 = tpu.memref_slice %arg6[%dma_start3A_2067, %dma_start3A_2069, %dma_start3A_2070] : memref<5x128x128xf32, #tpu.memory_space<vmem>> -> memref<1x128x128xf32, #tpu.memory_space<vmem>>
    %dma_start3A_2072 = tpu.memref_squeeze %dma_start3A_2071 : memref<1x128x128xf32, #tpu.memory_space<vmem>> -> memref<128x128xf32, #tpu.memory_space<vmem>>
    %dma_start3A_2073 = arith.constant 0 : i32
    %dma_start3A_2074 = tpu.memref_slice %arg5[%add3A_2066, %dma_start3A_2073] : memref<32x128xi32, #tpu.memory_space<vmem>> -> memref<1x128xi32, #tpu.memory_space<vmem>>
    %dma_start3A_2075 = tpu.memref_squeeze %dma_start3A_2074 : memref<1x128xi32, #tpu.memory_space<vmem>> -> memref<128xi32, #tpu.memory_space<vmem>>
    %dma_start3A_2076 = arith.constant 0 : i32
    %dma_start3A_2077 = arith.constant 0 : i32
    %dma_start3A_2078 = tpu.memref_slice %arg8[%dma_start3A_2076, %dma_start3A_2077] : memref<2056x128xf32, #tpu.memory_space<vmem_shared>> -> memref<2056x128xf32, #tpu.memory_space<vmem_shared>>
    %dma_start3A_2079 = tpu.memref_slice %arg10[%dma_start3A_2068] : memref<5x!tpu.dma_semaphore, #tpu.memory_space<semaphore_mem>> -> memref<1x!tpu.dma_semaphore, #tpu.memory_space<semaphore_mem>>
    %dma_start3A_2080 = tpu.memref_squeeze %dma_start3A_2079 : memref<1x!tpu.dma_semaphore, #tpu.memory_space<semaphore_mem>> -> memref<!tpu.dma_semaphore, #tpu.memory_space<semaphore_mem>>
    tpu.enqueue_indirect_dma source(%dma_start3A_2072 : memref<128x128xf32, #tpu.memory_space<vmem>>) target(%dma_start3A_2078 : memref<2056x128xf32, #tpu.memory_space<vmem_shared>>) offsets(%dma_start3A_2075 : memref<128xi32, #tpu.memory_space<vmem>>) semaphore(%dma_start3A_2080 : memref<!tpu.dma_semaphore, #tpu.memory_space<semaphore_mem>>) {add = true}
    %dma_wait3A_2081 = arith.constant 0 : i32
    %dma_wait3A_2082 = arith.constant 0 : i32
    %dma_wait3A_2083 = arith.constant 0 : i32
    %dma_wait3A_2084 = arith.constant 0 : i32
    %dma_wait3A_2085 = arith.constant 0 : i32
    %dma_wait3A_2086 = tpu.memref_slice %arg6[%dma_wait3A_2081, %dma_wait3A_2084, %dma_wait3A_2085] : memref<5x128x128xf32, #tpu.memory_space<vmem>> -> memref<1x128x128xf32, #tpu.memory_space<vmem>>
    %dma_wait3A_2087 = tpu.memref_squeeze %dma_wait3A_2086 : memref<1x128x128xf32, #tpu.memory_space<vmem>> -> memref<128x128xf32, #tpu.memory_space<vmem>>
    %dma_wait3A_2088 = arith.constant 0 : i32
    %dma_wait3A_2089 = tpu.memref_slice %arg5[%dma_wait3A_2082, %dma_wait3A_2088] : memref<32x128xi32, #tpu.memory_space<vmem>> -> memref<1x128xi32, #tpu.memory_space<vmem>>
    %dma_wait3A_2090 = tpu.memref_squeeze %dma_wait3A_2089 : memref<1x128xi32, #tpu.memory_space<vmem>> -> memref<128xi32, #tpu.memory_space<vmem>>
    %dma_wait3A_2091 = arith.constant 0 : i32
    %dma_wait3A_2092 = arith.constant 0 : i32
    %dma_wait3A_2093 = tpu.memref_slice %arg8[%dma_wait3A_2091, %dma_wait3A_2092] : memref<2056x128xf32, #tpu.memory_space<vmem_shared>> -> memref<2056x128xf32, #tpu.memory_space<vmem_shared>>
    %dma_wait3A_2094 = tpu.memref_slice %arg10[%dma_wait3A_2083] : memref<5x!tpu.dma_semaphore, #tpu.memory_space<semaphore_mem>> -> memref<1x!tpu.dma_semaphore, #tpu.memory_space<semaphore_mem>>
    %dma_wait3A_2095 = tpu.memref_squeeze %dma_wait3A_2094 : memref<1x!tpu.dma_semaphore, #tpu.memory_space<semaphore_mem>> -> memref<!tpu.dma_semaphore, #tpu.memory_space<semaphore_mem>>
    tpu.wait_indirect_dma semaphore(%dma_wait3A_2095 : memref<!tpu.dma_semaphore, #tpu.memory_space<semaphore_mem>>) src(%dma_wait3A_2087 : memref<128x128xf32, #tpu.memory_space<vmem>>) dst(%dma_wait3A_2093 : memref<2056x128xf32, #tpu.memory_space<vmem_shared>>)
    %add3A_2096 = arith.constant 18 : i32
    %add3A_2097 = arith.addi %add3A_6, %add3A_2096 : i32
    %add3A_2098 = arith.constant 2 : i32
    %add3A_2099 = arith.addi %add3A_2097, %add3A_2098 : i32
    %lt3A_2100 = arith.constant 781 : i32
    %lt3A_2101 = arith.cmpi slt, %add3A_2099, %lt3A_2100 : i32
    %mul3A_2102 = arith.constant 128 : i32
    %mul3A_2103 = arith.muli %add3A_2099, %mul3A_2102 : i32
    %eq3A_2104 = arith.constant 781 : i32
    %eq3A_2105 = arith.cmpi eq, %add3A_2099, %eq3A_2104 : i32
    %jit3A_2106 = arith.constant 99872 : i32
    %jit3A_2107 = arith.constant 0 : i32
    %select_n3A_2108 = arith.select %eq3A_2105, %jit3A_2106, %jit3A_2107 : i32
    %select_n3A_2109 = arith.select %lt3A_2101, %mul3A_2103, %select_n3A_2108 : i32
    %dma_start3A_2110 = arith.constant 0 : i32
    %dma_start3A_2111 = arith.constant 0 : i32
    %dma_start3A_2112 = arith.constant 0 : i32
    %dma_start3A_2113 = arith.constant 0 : i32
    %dma_start3A_2114 = tpu.memref_slice %arg6[%dma_start3A_2110, %dma_start3A_2112, %dma_start3A_2113] : memref<5x128x128xf32, #tpu.memory_space<vmem>> -> memref<1x128x128xf32, #tpu.memory_space<vmem>>
    %dma_start3A_2115 = tpu.memref_squeeze %dma_start3A_2114 : memref<1x128x128xf32, #tpu.memory_space<vmem>> -> memref<128x128xf32, #tpu.memory_space<vmem>>
    %dma_start3A_2116 = arith.constant 0 : i32
    %dma_start3A_2117 = tpu.memref_slice %arg2[%select_n3A_2109, %dma_start3A_2116] : memref<100000x128xf32, #tpu.memory_space<hbm>> -> memref<128x128xf32, #tpu.memory_space<hbm>>
    %dma_start3A_2118 = tpu.memref_slice %arg9[%dma_start3A_2111] : memref<5x!tpu.dma_semaphore, #tpu.memory_space<semaphore_mem>> -> memref<1x!tpu.dma_semaphore, #tpu.memory_space<semaphore_mem>>
    %dma_start3A_2119 = tpu.memref_squeeze %dma_start3A_2118 : memref<1x!tpu.dma_semaphore, #tpu.memory_space<semaphore_mem>> -> memref<!tpu.dma_semaphore, #tpu.memory_space<semaphore_mem>>
    %dma_start3A_2120 = arith.constant 0 : i32
    %dma_start3A_2121 = arith.constant 0 : i32
    %dma_start3A_2122 = tpu.memref_slice %arg6[%dma_start3A_2110, %dma_start3A_2120, %dma_start3A_2121] : memref<5x128x128xf32, #tpu.memory_space<vmem>> -> memref<1x128x128xf32, #tpu.memory_space<vmem>>
    %dma_start3A_2123 = tpu.memref_squeeze %dma_start3A_2122 : memref<1x128x128xf32, #tpu.memory_space<vmem>> -> memref<128x128xf32, #tpu.memory_space<vmem>>
    %dma_start3A_2124 = arith.constant 0 : i32
    %dma_start3A_2125 = tpu.memref_slice %arg2[%select_n3A_2109, %dma_start3A_2124] : memref<100000x128xf32, #tpu.memory_space<hbm>> -> memref<128x128xf32, #tpu.memory_space<hbm>>
    tpu.enqueue_dma source(%dma_start3A_2125 : memref<128x128xf32, #tpu.memory_space<hbm>>) target(%dma_start3A_2123 : memref<128x128xf32, #tpu.memory_space<vmem>>) target_semaphore(%dma_start3A_2119 : memref<!tpu.dma_semaphore, #tpu.memory_space<semaphore_mem>>)
    %dma_wait3A_2126 = arith.constant 3 : i32
    %dma_wait3A_2127 = arith.constant 3 : i32
    %dma_wait3A_2128 = arith.constant 0 : i32
    %dma_wait3A_2129 = arith.constant 0 : i32
    %dma_wait3A_2130 = tpu.memref_slice %arg6[%dma_wait3A_2126, %dma_wait3A_2128, %dma_wait3A_2129] : memref<5x128x128xf32, #tpu.memory_space<vmem>> -> memref<1x128x128xf32, #tpu.memory_space<vmem>>
    %dma_wait3A_2131 = tpu.memref_squeeze %dma_wait3A_2130 : memref<1x128x128xf32, #tpu.memory_space<vmem>> -> memref<128x128xf32, #tpu.memory_space<vmem>>
    %dma_wait3A_2132 = arith.constant 0 : i32
    %dma_wait3A_2133 = arith.constant 0 : i32
    %dma_wait3A_2134 = tpu.memref_slice %arg2[%dma_wait3A_2132, %dma_wait3A_2133] : memref<100000x128xf32, #tpu.memory_space<hbm>> -> memref<128x128xf32, #tpu.memory_space<hbm>>
    %dma_wait3A_2135 = tpu.memref_slice %arg9[%dma_wait3A_2127] : memref<5x!tpu.dma_semaphore, #tpu.memory_space<semaphore_mem>> -> memref<1x!tpu.dma_semaphore, #tpu.memory_space<semaphore_mem>>
    %dma_wait3A_2136 = tpu.memref_squeeze %dma_wait3A_2135 : memref<1x!tpu.dma_semaphore, #tpu.memory_space<semaphore_mem>> -> memref<!tpu.dma_semaphore, #tpu.memory_space<semaphore_mem>>
    %dma_wait3A_2137 = arith.constant 0 : i32
    %dma_wait3A_2138 = arith.constant 0 : i32
    %dma_wait3A_2139 = tpu.memref_slice %arg6[%dma_wait3A_2126, %dma_wait3A_2137, %dma_wait3A_2138] : memref<5x128x128xf32, #tpu.memory_space<vmem>> -> memref<1x128x128xf32, #tpu.memory_space<vmem>>
    %dma_wait3A_2140 = tpu.memref_squeeze %dma_wait3A_2139 : memref<1x128x128xf32, #tpu.memory_space<vmem>> -> memref<128x128xf32, #tpu.memory_space<vmem>>
    %dma_wait3A_2141 = arith.constant 0 : i32
    %dma_wait3A_2142 = arith.constant 0 : i32
    %dma_wait3A_2143 = tpu.memref_slice %arg2[%dma_wait3A_2141, %dma_wait3A_2142] : memref<100000x128xf32, #tpu.memory_space<hbm>> -> memref<128x128xf32, #tpu.memory_space<hbm>>
    tpu.wait_dma2 semaphore(%dma_wait3A_2136 : memref<!tpu.dma_semaphore, #tpu.memory_space<semaphore_mem>>) src(%dma_wait3A_2143 : memref<128x128xf32, #tpu.memory_space<hbm>>) dst(%dma_wait3A_2140 : memref<128x128xf32, #tpu.memory_space<vmem>>)
    %add3A_2144 = arith.constant 18 : i32
    %add3A_2145 = arith.addi %sub3A_27, %add3A_2144 : i32
    %dma_start3A_2146 = arith.constant 3 : i32
    %dma_start3A_2147 = arith.constant 3 : i32
    %dma_start3A_2148 = arith.constant 0 : i32
    %dma_start3A_2149 = arith.constant 0 : i32
    %dma_start3A_2150 = tpu.memref_slice %arg6[%dma_start3A_2146, %dma_start3A_2148, %dma_start3A_2149] : memref<5x128x128xf32, #tpu.memory_space<vmem>> -> memref<1x128x128xf32, #tpu.memory_space<vmem>>
    %dma_start3A_2151 = tpu.memref_squeeze %dma_start3A_2150 : memref<1x128x128xf32, #tpu.memory_space<vmem>> -> memref<128x128xf32, #tpu.memory_space<vmem>>
    %dma_start3A_2152 = arith.constant 0 : i32
    %dma_start3A_2153 = tpu.memref_slice %arg5[%add3A_2145, %dma_start3A_2152] : memref<32x128xi32, #tpu.memory_space<vmem>> -> memref<1x128xi32, #tpu.memory_space<vmem>>
    %dma_start3A_2154 = tpu.memref_squeeze %dma_start3A_2153 : memref<1x128xi32, #tpu.memory_space<vmem>> -> memref<128xi32, #tpu.memory_space<vmem>>
    %dma_start3A_2155 = arith.constant 0 : i32
    %dma_start3A_2156 = arith.constant 0 : i32
    %dma_start3A_2157 = tpu.memref_slice %arg8[%dma_start3A_2155, %dma_start3A_2156] : memref<2056x128xf32, #tpu.memory_space<vmem_shared>> -> memref<2056x128xf32, #tpu.memory_space<vmem_shared>>
    %dma_start3A_2158 = tpu.memref_slice %arg10[%dma_start3A_2147] : memref<5x!tpu.dma_semaphore, #tpu.memory_space<semaphore_mem>> -> memref<1x!tpu.dma_semaphore, #tpu.memory_space<semaphore_mem>>
    %dma_start3A_2159 = tpu.memref_squeeze %dma_start3A_2158 : memref<1x!tpu.dma_semaphore, #tpu.memory_space<semaphore_mem>> -> memref<!tpu.dma_semaphore, #tpu.memory_space<semaphore_mem>>
    tpu.enqueue_indirect_dma source(%dma_start3A_2151 : memref<128x128xf32, #tpu.memory_space<vmem>>) target(%dma_start3A_2157 : memref<2056x128xf32, #tpu.memory_space<vmem_shared>>) offsets(%dma_start3A_2154 : memref<128xi32, #tpu.memory_space<vmem>>) semaphore(%dma_start3A_2159 : memref<!tpu.dma_semaphore, #tpu.memory_space<semaphore_mem>>) {add = true}
    %dma_wait3A_2160 = arith.constant 1 : i32
    %dma_wait3A_2161 = arith.constant 0 : i32
    %dma_wait3A_2162 = arith.constant 1 : i32
    %dma_wait3A_2163 = arith.constant 0 : i32
    %dma_wait3A_2164 = arith.constant 0 : i32
    %dma_wait3A_2165 = tpu.memref_slice %arg6[%dma_wait3A_2160, %dma_wait3A_2163, %dma_wait3A_2164] : memref<5x128x128xf32, #tpu.memory_space<vmem>> -> memref<1x128x128xf32, #tpu.memory_space<vmem>>
    %dma_wait3A_2166 = tpu.memref_squeeze %dma_wait3A_2165 : memref<1x128x128xf32, #tpu.memory_space<vmem>> -> memref<128x128xf32, #tpu.memory_space<vmem>>
    %dma_wait3A_2167 = arith.constant 0 : i32
    %dma_wait3A_2168 = tpu.memref_slice %arg5[%dma_wait3A_2161, %dma_wait3A_2167] : memref<32x128xi32, #tpu.memory_space<vmem>> -> memref<1x128xi32, #tpu.memory_space<vmem>>
    %dma_wait3A_2169 = tpu.memref_squeeze %dma_wait3A_2168 : memref<1x128xi32, #tpu.memory_space<vmem>> -> memref<128xi32, #tpu.memory_space<vmem>>
    %dma_wait3A_2170 = arith.constant 0 : i32
    %dma_wait3A_2171 = arith.constant 0 : i32
    %dma_wait3A_2172 = tpu.memref_slice %arg8[%dma_wait3A_2170, %dma_wait3A_2171] : memref<2056x128xf32, #tpu.memory_space<vmem_shared>> -> memref<2056x128xf32, #tpu.memory_space<vmem_shared>>
    %dma_wait3A_2173 = tpu.memref_slice %arg10[%dma_wait3A_2162] : memref<5x!tpu.dma_semaphore, #tpu.memory_space<semaphore_mem>> -> memref<1x!tpu.dma_semaphore, #tpu.memory_space<semaphore_mem>>
    %dma_wait3A_2174 = tpu.memref_squeeze %dma_wait3A_2173 : memref<1x!tpu.dma_semaphore, #tpu.memory_space<semaphore_mem>> -> memref<!tpu.dma_semaphore, #tpu.memory_space<semaphore_mem>>
    tpu.wait_indirect_dma semaphore(%dma_wait3A_2174 : memref<!tpu.dma_semaphore, #tpu.memory_space<semaphore_mem>>) src(%dma_wait3A_2166 : memref<128x128xf32, #tpu.memory_space<vmem>>) dst(%dma_wait3A_2172 : memref<2056x128xf32, #tpu.memory_space<vmem_shared>>)
    %add3A_2175 = arith.constant 19 : i32
    %add3A_2176 = arith.addi %add3A_6, %add3A_2175 : i32
    %add3A_2177 = arith.constant 2 : i32
    %add3A_2178 = arith.addi %add3A_2176, %add3A_2177 : i32
    %lt3A_2179 = arith.constant 781 : i32
    %lt3A_2180 = arith.cmpi slt, %add3A_2178, %lt3A_2179 : i32
    %mul3A_2181 = arith.constant 128 : i32
    %mul3A_2182 = arith.muli %add3A_2178, %mul3A_2181 : i32
    %eq3A_2183 = arith.constant 781 : i32
    %eq3A_2184 = arith.cmpi eq, %add3A_2178, %eq3A_2183 : i32
    %jit3A_2185 = arith.constant 99872 : i32
    %jit3A_2186 = arith.constant 0 : i32
    %select_n3A_2187 = arith.select %eq3A_2184, %jit3A_2185, %jit3A_2186 : i32
    %select_n3A_2188 = arith.select %lt3A_2180, %mul3A_2182, %select_n3A_2187 : i32
    %dma_start3A_2189 = arith.constant 1 : i32
    %dma_start3A_2190 = arith.constant 1 : i32
    %dma_start3A_2191 = arith.constant 0 : i32
    %dma_start3A_2192 = arith.constant 0 : i32
    %dma_start3A_2193 = tpu.memref_slice %arg6[%dma_start3A_2189, %dma_start3A_2191, %dma_start3A_2192] : memref<5x128x128xf32, #tpu.memory_space<vmem>> -> memref<1x128x128xf32, #tpu.memory_space<vmem>>
    %dma_start3A_2194 = tpu.memref_squeeze %dma_start3A_2193 : memref<1x128x128xf32, #tpu.memory_space<vmem>> -> memref<128x128xf32, #tpu.memory_space<vmem>>
    %dma_start3A_2195 = arith.constant 0 : i32
    %dma_start3A_2196 = tpu.memref_slice %arg2[%select_n3A_2188, %dma_start3A_2195] : memref<100000x128xf32, #tpu.memory_space<hbm>> -> memref<128x128xf32, #tpu.memory_space<hbm>>
    %dma_start3A_2197 = tpu.memref_slice %arg9[%dma_start3A_2190] : memref<5x!tpu.dma_semaphore, #tpu.memory_space<semaphore_mem>> -> memref<1x!tpu.dma_semaphore, #tpu.memory_space<semaphore_mem>>
    %dma_start3A_2198 = tpu.memref_squeeze %dma_start3A_2197 : memref<1x!tpu.dma_semaphore, #tpu.memory_space<semaphore_mem>> -> memref<!tpu.dma_semaphore, #tpu.memory_space<semaphore_mem>>
    %dma_start3A_2199 = arith.constant 0 : i32
    %dma_start3A_2200 = arith.constant 0 : i32
    %dma_start3A_2201 = tpu.memref_slice %arg6[%dma_start3A_2189, %dma_start3A_2199, %dma_start3A_2200] : memref<5x128x128xf32, #tpu.memory_space<vmem>> -> memref<1x128x128xf32, #tpu.memory_space<vmem>>
    %dma_start3A_2202 = tpu.memref_squeeze %dma_start3A_2201 : memref<1x128x128xf32, #tpu.memory_space<vmem>> -> memref<128x128xf32, #tpu.memory_space<vmem>>
    %dma_start3A_2203 = arith.constant 0 : i32
    %dma_start3A_2204 = tpu.memref_slice %arg2[%select_n3A_2188, %dma_start3A_2203] : memref<100000x128xf32, #tpu.memory_space<hbm>> -> memref<128x128xf32, #tpu.memory_space<hbm>>
    tpu.enqueue_dma source(%dma_start3A_2204 : memref<128x128xf32, #tpu.memory_space<hbm>>) target(%dma_start3A_2202 : memref<128x128xf32, #tpu.memory_space<vmem>>) target_semaphore(%dma_start3A_2198 : memref<!tpu.dma_semaphore, #tpu.memory_space<semaphore_mem>>)
    %dma_wait3A_2205 = arith.constant 4 : i32
    %dma_wait3A_2206 = arith.constant 4 : i32
    %dma_wait3A_2207 = arith.constant 0 : i32
    %dma_wait3A_2208 = arith.constant 0 : i32
    %dma_wait3A_2209 = tpu.memref_slice %arg6[%dma_wait3A_2205, %dma_wait3A_2207, %dma_wait3A_2208] : memref<5x128x128xf32, #tpu.memory_space<vmem>> -> memref<1x128x128xf32, #tpu.memory_space<vmem>>
    %dma_wait3A_2210 = tpu.memref_squeeze %dma_wait3A_2209 : memref<1x128x128xf32, #tpu.memory_space<vmem>> -> memref<128x128xf32, #tpu.memory_space<vmem>>
    %dma_wait3A_2211 = arith.constant 0 : i32
    %dma_wait3A_2212 = arith.constant 0 : i32
    %dma_wait3A_2213 = tpu.memref_slice %arg2[%dma_wait3A_2211, %dma_wait3A_2212] : memref<100000x128xf32, #tpu.memory_space<hbm>> -> memref<128x128xf32, #tpu.memory_space<hbm>>
    %dma_wait3A_2214 = tpu.memref_slice %arg9[%dma_wait3A_2206] : memref<5x!tpu.dma_semaphore, #tpu.memory_space<semaphore_mem>> -> memref<1x!tpu.dma_semaphore, #tpu.memory_space<semaphore_mem>>
    %dma_wait3A_2215 = tpu.memref_squeeze %dma_wait3A_2214 : memref<1x!tpu.dma_semaphore, #tpu.memory_space<semaphore_mem>> -> memref<!tpu.dma_semaphore, #tpu.memory_space<semaphore_mem>>
    %dma_wait3A_2216 = arith.constant 0 : i32
    %dma_wait3A_2217 = arith.constant 0 : i32
    %dma_wait3A_2218 = tpu.memref_slice %arg6[%dma_wait3A_2205, %dma_wait3A_2216, %dma_wait3A_2217] : memref<5x128x128xf32, #tpu.memory_space<vmem>> -> memref<1x128x128xf32, #tpu.memory_space<vmem>>
    %dma_wait3A_2219 = tpu.memref_squeeze %dma_wait3A_2218 : memref<1x128x128xf32, #tpu.memory_space<vmem>> -> memref<128x128xf32, #tpu.memory_space<vmem>>
    %dma_wait3A_2220 = arith.constant 0 : i32
    %dma_wait3A_2221 = arith.constant 0 : i32
    %dma_wait3A_2222 = tpu.memref_slice %arg2[%dma_wait3A_2220, %dma_wait3A_2221] : memref<100000x128xf32, #tpu.memory_space<hbm>> -> memref<128x128xf32, #tpu.memory_space<hbm>>
    tpu.wait_dma2 semaphore(%dma_wait3A_2215 : memref<!tpu.dma_semaphore, #tpu.memory_space<semaphore_mem>>) src(%dma_wait3A_2222 : memref<128x128xf32, #tpu.memory_space<hbm>>) dst(%dma_wait3A_2219 : memref<128x128xf32, #tpu.memory_space<vmem>>)
    %add3A_2223 = arith.constant 19 : i32
    %add3A_2224 = arith.addi %sub3A_27, %add3A_2223 : i32
    %dma_start3A_2225 = arith.constant 4 : i32
    %dma_start3A_2226 = arith.constant 4 : i32
    %dma_start3A_2227 = arith.constant 0 : i32
    %dma_start3A_2228 = arith.constant 0 : i32
    %dma_start3A_2229 = tpu.memref_slice %arg6[%dma_start3A_2225, %dma_start3A_2227, %dma_start3A_2228] : memref<5x128x128xf32, #tpu.memory_space<vmem>> -> memref<1x128x128xf32, #tpu.memory_space<vmem>>
    %dma_start3A_2230 = tpu.memref_squeeze %dma_start3A_2229 : memref<1x128x128xf32, #tpu.memory_space<vmem>> -> memref<128x128xf32, #tpu.memory_space<vmem>>
    %dma_start3A_2231 = arith.constant 0 : i32
    %dma_start3A_2232 = tpu.memref_slice %arg5[%add3A_2224, %dma_start3A_2231] : memref<32x128xi32, #tpu.memory_space<vmem>> -> memref<1x128xi32, #tpu.memory_space<vmem>>
    %dma_start3A_2233 = tpu.memref_squeeze %dma_start3A_2232 : memref<1x128xi32, #tpu.memory_space<vmem>> -> memref<128xi32, #tpu.memory_space<vmem>>
    %dma_start3A_2234 = arith.constant 0 : i32
    %dma_start3A_2235 = arith.constant 0 : i32
    %dma_start3A_2236 = tpu.memref_slice %arg8[%dma_start3A_2234, %dma_start3A_2235] : memref<2056x128xf32, #tpu.memory_space<vmem_shared>> -> memref<2056x128xf32, #tpu.memory_space<vmem_shared>>
    %dma_start3A_2237 = tpu.memref_slice %arg10[%dma_start3A_2226] : memref<5x!tpu.dma_semaphore, #tpu.memory_space<semaphore_mem>> -> memref<1x!tpu.dma_semaphore, #tpu.memory_space<semaphore_mem>>
    %dma_start3A_2238 = tpu.memref_squeeze %dma_start3A_2237 : memref<1x!tpu.dma_semaphore, #tpu.memory_space<semaphore_mem>> -> memref<!tpu.dma_semaphore, #tpu.memory_space<semaphore_mem>>
    tpu.enqueue_indirect_dma source(%dma_start3A_2230 : memref<128x128xf32, #tpu.memory_space<vmem>>) target(%dma_start3A_2236 : memref<2056x128xf32, #tpu.memory_space<vmem_shared>>) offsets(%dma_start3A_2233 : memref<128xi32, #tpu.memory_space<vmem>>) semaphore(%dma_start3A_2238 : memref<!tpu.dma_semaphore, #tpu.memory_space<semaphore_mem>>) {add = true}
    %dma_wait3A_2239 = arith.constant 2 : i32
    %dma_wait3A_2240 = arith.constant 0 : i32
    %dma_wait3A_2241 = arith.constant 2 : i32
    %dma_wait3A_2242 = arith.constant 0 : i32
    %dma_wait3A_2243 = arith.constant 0 : i32
    %dma_wait3A_2244 = tpu.memref_slice %arg6[%dma_wait3A_2239, %dma_wait3A_2242, %dma_wait3A_2243] : memref<5x128x128xf32, #tpu.memory_space<vmem>> -> memref<1x128x128xf32, #tpu.memory_space<vmem>>
    %dma_wait3A_2245 = tpu.memref_squeeze %dma_wait3A_2244 : memref<1x128x128xf32, #tpu.memory_space<vmem>> -> memref<128x128xf32, #tpu.memory_space<vmem>>
    %dma_wait3A_2246 = arith.constant 0 : i32
    %dma_wait3A_2247 = tpu.memref_slice %arg5[%dma_wait3A_2240, %dma_wait3A_2246] : memref<32x128xi32, #tpu.memory_space<vmem>> -> memref<1x128xi32, #tpu.memory_space<vmem>>
    %dma_wait3A_2248 = tpu.memref_squeeze %dma_wait3A_2247 : memref<1x128xi32, #tpu.memory_space<vmem>> -> memref<128xi32, #tpu.memory_space<vmem>>
    %dma_wait3A_2249 = arith.constant 0 : i32
    %dma_wait3A_2250 = arith.constant 0 : i32
    %dma_wait3A_2251 = tpu.memref_slice %arg8[%dma_wait3A_2249, %dma_wait3A_2250] : memref<2056x128xf32, #tpu.memory_space<vmem_shared>> -> memref<2056x128xf32, #tpu.memory_space<vmem_shared>>
    %dma_wait3A_2252 = tpu.memref_slice %arg10[%dma_wait3A_2241] : memref<5x!tpu.dma_semaphore, #tpu.memory_space<semaphore_mem>> -> memref<1x!tpu.dma_semaphore, #tpu.memory_space<semaphore_mem>>
    %dma_wait3A_2253 = tpu.memref_squeeze %dma_wait3A_2252 : memref<1x!tpu.dma_semaphore, #tpu.memory_space<semaphore_mem>> -> memref<!tpu.dma_semaphore, #tpu.memory_space<semaphore_mem>>
    tpu.wait_indirect_dma semaphore(%dma_wait3A_2253 : memref<!tpu.dma_semaphore, #tpu.memory_space<semaphore_mem>>) src(%dma_wait3A_2245 : memref<128x128xf32, #tpu.memory_space<vmem>>) dst(%dma_wait3A_2251 : memref<2056x128xf32, #tpu.memory_space<vmem_shared>>)
    %add3A_2254 = arith.constant 20 : i32
    %add3A_2255 = arith.addi %add3A_6, %add3A_2254 : i32
    %add3A_2256 = arith.constant 2 : i32
    %add3A_2257 = arith.addi %add3A_2255, %add3A_2256 : i32
    %lt3A_2258 = arith.constant 781 : i32
    %lt3A_2259 = arith.cmpi slt, %add3A_2257, %lt3A_2258 : i32
    %mul3A_2260 = arith.constant 128 : i32
    %mul3A_2261 = arith.muli %add3A_2257, %mul3A_2260 : i32
    %eq3A_2262 = arith.constant 781 : i32
    %eq3A_2263 = arith.cmpi eq, %add3A_2257, %eq3A_2262 : i32
    %jit3A_2264 = arith.constant 99872 : i32
    %jit3A_2265 = arith.constant 0 : i32
    %select_n3A_2266 = arith.select %eq3A_2263, %jit3A_2264, %jit3A_2265 : i32
    %select_n3A_2267 = arith.select %lt3A_2259, %mul3A_2261, %select_n3A_2266 : i32
    %dma_start3A_2268 = arith.constant 2 : i32
    %dma_start3A_2269 = arith.constant 2 : i32
    %dma_start3A_2270 = arith.constant 0 : i32
    %dma_start3A_2271 = arith.constant 0 : i32
    %dma_start3A_2272 = tpu.memref_slice %arg6[%dma_start3A_2268, %dma_start3A_2270, %dma_start3A_2271] : memref<5x128x128xf32, #tpu.memory_space<vmem>> -> memref<1x128x128xf32, #tpu.memory_space<vmem>>
    %dma_start3A_2273 = tpu.memref_squeeze %dma_start3A_2272 : memref<1x128x128xf32, #tpu.memory_space<vmem>> -> memref<128x128xf32, #tpu.memory_space<vmem>>
    %dma_start3A_2274 = arith.constant 0 : i32
    %dma_start3A_2275 = tpu.memref_slice %arg2[%select_n3A_2267, %dma_start3A_2274] : memref<100000x128xf32, #tpu.memory_space<hbm>> -> memref<128x128xf32, #tpu.memory_space<hbm>>
    %dma_start3A_2276 = tpu.memref_slice %arg9[%dma_start3A_2269] : memref<5x!tpu.dma_semaphore, #tpu.memory_space<semaphore_mem>> -> memref<1x!tpu.dma_semaphore, #tpu.memory_space<semaphore_mem>>
    %dma_start3A_2277 = tpu.memref_squeeze %dma_start3A_2276 : memref<1x!tpu.dma_semaphore, #tpu.memory_space<semaphore_mem>> -> memref<!tpu.dma_semaphore, #tpu.memory_space<semaphore_mem>>
    %dma_start3A_2278 = arith.constant 0 : i32
    %dma_start3A_2279 = arith.constant 0 : i32
    %dma_start3A_2280 = tpu.memref_slice %arg6[%dma_start3A_2268, %dma_start3A_2278, %dma_start3A_2279] : memref<5x128x128xf32, #tpu.memory_space<vmem>> -> memref<1x128x128xf32, #tpu.memory_space<vmem>>
    %dma_start3A_2281 = tpu.memref_squeeze %dma_start3A_2280 : memref<1x128x128xf32, #tpu.memory_space<vmem>> -> memref<128x128xf32, #tpu.memory_space<vmem>>
    %dma_start3A_2282 = arith.constant 0 : i32
    %dma_start3A_2283 = tpu.memref_slice %arg2[%select_n3A_2267, %dma_start3A_2282] : memref<100000x128xf32, #tpu.memory_space<hbm>> -> memref<128x128xf32, #tpu.memory_space<hbm>>
    tpu.enqueue_dma source(%dma_start3A_2283 : memref<128x128xf32, #tpu.memory_space<hbm>>) target(%dma_start3A_2281 : memref<128x128xf32, #tpu.memory_space<vmem>>) target_semaphore(%dma_start3A_2277 : memref<!tpu.dma_semaphore, #tpu.memory_space<semaphore_mem>>)
    %dma_wait3A_2284 = arith.constant 0 : i32
    %dma_wait3A_2285 = arith.constant 0 : i32
    %dma_wait3A_2286 = arith.constant 0 : i32
    %dma_wait3A_2287 = arith.constant 0 : i32
    %dma_wait3A_2288 = tpu.memref_slice %arg6[%dma_wait3A_2284, %dma_wait3A_2286, %dma_wait3A_2287] : memref<5x128x128xf32, #tpu.memory_space<vmem>> -> memref<1x128x128xf32, #tpu.memory_space<vmem>>
    %dma_wait3A_2289 = tpu.memref_squeeze %dma_wait3A_2288 : memref<1x128x128xf32, #tpu.memory_space<vmem>> -> memref<128x128xf32, #tpu.memory_space<vmem>>
    %dma_wait3A_2290 = arith.constant 0 : i32
    %dma_wait3A_2291 = arith.constant 0 : i32
    %dma_wait3A_2292 = tpu.memref_slice %arg2[%dma_wait3A_2290, %dma_wait3A_2291] : memref<100000x128xf32, #tpu.memory_space<hbm>> -> memref<128x128xf32, #tpu.memory_space<hbm>>
    %dma_wait3A_2293 = tpu.memref_slice %arg9[%dma_wait3A_2285] : memref<5x!tpu.dma_semaphore, #tpu.memory_space<semaphore_mem>> -> memref<1x!tpu.dma_semaphore, #tpu.memory_space<semaphore_mem>>
    %dma_wait3A_2294 = tpu.memref_squeeze %dma_wait3A_2293 : memref<1x!tpu.dma_semaphore, #tpu.memory_space<semaphore_mem>> -> memref<!tpu.dma_semaphore, #tpu.memory_space<semaphore_mem>>
    %dma_wait3A_2295 = arith.constant 0 : i32
    %dma_wait3A_2296 = arith.constant 0 : i32
    %dma_wait3A_2297 = tpu.memref_slice %arg6[%dma_wait3A_2284, %dma_wait3A_2295, %dma_wait3A_2296] : memref<5x128x128xf32, #tpu.memory_space<vmem>> -> memref<1x128x128xf32, #tpu.memory_space<vmem>>
    %dma_wait3A_2298 = tpu.memref_squeeze %dma_wait3A_2297 : memref<1x128x128xf32, #tpu.memory_space<vmem>> -> memref<128x128xf32, #tpu.memory_space<vmem>>
    %dma_wait3A_2299 = arith.constant 0 : i32
    %dma_wait3A_2300 = arith.constant 0 : i32
    %dma_wait3A_2301 = tpu.memref_slice %arg2[%dma_wait3A_2299, %dma_wait3A_2300] : memref<100000x128xf32, #tpu.memory_space<hbm>> -> memref<128x128xf32, #tpu.memory_space<hbm>>
    tpu.wait_dma2 semaphore(%dma_wait3A_2294 : memref<!tpu.dma_semaphore, #tpu.memory_space<semaphore_mem>>) src(%dma_wait3A_2301 : memref<128x128xf32, #tpu.memory_space<hbm>>) dst(%dma_wait3A_2298 : memref<128x128xf32, #tpu.memory_space<vmem>>)
    %add3A_2302 = arith.constant 20 : i32
    %add3A_2303 = arith.addi %sub3A_27, %add3A_2302 : i32
    %dma_start3A_2304 = arith.constant 0 : i32
    %dma_start3A_2305 = arith.constant 0 : i32
    %dma_start3A_2306 = arith.constant 0 : i32
    %dma_start3A_2307 = arith.constant 0 : i32
    %dma_start3A_2308 = tpu.memref_slice %arg6[%dma_start3A_2304, %dma_start3A_2306, %dma_start3A_2307] : memref<5x128x128xf32, #tpu.memory_space<vmem>> -> memref<1x128x128xf32, #tpu.memory_space<vmem>>
    %dma_start3A_2309 = tpu.memref_squeeze %dma_start3A_2308 : memref<1x128x128xf32, #tpu.memory_space<vmem>> -> memref<128x128xf32, #tpu.memory_space<vmem>>
    %dma_start3A_2310 = arith.constant 0 : i32
    %dma_start3A_2311 = tpu.memref_slice %arg5[%add3A_2303, %dma_start3A_2310] : memref<32x128xi32, #tpu.memory_space<vmem>> -> memref<1x128xi32, #tpu.memory_space<vmem>>
    %dma_start3A_2312 = tpu.memref_squeeze %dma_start3A_2311 : memref<1x128xi32, #tpu.memory_space<vmem>> -> memref<128xi32, #tpu.memory_space<vmem>>
    %dma_start3A_2313 = arith.constant 0 : i32
    %dma_start3A_2314 = arith.constant 0 : i32
    %dma_start3A_2315 = tpu.memref_slice %arg8[%dma_start3A_2313, %dma_start3A_2314] : memref<2056x128xf32, #tpu.memory_space<vmem_shared>> -> memref<2056x128xf32, #tpu.memory_space<vmem_shared>>
    %dma_start3A_2316 = tpu.memref_slice %arg10[%dma_start3A_2305] : memref<5x!tpu.dma_semaphore, #tpu.memory_space<semaphore_mem>> -> memref<1x!tpu.dma_semaphore, #tpu.memory_space<semaphore_mem>>
    %dma_start3A_2317 = tpu.memref_squeeze %dma_start3A_2316 : memref<1x!tpu.dma_semaphore, #tpu.memory_space<semaphore_mem>> -> memref<!tpu.dma_semaphore, #tpu.memory_space<semaphore_mem>>
    tpu.enqueue_indirect_dma source(%dma_start3A_2309 : memref<128x128xf32, #tpu.memory_space<vmem>>) target(%dma_start3A_2315 : memref<2056x128xf32, #tpu.memory_space<vmem_shared>>) offsets(%dma_start3A_2312 : memref<128xi32, #tpu.memory_space<vmem>>) semaphore(%dma_start3A_2317 : memref<!tpu.dma_semaphore, #tpu.memory_space<semaphore_mem>>) {add = true}
    %dma_wait3A_2318 = arith.constant 3 : i32
    %dma_wait3A_2319 = arith.constant 0 : i32
    %dma_wait3A_2320 = arith.constant 3 : i32
    %dma_wait3A_2321 = arith.constant 0 : i32
    %dma_wait3A_2322 = arith.constant 0 : i32
    %dma_wait3A_2323 = tpu.memref_slice %arg6[%dma_wait3A_2318, %dma_wait3A_2321, %dma_wait3A_2322] : memref<5x128x128xf32, #tpu.memory_space<vmem>> -> memref<1x128x128xf32, #tpu.memory_space<vmem>>
    %dma_wait3A_2324 = tpu.memref_squeeze %dma_wait3A_2323 : memref<1x128x128xf32, #tpu.memory_space<vmem>> -> memref<128x128xf32, #tpu.memory_space<vmem>>
    %dma_wait3A_2325 = arith.constant 0 : i32
    %dma_wait3A_2326 = tpu.memref_slice %arg5[%dma_wait3A_2319, %dma_wait3A_2325] : memref<32x128xi32, #tpu.memory_space<vmem>> -> memref<1x128xi32, #tpu.memory_space<vmem>>
    %dma_wait3A_2327 = tpu.memref_squeeze %dma_wait3A_2326 : memref<1x128xi32, #tpu.memory_space<vmem>> -> memref<128xi32, #tpu.memory_space<vmem>>
    %dma_wait3A_2328 = arith.constant 0 : i32
    %dma_wait3A_2329 = arith.constant 0 : i32
    %dma_wait3A_2330 = tpu.memref_slice %arg8[%dma_wait3A_2328, %dma_wait3A_2329] : memref<2056x128xf32, #tpu.memory_space<vmem_shared>> -> memref<2056x128xf32, #tpu.memory_space<vmem_shared>>
    %dma_wait3A_2331 = tpu.memref_slice %arg10[%dma_wait3A_2320] : memref<5x!tpu.dma_semaphore, #tpu.memory_space<semaphore_mem>> -> memref<1x!tpu.dma_semaphore, #tpu.memory_space<semaphore_mem>>
    %dma_wait3A_2332 = tpu.memref_squeeze %dma_wait3A_2331 : memref<1x!tpu.dma_semaphore, #tpu.memory_space<semaphore_mem>> -> memref<!tpu.dma_semaphore, #tpu.memory_space<semaphore_mem>>
    tpu.wait_indirect_dma semaphore(%dma_wait3A_2332 : memref<!tpu.dma_semaphore, #tpu.memory_space<semaphore_mem>>) src(%dma_wait3A_2324 : memref<128x128xf32, #tpu.memory_space<vmem>>) dst(%dma_wait3A_2330 : memref<2056x128xf32, #tpu.memory_space<vmem_shared>>)
    %add3A_2333 = arith.constant 21 : i32
    %add3A_2334 = arith.addi %add3A_6, %add3A_2333 : i32
    %add3A_2335 = arith.constant 2 : i32
    %add3A_2336 = arith.addi %add3A_2334, %add3A_2335 : i32
    %lt3A_2337 = arith.constant 781 : i32
    %lt3A_2338 = arith.cmpi slt, %add3A_2336, %lt3A_2337 : i32
    %mul3A_2339 = arith.constant 128 : i32
    %mul3A_2340 = arith.muli %add3A_2336, %mul3A_2339 : i32
    %eq3A_2341 = arith.constant 781 : i32
    %eq3A_2342 = arith.cmpi eq, %add3A_2336, %eq3A_2341 : i32
    %jit3A_2343 = arith.constant 99872 : i32
    %jit3A_2344 = arith.constant 0 : i32
    %select_n3A_2345 = arith.select %eq3A_2342, %jit3A_2343, %jit3A_2344 : i32
    %select_n3A_2346 = arith.select %lt3A_2338, %mul3A_2340, %select_n3A_2345 : i32
    %dma_start3A_2347 = arith.constant 3 : i32
    %dma_start3A_2348 = arith.constant 3 : i32
    %dma_start3A_2349 = arith.constant 0 : i32
    %dma_start3A_2350 = arith.constant 0 : i32
    %dma_start3A_2351 = tpu.memref_slice %arg6[%dma_start3A_2347, %dma_start3A_2349, %dma_start3A_2350] : memref<5x128x128xf32, #tpu.memory_space<vmem>> -> memref<1x128x128xf32, #tpu.memory_space<vmem>>
    %dma_start3A_2352 = tpu.memref_squeeze %dma_start3A_2351 : memref<1x128x128xf32, #tpu.memory_space<vmem>> -> memref<128x128xf32, #tpu.memory_space<vmem>>
    %dma_start3A_2353 = arith.constant 0 : i32
    %dma_start3A_2354 = tpu.memref_slice %arg2[%select_n3A_2346, %dma_start3A_2353] : memref<100000x128xf32, #tpu.memory_space<hbm>> -> memref<128x128xf32, #tpu.memory_space<hbm>>
    %dma_start3A_2355 = tpu.memref_slice %arg9[%dma_start3A_2348] : memref<5x!tpu.dma_semaphore, #tpu.memory_space<semaphore_mem>> -> memref<1x!tpu.dma_semaphore, #tpu.memory_space<semaphore_mem>>
    %dma_start3A_2356 = tpu.memref_squeeze %dma_start3A_2355 : memref<1x!tpu.dma_semaphore, #tpu.memory_space<semaphore_mem>> -> memref<!tpu.dma_semaphore, #tpu.memory_space<semaphore_mem>>
    %dma_start3A_2357 = arith.constant 0 : i32
    %dma_start3A_2358 = arith.constant 0 : i32
    %dma_start3A_2359 = tpu.memref_slice %arg6[%dma_start3A_2347, %dma_start3A_2357, %dma_start3A_2358] : memref<5x128x128xf32, #tpu.memory_space<vmem>> -> memref<1x128x128xf32, #tpu.memory_space<vmem>>
    %dma_start3A_2360 = tpu.memref_squeeze %dma_start3A_2359 : memref<1x128x128xf32, #tpu.memory_space<vmem>> -> memref<128x128xf32, #tpu.memory_space<vmem>>
    %dma_start3A_2361 = arith.constant 0 : i32
    %dma_start3A_2362 = tpu.memref_slice %arg2[%select_n3A_2346, %dma_start3A_2361] : memref<100000x128xf32, #tpu.memory_space<hbm>> -> memref<128x128xf32, #tpu.memory_space<hbm>>
    tpu.enqueue_dma source(%dma_start3A_2362 : memref<128x128xf32, #tpu.memory_space<hbm>>) target(%dma_start3A_2360 : memref<128x128xf32, #tpu.memory_space<vmem>>) target_semaphore(%dma_start3A_2356 : memref<!tpu.dma_semaphore, #tpu.memory_space<semaphore_mem>>)
    %dma_wait3A_2363 = arith.constant 1 : i32
    %dma_wait3A_2364 = arith.constant 1 : i32
    %dma_wait3A_2365 = arith.constant 0 : i32
    %dma_wait3A_2366 = arith.constant 0 : i32
    %dma_wait3A_2367 = tpu.memref_slice %arg6[%dma_wait3A_2363, %dma_wait3A_2365, %dma_wait3A_2366] : memref<5x128x128xf32, #tpu.memory_space<vmem>> -> memref<1x128x128xf32, #tpu.memory_space<vmem>>
    %dma_wait3A_2368 = tpu.memref_squeeze %dma_wait3A_2367 : memref<1x128x128xf32, #tpu.memory_space<vmem>> -> memref<128x128xf32, #tpu.memory_space<vmem>>
    %dma_wait3A_2369 = arith.constant 0 : i32
    %dma_wait3A_2370 = arith.constant 0 : i32
    %dma_wait3A_2371 = tpu.memref_slice %arg2[%dma_wait3A_2369, %dma_wait3A_2370] : memref<100000x128xf32, #tpu.memory_space<hbm>> -> memref<128x128xf32, #tpu.memory_space<hbm>>
    %dma_wait3A_2372 = tpu.memref_slice %arg9[%dma_wait3A_2364] : memref<5x!tpu.dma_semaphore, #tpu.memory_space<semaphore_mem>> -> memref<1x!tpu.dma_semaphore, #tpu.memory_space<semaphore_mem>>
    %dma_wait3A_2373 = tpu.memref_squeeze %dma_wait3A_2372 : memref<1x!tpu.dma_semaphore, #tpu.memory_space<semaphore_mem>> -> memref<!tpu.dma_semaphore, #tpu.memory_space<semaphore_mem>>
    %dma_wait3A_2374 = arith.constant 0 : i32
    %dma_wait3A_2375 = arith.constant 0 : i32
    %dma_wait3A_2376 = tpu.memref_slice %arg6[%dma_wait3A_2363, %dma_wait3A_2374, %dma_wait3A_2375] : memref<5x128x128xf32, #tpu.memory_space<vmem>> -> memref<1x128x128xf32, #tpu.memory_space<vmem>>
    %dma_wait3A_2377 = tpu.memref_squeeze %dma_wait3A_2376 : memref<1x128x128xf32, #tpu.memory_space<vmem>> -> memref<128x128xf32, #tpu.memory_space<vmem>>
    %dma_wait3A_2378 = arith.constant 0 : i32
    %dma_wait3A_2379 = arith.constant 0 : i32
    %dma_wait3A_2380 = tpu.memref_slice %arg2[%dma_wait3A_2378, %dma_wait3A_2379] : memref<100000x128xf32, #tpu.memory_space<hbm>> -> memref<128x128xf32, #tpu.memory_space<hbm>>
    tpu.wait_dma2 semaphore(%dma_wait3A_2373 : memref<!tpu.dma_semaphore, #tpu.memory_space<semaphore_mem>>) src(%dma_wait3A_2380 : memref<128x128xf32, #tpu.memory_space<hbm>>) dst(%dma_wait3A_2377 : memref<128x128xf32, #tpu.memory_space<vmem>>)
    %add3A_2381 = arith.constant 21 : i32
    %add3A_2382 = arith.addi %sub3A_27, %add3A_2381 : i32
    %dma_start3A_2383 = arith.constant 1 : i32
    %dma_start3A_2384 = arith.constant 1 : i32
    %dma_start3A_2385 = arith.constant 0 : i32
    %dma_start3A_2386 = arith.constant 0 : i32
    %dma_start3A_2387 = tpu.memref_slice %arg6[%dma_start3A_2383, %dma_start3A_2385, %dma_start3A_2386] : memref<5x128x128xf32, #tpu.memory_space<vmem>> -> memref<1x128x128xf32, #tpu.memory_space<vmem>>
    %dma_start3A_2388 = tpu.memref_squeeze %dma_start3A_2387 : memref<1x128x128xf32, #tpu.memory_space<vmem>> -> memref<128x128xf32, #tpu.memory_space<vmem>>
    %dma_start3A_2389 = arith.constant 0 : i32
    %dma_start3A_2390 = tpu.memref_slice %arg5[%add3A_2382, %dma_start3A_2389] : memref<32x128xi32, #tpu.memory_space<vmem>> -> memref<1x128xi32, #tpu.memory_space<vmem>>
    %dma_start3A_2391 = tpu.memref_squeeze %dma_start3A_2390 : memref<1x128xi32, #tpu.memory_space<vmem>> -> memref<128xi32, #tpu.memory_space<vmem>>
    %dma_start3A_2392 = arith.constant 0 : i32
    %dma_start3A_2393 = arith.constant 0 : i32
    %dma_start3A_2394 = tpu.memref_slice %arg8[%dma_start3A_2392, %dma_start3A_2393] : memref<2056x128xf32, #tpu.memory_space<vmem_shared>> -> memref<2056x128xf32, #tpu.memory_space<vmem_shared>>
    %dma_start3A_2395 = tpu.memref_slice %arg10[%dma_start3A_2384] : memref<5x!tpu.dma_semaphore, #tpu.memory_space<semaphore_mem>> -> memref<1x!tpu.dma_semaphore, #tpu.memory_space<semaphore_mem>>
    %dma_start3A_2396 = tpu.memref_squeeze %dma_start3A_2395 : memref<1x!tpu.dma_semaphore, #tpu.memory_space<semaphore_mem>> -> memref<!tpu.dma_semaphore, #tpu.memory_space<semaphore_mem>>
    tpu.enqueue_indirect_dma source(%dma_start3A_2388 : memref<128x128xf32, #tpu.memory_space<vmem>>) target(%dma_start3A_2394 : memref<2056x128xf32, #tpu.memory_space<vmem_shared>>) offsets(%dma_start3A_2391 : memref<128xi32, #tpu.memory_space<vmem>>) semaphore(%dma_start3A_2396 : memref<!tpu.dma_semaphore, #tpu.memory_space<semaphore_mem>>) {add = true}
    %dma_wait3A_2397 = arith.constant 4 : i32
    %dma_wait3A_2398 = arith.constant 0 : i32
    %dma_wait3A_2399 = arith.constant 4 : i32
    %dma_wait3A_2400 = arith.constant 0 : i32
    %dma_wait3A_2401 = arith.constant 0 : i32
    %dma_wait3A_2402 = tpu.memref_slice %arg6[%dma_wait3A_2397, %dma_wait3A_2400, %dma_wait3A_2401] : memref<5x128x128xf32, #tpu.memory_space<vmem>> -> memref<1x128x128xf32, #tpu.memory_space<vmem>>
    %dma_wait3A_2403 = tpu.memref_squeeze %dma_wait3A_2402 : memref<1x128x128xf32, #tpu.memory_space<vmem>> -> memref<128x128xf32, #tpu.memory_space<vmem>>
    %dma_wait3A_2404 = arith.constant 0 : i32
    %dma_wait3A_2405 = tpu.memref_slice %arg5[%dma_wait3A_2398, %dma_wait3A_2404] : memref<32x128xi32, #tpu.memory_space<vmem>> -> memref<1x128xi32, #tpu.memory_space<vmem>>
    %dma_wait3A_2406 = tpu.memref_squeeze %dma_wait3A_2405 : memref<1x128xi32, #tpu.memory_space<vmem>> -> memref<128xi32, #tpu.memory_space<vmem>>
    %dma_wait3A_2407 = arith.constant 0 : i32
    %dma_wait3A_2408 = arith.constant 0 : i32
    %dma_wait3A_2409 = tpu.memref_slice %arg8[%dma_wait3A_2407, %dma_wait3A_2408] : memref<2056x128xf32, #tpu.memory_space<vmem_shared>> -> memref<2056x128xf32, #tpu.memory_space<vmem_shared>>
    %dma_wait3A_2410 = tpu.memref_slice %arg10[%dma_wait3A_2399] : memref<5x!tpu.dma_semaphore, #tpu.memory_space<semaphore_mem>> -> memref<1x!tpu.dma_semaphore, #tpu.memory_space<semaphore_mem>>
    %dma_wait3A_2411 = tpu.memref_squeeze %dma_wait3A_2410 : memref<1x!tpu.dma_semaphore, #tpu.memory_space<semaphore_mem>> -> memref<!tpu.dma_semaphore, #tpu.memory_space<semaphore_mem>>
    tpu.wait_indirect_dma semaphore(%dma_wait3A_2411 : memref<!tpu.dma_semaphore, #tpu.memory_space<semaphore_mem>>) src(%dma_wait3A_2403 : memref<128x128xf32, #tpu.memory_space<vmem>>) dst(%dma_wait3A_2409 : memref<2056x128xf32, #tpu.memory_space<vmem_shared>>)
    %add3A_2412 = arith.constant 22 : i32
    %add3A_2413 = arith.addi %add3A_6, %add3A_2412 : i32
    %add3A_2414 = arith.constant 2 : i32
    %add3A_2415 = arith.addi %add3A_2413, %add3A_2414 : i32
    %lt3A_2416 = arith.constant 781 : i32
    %lt3A_2417 = arith.cmpi slt, %add3A_2415, %lt3A_2416 : i32
    %mul3A_2418 = arith.constant 128 : i32
    %mul3A_2419 = arith.muli %add3A_2415, %mul3A_2418 : i32
    %eq3A_2420 = arith.constant 781 : i32
    %eq3A_2421 = arith.cmpi eq, %add3A_2415, %eq3A_2420 : i32
    %jit3A_2422 = arith.constant 99872 : i32
    %jit3A_2423 = arith.constant 0 : i32
    %select_n3A_2424 = arith.select %eq3A_2421, %jit3A_2422, %jit3A_2423 : i32
    %select_n3A_2425 = arith.select %lt3A_2417, %mul3A_2419, %select_n3A_2424 : i32
    %dma_start3A_2426 = arith.constant 4 : i32
    %dma_start3A_2427 = arith.constant 4 : i32
    %dma_start3A_2428 = arith.constant 0 : i32
    %dma_start3A_2429 = arith.constant 0 : i32
    %dma_start3A_2430 = tpu.memref_slice %arg6[%dma_start3A_2426, %dma_start3A_2428, %dma_start3A_2429] : memref<5x128x128xf32, #tpu.memory_space<vmem>> -> memref<1x128x128xf32, #tpu.memory_space<vmem>>
    %dma_start3A_2431 = tpu.memref_squeeze %dma_start3A_2430 : memref<1x128x128xf32, #tpu.memory_space<vmem>> -> memref<128x128xf32, #tpu.memory_space<vmem>>
    %dma_start3A_2432 = arith.constant 0 : i32
    %dma_start3A_2433 = tpu.memref_slice %arg2[%select_n3A_2425, %dma_start3A_2432] : memref<100000x128xf32, #tpu.memory_space<hbm>> -> memref<128x128xf32, #tpu.memory_space<hbm>>
    %dma_start3A_2434 = tpu.memref_slice %arg9[%dma_start3A_2427] : memref<5x!tpu.dma_semaphore, #tpu.memory_space<semaphore_mem>> -> memref<1x!tpu.dma_semaphore, #tpu.memory_space<semaphore_mem>>
    %dma_start3A_2435 = tpu.memref_squeeze %dma_start3A_2434 : memref<1x!tpu.dma_semaphore, #tpu.memory_space<semaphore_mem>> -> memref<!tpu.dma_semaphore, #tpu.memory_space<semaphore_mem>>
    %dma_start3A_2436 = arith.constant 0 : i32
    %dma_start3A_2437 = arith.constant 0 : i32
    %dma_start3A_2438 = tpu.memref_slice %arg6[%dma_start3A_2426, %dma_start3A_2436, %dma_start3A_2437] : memref<5x128x128xf32, #tpu.memory_space<vmem>> -> memref<1x128x128xf32, #tpu.memory_space<vmem>>
    %dma_start3A_2439 = tpu.memref_squeeze %dma_start3A_2438 : memref<1x128x128xf32, #tpu.memory_space<vmem>> -> memref<128x128xf32, #tpu.memory_space<vmem>>
    %dma_start3A_2440 = arith.constant 0 : i32
    %dma_start3A_2441 = tpu.memref_slice %arg2[%select_n3A_2425, %dma_start3A_2440] : memref<100000x128xf32, #tpu.memory_space<hbm>> -> memref<128x128xf32, #tpu.memory_space<hbm>>
    tpu.enqueue_dma source(%dma_start3A_2441 : memref<128x128xf32, #tpu.memory_space<hbm>>) target(%dma_start3A_2439 : memref<128x128xf32, #tpu.memory_space<vmem>>) target_semaphore(%dma_start3A_2435 : memref<!tpu.dma_semaphore, #tpu.memory_space<semaphore_mem>>)
    %dma_wait3A_2442 = arith.constant 2 : i32
    %dma_wait3A_2443 = arith.constant 2 : i32
    %dma_wait3A_2444 = arith.constant 0 : i32
    %dma_wait3A_2445 = arith.constant 0 : i32
    %dma_wait3A_2446 = tpu.memref_slice %arg6[%dma_wait3A_2442, %dma_wait3A_2444, %dma_wait3A_2445] : memref<5x128x128xf32, #tpu.memory_space<vmem>> -> memref<1x128x128xf32, #tpu.memory_space<vmem>>
    %dma_wait3A_2447 = tpu.memref_squeeze %dma_wait3A_2446 : memref<1x128x128xf32, #tpu.memory_space<vmem>> -> memref<128x128xf32, #tpu.memory_space<vmem>>
    %dma_wait3A_2448 = arith.constant 0 : i32
    %dma_wait3A_2449 = arith.constant 0 : i32
    %dma_wait3A_2450 = tpu.memref_slice %arg2[%dma_wait3A_2448, %dma_wait3A_2449] : memref<100000x128xf32, #tpu.memory_space<hbm>> -> memref<128x128xf32, #tpu.memory_space<hbm>>
    %dma_wait3A_2451 = tpu.memref_slice %arg9[%dma_wait3A_2443] : memref<5x!tpu.dma_semaphore, #tpu.memory_space<semaphore_mem>> -> memref<1x!tpu.dma_semaphore, #tpu.memory_space<semaphore_mem>>
    %dma_wait3A_2452 = tpu.memref_squeeze %dma_wait3A_2451 : memref<1x!tpu.dma_semaphore, #tpu.memory_space<semaphore_mem>> -> memref<!tpu.dma_semaphore, #tpu.memory_space<semaphore_mem>>
    %dma_wait3A_2453 = arith.constant 0 : i32
    %dma_wait3A_2454 = arith.constant 0 : i32
    %dma_wait3A_2455 = tpu.memref_slice %arg6[%dma_wait3A_2442, %dma_wait3A_2453, %dma_wait3A_2454] : memref<5x128x128xf32, #tpu.memory_space<vmem>> -> memref<1x128x128xf32, #tpu.memory_space<vmem>>
    %dma_wait3A_2456 = tpu.memref_squeeze %dma_wait3A_2455 : memref<1x128x128xf32, #tpu.memory_space<vmem>> -> memref<128x128xf32, #tpu.memory_space<vmem>>
    %dma_wait3A_2457 = arith.constant 0 : i32
    %dma_wait3A_2458 = arith.constant 0 : i32
    %dma_wait3A_2459 = tpu.memref_slice %arg2[%dma_wait3A_2457, %dma_wait3A_2458] : memref<100000x128xf32, #tpu.memory_space<hbm>> -> memref<128x128xf32, #tpu.memory_space<hbm>>
    tpu.wait_dma2 semaphore(%dma_wait3A_2452 : memref<!tpu.dma_semaphore, #tpu.memory_space<semaphore_mem>>) src(%dma_wait3A_2459 : memref<128x128xf32, #tpu.memory_space<hbm>>) dst(%dma_wait3A_2456 : memref<128x128xf32, #tpu.memory_space<vmem>>)
    %add3A_2460 = arith.constant 22 : i32
    %add3A_2461 = arith.addi %sub3A_27, %add3A_2460 : i32
    %dma_start3A_2462 = arith.constant 2 : i32
    %dma_start3A_2463 = arith.constant 2 : i32
    %dma_start3A_2464 = arith.constant 0 : i32
    %dma_start3A_2465 = arith.constant 0 : i32
    %dma_start3A_2466 = tpu.memref_slice %arg6[%dma_start3A_2462, %dma_start3A_2464, %dma_start3A_2465] : memref<5x128x128xf32, #tpu.memory_space<vmem>> -> memref<1x128x128xf32, #tpu.memory_space<vmem>>
    %dma_start3A_2467 = tpu.memref_squeeze %dma_start3A_2466 : memref<1x128x128xf32, #tpu.memory_space<vmem>> -> memref<128x128xf32, #tpu.memory_space<vmem>>
    %dma_start3A_2468 = arith.constant 0 : i32
    %dma_start3A_2469 = tpu.memref_slice %arg5[%add3A_2461, %dma_start3A_2468] : memref<32x128xi32, #tpu.memory_space<vmem>> -> memref<1x128xi32, #tpu.memory_space<vmem>>
    %dma_start3A_2470 = tpu.memref_squeeze %dma_start3A_2469 : memref<1x128xi32, #tpu.memory_space<vmem>> -> memref<128xi32, #tpu.memory_space<vmem>>
    %dma_start3A_2471 = arith.constant 0 : i32
    %dma_start3A_2472 = arith.constant 0 : i32
    %dma_start3A_2473 = tpu.memref_slice %arg8[%dma_start3A_2471, %dma_start3A_2472] : memref<2056x128xf32, #tpu.memory_space<vmem_shared>> -> memref<2056x128xf32, #tpu.memory_space<vmem_shared>>
    %dma_start3A_2474 = tpu.memref_slice %arg10[%dma_start3A_2463] : memref<5x!tpu.dma_semaphore, #tpu.memory_space<semaphore_mem>> -> memref<1x!tpu.dma_semaphore, #tpu.memory_space<semaphore_mem>>
    %dma_start3A_2475 = tpu.memref_squeeze %dma_start3A_2474 : memref<1x!tpu.dma_semaphore, #tpu.memory_space<semaphore_mem>> -> memref<!tpu.dma_semaphore, #tpu.memory_space<semaphore_mem>>
    tpu.enqueue_indirect_dma source(%dma_start3A_2467 : memref<128x128xf32, #tpu.memory_space<vmem>>) target(%dma_start3A_2473 : memref<2056x128xf32, #tpu.memory_space<vmem_shared>>) offsets(%dma_start3A_2470 : memref<128xi32, #tpu.memory_space<vmem>>) semaphore(%dma_start3A_2475 : memref<!tpu.dma_semaphore, #tpu.memory_space<semaphore_mem>>) {add = true}
    %dma_wait3A_2476 = arith.constant 0 : i32
    %dma_wait3A_2477 = arith.constant 0 : i32
    %dma_wait3A_2478 = arith.constant 0 : i32
    %dma_wait3A_2479 = arith.constant 0 : i32
    %dma_wait3A_2480 = arith.constant 0 : i32
    %dma_wait3A_2481 = tpu.memref_slice %arg6[%dma_wait3A_2476, %dma_wait3A_2479, %dma_wait3A_2480] : memref<5x128x128xf32, #tpu.memory_space<vmem>> -> memref<1x128x128xf32, #tpu.memory_space<vmem>>
    %dma_wait3A_2482 = tpu.memref_squeeze %dma_wait3A_2481 : memref<1x128x128xf32, #tpu.memory_space<vmem>> -> memref<128x128xf32, #tpu.memory_space<vmem>>
    %dma_wait3A_2483 = arith.constant 0 : i32
    %dma_wait3A_2484 = tpu.memref_slice %arg5[%dma_wait3A_2477, %dma_wait3A_2483] : memref<32x128xi32, #tpu.memory_space<vmem>> -> memref<1x128xi32, #tpu.memory_space<vmem>>
    %dma_wait3A_2485 = tpu.memref_squeeze %dma_wait3A_2484 : memref<1x128xi32, #tpu.memory_space<vmem>> -> memref<128xi32, #tpu.memory_space<vmem>>
    %dma_wait3A_2486 = arith.constant 0 : i32
    %dma_wait3A_2487 = arith.constant 0 : i32
    %dma_wait3A_2488 = tpu.memref_slice %arg8[%dma_wait3A_2486, %dma_wait3A_2487] : memref<2056x128xf32, #tpu.memory_space<vmem_shared>> -> memref<2056x128xf32, #tpu.memory_space<vmem_shared>>
    %dma_wait3A_2489 = tpu.memref_slice %arg10[%dma_wait3A_2478] : memref<5x!tpu.dma_semaphore, #tpu.memory_space<semaphore_mem>> -> memref<1x!tpu.dma_semaphore, #tpu.memory_space<semaphore_mem>>
    %dma_wait3A_2490 = tpu.memref_squeeze %dma_wait3A_2489 : memref<1x!tpu.dma_semaphore, #tpu.memory_space<semaphore_mem>> -> memref<!tpu.dma_semaphore, #tpu.memory_space<semaphore_mem>>
    tpu.wait_indirect_dma semaphore(%dma_wait3A_2490 : memref<!tpu.dma_semaphore, #tpu.memory_space<semaphore_mem>>) src(%dma_wait3A_2482 : memref<128x128xf32, #tpu.memory_space<vmem>>) dst(%dma_wait3A_2488 : memref<2056x128xf32, #tpu.memory_space<vmem_shared>>)
    %dma_wait3A_2491 = arith.constant 3 : i32
    %dma_wait3A_2492 = arith.constant 3 : i32
    %dma_wait3A_2493 = arith.constant 0 : i32
    %dma_wait3A_2494 = arith.constant 0 : i32
    %dma_wait3A_2495 = tpu.memref_slice %arg6[%dma_wait3A_2491, %dma_wait3A_2493, %dma_wait3A_2494] : memref<5x128x128xf32, #tpu.memory_space<vmem>> -> memref<1x128x128xf32, #tpu.memory_space<vmem>>
    %dma_wait3A_2496 = tpu.memref_squeeze %dma_wait3A_2495 : memref<1x128x128xf32, #tpu.memory_space<vmem>> -> memref<128x128xf32, #tpu.memory_space<vmem>>
    %dma_wait3A_2497 = arith.constant 0 : i32
    %dma_wait3A_2498 = arith.constant 0 : i32
    %dma_wait3A_2499 = tpu.memref_slice %arg2[%dma_wait3A_2497, %dma_wait3A_2498] : memref<100000x128xf32, #tpu.memory_space<hbm>> -> memref<128x128xf32, #tpu.memory_space<hbm>>
    %dma_wait3A_2500 = tpu.memref_slice %arg9[%dma_wait3A_2492] : memref<5x!tpu.dma_semaphore, #tpu.memory_space<semaphore_mem>> -> memref<1x!tpu.dma_semaphore, #tpu.memory_space<semaphore_mem>>
    %dma_wait3A_2501 = tpu.memref_squeeze %dma_wait3A_2500 : memref<1x!tpu.dma_semaphore, #tpu.memory_space<semaphore_mem>> -> memref<!tpu.dma_semaphore, #tpu.memory_space<semaphore_mem>>
    %dma_wait3A_2502 = arith.constant 0 : i32
    %dma_wait3A_2503 = arith.constant 0 : i32
    %dma_wait3A_2504 = tpu.memref_slice %arg6[%dma_wait3A_2491, %dma_wait3A_2502, %dma_wait3A_2503] : memref<5x128x128xf32, #tpu.memory_space<vmem>> -> memref<1x128x128xf32, #tpu.memory_space<vmem>>
    %dma_wait3A_2505 = tpu.memref_squeeze %dma_wait3A_2504 : memref<1x128x128xf32, #tpu.memory_space<vmem>> -> memref<128x128xf32, #tpu.memory_space<vmem>>
    %dma_wait3A_2506 = arith.constant 0 : i32
    %dma_wait3A_2507 = arith.constant 0 : i32
    %dma_wait3A_2508 = tpu.memref_slice %arg2[%dma_wait3A_2506, %dma_wait3A_2507] : memref<100000x128xf32, #tpu.memory_space<hbm>> -> memref<128x128xf32, #tpu.memory_space<hbm>>
    tpu.wait_dma2 semaphore(%dma_wait3A_2501 : memref<!tpu.dma_semaphore, #tpu.memory_space<semaphore_mem>>) src(%dma_wait3A_2508 : memref<128x128xf32, #tpu.memory_space<hbm>>) dst(%dma_wait3A_2505 : memref<128x128xf32, #tpu.memory_space<vmem>>)
    %add3A_2509 = arith.constant 23 : i32
    %add3A_2510 = arith.addi %sub3A_27, %add3A_2509 : i32
    %dma_start3A_2511 = arith.constant 3 : i32
    %dma_start3A_2512 = arith.constant 3 : i32
    %dma_start3A_2513 = arith.constant 0 : i32
    %dma_start3A_2514 = arith.constant 0 : i32
    %dma_start3A_2515 = tpu.memref_slice %arg6[%dma_start3A_2511, %dma_start3A_2513, %dma_start3A_2514] : memref<5x128x128xf32, #tpu.memory_space<vmem>> -> memref<1x128x128xf32, #tpu.memory_space<vmem>>
    %dma_start3A_2516 = tpu.memref_squeeze %dma_start3A_2515 : memref<1x128x128xf32, #tpu.memory_space<vmem>> -> memref<128x128xf32, #tpu.memory_space<vmem>>
    %dma_start3A_2517 = arith.constant 0 : i32
    %dma_start3A_2518 = tpu.memref_slice %arg5[%add3A_2510, %dma_start3A_2517] : memref<32x128xi32, #tpu.memory_space<vmem>> -> memref<1x128xi32, #tpu.memory_space<vmem>>
    %dma_start3A_2519 = tpu.memref_squeeze %dma_start3A_2518 : memref<1x128xi32, #tpu.memory_space<vmem>> -> memref<128xi32, #tpu.memory_space<vmem>>
    %dma_start3A_2520 = arith.constant 0 : i32
    %dma_start3A_2521 = arith.constant 0 : i32
    %dma_start3A_2522 = tpu.memref_slice %arg8[%dma_start3A_2520, %dma_start3A_2521] : memref<2056x128xf32, #tpu.memory_space<vmem_shared>> -> memref<2056x128xf32, #tpu.memory_space<vmem_shared>>
    %dma_start3A_2523 = tpu.memref_slice %arg10[%dma_start3A_2512] : memref<5x!tpu.dma_semaphore, #tpu.memory_space<semaphore_mem>> -> memref<1x!tpu.dma_semaphore, #tpu.memory_space<semaphore_mem>>
    %dma_start3A_2524 = tpu.memref_squeeze %dma_start3A_2523 : memref<1x!tpu.dma_semaphore, #tpu.memory_space<semaphore_mem>> -> memref<!tpu.dma_semaphore, #tpu.memory_space<semaphore_mem>>
    tpu.enqueue_indirect_dma source(%dma_start3A_2516 : memref<128x128xf32, #tpu.memory_space<vmem>>) target(%dma_start3A_2522 : memref<2056x128xf32, #tpu.memory_space<vmem_shared>>) offsets(%dma_start3A_2519 : memref<128xi32, #tpu.memory_space<vmem>>) semaphore(%dma_start3A_2524 : memref<!tpu.dma_semaphore, #tpu.memory_space<semaphore_mem>>) {add = true}
    %dma_wait3A_2525 = arith.constant 1 : i32
    %dma_wait3A_2526 = arith.constant 0 : i32
    %dma_wait3A_2527 = arith.constant 1 : i32
    %dma_wait3A_2528 = arith.constant 0 : i32
    %dma_wait3A_2529 = arith.constant 0 : i32
    %dma_wait3A_2530 = tpu.memref_slice %arg6[%dma_wait3A_2525, %dma_wait3A_2528, %dma_wait3A_2529] : memref<5x128x128xf32, #tpu.memory_space<vmem>> -> memref<1x128x128xf32, #tpu.memory_space<vmem>>
    %dma_wait3A_2531 = tpu.memref_squeeze %dma_wait3A_2530 : memref<1x128x128xf32, #tpu.memory_space<vmem>> -> memref<128x128xf32, #tpu.memory_space<vmem>>
    %dma_wait3A_2532 = arith.constant 0 : i32
    %dma_wait3A_2533 = tpu.memref_slice %arg5[%dma_wait3A_2526, %dma_wait3A_2532] : memref<32x128xi32, #tpu.memory_space<vmem>> -> memref<1x128xi32, #tpu.memory_space<vmem>>
    %dma_wait3A_2534 = tpu.memref_squeeze %dma_wait3A_2533 : memref<1x128xi32, #tpu.memory_space<vmem>> -> memref<128xi32, #tpu.memory_space<vmem>>
    %dma_wait3A_2535 = arith.constant 0 : i32
    %dma_wait3A_2536 = arith.constant 0 : i32
    %dma_wait3A_2537 = tpu.memref_slice %arg8[%dma_wait3A_2535, %dma_wait3A_2536] : memref<2056x128xf32, #tpu.memory_space<vmem_shared>> -> memref<2056x128xf32, #tpu.memory_space<vmem_shared>>
    %dma_wait3A_2538 = tpu.memref_slice %arg10[%dma_wait3A_2527] : memref<5x!tpu.dma_semaphore, #tpu.memory_space<semaphore_mem>> -> memref<1x!tpu.dma_semaphore, #tpu.memory_space<semaphore_mem>>
    %dma_wait3A_2539 = tpu.memref_squeeze %dma_wait3A_2538 : memref<1x!tpu.dma_semaphore, #tpu.memory_space<semaphore_mem>> -> memref<!tpu.dma_semaphore, #tpu.memory_space<semaphore_mem>>
    tpu.wait_indirect_dma semaphore(%dma_wait3A_2539 : memref<!tpu.dma_semaphore, #tpu.memory_space<semaphore_mem>>) src(%dma_wait3A_2531 : memref<128x128xf32, #tpu.memory_space<vmem>>) dst(%dma_wait3A_2537 : memref<2056x128xf32, #tpu.memory_space<vmem_shared>>)
    %dma_wait3A_2540 = arith.constant 4 : i32
    %dma_wait3A_2541 = arith.constant 4 : i32
    %dma_wait3A_2542 = arith.constant 0 : i32
    %dma_wait3A_2543 = arith.constant 0 : i32
    %dma_wait3A_2544 = tpu.memref_slice %arg6[%dma_wait3A_2540, %dma_wait3A_2542, %dma_wait3A_2543] : memref<5x128x128xf32, #tpu.memory_space<vmem>> -> memref<1x128x128xf32, #tpu.memory_space<vmem>>
    %dma_wait3A_2545 = tpu.memref_squeeze %dma_wait3A_2544 : memref<1x128x128xf32, #tpu.memory_space<vmem>> -> memref<128x128xf32, #tpu.memory_space<vmem>>
    %dma_wait3A_2546 = arith.constant 0 : i32
    %dma_wait3A_2547 = arith.constant 0 : i32
    %dma_wait3A_2548 = tpu.memref_slice %arg2[%dma_wait3A_2546, %dma_wait3A_2547] : memref<100000x128xf32, #tpu.memory_space<hbm>> -> memref<128x128xf32, #tpu.memory_space<hbm>>
    %dma_wait3A_2549 = tpu.memref_slice %arg9[%dma_wait3A_2541] : memref<5x!tpu.dma_semaphore, #tpu.memory_space<semaphore_mem>> -> memref<1x!tpu.dma_semaphore, #tpu.memory_space<semaphore_mem>>
    %dma_wait3A_2550 = tpu.memref_squeeze %dma_wait3A_2549 : memref<1x!tpu.dma_semaphore, #tpu.memory_space<semaphore_mem>> -> memref<!tpu.dma_semaphore, #tpu.memory_space<semaphore_mem>>
    %dma_wait3A_2551 = arith.constant 0 : i32
    %dma_wait3A_2552 = arith.constant 0 : i32
    %dma_wait3A_2553 = tpu.memref_slice %arg6[%dma_wait3A_2540, %dma_wait3A_2551, %dma_wait3A_2552] : memref<5x128x128xf32, #tpu.memory_space<vmem>> -> memref<1x128x128xf32, #tpu.memory_space<vmem>>
    %dma_wait3A_2554 = tpu.memref_squeeze %dma_wait3A_2553 : memref<1x128x128xf32, #tpu.memory_space<vmem>> -> memref<128x128xf32, #tpu.memory_space<vmem>>
    %dma_wait3A_2555 = arith.constant 0 : i32
    %dma_wait3A_2556 = arith.constant 0 : i32
    %dma_wait3A_2557 = tpu.memref_slice %arg2[%dma_wait3A_2555, %dma_wait3A_2556] : memref<100000x128xf32, #tpu.memory_space<hbm>> -> memref<128x128xf32, #tpu.memory_space<hbm>>
    tpu.wait_dma2 semaphore(%dma_wait3A_2550 : memref<!tpu.dma_semaphore, #tpu.memory_space<semaphore_mem>>) src(%dma_wait3A_2557 : memref<128x128xf32, #tpu.memory_space<hbm>>) dst(%dma_wait3A_2554 : memref<128x128xf32, #tpu.memory_space<vmem>>)
    %add3A_2558 = arith.constant 24 : i32
    %add3A_2559 = arith.addi %sub3A_27, %add3A_2558 : i32
    %dma_start3A_2560 = arith.constant 4 : i32
    %dma_start3A_2561 = arith.constant 4 : i32
    %dma_start3A_2562 = arith.constant 0 : i32
    %dma_start3A_2563 = arith.constant 0 : i32
    %dma_start3A_2564 = tpu.memref_slice %arg6[%dma_start3A_2560, %dma_start3A_2562, %dma_start3A_2563] : memref<5x128x128xf32, #tpu.memory_space<vmem>> -> memref<1x128x128xf32, #tpu.memory_space<vmem>>
    %dma_start3A_2565 = tpu.memref_squeeze %dma_start3A_2564 : memref<1x128x128xf32, #tpu.memory_space<vmem>> -> memref<128x128xf32, #tpu.memory_space<vmem>>
    %dma_start3A_2566 = arith.constant 0 : i32
    %dma_start3A_2567 = tpu.memref_slice %arg5[%add3A_2559, %dma_start3A_2566] : memref<32x128xi32, #tpu.memory_space<vmem>> -> memref<1x128xi32, #tpu.memory_space<vmem>>
    %dma_start3A_2568 = tpu.memref_squeeze %dma_start3A_2567 : memref<1x128xi32, #tpu.memory_space<vmem>> -> memref<128xi32, #tpu.memory_space<vmem>>
    %dma_start3A_2569 = arith.constant 0 : i32
    %dma_start3A_2570 = arith.constant 0 : i32
    %dma_start3A_2571 = tpu.memref_slice %arg8[%dma_start3A_2569, %dma_start3A_2570] : memref<2056x128xf32, #tpu.memory_space<vmem_shared>> -> memref<2056x128xf32, #tpu.memory_space<vmem_shared>>
    %dma_start3A_2572 = tpu.memref_slice %arg10[%dma_start3A_2561] : memref<5x!tpu.dma_semaphore, #tpu.memory_space<semaphore_mem>> -> memref<1x!tpu.dma_semaphore, #tpu.memory_space<semaphore_mem>>
    %dma_start3A_2573 = tpu.memref_squeeze %dma_start3A_2572 : memref<1x!tpu.dma_semaphore, #tpu.memory_space<semaphore_mem>> -> memref<!tpu.dma_semaphore, #tpu.memory_space<semaphore_mem>>
    tpu.enqueue_indirect_dma source(%dma_start3A_2565 : memref<128x128xf32, #tpu.memory_space<vmem>>) target(%dma_start3A_2571 : memref<2056x128xf32, #tpu.memory_space<vmem_shared>>) offsets(%dma_start3A_2568 : memref<128xi32, #tpu.memory_space<vmem>>) semaphore(%dma_start3A_2573 : memref<!tpu.dma_semaphore, #tpu.memory_space<semaphore_mem>>) {add = true}
    %dma_wait3A_2574 = arith.constant 2 : i32
    %dma_wait3A_2575 = arith.constant 0 : i32
    %dma_wait3A_2576 = arith.constant 2 : i32
    %dma_wait3A_2577 = arith.constant 0 : i32
    %dma_wait3A_2578 = arith.constant 0 : i32
    %dma_wait3A_2579 = tpu.memref_slice %arg6[%dma_wait3A_2574, %dma_wait3A_2577, %dma_wait3A_2578] : memref<5x128x128xf32, #tpu.memory_space<vmem>> -> memref<1x128x128xf32, #tpu.memory_space<vmem>>
    %dma_wait3A_2580 = tpu.memref_squeeze %dma_wait3A_2579 : memref<1x128x128xf32, #tpu.memory_space<vmem>> -> memref<128x128xf32, #tpu.memory_space<vmem>>
    %dma_wait3A_2581 = arith.constant 0 : i32
    %dma_wait3A_2582 = tpu.memref_slice %arg5[%dma_wait3A_2575, %dma_wait3A_2581] : memref<32x128xi32, #tpu.memory_space<vmem>> -> memref<1x128xi32, #tpu.memory_space<vmem>>
    %dma_wait3A_2583 = tpu.memref_squeeze %dma_wait3A_2582 : memref<1x128xi32, #tpu.memory_space<vmem>> -> memref<128xi32, #tpu.memory_space<vmem>>
    %dma_wait3A_2584 = arith.constant 0 : i32
    %dma_wait3A_2585 = arith.constant 0 : i32
    %dma_wait3A_2586 = tpu.memref_slice %arg8[%dma_wait3A_2584, %dma_wait3A_2585] : memref<2056x128xf32, #tpu.memory_space<vmem_shared>> -> memref<2056x128xf32, #tpu.memory_space<vmem_shared>>
    %dma_wait3A_2587 = tpu.memref_slice %arg10[%dma_wait3A_2576] : memref<5x!tpu.dma_semaphore, #tpu.memory_space<semaphore_mem>> -> memref<1x!tpu.dma_semaphore, #tpu.memory_space<semaphore_mem>>
    %dma_wait3A_2588 = tpu.memref_squeeze %dma_wait3A_2587 : memref<1x!tpu.dma_semaphore, #tpu.memory_space<semaphore_mem>> -> memref<!tpu.dma_semaphore, #tpu.memory_space<semaphore_mem>>
    tpu.wait_indirect_dma semaphore(%dma_wait3A_2588 : memref<!tpu.dma_semaphore, #tpu.memory_space<semaphore_mem>>) src(%dma_wait3A_2580 : memref<128x128xf32, #tpu.memory_space<vmem>>) dst(%dma_wait3A_2586 : memref<2056x128xf32, #tpu.memory_space<vmem_shared>>)
    %dma_wait3A_2589 = arith.constant 3 : i32
    %dma_wait3A_2590 = arith.constant 0 : i32
    %dma_wait3A_2591 = arith.constant 3 : i32
    %dma_wait3A_2592 = arith.constant 0 : i32
    %dma_wait3A_2593 = arith.constant 0 : i32
    %dma_wait3A_2594 = tpu.memref_slice %arg6[%dma_wait3A_2589, %dma_wait3A_2592, %dma_wait3A_2593] : memref<5x128x128xf32, #tpu.memory_space<vmem>> -> memref<1x128x128xf32, #tpu.memory_space<vmem>>
    %dma_wait3A_2595 = tpu.memref_squeeze %dma_wait3A_2594 : memref<1x128x128xf32, #tpu.memory_space<vmem>> -> memref<128x128xf32, #tpu.memory_space<vmem>>
    %dma_wait3A_2596 = arith.constant 0 : i32
    %dma_wait3A_2597 = tpu.memref_slice %arg5[%dma_wait3A_2590, %dma_wait3A_2596] : memref<32x128xi32, #tpu.memory_space<vmem>> -> memref<1x128xi32, #tpu.memory_space<vmem>>
    %dma_wait3A_2598 = tpu.memref_squeeze %dma_wait3A_2597 : memref<1x128xi32, #tpu.memory_space<vmem>> -> memref<128xi32, #tpu.memory_space<vmem>>
    %dma_wait3A_2599 = arith.constant 0 : i32
    %dma_wait3A_2600 = arith.constant 0 : i32
    %dma_wait3A_2601 = tpu.memref_slice %arg8[%dma_wait3A_2599, %dma_wait3A_2600] : memref<2056x128xf32, #tpu.memory_space<vmem_shared>> -> memref<2056x128xf32, #tpu.memory_space<vmem_shared>>
    %dma_wait3A_2602 = tpu.memref_slice %arg10[%dma_wait3A_2591] : memref<5x!tpu.dma_semaphore, #tpu.memory_space<semaphore_mem>> -> memref<1x!tpu.dma_semaphore, #tpu.memory_space<semaphore_mem>>
    %dma_wait3A_2603 = tpu.memref_squeeze %dma_wait3A_2602 : memref<1x!tpu.dma_semaphore, #tpu.memory_space<semaphore_mem>> -> memref<!tpu.dma_semaphore, #tpu.memory_space<semaphore_mem>>
    tpu.wait_indirect_dma semaphore(%dma_wait3A_2603 : memref<!tpu.dma_semaphore, #tpu.memory_space<semaphore_mem>>) src(%dma_wait3A_2595 : memref<128x128xf32, #tpu.memory_space<vmem>>) dst(%dma_wait3A_2601 : memref<2056x128xf32, #tpu.memory_space<vmem_shared>>)
    %dma_wait3A_2604 = arith.constant 4 : i32
    %dma_wait3A_2605 = arith.constant 0 : i32
    %dma_wait3A_2606 = arith.constant 4 : i32
    %dma_wait3A_2607 = arith.constant 0 : i32
    %dma_wait3A_2608 = arith.constant 0 : i32
    %dma_wait3A_2609 = tpu.memref_slice %arg6[%dma_wait3A_2604, %dma_wait3A_2607, %dma_wait3A_2608] : memref<5x128x128xf32, #tpu.memory_space<vmem>> -> memref<1x128x128xf32, #tpu.memory_space<vmem>>
    %dma_wait3A_2610 = tpu.memref_squeeze %dma_wait3A_2609 : memref<1x128x128xf32, #tpu.memory_space<vmem>> -> memref<128x128xf32, #tpu.memory_space<vmem>>
    %dma_wait3A_2611 = arith.constant 0 : i32
    %dma_wait3A_2612 = tpu.memref_slice %arg5[%dma_wait3A_2605, %dma_wait3A_2611] : memref<32x128xi32, #tpu.memory_space<vmem>> -> memref<1x128xi32, #tpu.memory_space<vmem>>
    %dma_wait3A_2613 = tpu.memref_squeeze %dma_wait3A_2612 : memref<1x128xi32, #tpu.memory_space<vmem>> -> memref<128xi32, #tpu.memory_space<vmem>>
    %dma_wait3A_2614 = arith.constant 0 : i32
    %dma_wait3A_2615 = arith.constant 0 : i32
    %dma_wait3A_2616 = tpu.memref_slice %arg8[%dma_wait3A_2614, %dma_wait3A_2615] : memref<2056x128xf32, #tpu.memory_space<vmem_shared>> -> memref<2056x128xf32, #tpu.memory_space<vmem_shared>>
    %dma_wait3A_2617 = tpu.memref_slice %arg10[%dma_wait3A_2606] : memref<5x!tpu.dma_semaphore, #tpu.memory_space<semaphore_mem>> -> memref<1x!tpu.dma_semaphore, #tpu.memory_space<semaphore_mem>>
    %dma_wait3A_2618 = tpu.memref_squeeze %dma_wait3A_2617 : memref<1x!tpu.dma_semaphore, #tpu.memory_space<semaphore_mem>> -> memref<!tpu.dma_semaphore, #tpu.memory_space<semaphore_mem>>
    tpu.wait_indirect_dma semaphore(%dma_wait3A_2618 : memref<!tpu.dma_semaphore, #tpu.memory_space<semaphore_mem>>) src(%dma_wait3A_2610 : memref<128x128xf32, #tpu.memory_space<vmem>>) dst(%dma_wait3A_2616 : memref<2056x128xf32, #tpu.memory_space<vmem_shared>>)
    %barrier3A_2619 = arith.constant 0 : index
    tpu.barrier barrier_id(%barrier3A_2619)
    %mul3A_2620 = arith.constant 128 : i32
    %mul3A_2621 = arith.muli %arg1, %mul3A_2620 : i32
    %mul3A_2622 = arith.constant 128 : i32
    %mul3A_2623 = arith.muli %arg1, %mul3A_2622 : i32
    "tpu.region"() ({
      %run_scoped3A = tpu.sem_alloc : memref<!tpu.dma_semaphore, #tpu.memory_space<semaphore_mem>>
      %dma_start3A_2624 = arith.constant 0 : i32
      %dma_start3A_2625 = tpu.memref_slice %arg4[%arg0, %mul3A_2623, %dma_start3A_2624] : memref<2x2048x128xf32, #tpu.memory_space<hbm>> -> memref<1x128x128xf32, #tpu.memory_space<hbm>>
      %dma_start3A_2626 = tpu.memref_squeeze %dma_start3A_2625 : memref<1x128x128xf32, #tpu.memory_space<hbm>> -> memref<128x128xf32, #tpu.memory_space<hbm>>
      %dma_start3A_2627 = arith.constant 0 : i32
      %dma_start3A_2628 = tpu.memref_slice %arg8[%mul3A_2621, %dma_start3A_2627] : memref<2056x128xf32, #tpu.memory_space<vmem_shared>> -> memref<128x128xf32, #tpu.memory_space<vmem_shared>>
      tpu.enqueue_dma source(%dma_start3A_2628 : memref<128x128xf32, #tpu.memory_space<vmem_shared>>) target(%dma_start3A_2626 : memref<128x128xf32, #tpu.memory_space<hbm>>) target_semaphore(%run_scoped3A : memref<!tpu.dma_semaphore, #tpu.memory_space<semaphore_mem>>)
      %dma_wait3A_2629 = arith.constant 0 : i32
      %dma_wait3A_2630 = tpu.memref_slice %arg4[%arg0, %mul3A_2623, %dma_wait3A_2629] : memref<2x2048x128xf32, #tpu.memory_space<hbm>> -> memref<1x128x128xf32, #tpu.memory_space<hbm>>
      %dma_wait3A_2631 = tpu.memref_squeeze %dma_wait3A_2630 : memref<1x128x128xf32, #tpu.memory_space<hbm>> -> memref<128x128xf32, #tpu.memory_space<hbm>>
      %dma_wait3A_2632 = arith.constant 0 : i32
      %dma_wait3A_2633 = tpu.memref_slice %arg8[%mul3A_2621, %dma_wait3A_2632] : memref<2056x128xf32, #tpu.memory_space<vmem_shared>> -> memref<128x128xf32, #tpu.memory_space<vmem_shared>>
      tpu.wait_dma2 semaphore(%run_scoped3A : memref<!tpu.dma_semaphore, #tpu.memory_space<semaphore_mem>>) src(%dma_wait3A_2633 : memref<128x128xf32, #tpu.memory_space<vmem_shared>>) dst(%dma_wait3A_2631 : memref<128x128xf32, #tpu.memory_space<hbm>>)
      tpu.yield
    }) : () -> ()
    return
  }
}

module attributes {stable_mosaic.version = 14 : i64} {
  func.func @_combine_body(%arg0: i32, %arg1: memref<2x256x128xf32, #tpu.memory_space<vmem>>, %arg2: memref<256x128xf32, #tpu.memory_space<vmem>>) attributes {dimension_semantics = [#tpu.dimension_semantics<arbitrary>], iteration_bounds = array<i64: 8>, scalar_prefetch = 0 : i64, scratch_operands = 0 : i64, tpu.core_type = #tpu.core_type<tc>, window_params = [{transform_indices = @transform_0, window_bounds = array<i64: 2, 256, 128>}, {transform_indices = @transform_1, window_bounds = array<i64: 256, 128>}]} {
    %get3A = arith.constant 0 : index
    %get3A_0 = arith.constant 0 : index
    %get3A_1 = arith.constant 0 : index
    %get3A_2 = vector.load %arg1[%get3A, %get3A_0, %get3A_1] : memref<2x256x128xf32, #tpu.memory_space<vmem>>, vector<1x256x128xf32>
    %get3A_3 = vector.shape_cast %get3A_2 : vector<1x256x128xf32> to vector<256x128xf32>
    %get3A_4 = arith.constant 1 : index
    %get3A_5 = arith.constant 0 : index
    %get3A_6 = arith.constant 0 : index
    %get3A_7 = vector.load %arg1[%get3A_4, %get3A_5, %get3A_6] : memref<2x256x128xf32, #tpu.memory_space<vmem>>, vector<1x256x128xf32>
    %get3A_8 = vector.shape_cast %get3A_7 : vector<1x256x128xf32> to vector<256x128xf32>
    %add3A = arith.addf %get3A_3, %get3A_8 : vector<256x128xf32>
    %swap3A = arith.constant 0 : index
    %swap3A_9 = arith.constant 0 : index
    %swap3A_10 = vector.load %arg2[%swap3A, %swap3A_9] : memref<256x128xf32, #tpu.memory_space<vmem>>, vector<256x128xf32>
    tpu.vector_store %arg2[%swap3A, %swap3A_9], %add3A {strides = array<i32>} : memref<256x128xf32, #tpu.memory_space<vmem>>, vector<256x128xf32>,
    return
  }
  func.func @transform_0(%arg0: i32) -> (i32, i32, i32) {
    %c0_i32 = arith.constant 0 : i32
    %c0_i32_0 = arith.constant 0 : i32
    %c0_i32_1 = arith.constant 0 : i32
    return %c0_i32, %arg0, %c0_i32_0 : i32, i32, i32
  }
  func.func @transform_1(%arg0: i32) -> (i32, i32) {
    %c0_i32 = arith.constant 0 : i32
    %c0_i32_0 = arith.constant 0 : i32
    return %arg0, %c0_i32 : i32, i32
  }
}

</mosaic_0001>

<sc_bundles>
// kernel: kernel.4.cloned.1.call-start
scs
__scs_entry_jumppad:
0x0: {  	(pc) =	sbr.rel $0x88, $3  }
0x1: {  	(tag) =	ssettag $0x0;
	lr =	simm.s32 $0x1  }
0x2: {  	[smem:$0x3F9F] =	sst lr;
	_ =	strace $0xD0000000  }
0x3: {  	_ = 	snop  }
0x4: {  	_ = 	snop  }
0x5: {  	_ = 	snop  }
0x6: {  	_ = 	snop  }
0x7: {  	_ = 	snop  }
__scs_overlays_trampoline_lowered:
0x8: {  	[smem:$0x3FAE] =	sst s0  }
0x9: {  	[smem:$0x3FAF] =	sst s1  }
0xa: {  	[smem:$0x3FB0] =	sst s2  }
0xb: {  	[smem:$0x3FB1] =	sst s3  }
0xc: {  	[smem:$0x3FB2] =	sst s4  }
0xd: {  	[smem:$0x3FB3] =	sst s5  }
0xe: {  	[smem:$0x3FB4] =	sst s6  }
0xf: {  	[smem:$0x3FB5] =	sst s7  }
0x10: {  	[smem:$0x3FB6] =	sst s8  }
0x11: {  	[smem:$0x3FB7] =	sst s9;
	s0 =	simm.s32 @!p0 $0x0  }
0x12: {  	s1 =	sld [smem:$0x3F9D];
	s0 =	simm.s32 @p0 $0x1  }
0x13: {  	[smem:$0x3FB8] =	sst s0;
	s0 =	simm.s32 @!p1 $0x0  }
0x14: {  	s2 =	sld [smem:$0x3F9C];
	s0 =	simm.s32 @p1 $0x1  }
0x15: {  	[smem:$0x3FB9] =	sst s0;
	s0 =	simm.s32 @!p2 $0x0  }
0x16: {  	s3 =	sld [smem:$0x3FDB];
	s0 =	simm.s32 @p2 $0x1  }
0x17: {  	s4 =	simm.s32 $0x1BF5;
	[smem:$0x3FBB] =	sst s0  }
0x18: {  	s0 =	sld [smem:$0x3F9E];
	_ =	swait.ge [sflag:s4], $0x0  }
0x19: {  	s7 =	sld [smem:$0x3F9F]  }
0x1a: {  	s8 =	sadd.s32 $0xFFFFE003, lr  }
0x1b: {  	s9 =	sadd.s32 $0xFFFFFEF7, lr;
	s5 =	simm.s32 $0xFFFFFFFF;
	p2 =	slt.u32 s8, $0xFFFFF086  }
0x1c: {  	p1 =	slt.u32 s9, $0xF7A;
	s5 =	simm.s32 @!p2 $0x0  }
0x1d: {  	s5 =	simm.s32 @p1 $0x1;
	p0 =	seq.s32 s7, s2  }
0x1e: {  	s7 =	smul.u32 @!p0 $0xF7A, s2;
	p2 =	seq.s32 @!p0 s5, $0x0  }
0x1f: {  	s9 =	smul.u32 $0xF7A, s1;
	s8 =	simm.s32 @!p0 $0x1BF5;
	p2 =	por !p2, p0  }
0x20: {  	[sflag:s8] =	ssyncset.s32 @!p0 $0xFFFFF086;
	s6 =	sadd.s32 @!p0 s3, s7;
	s7 =	simm.s32 @!p0 $0x108  }
0x21: {  	s3 =	sadd.s32 s3, s9;
	s6 =	sadd.s32 @!p0 $0x88, s6;
	s7 =	simm.s32 @p2 $0x1082  }
0x22: {  	[simem:s7], [sflag:s8] =	dma.local @!p0 [hbm:s6], $0xF7A  }
0x23: {  	s9 =	sor.u32 $0xD0000000, s2;
	s6 =	simm.s32 $0x108;
	_ =	swait.ge @!p0 [sflag:s8], $0x0  }
0x24: {  	s3 =	sadd.s32 $0x88, s3;
	s6 =	simm.s32 @!p1 $0x1082;
	[sflag:s4] =	ssyncset.s32 $0xFFFFF086  }
0x25: {  	[simem:s6], [sflag:s4] =	dma.local [hbm:s3], $0xF7A  }
0x26: {  	[smem:$0x3F9F] =	sst s1;
	(tag) =	ssettag s2;
	_ =	strace s9  }
0x27: {  	s1 =	sld [smem:$0x3FAF]  }
0x28: {  	s2 =	sld [smem:$0x3FB0]  }
0x29: {  	s4 =	sld [smem:$0x3FB2]  }
0x2a: {  	p0 =	seq.s32 s5, $0x0;
	s5 =	sld [smem:$0x3FB3]  }
0x2b: {  	s6 =	sld [smem:$0x3FB4]  }
0x2c: {  	s7 =	sld [smem:$0x3FB5]  }
0x2d: {  	s3 =	simm.s32 $0x108;
	s8 =	sld [smem:$0x3FB6]  }
0x2e: {  	s3 =	simm.s32 @!p0 $0x1082;
	s9 =	sld [smem:$0x3FB7]  }
0x2f: {  	lr =	sadd.s32 s0, s3;
	s0 =	sld [smem:$0x3FAE]  }
0x30: {  	s3 =	sld [smem:$0x3FB1]  }
0x31: {  	[smem:$0x3FBA] =	sst s10  }
0x32: {  	s10 =	sld [smem:$0x3FB8];
	_ =	sdelay $0x3  }
0x33: {  	p0 =	seq.s32 s10, $0x1;
	s10 =	sld [smem:$0x3FBA];
	_ =	sdelay $0x3  }
0x34: {  	[smem:$0x3FBA] =	sst s10  }
0x35: {  	s10 =	sld [smem:$0x3FB9];
	_ =	sdelay $0x3  }
0x36: {  	p1 =	seq.s32 s10, $0x1;
	s10 =	sld [smem:$0x3FBA];
	_ =	sdelay $0x3  }
0x37: {  	[smem:$0x3FBA] =	sst s10  }
0x38: {  	s10 =	sld [smem:$0x3FBB]  }
0x39: {  	_ = 	snop;
	(pc) =	sbr.ind lr, $3  }
0x3a: {  	_ = 	snop  }
0x3b: {  	_ = 	snop  }
0x3c: {  	p2 =	seq.s32 s10, $0x1;
	s10 =	sld [smem:$0x3FBA]  }
0x3d: {  	_ =	shalt  }
0x3e: {  	_ =	shalt  }
0x3f: {  	_ =	shalt  }
0x40: {  	_ =	shalt  }
0x41: {  	_ =	shalt  }
0x42: {  	_ =	shalt  }
0x43: {  	_ =	shalt  }
0x44: {  	_ =	shalt  }
0x45: {  	_ =	shalt  }
0x46: {  	_ =	shalt  }
0x47: {  	_ =	shalt  }
0x48: {  	_ =	shalt  }
0x49: {  	_ =	shalt  }
0x4a: {  	_ =	shalt  }
0x4b: {  	_ =	shalt  }
0x4c: {  	_ =	shalt  }
0x4d: {  	_ =	shalt  }
0x4e: {  	_ =	shalt  }
0x4f: {  	_ =	shalt  }
0x50: {  	_ =	shalt  }
0x51: {  	_ =	shalt  }
0x52: {  	_ =	shalt  }
0x53: {  	_ =	shalt  }
0x54: {  	_ =	shalt  }
0x55: {  	_ =	shalt  }
0x56: {  	_ =	shalt  }
0x57: {  	_ =	shalt  }
0x58: {  	_ =	shalt  }
0x59: {  	_ =	shalt  }
0x5a: {  	_ =	shalt  }
0x5b: {  	_ =	shalt  }
0x5c: {  	_ =	shalt  }
0x5d: {  	_ =	shalt  }
0x5e: {  	_ =	shalt  }
0x5f: {  	_ =	shalt  }
0x60: {  	_ =	shalt  }
0x61: {  	_ =	shalt  }
0x62: {  	_ =	shalt  }
0x63: {  	_ =	shalt  }
0x64: {  	_ =	shalt  }
0x65: {  	_ =	shalt  }
0x66: {  	_ =	shalt  }
0x67: {  	_ =	shalt  }
0x68: {  	_ =	shalt  }
0x69: {  	_ =	shalt  }
0x6a: {  	_ =	shalt  }
0x6b: {  	_ =	shalt  }
0x6c: {  	_ =	shalt  }
0x6d: {  	_ =	shalt  }
0x6e: {  	_ =	shalt  }
0x6f: {  	_ =	shalt  }
0x70: {  	_ =	shalt  }
0x71: {  	_ =	shalt  }
0x72: {  	_ =	shalt  }
0x73: {  	_ =	shalt  }
0x74: {  	_ =	shalt  }
0x75: {  	_ =	shalt  }
0x76: {  	_ =	shalt  }
0x77: {  	_ =	shalt  }
0x78: {  	_ =	shalt  }
0x79: {  	_ =	shalt  }
0x7a: {  	_ =	shalt  }
0x7b: {  	_ =	shalt  }
0x7c: {  	_ =	shalt  }
0x7d: {  	_ =	shalt  }
0x7e: {  	_ =	shalt  }
0x7f: {  	_ =	shalt  }
0x80: {  	_ =	shalt  }
0x81: {  	_ =	shalt  }
0x82: {  	_ =	shalt  }
0x83: {  	_ =	shalt  }
0x84: {  	_ =	shalt  }
0x85: {  	_ =	shalt  }
0x86: {  	_ =	shalt  }
0x87: {  	_ =	shalt  }
.Lfunc_end0:
.L_simem_size_0:
called_computation_lowered:
.L_overlay_start_0:
0x88: {  	s2 =	sld [smem:$0x3FD9]  }
0x89: {  	s3 =	sld [smem:$0x3FFE];
	_ =	sdelay $0x1  }
0x8a: {  	s1 =	srdreg.scid  }
0x8b: {  	s0 =	sand.u32 $0x1, s1  }
0x8c: {  	s17 =	sshll.u32 s0, $0xA;
	s2 =	sadd.s32 s3, s2  }
0x8d: {  	s2 =	sadd.s32 s2, s17  }
0x8e: {  	[smem:$0x3FC6] =	sst s2  }
0x8f: {  	_ = 	snop  }
0x90: {  	s2 =	sld [smem:$0x3FC9]  }
0x91: {  	s18 =	sld [smem:$0x3FD0];
	(tm) =	ssettm $0x1  }
0x92: {  	s4 =	sld [smem:$0x3FFB];
	_ =	sdelay $0x3  }
0x93: {  	_ =	strace s4  }
0x94: {  	s4 =	sld [smem:$0x3FFC];
	_ =	sdelay $0x3  }
0x95: {  	_ =	strace s4  }
0x96: {  	s4 =	sld [smem:$0x3FFD];
	_ =	sdelay $0x3  }
0x97: {  	_ =	strace s4  }
0x98: {  	_ =	strace $0x8FFFFFFF  }
0x99: {  	s19 =	sld [smem:$0x3FDB];
	_ =	sdelay $0x1  }
0x9a: {  	s5 =	simm.s32 $_scs_section_size  }
0x9b: {  	s6 =	simm.s32 $_size__tile_overlayer_lowered;
	s7 =	simm.s32 $_tile_overlayer_lowered  }
0x9c: {  	s22 =	simm.s32 $0x1BFF;
	s21 =	sshll.u32 s7, $0x1;
	s4 =	sadd.s32 s5, s19  }
0x9d: {  	s8 =	simm.s32 $0x0;
	s20 =	sshll.u32 s6, $0x1;
	s6 =	sadd.s32 s21, s4  }
0x9e: {  	[timem:s8], [sflag:s22] =	dma.local [hbm:s6], s20  }
0x9f: {  	_ =	swait.ge [sflag:s22], s20  }
0xa0: {  	s5 =	ssub.s32 $0x0, s20;
	[sflag:s22] =	ssyncset.done $0x0  }
0xa1: {  	[sflag:s22] =	ssyncadd.s32 s5;
	_ =	sdelay $0x1  }
0xa2: {  	s23 =	simm.s32 $0x1B8B  }
0xa3: {  	_ =	swait.ge [sflag:s23], $0x1  }
0xa4: {  	[sflag:s23] =	ssyncset.done $0x0  }
0xa5: {  	s25 =	simm.s32 $0x1B8E;
	s24 =	sld [smem:$0x3FFE];
	[sflag:s23] =	ssyncadd.s32 $0xFFFFFFFF  }
0xa6: {  	s26 =	simm.s32 $execute0_lowered;
	[smem:$0x3FD2] =	sst s25  }
0xa7: {  	s6 =	sshll.u32 s26, $0x1;
	_ =	strace $0x80000046;
	[dreg:$0x1] =	wrdreg $0xFFFFFFFF  }
0xa8: {  	s28 =	simm.s32 $_size_execute0_lowered;
	s4 =	sadd.s32 s4, s6;
	[dreg:$0x0] =	wrdreg $0x0  }
0xa9: {  	s6 =	sshll.u32 s28, $0x1;
	[dreg:$0x2] =	wrdreg s4  }
0xaa: {  	[dreg:$0x3] =	wrdreg s6  }
0xab: {  	[dreg:$0x4] =	wrdreg $0xC0  }
0xac: {  	_ =	task [dreg:s8], $0x5FFFF  }
0xad: {  	[dreg:$0x1] =	wrdreg $0xFFFFFFFF  }
0xae: {  	[dreg:$0x0] =	wrdreg $0x60  }
0xaf: {  	[dreg:$0x2] =	wrdreg s2  }
0xb0: {  	[dreg:$0x3] =	wrdreg s18  }
0xb1: {  	[dreg:$0x4] =	wrdreg s24  }
0xb2: {  	[dreg:$0x5] =	wrdreg $0x154000  }
0xb3: {  	[dreg:$0x6] =	wrdreg $0x9  }
0xb4: {  	_ =	task.clear_ibuf [dreg:s8], $0x7FFFF;
	_ =	strace $0x90000046  }
0xb5: {  	s29 =	simm.s32 $0x9;
	_ =	strace $0x80000048  }
0xb6: {  	_ =	swait.ge [sflag:s29], $0x1  }
0xb7: {  	[sflag:s29] =	ssyncadd.s32 $0xFFFFFFFF  }
0xb8: {  	_ =	strace $0x90000048  }
0xb9: {  	_ =	sfence  }
0xba: {  	s30 =	sld [smem:$0x0];
	_ =	sdelay $0x2  }
0xbb: {  	s31 =	sshll.u32 s1, $0xD;
	s1 =	sshrl.u32 s1, $0x2  }
0xbc: {  	s3 =	sand.u32 $0x4000, s31;
	s1 =	sadd.s32 s1, s30  }
0xbd: {  	s0 =	sor.u32 s3, s0;
	s1 =	sshll.u32 s1, $0x11  }
0xbe: {  	s0 =	sor.u32 s1, s0  }
0xbf: {  	s0 =	sadd.s32 $0x8F2B, s0  }
0xc0: {  	[sflag:s0] =	ssyncadd.remote.s32 $0x1  }
0xc1: {  	_ =	sfence.sel $0xFFFF  }
0xc2: {  	[dreg:$0x0] =	wrdreg $0xFFFFFFFF;
	(pc) =	sbr.abs _section_cstart, $3  }
0xc3: {  	[dreg:$0x1] =	wrdreg $0xFFFFFFFF  }
0xc4: {  	_ =	task.clear_ibuf [dreg:s8], $0x2FFFF;
	_ =	strace $0x9FFFFFFF  }
0xc5: {  	(tm) =	ssettm $0x7FFFFFFF  }
tec
execute0_lowered:
.L_overlay_start_1:
0x0: {  	(tag) =	ssettag $0x1  }
0x1: {  	s0 =	srdreg.scid  }
0x2: {  	s7 =	sand.u32 $0x1, s0  }
0x3: {  	s0 =	stileid.u32;
	s1 =	sshll.u32 s7, $0x4  }
0x4: {  	s8 =	rddreg [dreg:$0x0];
	s14 =	sor.u32 s0, s1  }
0x5: {  	s5 =	rddreg [dreg:$0x1];
	s1 =	smul.u32 $0x18, s14  }
0x6: {  	s10 =	rddreg [dreg:$0x2];
	s2 =	smin.u32 s14, $0xE  }
0x7: {  	s3 =	simm.s32 $0x0;
	s13 =	sand.u32 $0x7, s2;
	s9 =	sadd.s32 s2, s1  }
0x8: {  	[smem:$0x7FF] =	sst s3;
	p1 =	sne.s32 s13, $0x0;
	p0 =	seq.s32 s9, $0x0  }
0x9: {  	s4 =	simm.s32 $0x1;
	s2 =	rddreg [dreg:$0x3];
	p0 =	por !p0, !p1  }
0xa: {  	s1 =	rddreg [dreg:$0x4];
	_ =	strace $0x80000047;
	p0 =	por !p0, !p0  }
0xb: {  	s6 =	sshrl.u32 s9, $0x3;
	s15 =	sshll.u32 s9, $0xB;
	s4 =	simm.s32 @!p0 $0x0  }
0xc: {  	s31 =	sshll.u32 s9, $0x9;
	s6 =	ssub.s32 s6, s4;
	s4 =	sadd.s32 s8, s15  }
0xd: {  	s15 =	sadd.s32 $0x40000, s2;
	s11 =	sshll.u32 s6, $0x7;
	s12 =	sadd.s32 $0x800, s4  }
0xe: {  	s6 =	sshll.u32 s6, $0xC;
	[dreg:$0x16] =	wrdreg s15;
	s11 =	sand.u32 $0x1FFFFF80, s11  }
0xf: {  	[dreg:$0x5] =	wrdreg s12;
	s6 =	ssub.s32 s31, s6;
	s31 =	sadd.s32 $0x4800, s4  }
0x10: {  	s13 =	sshll.u32 s0, $0xE;
	s11 =	sadd.s32 s5, s11;
	[smem:$0x7DC] =	sst s31  }
0x11: {  	s5 =	sadd.s32 s13, s2;
	s31 =	sadd.s32 $0x9000, s4;
	[dreg:$0x6] =	wrdreg s11  }
0x12: {  	s16 =	sadd.s32 $0x400, s5;
	[smem:$0x7EE] =	sst s31  }
0x13: {  	s17 =	sadd.s32 $0x800, s5;
	[dreg:$0x7] =	wrdreg s16  }
0x14: {  	s18 =	sadd.s32 $0xC00, s5;
	[dreg:$0x8] =	wrdreg s17  }
0x15: {  	s19 =	sadd.s32 $0x1000, s5;
	[dreg:$0x9] =	wrdreg s18  }
0x16: {  	s20 =	sadd.s32 $0x1400, s5;
	[dreg:$0xa] =	wrdreg s19  }
0x17: {  	s21 =	sadd.s32 $0x1800, s5;
	[dreg:$0xb] =	wrdreg s20  }
0x18: {  	s22 =	sadd.s32 $0x1C00, s5;
	[dreg:$0xc] =	wrdreg s21  }
0x19: {  	s23 =	sadd.s32 $0x2000, s5;
	[dreg:$0xd] =	wrdreg s22  }
0x1a: {  	s24 =	sadd.s32 $0x2400, s5;
	[dreg:$0xe] =	wrdreg s23  }
0x1b: {  	s25 =	sadd.s32 $0x2800, s5;
	[dreg:$0xf] =	wrdreg s24  }
0x1c: {  	s26 =	sadd.s32 $0x2C00, s5;
	[dreg:$0x10] =	wrdreg s25  }
0x1d: {  	s28 =	sadd.s32 $0x3000, s5;
	[dreg:$0x11] =	wrdreg s26  }
0x1e: {  	s29 =	sadd.s32 $0x3400, s5;
	[dreg:$0x12] =	wrdreg s28  }
0x1f: {  	s30 =	sadd.s32 $0x3800, s5;
	[dreg:$0x13] =	wrdreg s29  }
0x20: {  	s6 =	sshra.s32 s6, $0x2;
	s13 =	sadd.s32 $0x3C00, s5;
	[dreg:$0x14] =	wrdreg s30  }
0x21: {  	s12 =	sadd.s32 $0x380, s6;
	[dreg:$0x15] =	wrdreg s13  }
0x22: {  	s15 =	sadd.s32 $0x400, s6;
	[smem:$0x7DD] =	sst s12  }
0x23: {  	s16 =	sadd.s32 $0xC00, s6;
	[smem:$0x7DF] =	sst s15  }
0x24: {  	s17 =	sadd.s32 $0x1000, s4;
	[dreg:$0x17] =	wrdreg s16  }
0x25: {  	s18 =	sadd.s32 $0x1800, s4;
	[dreg:$0x18] =	wrdreg s17  }
0x26: {  	s19 =	sadd.s32 $0x80, s6;
	[dreg:$0x19] =	wrdreg s18  }
0x27: {  	s20 =	sadd.s32 $0x2000, s4;
	[dreg:$0x1a] =	wrdreg s19  }
0x28: {  	s21 =	sadd.s32 $0x100, s6;
	[dreg:$0x1b] =	wrdreg s20  }
0x29: {  	s22 =	sadd.s32 $0x2800, s4;
	[dreg:$0x1c] =	wrdreg s21  }
0x2a: {  	s23 =	sadd.s32 $0x180, s6;
	[dreg:$0x1d] =	wrdreg s22  }
0x2b: {  	s24 =	sadd.s32 $0x3000, s4;
	[dreg:$0x1e] =	wrdreg s23  }
0x2c: {  	s25 =	sadd.s32 $0x200, s6;
	[dreg:$0x1f] =	wrdreg s24  }
0x2d: {  	s26 =	sadd.s32 $0x3800, s4;
	[smem:$0x7D7] =	sst s25  }
0x2e: {  	s28 =	sadd.s32 $0x280, s6;
	[smem:$0x7D8] =	sst s26  }
0x2f: {  	s29 =	sadd.s32 $0x4000, s4;
	[smem:$0x7D9] =	sst s28  }
0x30: {  	s30 =	sadd.s32 $0x300, s6;
	[smem:$0x7DA] =	sst s29  }
0x31: {  	s13 =	sadd.s32 $0x5000, s4;
	[smem:$0x7DB] =	sst s30  }
0x32: {  	s12 =	sadd.s32 $0x800, s6;
	[smem:$0x7DE] =	sst s13  }
0x33: {  	s15 =	sadd.s32 $0x880, s6;
	[smem:$0x7EF] =	sst s12  }
0x34: {  	s16 =	sadd.s32 $0x5800, s4;
	[smem:$0x7F1] =	sst s15  }
0x35: {  	s17 =	sadd.s32 $0x480, s6;
	[smem:$0x7E0] =	sst s16  }
0x36: {  	s18 =	sadd.s32 $0x6000, s4;
	[smem:$0x7E1] =	sst s17  }
0x37: {  	s19 =	sadd.s32 $0x500, s6;
	[smem:$0x7E2] =	sst s18  }
0x38: {  	s20 =	sadd.s32 $0x6800, s4;
	[smem:$0x7E3] =	sst s19  }
0x39: {  	s21 =	sadd.s32 $0x580, s6;
	[smem:$0x7E4] =	sst s20  }
0x3a: {  	s22 =	sadd.s32 $0x7000, s4;
	[smem:$0x7E5] =	sst s21  }
0x3b: {  	s23 =	sadd.s32 $0x600, s6;
	[smem:$0x7E6] =	sst s22  }
0x3c: {  	s24 =	sadd.s32 $0x7800, s4;
	[smem:$0x7E7] =	sst s23  }
0x3d: {  	s25 =	sadd.s32 $0x680, s6;
	[smem:$0x7E8] =	sst s24  }
0x3e: {  	s26 =	sadd.s32 $0x8000, s4;
	[smem:$0x7E9] =	sst s25  }
0x3f: {  	s28 =	sadd.s32 $0x700, s6;
	[smem:$0x7EA] =	sst s26  }
0x40: {  	s29 =	sadd.s32 $0x8800, s4;
	[smem:$0x7EB] =	sst s28  }
0x41: {  	p1 =	slt.u32 s9, $0x2F6;
	s30 =	sadd.s32 $0x780, s6;
	[smem:$0x7EC] =	sst s29  }
0x42: {  	s13 =	sadd.s32 $0x9800, s4;
	s12 =	simm.s32 $0x186200;
	[smem:$0x7ED] =	sst s30  }
0x43: {  	s15 =	simm.s32 $0x80;
	[smem:$0x7F0] =	sst s13;
	s16 =	sadd.s32 $0xA000, s4  }
0x44: {  	s17 =	sadd.s32 $0x900, s6;
	s18 =	sadd.s32 $0xA800, s4;
	[smem:$0x7F2] =	sst s16  }
0x45: {  	s19 =	sadd.s32 $0x980, s6;
	s20 =	sshll.u32 s0, $0xB;
	[smem:$0x7F3] =	sst s17  }
0x46: {  	s21 =	sadd.s32 $0xB000, s4;
	s22 =	sadd.s32 $0x17, s9;
	[smem:$0x7F4] =	sst s18  }
0x47: {  	s23 =	sadd.s32 $0xA00, s6;
	s13 =	simm.s32 $0x186200;
	[smem:$0x7F5] =	sst s19  }
0x48: {  	s24 =	sadd.s32 $0x18, s9;
	s25 =	sadd.s32 $0xA80, s6;
	[smem:$0x7F6] =	sst s21  }
0x49: {  	s26 =	ssub.s32 $0x2, s7;
	s28 =	sadd.s32 $0xB00, s6;
	[smem:$0x7F7] =	sst s23  }
0x4a: {  	s7 =	sshll.u32 s7, $0xF;
	s29 =	sadd.s32 $0xB80, s6;
	[smem:$0x7F9] =	sst s25  }
0x4b: {  	s10 =	sadd.s32 s20, s10;
	p0 =	seq.s32 s22, $0x30D;
	[smem:$0x7FB] =	sst s28  }
0x4c: {  	s11 =	sshll.u32 s22, $0xB;
	s30 =	sshrl.u32 s26, $0x1;
	[smem:$0x7FC] =	sst s29  }
0x4d: {  	s16 =	simm.s32 $0xD000;
	s17 =	simm.s32 $0x2;
	s18 =	simm.s32 $0x11000  }
0x4e: {  	s19 =	simm.s32 $0x3;
	s20 =	simm.s32 $0x6;
	s21 =	simm.s32 $0x4  }
0x4f: {  	s22 =	simm.s32 $0x7;
	s23 =	simm.s32 $0x5;
	s25 =	simm.s32 $0x9  }
0x50: {  	s13 =	simm.s32 @!p0 $0x0;
	p0 =	seq.s32 s24, $0x30D;
	s7 =	sadd.s32 s7, s10  }
0x51: {  	s10 =	simm.s32 $0x5000;
	s13 =	smov.u32 @p1 s11;
	p1 =	slt.u32 s9, $0x2F5  }
0x52: {  	s9 =	sshll.u32 s24, $0xB;
	s12 =	simm.s32 @!p0 $0x0;
	s31 =	sadd.s32 $0x600, s7  }
0x53: {  	s7 =	simm.s32 $0x1;
	p0 =	sne.s32 s0, $0x0;
	s11 =	simm.s32 $0xC  }
0x54: {  	s24 =	simm.s32 $0x8;
	s13 =	sadd.s32 s8, s13;
	s12 =	smov.u32 @p1 s9  }
0x55: {  	s9 =	ssub.s32 s26, s30;
	[smem:$0x7FD] =	sst s31;
	p1 =	slt.u32 s14, $0xE  }
0x56: {  	s14 =	simm.s32 $0x9000;
	s26 =	simm.s32 $0xA;
	[smem:$0x7F8] =	sst s13  }
0x57: {  	s8 =	sadd.s32 s8, s12;
	s12 =	simm.s32 $0x15000;
	s13 =	simm.s32 $0xB  }
0x58: {  	v0 =	vimm.f32 $0.0e+00;
	[smem:$0x7FA] =	sst s8;
	s8 =	smax.u32 s9, $0x1;
	s9 =	simm.s32 $0x1000  }
.LBB2_1:
0x59: {  	[tilespmem:s9], [sflag:$0x1] =	stream.linear.gather [hbm4b:s4+s3], $0x4000, $0x38;
	[tilespmem:$0x19440] =	vst v63  }
0x5a: {  	s28 =	rddreg [dreg:$0x5]  }
0x5b: {  	[tilespmem:s10], [sflag:$0x2] =	stream.linear.gather [hbm4b:s28+s3], $0x4000, $0x38;
	[tilespmem:$0x19440] =	vst v63  }
0x5c: {  	s29 =	rddreg [dreg:$0x6]  }
0x5d: {  	[tilespmem:s3], [sflag:$0xC] =	stream.linear.gather [hbm4b:s29+s3], $0x1000, $0x38;
	[tilespmem:$0x19440] =	vst v63  }
0x5e: {  	_ =	swait.ge [sflag:s11], $0x1000  }
0x5f: {  	[sflag:s11] =	ssyncset.done $0x0  }
0x60: {  	[sflag:s11] =	ssyncadd.s32 $0xFFFFF000  }
0x61: {  	[tilespmem:$0x15000] =	vst v0  }
0x62: {  	[tilespmem:$0x15010] =	vst v0  }
0x63: {  	[tilespmem:$0x15020] =	vst v0  }
0x64: {  	[tilespmem:$0x15030] =	vst v0  }
0x65: {  	[tilespmem:$0x15040] =	vst v0  }
0x66: {  	[tilespmem:$0x15050] =	vst v0  }
0x67: {  	[tilespmem:$0x15060] =	vst v0  }
0x68: {  	[tilespmem:$0x15070] =	vst v0  }
0x69: {  	[tilespmem:$0x15080] =	vst v0  }
0x6a: {  	[tilespmem:$0x15090] =	vst v0  }
0x6b: {  	[tilespmem:$0x150A0] =	vst v0  }
0x6c: {  	[tilespmem:$0x150B0] =	vst v0  }
0x6d: {  	[tilespmem:$0x150C0] =	vst v0  }
0x6e: {  	[tilespmem:$0x150D0] =	vst v0  }
0x6f: {  	[tilespmem:$0x150E0] =	vst v0  }
0x70: {  	[tilespmem:$0x150F0] =	vst v0  }
0x71: {  	[tilespmem:$0x15100] =	vst v0  }
0x72: {  	[tilespmem:$0x15110] =	vst v0  }
0x73: {  	[tilespmem:$0x15120] =	vst v0  }
0x74: {  	[tilespmem:$0x15130] =	vst v0  }
0x75: {  	[tilespmem:$0x15140] =	vst v0  }
0x76: {  	[tilespmem:$0x15150] =	vst v0  }
0x77: {  	[tilespmem:$0x15160] =	vst v0  }
0x78: {  	[tilespmem:$0x15170] =	vst v0  }
0x79: {  	[tilespmem:$0x15180] =	vst v0  }
0x7a: {  	[tilespmem:$0x15190] =	vst v0  }
0x7b: {  	[tilespmem:$0x151A0] =	vst v0  }
0x7c: {  	[tilespmem:$0x151B0] =	vst v0  }
0x7d: {  	[tilespmem:$0x151C0] =	vst v0  }
0x7e: {  	[tilespmem:$0x151D0] =	vst v0  }
0x7f: {  	[tilespmem:$0x151E0] =	vst v0  }
0x80: {  	[tilespmem:$0x151F0] =	vst v0  }
0x81: {  	[tilespmem:$0x15200] =	vst v0  }
0x82: {  	[tilespmem:$0x15210] =	vst v0  }
0x83: {  	[tilespmem:$0x15220] =	vst v0  }
0x84: {  	[tilespmem:$0x15230] =	vst v0  }
0x85: {  	[tilespmem:$0x15240] =	vst v0  }
0x86: {  	[tilespmem:$0x15250] =	vst v0  }
0x87: {  	[tilespmem:$0x15260] =	vst v0  }
0x88: {  	[tilespmem:$0x15270] =	vst v0  }
0x89: {  	[tilespmem:$0x15280] =	vst v0  }
0x8a: {  	[tilespmem:$0x15290] =	vst v0  }
0x8b: {  	[tilespmem:$0x152A0] =	vst v0  }
0x8c: {  	[tilespmem:$0x152B0] =	vst v0  }
0x8d: {  	[tilespmem:$0x152C0] =	vst v0  }
0x8e: {  	[tilespmem:$0x152D0] =	vst v0  }
0x8f: {  	[tilespmem:$0x152E0] =	vst v0  }
0x90: {  	[tilespmem:$0x152F0] =	vst v0  }
0x91: {  	[tilespmem:$0x15300] =	vst v0  }
0x92: {  	[tilespmem:$0x15310] =	vst v0  }
0x93: {  	[tilespmem:$0x15320] =	vst v0  }
0x94: {  	[tilespmem:$0x15330] =	vst v0  }
0x95: {  	[tilespmem:$0x15340] =	vst v0  }
0x96: {  	[tilespmem:$0x15350] =	vst v0  }
0x97: {  	[tilespmem:$0x15360] =	vst v0  }
0x98: {  	[tilespmem:$0x15370] =	vst v0  }
0x99: {  	[tilespmem:$0x15380] =	vst v0  }
0x9a: {  	[tilespmem:$0x15390] =	vst v0  }
0x9b: {  	[tilespmem:$0x153A0] =	vst v0  }
0x9c: {  	[tilespmem:$0x153B0] =	vst v0  }
0x9d: {  	[tilespmem:$0x153C0] =	vst v0  }
0x9e: {  	[tilespmem:$0x153D0] =	vst v0  }
0x9f: {  	[tilespmem:$0x153E0] =	vst v0  }
0xa0: {  	[tilespmem:$0x153F0] =	vst v0  }
0xa1: {  	[spmem:s5] =	stream.linear.scatter [tilespmem:s12], [sflag:$0xB], $0x400, $0x38;
	[tilespmem:$0x19440] =	vst v63  }
0xa2: {  	s30 =	rddreg [dreg:$0x7]  }
0xa3: {  	[spmem:s30] =	stream.linear.scatter [tilespmem:s12], [sflag:$0xB], $0x400, $0x38;
	[tilespmem:$0x19440] =	vst v63  }
0xa4: {  	s31 =	rddreg [dreg:$0x8]  }
0xa5: {  	[spmem:s31] =	stream.linear.scatter [tilespmem:s12], [sflag:$0xB], $0x400, $0x38;
	[tilespmem:$0x19440] =	vst v63  }
0xa6: {  	s30 =	rddreg [dreg:$0x9]  }
0xa7: {  	[spmem:s30] =	stream.linear.scatter [tilespmem:s12], [sflag:$0xB], $0x400, $0x38;
	[tilespmem:$0x19440] =	vst v63  }
0xa8: {  	s31 =	rddreg [dreg:$0xa]  }
0xa9: {  	[spmem:s31] =	stream.linear.scatter [tilespmem:s12], [sflag:$0xB], $0x400, $0x38;
	[tilespmem:$0x19440] =	vst v63  }
0xaa: {  	s30 =	rddreg [dreg:$0xb]  }
0xab: {  	[spmem:s30] =	stream.linear.scatter [tilespmem:s12], [sflag:$0xB], $0x400, $0x38;
	[tilespmem:$0x19440] =	vst v63  }
0xac: {  	s31 =	rddreg [dreg:$0xc]  }
0xad: {  	[spmem:s31] =	stream.linear.scatter [tilespmem:s12], [sflag:$0xB], $0x400, $0x38;
	[tilespmem:$0x19440] =	vst v63  }
0xae: {  	s30 =	rddreg [dreg:$0xd]  }
0xaf: {  	[spmem:s30] =	stream.linear.scatter [tilespmem:s12], [sflag:$0xB], $0x400, $0x38;
	[tilespmem:$0x19440] =	vst v63  }
0xb0: {  	s31 =	rddreg [dreg:$0xe]  }
0xb1: {  	[spmem:s31] =	stream.linear.scatter [tilespmem:s12], [sflag:$0xB], $0x400, $0x38;
	[tilespmem:$0x19440] =	vst v63  }
0xb2: {  	s30 =	rddreg [dreg:$0xf]  }
0xb3: {  	[spmem:s30] =	stream.linear.scatter [tilespmem:s12], [sflag:$0xB], $0x400, $0x38;
	[tilespmem:$0x19440] =	vst v63  }
0xb4: {  	s31 =	rddreg [dreg:$0x10]  }
0xb5: {  	[spmem:s31] =	stream.linear.scatter [tilespmem:s12], [sflag:$0xB], $0x400, $0x38;
	[tilespmem:$0x19440] =	vst v63  }
0xb6: {  	s30 =	rddreg [dreg:$0x11]  }
0xb7: {  	[spmem:s30] =	stream.linear.scatter [tilespmem:s12], [sflag:$0xB], $0x400, $0x38;
	[tilespmem:$0x19440] =	vst v63  }
0xb8: {  	s31 =	rddreg [dreg:$0x12]  }
0xb9: {  	[spmem:s31] =	stream.linear.scatter [tilespmem:s12], [sflag:$0xB], $0x400, $0x38;
	[tilespmem:$0x19440] =	vst v63  }
0xba: {  	s30 =	rddreg [dreg:$0x13]  }
0xbb: {  	[spmem:s30] =	stream.linear.scatter [tilespmem:s12], [sflag:$0xB], $0x400, $0x38;
	[tilespmem:$0x19440] =	vst v63  }
0xbc: {  	s31 =	rddreg [dreg:$0x14]  }
0xbd: {  	[spmem:s31] =	stream.linear.scatter [tilespmem:s12], [sflag:$0xB], $0x400, $0x38;
	[tilespmem:$0x19440] =	vst v63  }
0xbe: {  	s30 =	rddreg [dreg:$0x15]  }
0xbf: {  	[spmem:s30] =	stream.linear.scatter [tilespmem:s12], [sflag:$0xB], $0x400, $0x38;
	[tilespmem:$0x19440] =	vst v63  }
0xc0: {  	s28 =	simm.s32 @!p0 $0x15000;
	s29 =	rddreg [dreg:$0x16]  }
0xc1: {  	[spmem:s29] =	stream.linear.scatter @!p0 [tilespmem:s28], [sflag:$0xB], $0x400, $0x38;
	[tilespmem:$0x19440] =	vst v63  }
0xc2: {  	_ =	swait.ge [sflag:s13], $0x400  }
0xc3: {  	[sflag:s13] =	ssyncset.done $0x0  }
0xc4: {  	[sflag:s13] =	ssyncadd.s32 $0xFFFFFC00  }
0xc5: {  	_ =	swait.ge [sflag:s13], $0x400  }
0xc6: {  	[sflag:s13] =	ssyncset.done $0x0  }
0xc7: {  	[sflag:s13] =	ssyncadd.s32 $0xFFFFFC00  }
0xc8: {  	_ =	swait.ge [sflag:s13], $0x400  }
0xc9: {  	[sflag:s13] =	ssyncset.done $0x0  }
0xca: {  	[sflag:s13] =	ssyncadd.s32 $0xFFFFFC00  }
0xcb: {  	_ =	swait.ge [sflag:s13], $0x400  }
0xcc: {  	[sflag:s13] =	ssyncset.done $0x0  }
0xcd: {  	[sflag:s13] =	ssyncadd.s32 $0xFFFFFC00  }
0xce: {  	_ =	swait.ge [sflag:s13], $0x400  }
0xcf: {  	[sflag:s13] =	ssyncset.done $0x0  }
0xd0: {  	[sflag:s13] =	ssyncadd.s32 $0xFFFFFC00  }
0xd1: {  	_ =	swait.ge [sflag:s13], $0x400  }
0xd2: {  	[sflag:s13] =	ssyncset.done $0x0  }
0xd3: {  	[sflag:s13] =	ssyncadd.s32 $0xFFFFFC00  }
0xd4: {  	_ =	swait.ge [sflag:s13], $0x400  }
0xd5: {  	[sflag:s13] =	ssyncset.done $0x0  }
0xd6: {  	[sflag:s13] =	ssyncadd.s32 $0xFFFFFC00  }
0xd7: {  	_ =	swait.ge [sflag:s13], $0x400  }
0xd8: {  	[sflag:s13] =	ssyncset.done $0x0  }
0xd9: {  	[sflag:s13] =	ssyncadd.s32 $0xFFFFFC00  }
0xda: {  	_ =	swait.ge [sflag:s13], $0x400  }
0xdb: {  	[sflag:s13] =	ssyncset.done $0x0  }
0xdc: {  	[sflag:s13] =	ssyncadd.s32 $0xFFFFFC00  }
0xdd: {  	_ =	swait.ge [sflag:s13], $0x400  }
0xde: {  	[sflag:s13] =	ssyncset.done $0x0  }
0xdf: {  	[sflag:s13] =	ssyncadd.s32 $0xFFFFFC00  }
0xe0: {  	_ =	swait.ge [sflag:s13], $0x400  }
0xe1: {  	[sflag:s13] =	ssyncset.done $0x0  }
0xe2: {  	[sflag:s13] =	ssyncadd.s32 $0xFFFFFC00  }
0xe3: {  	_ =	swait.ge [sflag:s13], $0x400  }
0xe4: {  	[sflag:s13] =	ssyncset.done $0x0  }
0xe5: {  	[sflag:s13] =	ssyncadd.s32 $0xFFFFFC00  }
0xe6: {  	_ =	swait.ge [sflag:s13], $0x400  }
0xe7: {  	[sflag:s13] =	ssyncset.done $0x0  }
0xe8: {  	[sflag:s13] =	ssyncadd.s32 $0xFFFFFC00  }
0xe9: {  	_ =	swait.ge [sflag:s13], $0x400  }
0xea: {  	[sflag:s13] =	ssyncset.done $0x0  }
0xeb: {  	[sflag:s13] =	ssyncadd.s32 $0xFFFFFC00  }
0xec: {  	_ =	swait.ge [sflag:s13], $0x400  }
0xed: {  	[sflag:s13] =	ssyncset.done $0x0  }
0xee: {  	[sflag:s13] =	ssyncadd.s32 $0xFFFFFC00  }
0xef: {  	_ =	swait.ge [sflag:s13], $0x400  }
0xf0: {  	[sflag:s13] =	ssyncset.done $0x0  }
0xf1: {  	s28 =	simm.s32 @!p0 $0xB;
	[sflag:s13] =	ssyncadd.s32 $0xFFFFFC00  }
0xf2: {  	_ =	swait.ge @!p0 [sflag:s28], $0x400  }
0xf3: {  	[sflag:s28] =	ssyncset.done @!p0 $0x0  }
0xf4: {  	v1 =	vimm.s32 @!p1 $0x800;
	[sflag:s28] =	ssyncadd.s32 @!p0 $0xFFFFFC00  }
0xf5: {  	[tilespmem:s6+$0xC00] =	vst @!p1 v1  }
0xf6: {  	[tilespmem:s6+$0xC10] =	vst @!p1 v1  }
0xf7: {  	[tilespmem:s6+$0xC20] =	vst @!p1 v1  }
0xf8: {  	[tilespmem:s6+$0xC30] =	vst @!p1 v1  }
0xf9: {  	[tilespmem:s6+$0xC40] =	vst @!p1 v1  }
0xfa: {  	[tilespmem:s6+$0xC50] =	vst @!p1 v1  }
0xfb: {  	[tilespmem:s6+$0xC60] =	vst @!p1 v1  }
0xfc: {  	[tilespmem:s6+$0xC70] =	vst @!p1 v1  }
0xfd: {  	[bflag:$0x0] =	sbarrier.arrive $0xFFFF  }
0xfe: {  	s31 =	rddreg [dreg:$0x18]  }
0xff: {  	[tilespmem:s14], [sflag:$0x3] =	stream.linear.gather [hbm4b:s31+s3], $0x4000, $0x38;
	[tilespmem:$0x19440] =	vst v63  }
0x100: {  	_ =	swait.ge [sflag:s7], $0x4000  }
0x101: {  	[sflag:s7] =	ssyncset.done $0x0  }
0x102: {  	[sflag:s7] =	ssyncadd.s32 $0xFFFFC000  }
0x103: {  	[spmem:s2] =	stream.indirect.scatter.add.f32 [tilespmem:s9], [sflag:$0x6], $0x80, s6, s15, $0xb8;
	[tilespmem:$0x19440] =	vst v63  }
0x104: {  	s29 =	rddreg [dreg:$0x19]  }
0x105: {  	[tilespmem:s16], [sflag:$0x4] =	stream.linear.gather [hbm4b:s29+s3], $0x4000, $0x38;
	[tilespmem:$0x19440] =	vst v63  }
0x106: {  	_ =	swait.ge [sflag:s17], $0x4000  }
0x107: {  	[sflag:s17] =	ssyncset.done $0x0  }
0x108: {  	s30 =	rddreg [dreg:$0x1a];
	[sflag:s17] =	ssyncadd.s32 $0xFFFFC000  }
0x109: {  	[spmem:s2] =	stream.indirect.scatter.add.f32 [tilespmem:s10], [sflag:$0x7], $0x80, s30, s15, $0xb8;
	[tilespmem:$0x19440] =	vst v63  }
0x10a: {  	s31 =	rddreg [dreg:$0x1b]  }
0x10b: {  	[tilespmem:s18], [sflag:$0x5] =	stream.linear.gather [hbm4b:s31+s3], $0x4000, $0x38;
	[tilespmem:$0x19440] =	vst v63  }
0x10c: {  	_ =	swait.ge [sflag:s19], $0x4000  }
0x10d: {  	[sflag:s19] =	ssyncset.done $0x0  }
0x10e: {  	s30 =	rddreg [dreg:$0x1c];
	[sflag:s19] =	ssyncadd.s32 $0xFFFFC000  }
0x10f: {  	[spmem:s2] =	stream.indirect.scatter.add.f32 [tilespmem:s14], [sflag:$0x8], $0x80, s30, s15, $0xb8;
	[tilespmem:$0x19440] =	vst v63  }
0x110: {  	_ =	swait.ge [sflag:s20], $0x4000  }
0x111: {  	[sflag:s20] =	ssyncset.done $0x0  }
0x112: {  	s31 =	rddreg [dreg:$0x1d];
	[sflag:s20] =	ssyncadd.s32 $0xFFFFC000  }
0x113: {  	[tilespmem:s9], [sflag:$0x1] =	stream.linear.gather [hbm4b:s31+s3], $0x4000, $0x38;
	[tilespmem:$0x19440] =	vst v63  }
0x114: {  	_ =	swait.ge [sflag:s21], $0x4000  }
0x115: {  	[sflag:s21] =	ssyncset.done $0x0  }
0x116: {  	s29 =	rddreg [dreg:$0x1e];
	[sflag:s21] =	ssyncadd.s32 $0xFFFFC000  }
0x117: {  	[spmem:s2] =	stream.indirect.scatter.add.f32 [tilespmem:s16], [sflag:$0x9], $0x80, s29, s15, $0xb8;
	[tilespmem:$0x19440] =	vst v63  }
0x118: {  	_ =	swait.ge [sflag:s22], $0x4000  }
0x119: {  	[sflag:s22] =	ssyncset.done $0x0  }
0x11a: {  	s30 =	rddreg [dreg:$0x1f];
	[sflag:s22] =	ssyncadd.s32 $0xFFFFC000  }
0x11b: {  	[tilespmem:s10], [sflag:$0x2] =	stream.linear.gather [hbm4b:s30+s3], $0x4000, $0x38;
	[tilespmem:$0x19440] =	vst v63  }
0x11c: {  	_ =	swait.ge [sflag:s23], $0x4000  }
0x11d: {  	s31 =	sld [smem:$0x7D7]  }
0x11e: {  	[sflag:s23] =	ssyncset.done $0x0  }
0x11f: {  	[sflag:s23] =	ssyncadd.s32 $0xFFFFC000  }
0x120: {  	[spmem:s2] =	stream.indirect.scatter.add.f32 [tilespmem:s18], [sflag:$0xA], $0x80, s31, s15, $0xb8;
	[tilespmem:$0x19440] =	vst v63  }
0x121: {  	_ =	swait.ge [sflag:s24], $0x4000  }
0x122: {  	s29 =	sld [smem:$0x7D8]  }
0x123: {  	[sflag:s24] =	ssyncset.done $0x0  }
0x124: {  	[sflag:s24] =	ssyncadd.s32 $0xFFFFC000  }
0x125: {  	[tilespmem:s14], [sflag:$0x3] =	stream.linear.gather [hbm4b:s29+s3], $0x4000, $0x38;
	[tilespmem:$0x19440] =	vst v63  }
0x126: {  	_ =	swait.ge [sflag:s7], $0x4000  }
0x127: {  	s30 =	sld [smem:$0x7D9]  }
0x128: {  	[sflag:s7] =	ssyncset.done $0x0  }
0x129: {  	[sflag:s7] =	ssyncadd.s32 $0xFFFFC000  }
0x12a: {  	[spmem:s2] =	stream.indirect.scatter.add.f32 [tilespmem:s9], [sflag:$0x6], $0x80, s30, s15, $0xb8;
	[tilespmem:$0x19440] =	vst v63  }
0x12b: {  	_ =	swait.ge [sflag:s25], $0x4000  }
0x12c: {  	s31 =	sld [smem:$0x7DA]  }
0x12d: {  	[sflag:s25] =	ssyncset.done $0x0  }
0x12e: {  	[sflag:s25] =	ssyncadd.s32 $0xFFFFC000  }
0x12f: {  	[tilespmem:s16], [sflag:$0x4] =	stream.linear.gather [hbm4b:s31+s3], $0x4000, $0x38;
	[tilespmem:$0x19440] =	vst v63  }
0x130: {  	_ =	swait.ge [sflag:s17], $0x4000  }
0x131: {  	s29 =	sld [smem:$0x7DB]  }
0x132: {  	[sflag:s17] =	ssyncset.done $0x0  }
0x133: {  	[sflag:s17] =	ssyncadd.s32 $0xFFFFC000  }
0x134: {  	[spmem:s2] =	stream.indirect.scatter.add.f32 [tilespmem:s10], [sflag:$0x7], $0x80, s29, s15, $0xb8;
	[tilespmem:$0x19440] =	vst v63  }
0x135: {  	_ =	swait.ge [sflag:s26], $0x4000  }
0x136: {  	s30 =	sld [smem:$0x7DC]  }
0x137: {  	[sflag:s26] =	ssyncset.done $0x0  }
0x138: {  	[sflag:s26] =	ssyncadd.s32 $0xFFFFC000  }
0x139: {  	[tilespmem:s18], [sflag:$0x5] =	stream.linear.gather [hbm4b:s30+s3], $0x4000, $0x38;
	[tilespmem:$0x19440] =	vst v63  }
0x13a: {  	_ =	swait.ge [sflag:s19], $0x4000  }
0x13b: {  	s31 =	sld [smem:$0x7DD]  }
0x13c: {  	[sflag:s19] =	ssyncset.done $0x0  }
0x13d: {  	[sflag:s19] =	ssyncadd.s32 $0xFFFFC000  }
0x13e: {  	[spmem:s2] =	stream.indirect.scatter.add.f32 [tilespmem:s14], [sflag:$0x8], $0x80, s31, s15, $0xb8;
	[tilespmem:$0x19440] =	vst v63  }
0x13f: {  	_ =	swait.ge [sflag:s20], $0x4000  }
0x140: {  	s29 =	sld [smem:$0x7DE]  }
0x141: {  	[sflag:s20] =	ssyncset.done $0x0  }
0x142: {  	[sflag:s20] =	ssyncadd.s32 $0xFFFFC000  }
0x143: {  	[tilespmem:s9], [sflag:$0x1] =	stream.linear.gather [hbm4b:s29+s3], $0x4000, $0x38;
	[tilespmem:$0x19440] =	vst v63  }
0x144: {  	_ =	swait.ge [sflag:s21], $0x4000  }
0x145: {  	s30 =	sld [smem:$0x7DF]  }
0x146: {  	[sflag:s21] =	ssyncset.done $0x0  }
0x147: {  	[sflag:s21] =	ssyncadd.s32 $0xFFFFC000  }
0x148: {  	[spmem:s2] =	stream.indirect.scatter.add.f32 [tilespmem:s16], [sflag:$0x9], $0x80, s30, s15, $0xb8;
	[tilespmem:$0x19440] =	vst v63  }
0x149: {  	_ =	swait.ge [sflag:s22], $0x4000  }
0x14a: {  	s31 =	sld [smem:$0x7E0]  }
0x14b: {  	[sflag:s22] =	ssyncset.done $0x0  }
0x14c: {  	[sflag:s22] =	ssyncadd.s32 $0xFFFFC000  }
0x14d: {  	[tilespmem:s10], [sflag:$0x2] =	stream.linear.gather [hbm4b:s31+s3], $0x4000, $0x38;
	[tilespmem:$0x19440] =	vst v63  }
0x14e: {  	_ =	swait.ge [sflag:s23], $0x4000  }
0x14f: {  	s29 =	sld [smem:$0x7E1]  }
0x150: {  	[sflag:s23] =	ssyncset.done $0x0  }
0x151: {  	[sflag:s23] =	ssyncadd.s32 $0xFFFFC000  }
0x152: {  	[spmem:s2] =	stream.indirect.scatter.add.f32 [tilespmem:s18], [sflag:$0xA], $0x80, s29, s15, $0xb8;
	[tilespmem:$0x19440] =	vst v63  }
0x153: {  	_ =	swait.ge [sflag:s24], $0x4000  }
0x154: {  	s30 =	sld [smem:$0x7E2]  }
0x155: {  	[sflag:s24] =	ssyncset.done $0x0  }
0x156: {  	[sflag:s24] =	ssyncadd.s32 $0xFFFFC000  }
0x157: {  	[tilespmem:s14], [sflag:$0x3] =	stream.linear.gather [hbm4b:s30+s3], $0x4000, $0x38;
	[tilespmem:$0x19440] =	vst v63  }
0x158: {  	_ =	swait.ge [sflag:s7], $0x4000  }
0x159: {  	s31 =	sld [smem:$0x7E3]  }
0x15a: {  	[sflag:s7] =	ssyncset.done $0x0  }
0x15b: {  	[sflag:s7] =	ssyncadd.s32 $0xFFFFC000  }
0x15c: {  	[spmem:s2] =	stream.indirect.scatter.add.f32 [tilespmem:s9], [sflag:$0x6], $0x80, s31, s15, $0xb8;
	[tilespmem:$0x19440] =	vst v63  }
0x15d: {  	_ =	swait.ge [sflag:s25], $0x4000  }
0x15e: {  	s29 =	sld [smem:$0x7E4]  }
0x15f: {  	[sflag:s25] =	ssyncset.done $0x0  }
0x160: {  	[sflag:s25] =	ssyncadd.s32 $0xFFFFC000  }
0x161: {  	[tilespmem:s16], [sflag:$0x4] =	stream.linear.gather [hbm4b:s29+s3], $0x4000, $0x38;
	[tilespmem:$0x19440] =	vst v63  }
0x162: {  	_ =	swait.ge [sflag:s17], $0x4000  }
0x163: {  	s30 =	sld [smem:$0x7E5]  }
0x164: {  	[sflag:s17] =	ssyncset.done $0x0  }
0x165: {  	[sflag:s17] =	ssyncadd.s32 $0xFFFFC000  }
0x166: {  	[spmem:s2] =	stream.indirect.scatter.add.f32 [tilespmem:s10], [sflag:$0x7], $0x80, s30, s15, $0xb8;
	[tilespmem:$0x19440] =	vst v63  }
0x167: {  	_ =	swait.ge [sflag:s26], $0x4000  }
0x168: {  	s31 =	sld [smem:$0x7E6]  }
0x169: {  	[sflag:s26] =	ssyncset.done $0x0  }
0x16a: {  	[sflag:s26] =	ssyncadd.s32 $0xFFFFC000  }
0x16b: {  	[tilespmem:s18], [sflag:$0x5] =	stream.linear.gather [hbm4b:s31+s3], $0x4000, $0x38;
	[tilespmem:$0x19440] =	vst v63  }
0x16c: {  	_ =	swait.ge [sflag:s19], $0x4000  }
0x16d: {  	s29 =	sld [smem:$0x7E7]  }
0x16e: {  	[sflag:s19] =	ssyncset.done $0x0  }
0x16f: {  	[sflag:s19] =	ssyncadd.s32 $0xFFFFC000  }
0x170: {  	[spmem:s2] =	stream.indirect.scatter.add.f32 [tilespmem:s14], [sflag:$0x8], $0x80, s29, s15, $0xb8;
	[tilespmem:$0x19440] =	vst v63  }
0x171: {  	_ =	swait.ge [sflag:s20], $0x4000  }
0x172: {  	s30 =	sld [smem:$0x7E8]  }
0x173: {  	[sflag:s20] =	ssyncset.done $0x0  }
0x174: {  	[sflag:s20] =	ssyncadd.s32 $0xFFFFC000  }
0x175: {  	[tilespmem:s9], [sflag:$0x1] =	stream.linear.gather [hbm4b:s30+s3], $0x4000, $0x38;
	[tilespmem:$0x19440] =	vst v63  }
0x176: {  	_ =	swait.ge [sflag:s21], $0x4000  }
0x177: {  	s31 =	sld [smem:$0x7E9]  }
0x178: {  	[sflag:s21] =	ssyncset.done $0x0  }
0x179: {  	[sflag:s21] =	ssyncadd.s32 $0xFFFFC000  }
0x17a: {  	[spmem:s2] =	stream.indirect.scatter.add.f32 [tilespmem:s16], [sflag:$0x9], $0x80, s31, s15, $0xb8;
	[tilespmem:$0x19440] =	vst v63  }
0x17b: {  	_ =	swait.ge [sflag:s22], $0x4000  }
0x17c: {  	s29 =	sld [smem:$0x7EA]  }
0x17d: {  	[sflag:s22] =	ssyncset.done $0x0  }
0x17e: {  	[sflag:s22] =	ssyncadd.s32 $0xFFFFC000  }
0x17f: {  	[tilespmem:s10], [sflag:$0x2] =	stream.linear.gather [hbm4b:s29+s3], $0x4000, $0x38;
	[tilespmem:$0x19440] =	vst v63  }
0x180: {  	_ =	swait.ge [sflag:s23], $0x4000  }
0x181: {  	s30 =	sld [smem:$0x7EB]  }
0x182: {  	[sflag:s23] =	ssyncset.done $0x0  }
0x183: {  	[sflag:s23] =	ssyncadd.s32 $0xFFFFC000  }
0x184: {  	[spmem:s2] =	stream.indirect.scatter.add.f32 [tilespmem:s18], [sflag:$0xA], $0x80, s30, s15, $0xb8;
	[tilespmem:$0x19440] =	vst v63  }
0x185: {  	_ =	swait.ge [sflag:s24], $0x4000  }
0x186: {  	s31 =	sld [smem:$0x7EC]  }
0x187: {  	[sflag:s24] =	ssyncset.done $0x0  }
0x188: {  	[sflag:s24] =	ssyncadd.s32 $0xFFFFC000  }
0x189: {  	[tilespmem:s14], [sflag:$0x3] =	stream.linear.gather [hbm4b:s31+s3], $0x4000, $0x38;
	[tilespmem:$0x19440] =	vst v63  }
0x18a: {  	_ =	swait.ge [sflag:s7], $0x4000  }
0x18b: {  	s29 =	sld [smem:$0x7ED]  }
0x18c: {  	[sflag:s7] =	ssyncset.done $0x0  }
0x18d: {  	[sflag:s7] =	ssyncadd.s32 $0xFFFFC000  }
0x18e: {  	[spmem:s2] =	stream.indirect.scatter.add.f32 [tilespmem:s9], [sflag:$0x6], $0x80, s29, s15, $0xb8;
	[tilespmem:$0x19440] =	vst v63  }
0x18f: {  	_ =	swait.ge [sflag:s25], $0x4000  }
0x190: {  	s30 =	sld [smem:$0x7EE]  }
0x191: {  	[sflag:s25] =	ssyncset.done $0x0  }
0x192: {  	[sflag:s25] =	ssyncadd.s32 $0xFFFFC000  }
0x193: {  	[tilespmem:s16], [sflag:$0x4] =	stream.linear.gather [hbm4b:s30+s3], $0x4000, $0x38;
	[tilespmem:$0x19440] =	vst v63  }
0x194: {  	_ =	swait.ge [sflag:s17], $0x4000  }
0x195: {  	s31 =	sld [smem:$0x7EF]  }
0x196: {  	[sflag:s17] =	ssyncset.done $0x0  }
0x197: {  	[sflag:s17] =	ssyncadd.s32 $0xFFFFC000  }
0x198: {  	[spmem:s2] =	stream.indirect.scatter.add.f32 [tilespmem:s10], [sflag:$0x7], $0x80, s31, s15, $0xb8;
	[tilespmem:$0x19440] =	vst v63  }
0x199: {  	_ =	swait.ge [sflag:s26], $0x4000  }
0x19a: {  	s29 =	sld [smem:$0x7F0]  }
0x19b: {  	[sflag:s26] =	ssyncset.done $0x0  }
0x19c: {  	[sflag:s26] =	ssyncadd.s32 $0xFFFFC000  }
0x19d: {  	[tilespmem:s18], [sflag:$0x5] =	stream.linear.gather [hbm4b:s29+s3], $0x4000, $0x38;
	[tilespmem:$0x19440] =	vst v63  }
0x19e: {  	_ =	swait.ge [sflag:s19], $0x4000  }
0x19f: {  	s30 =	sld [smem:$0x7F1]  }
0x1a0: {  	[sflag:s19] =	ssyncset.done $0x0  }
0x1a1: {  	[sflag:s19] =	ssyncadd.s32 $0xFFFFC000  }
0x1a2: {  	[spmem:s2] =	stream.indirect.scatter.add.f32 [tilespmem:s14], [sflag:$0x8], $0x80, s30, s15, $0xb8;
	[tilespmem:$0x19440] =	vst v63  }
0x1a3: {  	_ =	swait.ge [sflag:s20], $0x4000  }
0x1a4: {  	s31 =	sld [smem:$0x7F2]  }
0x1a5: {  	[sflag:s20] =	ssyncset.done $0x0  }
0x1a6: {  	[sflag:s20] =	ssyncadd.s32 $0xFFFFC000  }
0x1a7: {  	[tilespmem:s9], [sflag:$0x1] =	stream.linear.gather [hbm4b:s31+s3], $0x4000, $0x38;
	[tilespmem:$0x19440] =	vst v63  }
0x1a8: {  	_ =	swait.ge [sflag:s21], $0x4000  }
0x1a9: {  	s29 =	sld [smem:$0x7F3]  }
0x1aa: {  	[sflag:s21] =	ssyncset.done $0x0  }
0x1ab: {  	[sflag:s21] =	ssyncadd.s32 $0xFFFFC000  }
0x1ac: {  	[spmem:s2] =	stream.indirect.scatter.add.f32 [tilespmem:s16], [sflag:$0x9], $0x80, s29, s15, $0xb8;
	[tilespmem:$0x19440] =	vst v63  }
0x1ad: {  	_ =	swait.ge [sflag:s22], $0x4000  }
0x1ae: {  	s30 =	sld [smem:$0x7F4]  }
0x1af: {  	[sflag:s22] =	ssyncset.done $0x0  }
0x1b0: {  	[sflag:s22] =	ssyncadd.s32 $0xFFFFC000  }
0x1b1: {  	[tilespmem:s10], [sflag:$0x2] =	stream.linear.gather [hbm4b:s30+s3], $0x4000, $0x38;
	[tilespmem:$0x19440] =	vst v63  }
0x1b2: {  	_ =	swait.ge [sflag:s23], $0x4000  }
0x1b3: {  	s31 =	sld [smem:$0x7F5]  }
0x1b4: {  	[sflag:s23] =	ssyncset.done $0x0  }
0x1b5: {  	[sflag:s23] =	ssyncadd.s32 $0xFFFFC000  }
0x1b6: {  	[spmem:s2] =	stream.indirect.scatter.add.f32 [tilespmem:s18], [sflag:$0xA], $0x80, s31, s15, $0xb8;
	[tilespmem:$0x19440] =	vst v63  }
0x1b7: {  	_ =	swait.ge [sflag:s24], $0x4000  }
0x1b8: {  	s29 =	sld [smem:$0x7F6]  }
0x1b9: {  	[sflag:s24] =	ssyncset.done $0x0  }
0x1ba: {  	[sflag:s24] =	ssyncadd.s32 $0xFFFFC000  }
0x1bb: {  	[tilespmem:s14], [sflag:$0x3] =	stream.linear.gather [hbm4b:s29+s3], $0x4000, $0x38;
	[tilespmem:$0x19440] =	vst v63  }
0x1bc: {  	_ =	swait.ge [sflag:s7], $0x4000  }
0x1bd: {  	s30 =	sld [smem:$0x7F7]  }
0x1be: {  	[sflag:s7] =	ssyncset.done $0x0  }
0x1bf: {  	[sflag:s7] =	ssyncadd.s32 $0xFFFFC000  }
0x1c0: {  	[spmem:s2] =	stream.indirect.scatter.add.f32 [tilespmem:s9], [sflag:$0x6], $0x80, s30, s15, $0xb8;
	[tilespmem:$0x19440] =	vst v63  }
0x1c1: {  	_ =	swait.ge [sflag:s25], $0x4000  }
0x1c2: {  	s31 =	sld [smem:$0x7F8]  }
0x1c3: {  	[sflag:s25] =	ssyncset.done $0x0  }
0x1c4: {  	[sflag:s25] =	ssyncadd.s32 $0xFFFFC000  }
0x1c5: {  	[tilespmem:s16], [sflag:$0x4] =	stream.linear.gather [hbm4b:s31+s3], $0x4000, $0x38;
	[tilespmem:$0x19440] =	vst v63  }
0x1c6: {  	_ =	swait.ge [sflag:s17], $0x4000  }
0x1c7: {  	s29 =	sld [smem:$0x7F9]  }
0x1c8: {  	[sflag:s17] =	ssyncset.done $0x0  }
0x1c9: {  	[sflag:s17] =	ssyncadd.s32 $0xFFFFC000  }
0x1ca: {  	[spmem:s2] =	stream.indirect.scatter.add.f32 [tilespmem:s10], [sflag:$0x7], $0x80, s29, s15, $0xb8;
	[tilespmem:$0x19440] =	vst v63  }
0x1cb: {  	_ =	swait.ge [sflag:s26], $0x4000  }
0x1cc: {  	s30 =	sld [smem:$0x7FA]  }
0x1cd: {  	[sflag:s26] =	ssyncset.done $0x0  }
0x1ce: {  	[sflag:s26] =	ssyncadd.s32 $0xFFFFC000  }
0x1cf: {  	[tilespmem:s18], [sflag:$0x5] =	stream.linear.gather [hbm4b:s30+s3], $0x4000, $0x38;
	[tilespmem:$0x19440] =	vst v63  }
0x1d0: {  	_ =	swait.ge [sflag:s19], $0x4000  }
0x1d1: {  	s31 =	sld [smem:$0x7FB]  }
0x1d2: {  	[sflag:s19] =	ssyncset.done $0x0  }
0x1d3: {  	[sflag:s19] =	ssyncadd.s32 $0xFFFFC000  }
0x1d4: {  	[spmem:s2] =	stream.indirect.scatter.add.f32 [tilespmem:s14], [sflag:$0x8], $0x80, s31, s15, $0xb8;
	[tilespmem:$0x19440] =	vst v63  }
0x1d5: {  	_ =	swait.ge [sflag:s20], $0x4000  }
0x1d6: {  	[sflag:s20] =	ssyncset.done $0x0  }
0x1d7: {  	[sflag:s20] =	ssyncadd.s32 $0xFFFFC000  }
0x1d8: {  	_ =	swait.ge [sflag:s21], $0x4000  }
0x1d9: {  	s29 =	sld [smem:$0x7FC]  }
0x1da: {  	[sflag:s21] =	ssyncset.done $0x0  }
0x1db: {  	[sflag:s21] =	ssyncadd.s32 $0xFFFFC000  }
0x1dc: {  	[spmem:s2] =	stream.indirect.scatter.add.f32 [tilespmem:s16], [sflag:$0x9], $0x80, s29, s15, $0xb8;
	[tilespmem:$0x19440] =	vst v63  }
0x1dd: {  	_ =	swait.ge [sflag:s22], $0x4000  }
0x1de: {  	[sflag:s22] =	ssyncset.done $0x0  }
0x1df: {  	[sflag:s22] =	ssyncadd.s32 $0xFFFFC000  }
0x1e0: {  	_ =	swait.ge [sflag:s23], $0x4000  }
0x1e1: {  	[sflag:s23] =	ssyncset.done $0x0  }
0x1e2: {  	s30 =	rddreg [dreg:$0x17];
	[sflag:s23] =	ssyncadd.s32 $0xFFFFC000  }
0x1e3: {  	[spmem:s2] =	stream.indirect.scatter.add.f32 [tilespmem:s18], [sflag:$0xA], $0x80, s30, s15, $0xb8;
	[tilespmem:$0x19440] =	vst v63  }
0x1e4: {  	_ =	swait.ge [sflag:s24], $0x4000  }
0x1e5: {  	[sflag:s24] =	ssyncset.done $0x0  }
0x1e6: {  	[sflag:s24] =	ssyncadd.s32 $0xFFFFC000  }
0x1e7: {  	_ =	swait.ge [sflag:s25], $0x4000  }
0x1e8: {  	[sflag:s25] =	ssyncset.done $0x0  }
0x1e9: {  	[sflag:s25] =	ssyncadd.s32 $0xFFFFC000  }
0x1ea: {  	_ =	swait.ge [sflag:s26], $0x4000  }
0x1eb: {  	[sflag:s26] =	ssyncset.done $0x0  }
0x1ec: {  	[sflag:s26] =	ssyncadd.s32 $0xFFFFC000  }
0x1ed: {  	[bflag:$0x0] =	sbarrier.arrive $0xFFFF  }
0x1ee: {  	s8 =	sadd.s32 $0xFFFFFFFF, s8;
	s28 =	sld [smem:$0x7FD]  }
0x1ef: {  	p2 =	sne.s32 s8, $0x0;
	s31 =	sshll.u32 s0, $0x6  }
.Ltmp0:
0x1f0: {  	s29 =	sor.u32 $0x1C0C, s31;
	s30 =	sshrl.u32 s5, $0x3;
	(pc) =	sbr.rel @p2 .LBB2_1-.Ltmp0, $4  }
0x1f1: {  	[hbm:s28], [sflag:s29] =	dma.local [spmem:s30], $0x800  }
0x1f2: {  	_ =	swait.ge [sflag:s11], $0x800  }
0x1f3: {  	[sflag:s11] =	ssyncset.done $0x0  }
0x1f4: {  	[sflag:s11] =	ssyncadd.s32 $0xFFFFF800  }
0x1f5: {  	_ =	sfence.sel $0x180000  }
0x1f6: {  	[bflag:$0x0] =	sbarrier.arrive $0xFFFF  }
0x1f7: {  	_ =	strace $0x90000047  }
0x1f8: {  	s0 =	sadd.s32 @!p0 $0x100000, s1;
	[bflag:$0x2] =	sbarrier.arrive $0xFFFF  }
0x1f9: {  	[sflag:s0] =	ssyncadd.tile.s32 @!p0 $0x1;
	_ =	shalt  }
.Lfunc_end2:
_tile_overlayer_lowered:
.L_overlay_start_2:
0x1fa: {  	(tag) =	ssettag $0x2  }
0x1fb: {  	s0 =	rddreg [dreg:$0x0];
	s2 =	stileid.u32  }
0x1fc: {  	s1 =	rddreg [dreg:$0x1];
	p0 =	sne.s32 s2, $0x0  }
0x1fd: {  	s3 =	rddreg [dreg:$0x2];
	[bflag:$0x3] =	sbarrier.arrive $0xFFFF;
	s2 =	simm.s32 @!p0 $0x1C0C  }
0x1fe: {  	[timem:s3], [sflag:s2] =	dma.local @!p0 [hbm:s0], s1  }
0x1ff: {  	s0 =	simm.s32 @!p0 $0xC  }
0x200: {  	_ =	swait.ge @!p0 [sflag:s0], s1  }
0x201: {  	s1 =	ssub.s32 @!p0 $0x0, s1;
	[sflag:s0] =	ssyncset.done @!p0 $0x0  }
0x202: {  	[sflag:s0] =	ssyncadd.s32 @!p0 s1  }
0x203: {  	[bflag:$0x3] =	sbarrier.arrive $0xFFFF  }
0x204: {  	_ =	shalt  }

</sc_bundles>
